<compile_context>
chip_gen: v7x
topology: tpu7x:2x2x1
jax: 0.10.2.dev20260603
libtpu: 0.0.44.dev20260713+nightly
codegen_flags: <defaults>
</compile_context>

<pallas_src>
import functools

import jax
import jax.numpy as jnp
from jax import lax
from jax.experimental import pallas as pl
from jax.experimental.pallas import tpu as pltpu
from jax.experimental.pallas import tpu_sc as plsc
from jax.experimental import layout as jex_layout

_NUM_CORES = 2
_NUM_SUBCORES = 16
_NUM_WORKERS = _NUM_CORES * _NUM_SUBCORES
_LANES = 16

_VOCAB = 1000000
_BATCH = 4096
_SEQ = 200
_DIM = 64
_CHUNK = _SEQ
_T_PER_W = _BATCH * _SEQ // _NUM_WORKERS
_B_PER_W = _BATCH // _NUM_WORKERS
_H_PER_W = _T_PER_W // _CHUNK
_NBUF = 4
_LAG = _NBUF // 2
_NVEC = _DIM // _LANES


def _make_sc_call():
    mesh = plsc.VectorSubcoreMesh(core_axis_name="c", subcore_axis_name="s")

    @functools.partial(
        pl.kernel,
        mesh=mesh,
        compiler_params=pltpu.CompilerParams(use_tc_tiling_on_sc=False),
        out_type=jax.ShapeDtypeStruct((_BATCH, _DIM), jnp.float32),
        scratch_types=[
            pltpu.VMEM((_H_PER_W, _CHUNK), jnp.int32),
            pltpu.VMEM((_NBUF, _CHUNK, _DIM), jnp.float32),
            pltpu.VMEM((_NBUF, _CHUNK), jnp.int32),
            pltpu.VMEM((_B_PER_W, _DIM), jnp.float32),
            pltpu.VMEM_SHARED((_NUM_SUBCORES * _B_PER_W, _DIM), jnp.float32),
            [pltpu.SemaphoreType.DMA] * _NBUF,
            [pltpu.SemaphoreType.DMA] * _NBUF,
        ],
    )
    def enc(tokens_hbm, table_hbm, out_hbm, idx_v, rows_v, sidx_v, out_v,
            acc_sh, gsems, ssems):
        cid = lax.axis_index("c")
        sid = lax.axis_index("s")
        wid = sid * _NUM_CORES + cid
        base_h = wid * _H_PER_W
        base_b = wid * _B_PER_W
        own = sid * _B_PER_W

        zvec = jnp.zeros((_LANES,), jnp.float32)

        def zbody(r, carry):
            for k in range(_NVEC):
                out_v[r, pl.ds(k * _LANES, _LANES)] = zvec
            return carry

        lax.fori_loop(0, _B_PER_W, zbody, 0)
        pltpu.sync_copy(out_v, acc_sh.at[pl.ds(own, _B_PER_W)])

        pltpu.make_async_copy(
            tokens_hbm.at[pl.ds(base_h, _H_PER_W)], idx_v, gsems[0]).start()
        pltpu.make_async_copy(
            tokens_hbm.at[pl.ds(base_h, _H_PER_W)], idx_v, gsems[0]).wait()

        def gather_start(h, buf):
            def gbody(g, carry):
                vec = idx_v[h, pl.ds(g * _LANES, _LANES)]
                for l in range(_LANES):
                    r = g * _LANES + l
                    pltpu.make_async_copy(
                        table_hbm.at[vec[l]],
                        rows_v.at[buf, r],
                        gsems[buf]).start()
                return carry
            lax.fori_loop(0, 12, gbody, 0)
            vec = idx_v[h, pl.ds(_CHUNK - _LANES, _LANES)]
            for l in range(8, _LANES):
                r = _CHUNK - _LANES + l
                pltpu.make_async_copy(
                    table_hbm.at[vec[l]],
                    rows_v.at[buf, r],
                    gsems[buf]).start()

        def gather_wait(buf):
            pltpu.make_async_copy(
                table_hbm.at[pl.ds(0, _CHUNK)], rows_v.at[buf],
                gsems[buf]).wait()

        def scatter(buf):
            return pltpu.make_async_copy(
                rows_v.at[buf], acc_sh.at[sidx_v.at[buf]], ssems[buf])

        def scatter_start(buf):
            pltpu.async_copy(
                rows_v.at[buf], acc_sh.at[sidx_v.at[buf]], ssems[buf],
                add=True)

        _splat_offs = tuple(range(0, _CHUNK - _LANES, _LANES)) + (_CHUNK - _LANES,)

        def set_scatter_rows(buf, h):
            val = jnp.zeros((_LANES,), jnp.int32) + (own + h)
            for off in _splat_offs:
                sidx_v[buf, pl.ds(off, _LANES)] = val

        for b in range(_LAG):
            gather_start(jnp.int32(b), b)

        def outer(i, carry):
            for j in range(_NBUF):
                h = i * _NBUF + j
                gather_wait(j)
                set_scatter_rows(j, h)
                scatter_start(j)
                nb = (j + _LAG) % _NBUF
                nh = h + _LAG

                @pl.when(nh >= _NBUF)
                def _():
                    scatter(nb).wait()

                @pl.when(nh < _H_PER_W)
                def _():
                    gather_start(nh, nb)
            return carry

        lax.fori_loop(0, _H_PER_W // _NBUF, outer, 0)

        for j in range(_NBUF - _LAG, _NBUF):
            scatter(j).wait()

        pltpu.sync_copy(acc_sh.at[pl.ds(own, _B_PER_W)], out_v)
        inv_n = jnp.float32(1.0 / _SEQ)

        def scale(r, carry):
            for k in range(_NVEC):
                sl = pl.ds(k * _LANES, _LANES)
                out_v[r, sl] = out_v[r, sl] * inv_n
            return carry

        lax.fori_loop(0, _B_PER_W, scale, 0)
        pltpu.make_async_copy(
            out_v, out_hbm.at[pl.ds(base_b, _B_PER_W)], gsems[0]).start()
        pltpu.make_async_copy(
            out_v, out_hbm.at[pl.ds(base_b, _B_PER_W)], gsems[0]).wait()

    return enc


_sc_call = _make_sc_call()


def kernel(tokens, embedding_weight):
    table = jex_layout.with_layout_constraint(
        embedding_weight, jex_layout.Layout(major_to_minor=(0, 1)))
    return _sc_call(tokens, table)

# --- scband reference (transcript-rebuilt; emitter-appended) ---
"""Pipeline reference for scband-text-encoder-32822140076326 (READ-ONLY COPY).

The authoritative reference and input builder live on the scoring server;
editing this copy changes nothing except your own understanding.
"""

import jax, jax.numpy as jnp
import numpy as np

VOCAB_SIZE = 1000000
EMBED_DIM = 64
BATCH = 4096
SEQ = 200

def setup_inputs(seed: int = 0) -> dict:
    key = jax.random.key(seed)
    k_tok, k_emb = jax.random.split(key)
    tokens = jax.random.randint(k_tok, (BATCH, SEQ), 0, VOCAB_SIZE, dtype=jnp.int64 if jax.config.jax_enable_x64 else jnp.int32)
    embedding_weight = jax.random.normal(k_emb, (VOCAB_SIZE, EMBED_DIM), dtype=jnp.float32)
    return {"tokens": tokens, "embedding_weight": embedding_weight}

def reference(tokens, embedding_weight):
    # nn.Embedding lookup: gather rows of the table
    emb = jnp.take(embedding_weight, tokens, axis=0)  # [B, L, D]
    # .mean(dim=1)
    return emb.mean(axis=1)  # [B, D]

if __name__ == "__main__":
    import jax
    _d = setup_inputs()
    print(jax.jit(kernel)(*tuple(_d.values())))

</pallas_src>

<mosaic_0001>
#map = affine_map<(d0, d1) -> (0, 0)>
module attributes {stable_mosaic.version = 14 : i64} {
  func.func @enc(%arg0: i32, %arg1: i32, %arg2: memref<4096x200xi32, #tpu.memory_space<hbm>>, %arg3: memref<1000000x64xf32, #tpu.memory_space<hbm>>, %arg4: memref<4096x64xf32, #tpu.memory_space<hbm>>, %arg5: memref<128x200xi32, #tpu.memory_space<vmem>>, %arg6: memref<4x200x64xf32, #tpu.memory_space<vmem>>, %arg7: memref<4x200xi32, #tpu.memory_space<vmem>>, %arg8: memref<128x64xf32, #tpu.memory_space<vmem>>, %arg9: memref<2048x64xf32, #tpu.memory_space<vmem_shared>>, %arg10: memref<!tpu.dma_semaphore, #tpu.memory_space<semaphore_mem>>, %arg11: memref<!tpu.dma_semaphore, #tpu.memory_space<semaphore_mem>>, %arg12: memref<!tpu.dma_semaphore, #tpu.memory_space<semaphore_mem>>, %arg13: memref<!tpu.dma_semaphore, #tpu.memory_space<semaphore_mem>>, %arg14: memref<!tpu.dma_semaphore, #tpu.memory_space<semaphore_mem>>, %arg15: memref<!tpu.dma_semaphore, #tpu.memory_space<semaphore_mem>>, %arg16: memref<!tpu.dma_semaphore, #tpu.memory_space<semaphore_mem>>, %arg17: memref<!tpu.dma_semaphore, #tpu.memory_space<semaphore_mem>>) attributes {dimension_semantics = [#tpu.dimension_semantics<core_parallel>, #tpu.dimension_semantics<subcore_parallel>], iteration_bounds = array<i64: 2, 16>, scalar_prefetch = 0 : i64, scratch_operands = 13 : i64, tpu.core_type = #tpu.core_type<sc_vector_subcore>, window_params = [{transform_indices = #map}, {transform_indices = #map}, {transform_indices = #map}]} {
    %mul3A = arith.constant 2 : i32
    %mul3A_0 = arith.muli %arg1, %mul3A : i32
    %add3A = arith.addi %mul3A_0, %arg0 : i32
    %mul3A_1 = arith.constant 128 : i32
    %mul3A_2 = arith.muli %add3A, %mul3A_1 : i32
    %mul3A_3 = arith.constant 128 : i32
    %mul3A_4 = arith.muli %add3A, %mul3A_3 : i32
    %mul3A_5 = arith.constant 128 : i32
    %mul3A_6 = arith.muli %arg1, %mul3A_5 : i32
    %broadcast_in_dim3A = arith.constant 0.000000e+00 : f32
    %broadcast_in_dim3A_7 = vector.broadcast %broadcast_in_dim3A : f32 to vector<16xf32>
    %scan3A = arith.constant 0 : i32
    %scan3A_8 = arith.constant 0 : i32
    %scan3A_9 = arith.constant 128 : i32
    %scan3A_10 = arith.addi %scan3A_8, %scan3A_9 : i32
    %scan3A_11 = arith.constant 1 : i32
    scf.for %scan3A_341 = %scan3A_8 to %scan3A_10 step %scan3A_11  : i32 {
      %swap3A = arith.index_cast %scan3A_341 : i32 to index
      %swap3A_342 = arith.constant 0 : index
      %swap3A_343 = tpu.vector_load %arg8[%swap3A, %swap3A_342] {strides = array<i32>} : memref<128x64xf32, #tpu.memory_space<vmem>>, vector<1x16xf32>,
      %swap3A_344 = vector.shape_cast %swap3A_343 : vector<1x16xf32> to vector<16xf32>
      %swap3A_345 = vector.shape_cast %broadcast_in_dim3A_7 : vector<16xf32> to vector<1x16xf32>
      tpu.vector_store %arg8[%swap3A, %swap3A_342], %swap3A_345 {strides = array<i32>} : memref<128x64xf32, #tpu.memory_space<vmem>>, vector<1x16xf32>,
      %swap3A_346 = arith.index_cast %scan3A_341 : i32 to index
      %swap3A_347 = arith.constant 16 : index
      %swap3A_348 = tpu.vector_load %arg8[%swap3A_346, %swap3A_347] {strides = array<i32>} : memref<128x64xf32, #tpu.memory_space<vmem>>, vector<1x16xf32>,
      %swap3A_349 = vector.shape_cast %swap3A_348 : vector<1x16xf32> to vector<16xf32>
      %swap3A_350 = vector.shape_cast %broadcast_in_dim3A_7 : vector<16xf32> to vector<1x16xf32>
      tpu.vector_store %arg8[%swap3A_346, %swap3A_347], %swap3A_350 {strides = array<i32>} : memref<128x64xf32, #tpu.memory_space<vmem>>, vector<1x16xf32>,
      %swap3A_351 = arith.index_cast %scan3A_341 : i32 to index
      %swap3A_352 = arith.constant 32 : index
      %swap3A_353 = tpu.vector_load %arg8[%swap3A_351, %swap3A_352] {strides = array<i32>} : memref<128x64xf32, #tpu.memory_space<vmem>>, vector<1x16xf32>,
      %swap3A_354 = vector.shape_cast %swap3A_353 : vector<1x16xf32> to vector<16xf32>
      %swap3A_355 = vector.shape_cast %broadcast_in_dim3A_7 : vector<16xf32> to vector<1x16xf32>
      tpu.vector_store %arg8[%swap3A_351, %swap3A_352], %swap3A_355 {strides = array<i32>} : memref<128x64xf32, #tpu.memory_space<vmem>>, vector<1x16xf32>,
      %swap3A_356 = arith.index_cast %scan3A_341 : i32 to index
      %swap3A_357 = arith.constant 48 : index
      %swap3A_358 = tpu.vector_load %arg8[%swap3A_356, %swap3A_357] {strides = array<i32>} : memref<128x64xf32, #tpu.memory_space<vmem>>, vector<1x16xf32>,
      %swap3A_359 = vector.shape_cast %swap3A_358 : vector<1x16xf32> to vector<16xf32>
      %swap3A_360 = vector.shape_cast %broadcast_in_dim3A_7 : vector<16xf32> to vector<1x16xf32>
      tpu.vector_store %arg8[%swap3A_356, %swap3A_357], %swap3A_360 {strides = array<i32>} : memref<128x64xf32, #tpu.memory_space<vmem>>, vector<1x16xf32>,
    }
    %scan3A_12 = arith.constant 128 : i32
    "tpu.region"() ({
      %run_scoped3A = tpu.sem_alloc : memref<!tpu.dma_semaphore, #tpu.memory_space<semaphore_mem>>
      %dma_start3A_341 = arith.constant 0 : i32
      %dma_start3A_342 = tpu.memref_slice %arg9[%mul3A_6, %dma_start3A_341] : memref<2048x64xf32, #tpu.memory_space<vmem_shared>> -> memref<128x64xf32, #tpu.memory_space<vmem_shared>>
      %dma_start3A_343 = arith.constant 0 : i32
      %dma_start3A_344 = tpu.memref_slice %arg9[%mul3A_6, %dma_start3A_343] : memref<2048x64xf32, #tpu.memory_space<vmem_shared>> -> memref<128x64xf32, #tpu.memory_space<vmem_shared>>
      tpu.enqueue_dma source(%arg8 : memref<128x64xf32, #tpu.memory_space<vmem>>) target(%dma_start3A_344 : memref<128x64xf32, #tpu.memory_space<vmem_shared>>) target_semaphore(%run_scoped3A : memref<!tpu.dma_semaphore, #tpu.memory_space<semaphore_mem>>)
      %dma_wait3A_345 = arith.constant 0 : i32
      %dma_wait3A_346 = tpu.memref_slice %arg9[%mul3A_6, %dma_wait3A_345] : memref<2048x64xf32, #tpu.memory_space<vmem_shared>> -> memref<128x64xf32, #tpu.memory_space<vmem_shared>>
      %dma_wait3A_347 = arith.constant 0 : i32
      %dma_wait3A_348 = tpu.memref_slice %arg9[%mul3A_6, %dma_wait3A_347] : memref<2048x64xf32, #tpu.memory_space<vmem_shared>> -> memref<128x64xf32, #tpu.memory_space<vmem_shared>>
      tpu.wait_dma2 semaphore(%run_scoped3A : memref<!tpu.dma_semaphore, #tpu.memory_space<semaphore_mem>>) src(%arg8 : memref<128x64xf32, #tpu.memory_space<vmem>>) dst(%dma_wait3A_348 : memref<128x64xf32, #tpu.memory_space<vmem_shared>>)
      tpu.yield
    }) : () -> ()
    %dma_start3A = arith.constant 0 : i32
    %dma_start3A_13 = tpu.memref_slice %arg2[%mul3A_2, %dma_start3A] : memref<4096x200xi32, #tpu.memory_space<hbm>> -> memref<128x200xi32, #tpu.memory_space<hbm>>
    %dma_start3A_14 = arith.constant 0 : i32
    %dma_start3A_15 = tpu.memref_slice %arg2[%mul3A_2, %dma_start3A_14] : memref<4096x200xi32, #tpu.memory_space<hbm>> -> memref<128x200xi32, #tpu.memory_space<hbm>>
    tpu.enqueue_dma source(%dma_start3A_15 : memref<128x200xi32, #tpu.memory_space<hbm>>) target(%arg5 : memref<128x200xi32, #tpu.memory_space<vmem>>) target_semaphore(%arg10 : memref<!tpu.dma_semaphore, #tpu.memory_space<semaphore_mem>>)
    %dma_wait3A = arith.constant 0 : i32
    %dma_wait3A_16 = tpu.memref_slice %arg2[%mul3A_2, %dma_wait3A] : memref<4096x200xi32, #tpu.memory_space<hbm>> -> memref<128x200xi32, #tpu.memory_space<hbm>>
    %dma_wait3A_17 = arith.constant 0 : i32
    %dma_wait3A_18 = tpu.memref_slice %arg2[%mul3A_2, %dma_wait3A_17] : memref<4096x200xi32, #tpu.memory_space<hbm>> -> memref<128x200xi32, #tpu.memory_space<hbm>>
    tpu.wait_dma2 semaphore(%arg10 : memref<!tpu.dma_semaphore, #tpu.memory_space<semaphore_mem>>) src(%dma_wait3A_18 : memref<128x200xi32, #tpu.memory_space<hbm>>) dst(%arg5 : memref<128x200xi32, #tpu.memory_space<vmem>>)
    %scan3A_19 = arith.constant 0 : i32
    %scan3A_20 = arith.constant 0 : i32
    %scan3A_21 = arith.constant 0 : i32
    %scan3A_22 = arith.constant 12 : i32
    %scan3A_23 = arith.addi %scan3A_21, %scan3A_22 : i32
    %scan3A_24 = arith.constant 1 : i32
    scf.for %scan3A_341 = %scan3A_21 to %scan3A_23 step %scan3A_24  : i32 {
      %mul3A_342 = arith.constant 16 : i32
      %mul3A_343 = arith.muli %scan3A_341, %mul3A_342 : i32
      %get3A_344 = arith.index_cast %scan3A_20 : i32 to index
      %get3A_345 = arith.index_cast %mul3A_343 : i32 to index
      %get3A_346 = tpu.vector_load %arg5[%get3A_344, %get3A_345] {strides = array<i32>} : memref<128x200xi32, #tpu.memory_space<vmem>>, vector<1x16xi32>,
      %get3A_347 = vector.shape_cast %get3A_346 : vector<1x16xi32> to vector<16xi32>
      %mul3A_348 = arith.constant 16 : i32
      %mul3A_349 = arith.muli %scan3A_341, %mul3A_348 : i32
      %add3A_350 = arith.constant 0 : i32
      %add3A_351 = arith.addi %mul3A_349, %add3A_350 : i32
      %slice3A_352 = vector.extract_strided_slice %get3A_347 {offsets = [0], sizes = [1], strides = [1]} : vector<16xi32> to vector<1xi32>
      %squeeze3A_353 = vector.extract %slice3A_352[0] : i32 from vector<1xi32>
      %dma_start3A_354 = arith.constant 0 : i32
      %dma_start3A_355 = arith.constant 0 : i32
      %dma_start3A_356 = tpu.memref_slice %arg6[%dma_start3A_354, %add3A_351, %dma_start3A_355] : memref<4x200x64xf32, #tpu.memory_space<vmem>> -> memref<1x1x64xf32, #tpu.memory_space<vmem>>
      %dma_start3A_357 = tpu.memref_squeeze %dma_start3A_356 : memref<1x1x64xf32, #tpu.memory_space<vmem>> -> memref<64xf32, #tpu.memory_space<vmem>>
      %dma_start3A_358 = arith.constant 0 : i32
      %dma_start3A_359 = tpu.memref_slice %arg3[%squeeze3A_353, %dma_start3A_358] : memref<1000000x64xf32, #tpu.memory_space<hbm>> -> memref<1x64xf32, #tpu.memory_space<hbm>>
      %dma_start3A_360 = tpu.memref_squeeze %dma_start3A_359 : memref<1x64xf32, #tpu.memory_space<hbm>> -> memref<64xf32, #tpu.memory_space<hbm>>
      %dma_start3A_361 = arith.constant 0 : i32
      %dma_start3A_362 = tpu.memref_slice %arg6[%dma_start3A_354, %add3A_351, %dma_start3A_361] : memref<4x200x64xf32, #tpu.memory_space<vmem>> -> memref<1x1x64xf32, #tpu.memory_space<vmem>>
      %dma_start3A_363 = tpu.memref_squeeze %dma_start3A_362 : memref<1x1x64xf32, #tpu.memory_space<vmem>> -> memref<64xf32, #tpu.memory_space<vmem>>
      %dma_start3A_364 = arith.constant 0 : i32
      %dma_start3A_365 = tpu.memref_slice %arg3[%squeeze3A_353, %dma_start3A_364] : memref<1000000x64xf32, #tpu.memory_space<hbm>> -> memref<1x64xf32, #tpu.memory_space<hbm>>
      %dma_start3A_366 = tpu.memref_squeeze %dma_start3A_365 : memref<1x64xf32, #tpu.memory_space<hbm>> -> memref<64xf32, #tpu.memory_space<hbm>>
      tpu.enqueue_dma source(%dma_start3A_366 : memref<64xf32, #tpu.memory_space<hbm>>) target(%dma_start3A_363 : memref<64xf32, #tpu.memory_space<vmem>>) target_semaphore(%arg10 : memref<!tpu.dma_semaphore, #tpu.memory_space<semaphore_mem>>)
      %mul3A_367 = arith.constant 16 : i32
      %mul3A_368 = arith.muli %scan3A_341, %mul3A_367 : i32
      %add3A_369 = arith.constant 1 : i32
      %add3A_370 = arith.addi %mul3A_368, %add3A_369 : i32
      %slice3A_371 = vector.extract_strided_slice %get3A_347 {offsets = [1], sizes = [1], strides = [1]} : vector<16xi32> to vector<1xi32>
      %squeeze3A_372 = vector.extract %slice3A_371[0] : i32 from vector<1xi32>
      %dma_start3A_373 = arith.constant 0 : i32
      %dma_start3A_374 = arith.constant 0 : i32
      %dma_start3A_375 = tpu.memref_slice %arg6[%dma_start3A_373, %add3A_370, %dma_start3A_374] : memref<4x200x64xf32, #tpu.memory_space<vmem>> -> memref<1x1x64xf32, #tpu.memory_space<vmem>>
      %dma_start3A_376 = tpu.memref_squeeze %dma_start3A_375 : memref<1x1x64xf32, #tpu.memory_space<vmem>> -> memref<64xf32, #tpu.memory_space<vmem>>
      %dma_start3A_377 = arith.constant 0 : i32
      %dma_start3A_378 = tpu.memref_slice %arg3[%squeeze3A_372, %dma_start3A_377] : memref<1000000x64xf32, #tpu.memory_space<hbm>> -> memref<1x64xf32, #tpu.memory_space<hbm>>
      %dma_start3A_379 = tpu.memref_squeeze %dma_start3A_378 : memref<1x64xf32, #tpu.memory_space<hbm>> -> memref<64xf32, #tpu.memory_space<hbm>>
      %dma_start3A_380 = arith.constant 0 : i32
      %dma_start3A_381 = tpu.memref_slice %arg6[%dma_start3A_373, %add3A_370, %dma_start3A_380] : memref<4x200x64xf32, #tpu.memory_space<vmem>> -> memref<1x1x64xf32, #tpu.memory_space<vmem>>
      %dma_start3A_382 = tpu.memref_squeeze %dma_start3A_381 : memref<1x1x64xf32, #tpu.memory_space<vmem>> -> memref<64xf32, #tpu.memory_space<vmem>>
      %dma_start3A_383 = arith.constant 0 : i32
      %dma_start3A_384 = tpu.memref_slice %arg3[%squeeze3A_372, %dma_start3A_383] : memref<1000000x64xf32, #tpu.memory_space<hbm>> -> memref<1x64xf32, #tpu.memory_space<hbm>>
      %dma_start3A_385 = tpu.memref_squeeze %dma_start3A_384 : memref<1x64xf32, #tpu.memory_space<hbm>> -> memref<64xf32, #tpu.memory_space<hbm>>
      tpu.enqueue_dma source(%dma_start3A_385 : memref<64xf32, #tpu.memory_space<hbm>>) target(%dma_start3A_382 : memref<64xf32, #tpu.memory_space<vmem>>) target_semaphore(%arg10 : memref<!tpu.dma_semaphore, #tpu.memory_space<semaphore_mem>>)
      %mul3A_386 = arith.constant 16 : i32
      %mul3A_387 = arith.muli %scan3A_341, %mul3A_386 : i32
      %add3A_388 = arith.constant 2 : i32
      %add3A_389 = arith.addi %mul3A_387, %add3A_388 : i32
      %slice3A_390 = vector.extract_strided_slice %get3A_347 {offsets = [2], sizes = [1], strides = [1]} : vector<16xi32> to vector<1xi32>
      %squeeze3A_391 = vector.extract %slice3A_390[0] : i32 from vector<1xi32>
      %dma_start3A_392 = arith.constant 0 : i32
      %dma_start3A_393 = arith.constant 0 : i32
      %dma_start3A_394 = tpu.memref_slice %arg6[%dma_start3A_392, %add3A_389, %dma_start3A_393] : memref<4x200x64xf32, #tpu.memory_space<vmem>> -> memref<1x1x64xf32, #tpu.memory_space<vmem>>
      %dma_start3A_395 = tpu.memref_squeeze %dma_start3A_394 : memref<1x1x64xf32, #tpu.memory_space<vmem>> -> memref<64xf32, #tpu.memory_space<vmem>>
      %dma_start3A_396 = arith.constant 0 : i32
      %dma_start3A_397 = tpu.memref_slice %arg3[%squeeze3A_391, %dma_start3A_396] : memref<1000000x64xf32, #tpu.memory_space<hbm>> -> memref<1x64xf32, #tpu.memory_space<hbm>>
      %dma_start3A_398 = tpu.memref_squeeze %dma_start3A_397 : memref<1x64xf32, #tpu.memory_space<hbm>> -> memref<64xf32, #tpu.memory_space<hbm>>
      %dma_start3A_399 = arith.constant 0 : i32
      %dma_start3A_400 = tpu.memref_slice %arg6[%dma_start3A_392, %add3A_389, %dma_start3A_399] : memref<4x200x64xf32, #tpu.memory_space<vmem>> -> memref<1x1x64xf32, #tpu.memory_space<vmem>>
      %dma_start3A_401 = tpu.memref_squeeze %dma_start3A_400 : memref<1x1x64xf32, #tpu.memory_space<vmem>> -> memref<64xf32, #tpu.memory_space<vmem>>
      %dma_start3A_402 = arith.constant 0 : i32
      %dma_start3A_403 = tpu.memref_slice %arg3[%squeeze3A_391, %dma_start3A_402] : memref<1000000x64xf32, #tpu.memory_space<hbm>> -> memref<1x64xf32, #tpu.memory_space<hbm>>
      %dma_start3A_404 = tpu.memref_squeeze %dma_start3A_403 : memref<1x64xf32, #tpu.memory_space<hbm>> -> memref<64xf32, #tpu.memory_space<hbm>>
      tpu.enqueue_dma source(%dma_start3A_404 : memref<64xf32, #tpu.memory_space<hbm>>) target(%dma_start3A_401 : memref<64xf32, #tpu.memory_space<vmem>>) target_semaphore(%arg10 : memref<!tpu.dma_semaphore, #tpu.memory_space<semaphore_mem>>)
      %mul3A_405 = arith.constant 16 : i32
      %mul3A_406 = arith.muli %scan3A_341, %mul3A_405 : i32
      %add3A_407 = arith.constant 3 : i32
      %add3A_408 = arith.addi %mul3A_406, %add3A_407 : i32
      %slice3A_409 = vector.extract_strided_slice %get3A_347 {offsets = [3], sizes = [1], strides = [1]} : vector<16xi32> to vector<1xi32>
      %squeeze3A_410 = vector.extract %slice3A_409[0] : i32 from vector<1xi32>
      %dma_start3A_411 = arith.constant 0 : i32
      %dma_start3A_412 = arith.constant 0 : i32
      %dma_start3A_413 = tpu.memref_slice %arg6[%dma_start3A_411, %add3A_408, %dma_start3A_412] : memref<4x200x64xf32, #tpu.memory_space<vmem>> -> memref<1x1x64xf32, #tpu.memory_space<vmem>>
      %dma_start3A_414 = tpu.memref_squeeze %dma_start3A_413 : memref<1x1x64xf32, #tpu.memory_space<vmem>> -> memref<64xf32, #tpu.memory_space<vmem>>
      %dma_start3A_415 = arith.constant 0 : i32
      %dma_start3A_416 = tpu.memref_slice %arg3[%squeeze3A_410, %dma_start3A_415] : memref<1000000x64xf32, #tpu.memory_space<hbm>> -> memref<1x64xf32, #tpu.memory_space<hbm>>
      %dma_start3A_417 = tpu.memref_squeeze %dma_start3A_416 : memref<1x64xf32, #tpu.memory_space<hbm>> -> memref<64xf32, #tpu.memory_space<hbm>>
      %dma_start3A_418 = arith.constant 0 : i32
      %dma_start3A_419 = tpu.memref_slice %arg6[%dma_start3A_411, %add3A_408, %dma_start3A_418] : memref<4x200x64xf32, #tpu.memory_space<vmem>> -> memref<1x1x64xf32, #tpu.memory_space<vmem>>
      %dma_start3A_420 = tpu.memref_squeeze %dma_start3A_419 : memref<1x1x64xf32, #tpu.memory_space<vmem>> -> memref<64xf32, #tpu.memory_space<vmem>>
      %dma_start3A_421 = arith.constant 0 : i32
      %dma_start3A_422 = tpu.memref_slice %arg3[%squeeze3A_410, %dma_start3A_421] : memref<1000000x64xf32, #tpu.memory_space<hbm>> -> memref<1x64xf32, #tpu.memory_space<hbm>>
      %dma_start3A_423 = tpu.memref_squeeze %dma_start3A_422 : memref<1x64xf32, #tpu.memory_space<hbm>> -> memref<64xf32, #tpu.memory_space<hbm>>
      tpu.enqueue_dma source(%dma_start3A_423 : memref<64xf32, #tpu.memory_space<hbm>>) target(%dma_start3A_420 : memref<64xf32, #tpu.memory_space<vmem>>) target_semaphore(%arg10 : memref<!tpu.dma_semaphore, #tpu.memory_space<semaphore_mem>>)
      %mul3A_424 = arith.constant 16 : i32
      %mul3A_425 = arith.muli %scan3A_341, %mul3A_424 : i32
      %add3A_426 = arith.constant 4 : i32
      %add3A_427 = arith.addi %mul3A_425, %add3A_426 : i32
      %slice3A_428 = vector.extract_strided_slice %get3A_347 {offsets = [4], sizes = [1], strides = [1]} : vector<16xi32> to vector<1xi32>
      %squeeze3A_429 = vector.extract %slice3A_428[0] : i32 from vector<1xi32>
      %dma_start3A_430 = arith.constant 0 : i32
      %dma_start3A_431 = arith.constant 0 : i32
      %dma_start3A_432 = tpu.memref_slice %arg6[%dma_start3A_430, %add3A_427, %dma_start3A_431] : memref<4x200x64xf32, #tpu.memory_space<vmem>> -> memref<1x1x64xf32, #tpu.memory_space<vmem>>
      %dma_start3A_433 = tpu.memref_squeeze %dma_start3A_432 : memref<1x1x64xf32, #tpu.memory_space<vmem>> -> memref<64xf32, #tpu.memory_space<vmem>>
      %dma_start3A_434 = arith.constant 0 : i32
      %dma_start3A_435 = tpu.memref_slice %arg3[%squeeze3A_429, %dma_start3A_434] : memref<1000000x64xf32, #tpu.memory_space<hbm>> -> memref<1x64xf32, #tpu.memory_space<hbm>>
      %dma_start3A_436 = tpu.memref_squeeze %dma_start3A_435 : memref<1x64xf32, #tpu.memory_space<hbm>> -> memref<64xf32, #tpu.memory_space<hbm>>
      %dma_start3A_437 = arith.constant 0 : i32
      %dma_start3A_438 = tpu.memref_slice %arg6[%dma_start3A_430, %add3A_427, %dma_start3A_437] : memref<4x200x64xf32, #tpu.memory_space<vmem>> -> memref<1x1x64xf32, #tpu.memory_space<vmem>>
      %dma_start3A_439 = tpu.memref_squeeze %dma_start3A_438 : memref<1x1x64xf32, #tpu.memory_space<vmem>> -> memref<64xf32, #tpu.memory_space<vmem>>
      %dma_start3A_440 = arith.constant 0 : i32
      %dma_start3A_441 = tpu.memref_slice %arg3[%squeeze3A_429, %dma_start3A_440] : memref<1000000x64xf32, #tpu.memory_space<hbm>> -> memref<1x64xf32, #tpu.memory_space<hbm>>
      %dma_start3A_442 = tpu.memref_squeeze %dma_start3A_441 : memref<1x64xf32, #tpu.memory_space<hbm>> -> memref<64xf32, #tpu.memory_space<hbm>>
      tpu.enqueue_dma source(%dma_start3A_442 : memref<64xf32, #tpu.memory_space<hbm>>) target(%dma_start3A_439 : memref<64xf32, #tpu.memory_space<vmem>>) target_semaphore(%arg10 : memref<!tpu.dma_semaphore, #tpu.memory_space<semaphore_mem>>)
      %mul3A_443 = arith.constant 16 : i32
      %mul3A_444 = arith.muli %scan3A_341, %mul3A_443 : i32
      %add3A_445 = arith.constant 5 : i32
      %add3A_446 = arith.addi %mul3A_444, %add3A_445 : i32
      %slice3A_447 = vector.extract_strided_slice %get3A_347 {offsets = [5], sizes = [1], strides = [1]} : vector<16xi32> to vector<1xi32>
      %squeeze3A_448 = vector.extract %slice3A_447[0] : i32 from vector<1xi32>
      %dma_start3A_449 = arith.constant 0 : i32
      %dma_start3A_450 = arith.constant 0 : i32
      %dma_start3A_451 = tpu.memref_slice %arg6[%dma_start3A_449, %add3A_446, %dma_start3A_450] : memref<4x200x64xf32, #tpu.memory_space<vmem>> -> memref<1x1x64xf32, #tpu.memory_space<vmem>>
      %dma_start3A_452 = tpu.memref_squeeze %dma_start3A_451 : memref<1x1x64xf32, #tpu.memory_space<vmem>> -> memref<64xf32, #tpu.memory_space<vmem>>
      %dma_start3A_453 = arith.constant 0 : i32
      %dma_start3A_454 = tpu.memref_slice %arg3[%squeeze3A_448, %dma_start3A_453] : memref<1000000x64xf32, #tpu.memory_space<hbm>> -> memref<1x64xf32, #tpu.memory_space<hbm>>
      %dma_start3A_455 = tpu.memref_squeeze %dma_start3A_454 : memref<1x64xf32, #tpu.memory_space<hbm>> -> memref<64xf32, #tpu.memory_space<hbm>>
      %dma_start3A_456 = arith.constant 0 : i32
      %dma_start3A_457 = tpu.memref_slice %arg6[%dma_start3A_449, %add3A_446, %dma_start3A_456] : memref<4x200x64xf32, #tpu.memory_space<vmem>> -> memref<1x1x64xf32, #tpu.memory_space<vmem>>
      %dma_start3A_458 = tpu.memref_squeeze %dma_start3A_457 : memref<1x1x64xf32, #tpu.memory_space<vmem>> -> memref<64xf32, #tpu.memory_space<vmem>>
      %dma_start3A_459 = arith.constant 0 : i32
      %dma_start3A_460 = tpu.memref_slice %arg3[%squeeze3A_448, %dma_start3A_459] : memref<1000000x64xf32, #tpu.memory_space<hbm>> -> memref<1x64xf32, #tpu.memory_space<hbm>>
      %dma_start3A_461 = tpu.memref_squeeze %dma_start3A_460 : memref<1x64xf32, #tpu.memory_space<hbm>> -> memref<64xf32, #tpu.memory_space<hbm>>
      tpu.enqueue_dma source(%dma_start3A_461 : memref<64xf32, #tpu.memory_space<hbm>>) target(%dma_start3A_458 : memref<64xf32, #tpu.memory_space<vmem>>) target_semaphore(%arg10 : memref<!tpu.dma_semaphore, #tpu.memory_space<semaphore_mem>>)
      %mul3A_462 = arith.constant 16 : i32
      %mul3A_463 = arith.muli %scan3A_341, %mul3A_462 : i32
      %add3A_464 = arith.constant 6 : i32
      %add3A_465 = arith.addi %mul3A_463, %add3A_464 : i32
      %slice3A_466 = vector.extract_strided_slice %get3A_347 {offsets = [6], sizes = [1], strides = [1]} : vector<16xi32> to vector<1xi32>
      %squeeze3A_467 = vector.extract %slice3A_466[0] : i32 from vector<1xi32>
      %dma_start3A_468 = arith.constant 0 : i32
      %dma_start3A_469 = arith.constant 0 : i32
      %dma_start3A_470 = tpu.memref_slice %arg6[%dma_start3A_468, %add3A_465, %dma_start3A_469] : memref<4x200x64xf32, #tpu.memory_space<vmem>> -> memref<1x1x64xf32, #tpu.memory_space<vmem>>
      %dma_start3A_471 = tpu.memref_squeeze %dma_start3A_470 : memref<1x1x64xf32, #tpu.memory_space<vmem>> -> memref<64xf32, #tpu.memory_space<vmem>>
      %dma_start3A_472 = arith.constant 0 : i32
      %dma_start3A_473 = tpu.memref_slice %arg3[%squeeze3A_467, %dma_start3A_472] : memref<1000000x64xf32, #tpu.memory_space<hbm>> -> memref<1x64xf32, #tpu.memory_space<hbm>>
      %dma_start3A_474 = tpu.memref_squeeze %dma_start3A_473 : memref<1x64xf32, #tpu.memory_space<hbm>> -> memref<64xf32, #tpu.memory_space<hbm>>
      %dma_start3A_475 = arith.constant 0 : i32
      %dma_start3A_476 = tpu.memref_slice %arg6[%dma_start3A_468, %add3A_465, %dma_start3A_475] : memref<4x200x64xf32, #tpu.memory_space<vmem>> -> memref<1x1x64xf32, #tpu.memory_space<vmem>>
      %dma_start3A_477 = tpu.memref_squeeze %dma_start3A_476 : memref<1x1x64xf32, #tpu.memory_space<vmem>> -> memref<64xf32, #tpu.memory_space<vmem>>
      %dma_start3A_478 = arith.constant 0 : i32
      %dma_start3A_479 = tpu.memref_slice %arg3[%squeeze3A_467, %dma_start3A_478] : memref<1000000x64xf32, #tpu.memory_space<hbm>> -> memref<1x64xf32, #tpu.memory_space<hbm>>
      %dma_start3A_480 = tpu.memref_squeeze %dma_start3A_479 : memref<1x64xf32, #tpu.memory_space<hbm>> -> memref<64xf32, #tpu.memory_space<hbm>>
      tpu.enqueue_dma source(%dma_start3A_480 : memref<64xf32, #tpu.memory_space<hbm>>) target(%dma_start3A_477 : memref<64xf32, #tpu.memory_space<vmem>>) target_semaphore(%arg10 : memref<!tpu.dma_semaphore, #tpu.memory_space<semaphore_mem>>)
      %mul3A_481 = arith.constant 16 : i32
      %mul3A_482 = arith.muli %scan3A_341, %mul3A_481 : i32
      %add3A_483 = arith.constant 7 : i32
      %add3A_484 = arith.addi %mul3A_482, %add3A_483 : i32
      %slice3A_485 = vector.extract_strided_slice %get3A_347 {offsets = [7], sizes = [1], strides = [1]} : vector<16xi32> to vector<1xi32>
      %squeeze3A_486 = vector.extract %slice3A_485[0] : i32 from vector<1xi32>
      %dma_start3A_487 = arith.constant 0 : i32
      %dma_start3A_488 = arith.constant 0 : i32
      %dma_start3A_489 = tpu.memref_slice %arg6[%dma_start3A_487, %add3A_484, %dma_start3A_488] : memref<4x200x64xf32, #tpu.memory_space<vmem>> -> memref<1x1x64xf32, #tpu.memory_space<vmem>>
      %dma_start3A_490 = tpu.memref_squeeze %dma_start3A_489 : memref<1x1x64xf32, #tpu.memory_space<vmem>> -> memref<64xf32, #tpu.memory_space<vmem>>
      %dma_start3A_491 = arith.constant 0 : i32
      %dma_start3A_492 = tpu.memref_slice %arg3[%squeeze3A_486, %dma_start3A_491] : memref<1000000x64xf32, #tpu.memory_space<hbm>> -> memref<1x64xf32, #tpu.memory_space<hbm>>
      %dma_start3A_493 = tpu.memref_squeeze %dma_start3A_492 : memref<1x64xf32, #tpu.memory_space<hbm>> -> memref<64xf32, #tpu.memory_space<hbm>>
      %dma_start3A_494 = arith.constant 0 : i32
      %dma_start3A_495 = tpu.memref_slice %arg6[%dma_start3A_487, %add3A_484, %dma_start3A_494] : memref<4x200x64xf32, #tpu.memory_space<vmem>> -> memref<1x1x64xf32, #tpu.memory_space<vmem>>
      %dma_start3A_496 = tpu.memref_squeeze %dma_start3A_495 : memref<1x1x64xf32, #tpu.memory_space<vmem>> -> memref<64xf32, #tpu.memory_space<vmem>>
      %dma_start3A_497 = arith.constant 0 : i32
      %dma_start3A_498 = tpu.memref_slice %arg3[%squeeze3A_486, %dma_start3A_497] : memref<1000000x64xf32, #tpu.memory_space<hbm>> -> memref<1x64xf32, #tpu.memory_space<hbm>>
      %dma_start3A_499 = tpu.memref_squeeze %dma_start3A_498 : memref<1x64xf32, #tpu.memory_space<hbm>> -> memref<64xf32, #tpu.memory_space<hbm>>
      tpu.enqueue_dma source(%dma_start3A_499 : memref<64xf32, #tpu.memory_space<hbm>>) target(%dma_start3A_496 : memref<64xf32, #tpu.memory_space<vmem>>) target_semaphore(%arg10 : memref<!tpu.dma_semaphore, #tpu.memory_space<semaphore_mem>>)
      %mul3A_500 = arith.constant 16 : i32
      %mul3A_501 = arith.muli %scan3A_341, %mul3A_500 : i32
      %add3A_502 = arith.constant 8 : i32
      %add3A_503 = arith.addi %mul3A_501, %add3A_502 : i32
      %slice3A_504 = vector.extract_strided_slice %get3A_347 {offsets = [8], sizes = [1], strides = [1]} : vector<16xi32> to vector<1xi32>
      %squeeze3A_505 = vector.extract %slice3A_504[0] : i32 from vector<1xi32>
      %dma_start3A_506 = arith.constant 0 : i32
      %dma_start3A_507 = arith.constant 0 : i32
      %dma_start3A_508 = tpu.memref_slice %arg6[%dma_start3A_506, %add3A_503, %dma_start3A_507] : memref<4x200x64xf32, #tpu.memory_space<vmem>> -> memref<1x1x64xf32, #tpu.memory_space<vmem>>
      %dma_start3A_509 = tpu.memref_squeeze %dma_start3A_508 : memref<1x1x64xf32, #tpu.memory_space<vmem>> -> memref<64xf32, #tpu.memory_space<vmem>>
      %dma_start3A_510 = arith.constant 0 : i32
      %dma_start3A_511 = tpu.memref_slice %arg3[%squeeze3A_505, %dma_start3A_510] : memref<1000000x64xf32, #tpu.memory_space<hbm>> -> memref<1x64xf32, #tpu.memory_space<hbm>>
      %dma_start3A_512 = tpu.memref_squeeze %dma_start3A_511 : memref<1x64xf32, #tpu.memory_space<hbm>> -> memref<64xf32, #tpu.memory_space<hbm>>
      %dma_start3A_513 = arith.constant 0 : i32
      %dma_start3A_514 = tpu.memref_slice %arg6[%dma_start3A_506, %add3A_503, %dma_start3A_513] : memref<4x200x64xf32, #tpu.memory_space<vmem>> -> memref<1x1x64xf32, #tpu.memory_space<vmem>>
      %dma_start3A_515 = tpu.memref_squeeze %dma_start3A_514 : memref<1x1x64xf32, #tpu.memory_space<vmem>> -> memref<64xf32, #tpu.memory_space<vmem>>
      %dma_start3A_516 = arith.constant 0 : i32
      %dma_start3A_517 = tpu.memref_slice %arg3[%squeeze3A_505, %dma_start3A_516] : memref<1000000x64xf32, #tpu.memory_space<hbm>> -> memref<1x64xf32, #tpu.memory_space<hbm>>
      %dma_start3A_518 = tpu.memref_squeeze %dma_start3A_517 : memref<1x64xf32, #tpu.memory_space<hbm>> -> memref<64xf32, #tpu.memory_space<hbm>>
      tpu.enqueue_dma source(%dma_start3A_518 : memref<64xf32, #tpu.memory_space<hbm>>) target(%dma_start3A_515 : memref<64xf32, #tpu.memory_space<vmem>>) target_semaphore(%arg10 : memref<!tpu.dma_semaphore, #tpu.memory_space<semaphore_mem>>)
      %mul3A_519 = arith.constant 16 : i32
      %mul3A_520 = arith.muli %scan3A_341, %mul3A_519 : i32
      %add3A_521 = arith.constant 9 : i32
      %add3A_522 = arith.addi %mul3A_520, %add3A_521 : i32
      %slice3A_523 = vector.extract_strided_slice %get3A_347 {offsets = [9], sizes = [1], strides = [1]} : vector<16xi32> to vector<1xi32>
      %squeeze3A_524 = vector.extract %slice3A_523[0] : i32 from vector<1xi32>
      %dma_start3A_525 = arith.constant 0 : i32
      %dma_start3A_526 = arith.constant 0 : i32
      %dma_start3A_527 = tpu.memref_slice %arg6[%dma_start3A_525, %add3A_522, %dma_start3A_526] : memref<4x200x64xf32, #tpu.memory_space<vmem>> -> memref<1x1x64xf32, #tpu.memory_space<vmem>>
      %dma_start3A_528 = tpu.memref_squeeze %dma_start3A_527 : memref<1x1x64xf32, #tpu.memory_space<vmem>> -> memref<64xf32, #tpu.memory_space<vmem>>
      %dma_start3A_529 = arith.constant 0 : i32
      %dma_start3A_530 = tpu.memref_slice %arg3[%squeeze3A_524, %dma_start3A_529] : memref<1000000x64xf32, #tpu.memory_space<hbm>> -> memref<1x64xf32, #tpu.memory_space<hbm>>
      %dma_start3A_531 = tpu.memref_squeeze %dma_start3A_530 : memref<1x64xf32, #tpu.memory_space<hbm>> -> memref<64xf32, #tpu.memory_space<hbm>>
      %dma_start3A_532 = arith.constant 0 : i32
      %dma_start3A_533 = tpu.memref_slice %arg6[%dma_start3A_525, %add3A_522, %dma_start3A_532] : memref<4x200x64xf32, #tpu.memory_space<vmem>> -> memref<1x1x64xf32, #tpu.memory_space<vmem>>
      %dma_start3A_534 = tpu.memref_squeeze %dma_start3A_533 : memref<1x1x64xf32, #tpu.memory_space<vmem>> -> memref<64xf32, #tpu.memory_space<vmem>>
      %dma_start3A_535 = arith.constant 0 : i32
      %dma_start3A_536 = tpu.memref_slice %arg3[%squeeze3A_524, %dma_start3A_535] : memref<1000000x64xf32, #tpu.memory_space<hbm>> -> memref<1x64xf32, #tpu.memory_space<hbm>>
      %dma_start3A_537 = tpu.memref_squeeze %dma_start3A_536 : memref<1x64xf32, #tpu.memory_space<hbm>> -> memref<64xf32, #tpu.memory_space<hbm>>
      tpu.enqueue_dma source(%dma_start3A_537 : memref<64xf32, #tpu.memory_space<hbm>>) target(%dma_start3A_534 : memref<64xf32, #tpu.memory_space<vmem>>) target_semaphore(%arg10 : memref<!tpu.dma_semaphore, #tpu.memory_space<semaphore_mem>>)
      %mul3A_538 = arith.constant 16 : i32
      %mul3A_539 = arith.muli %scan3A_341, %mul3A_538 : i32
      %add3A_540 = arith.constant 10 : i32
      %add3A_541 = arith.addi %mul3A_539, %add3A_540 : i32
      %slice3A_542 = vector.extract_strided_slice %get3A_347 {offsets = [10], sizes = [1], strides = [1]} : vector<16xi32> to vector<1xi32>
      %squeeze3A_543 = vector.extract %slice3A_542[0] : i32 from vector<1xi32>
      %dma_start3A_544 = arith.constant 0 : i32
      %dma_start3A_545 = arith.constant 0 : i32
      %dma_start3A_546 = tpu.memref_slice %arg6[%dma_start3A_544, %add3A_541, %dma_start3A_545] : memref<4x200x64xf32, #tpu.memory_space<vmem>> -> memref<1x1x64xf32, #tpu.memory_space<vmem>>
      %dma_start3A_547 = tpu.memref_squeeze %dma_start3A_546 : memref<1x1x64xf32, #tpu.memory_space<vmem>> -> memref<64xf32, #tpu.memory_space<vmem>>
      %dma_start3A_548 = arith.constant 0 : i32
      %dma_start3A_549 = tpu.memref_slice %arg3[%squeeze3A_543, %dma_start3A_548] : memref<1000000x64xf32, #tpu.memory_space<hbm>> -> memref<1x64xf32, #tpu.memory_space<hbm>>
      %dma_start3A_550 = tpu.memref_squeeze %dma_start3A_549 : memref<1x64xf32, #tpu.memory_space<hbm>> -> memref<64xf32, #tpu.memory_space<hbm>>
      %dma_start3A_551 = arith.constant 0 : i32
      %dma_start3A_552 = tpu.memref_slice %arg6[%dma_start3A_544, %add3A_541, %dma_start3A_551] : memref<4x200x64xf32, #tpu.memory_space<vmem>> -> memref<1x1x64xf32, #tpu.memory_space<vmem>>
      %dma_start3A_553 = tpu.memref_squeeze %dma_start3A_552 : memref<1x1x64xf32, #tpu.memory_space<vmem>> -> memref<64xf32, #tpu.memory_space<vmem>>
      %dma_start3A_554 = arith.constant 0 : i32
      %dma_start3A_555 = tpu.memref_slice %arg3[%squeeze3A_543, %dma_start3A_554] : memref<1000000x64xf32, #tpu.memory_space<hbm>> -> memref<1x64xf32, #tpu.memory_space<hbm>>
      %dma_start3A_556 = tpu.memref_squeeze %dma_start3A_555 : memref<1x64xf32, #tpu.memory_space<hbm>> -> memref<64xf32, #tpu.memory_space<hbm>>
      tpu.enqueue_dma source(%dma_start3A_556 : memref<64xf32, #tpu.memory_space<hbm>>) target(%dma_start3A_553 : memref<64xf32, #tpu.memory_space<vmem>>) target_semaphore(%arg10 : memref<!tpu.dma_semaphore, #tpu.memory_space<semaphore_mem>>)
      %mul3A_557 = arith.constant 16 : i32
      %mul3A_558 = arith.muli %scan3A_341, %mul3A_557 : i32
      %add3A_559 = arith.constant 11 : i32
      %add3A_560 = arith.addi %mul3A_558, %add3A_559 : i32
      %slice3A_561 = vector.extract_strided_slice %get3A_347 {offsets = [11], sizes = [1], strides = [1]} : vector<16xi32> to vector<1xi32>
      %squeeze3A_562 = vector.extract %slice3A_561[0] : i32 from vector<1xi32>
      %dma_start3A_563 = arith.constant 0 : i32
      %dma_start3A_564 = arith.constant 0 : i32
      %dma_start3A_565 = tpu.memref_slice %arg6[%dma_start3A_563, %add3A_560, %dma_start3A_564] : memref<4x200x64xf32, #tpu.memory_space<vmem>> -> memref<1x1x64xf32, #tpu.memory_space<vmem>>
      %dma_start3A_566 = tpu.memref_squeeze %dma_start3A_565 : memref<1x1x64xf32, #tpu.memory_space<vmem>> -> memref<64xf32, #tpu.memory_space<vmem>>
      %dma_start3A_567 = arith.constant 0 : i32
      %dma_start3A_568 = tpu.memref_slice %arg3[%squeeze3A_562, %dma_start3A_567] : memref<1000000x64xf32, #tpu.memory_space<hbm>> -> memref<1x64xf32, #tpu.memory_space<hbm>>
      %dma_start3A_569 = tpu.memref_squeeze %dma_start3A_568 : memref<1x64xf32, #tpu.memory_space<hbm>> -> memref<64xf32, #tpu.memory_space<hbm>>
      %dma_start3A_570 = arith.constant 0 : i32
      %dma_start3A_571 = tpu.memref_slice %arg6[%dma_start3A_563, %add3A_560, %dma_start3A_570] : memref<4x200x64xf32, #tpu.memory_space<vmem>> -> memref<1x1x64xf32, #tpu.memory_space<vmem>>
      %dma_start3A_572 = tpu.memref_squeeze %dma_start3A_571 : memref<1x1x64xf32, #tpu.memory_space<vmem>> -> memref<64xf32, #tpu.memory_space<vmem>>
      %dma_start3A_573 = arith.constant 0 : i32
      %dma_start3A_574 = tpu.memref_slice %arg3[%squeeze3A_562, %dma_start3A_573] : memref<1000000x64xf32, #tpu.memory_space<hbm>> -> memref<1x64xf32, #tpu.memory_space<hbm>>
      %dma_start3A_575 = tpu.memref_squeeze %dma_start3A_574 : memref<1x64xf32, #tpu.memory_space<hbm>> -> memref<64xf32, #tpu.memory_space<hbm>>
      tpu.enqueue_dma source(%dma_start3A_575 : memref<64xf32, #tpu.memory_space<hbm>>) target(%dma_start3A_572 : memref<64xf32, #tpu.memory_space<vmem>>) target_semaphore(%arg10 : memref<!tpu.dma_semaphore, #tpu.memory_space<semaphore_mem>>)
      %mul3A_576 = arith.constant 16 : i32
      %mul3A_577 = arith.muli %scan3A_341, %mul3A_576 : i32
      %add3A_578 = arith.constant 12 : i32
      %add3A_579 = arith.addi %mul3A_577, %add3A_578 : i32
      %slice3A_580 = vector.extract_strided_slice %get3A_347 {offsets = [12], sizes = [1], strides = [1]} : vector<16xi32> to vector<1xi32>
      %squeeze3A_581 = vector.extract %slice3A_580[0] : i32 from vector<1xi32>
      %dma_start3A_582 = arith.constant 0 : i32
      %dma_start3A_583 = arith.constant 0 : i32
      %dma_start3A_584 = tpu.memref_slice %arg6[%dma_start3A_582, %add3A_579, %dma_start3A_583] : memref<4x200x64xf32, #tpu.memory_space<vmem>> -> memref<1x1x64xf32, #tpu.memory_space<vmem>>
      %dma_start3A_585 = tpu.memref_squeeze %dma_start3A_584 : memref<1x1x64xf32, #tpu.memory_space<vmem>> -> memref<64xf32, #tpu.memory_space<vmem>>
      %dma_start3A_586 = arith.constant 0 : i32
      %dma_start3A_587 = tpu.memref_slice %arg3[%squeeze3A_581, %dma_start3A_586] : memref<1000000x64xf32, #tpu.memory_space<hbm>> -> memref<1x64xf32, #tpu.memory_space<hbm>>
      %dma_start3A_588 = tpu.memref_squeeze %dma_start3A_587 : memref<1x64xf32, #tpu.memory_space<hbm>> -> memref<64xf32, #tpu.memory_space<hbm>>
      %dma_start3A_589 = arith.constant 0 : i32
      %dma_start3A_590 = tpu.memref_slice %arg6[%dma_start3A_582, %add3A_579, %dma_start3A_589] : memref<4x200x64xf32, #tpu.memory_space<vmem>> -> memref<1x1x64xf32, #tpu.memory_space<vmem>>
      %dma_start3A_591 = tpu.memref_squeeze %dma_start3A_590 : memref<1x1x64xf32, #tpu.memory_space<vmem>> -> memref<64xf32, #tpu.memory_space<vmem>>
      %dma_start3A_592 = arith.constant 0 : i32
      %dma_start3A_593 = tpu.memref_slice %arg3[%squeeze3A_581, %dma_start3A_592] : memref<1000000x64xf32, #tpu.memory_space<hbm>> -> memref<1x64xf32, #tpu.memory_space<hbm>>
      %dma_start3A_594 = tpu.memref_squeeze %dma_start3A_593 : memref<1x64xf32, #tpu.memory_space<hbm>> -> memref<64xf32, #tpu.memory_space<hbm>>
      tpu.enqueue_dma source(%dma_start3A_594 : memref<64xf32, #tpu.memory_space<hbm>>) target(%dma_start3A_591 : memref<64xf32, #tpu.memory_space<vmem>>) target_semaphore(%arg10 : memref<!tpu.dma_semaphore, #tpu.memory_space<semaphore_mem>>)
      %mul3A_595 = arith.constant 16 : i32
      %mul3A_596 = arith.muli %scan3A_341, %mul3A_595 : i32
      %add3A_597 = arith.constant 13 : i32
      %add3A_598 = arith.addi %mul3A_596, %add3A_597 : i32
      %slice3A_599 = vector.extract_strided_slice %get3A_347 {offsets = [13], sizes = [1], strides = [1]} : vector<16xi32> to vector<1xi32>
      %squeeze3A_600 = vector.extract %slice3A_599[0] : i32 from vector<1xi32>
      %dma_start3A_601 = arith.constant 0 : i32
      %dma_start3A_602 = arith.constant 0 : i32
      %dma_start3A_603 = tpu.memref_slice %arg6[%dma_start3A_601, %add3A_598, %dma_start3A_602] : memref<4x200x64xf32, #tpu.memory_space<vmem>> -> memref<1x1x64xf32, #tpu.memory_space<vmem>>
      %dma_start3A_604 = tpu.memref_squeeze %dma_start3A_603 : memref<1x1x64xf32, #tpu.memory_space<vmem>> -> memref<64xf32, #tpu.memory_space<vmem>>
      %dma_start3A_605 = arith.constant 0 : i32
      %dma_start3A_606 = tpu.memref_slice %arg3[%squeeze3A_600, %dma_start3A_605] : memref<1000000x64xf32, #tpu.memory_space<hbm>> -> memref<1x64xf32, #tpu.memory_space<hbm>>
      %dma_start3A_607 = tpu.memref_squeeze %dma_start3A_606 : memref<1x64xf32, #tpu.memory_space<hbm>> -> memref<64xf32, #tpu.memory_space<hbm>>
      %dma_start3A_608 = arith.constant 0 : i32
      %dma_start3A_609 = tpu.memref_slice %arg6[%dma_start3A_601, %add3A_598, %dma_start3A_608] : memref<4x200x64xf32, #tpu.memory_space<vmem>> -> memref<1x1x64xf32, #tpu.memory_space<vmem>>
      %dma_start3A_610 = tpu.memref_squeeze %dma_start3A_609 : memref<1x1x64xf32, #tpu.memory_space<vmem>> -> memref<64xf32, #tpu.memory_space<vmem>>
      %dma_start3A_611 = arith.constant 0 : i32
      %dma_start3A_612 = tpu.memref_slice %arg3[%squeeze3A_600, %dma_start3A_611] : memref<1000000x64xf32, #tpu.memory_space<hbm>> -> memref<1x64xf32, #tpu.memory_space<hbm>>
      %dma_start3A_613 = tpu.memref_squeeze %dma_start3A_612 : memref<1x64xf32, #tpu.memory_space<hbm>> -> memref<64xf32, #tpu.memory_space<hbm>>
      tpu.enqueue_dma source(%dma_start3A_613 : memref<64xf32, #tpu.memory_space<hbm>>) target(%dma_start3A_610 : memref<64xf32, #tpu.memory_space<vmem>>) target_semaphore(%arg10 : memref<!tpu.dma_semaphore, #tpu.memory_space<semaphore_mem>>)
      %mul3A_614 = arith.constant 16 : i32
      %mul3A_615 = arith.muli %scan3A_341, %mul3A_614 : i32
      %add3A_616 = arith.constant 14 : i32
      %add3A_617 = arith.addi %mul3A_615, %add3A_616 : i32
      %slice3A_618 = vector.extract_strided_slice %get3A_347 {offsets = [14], sizes = [1], strides = [1]} : vector<16xi32> to vector<1xi32>
      %squeeze3A_619 = vector.extract %slice3A_618[0] : i32 from vector<1xi32>
      %dma_start3A_620 = arith.constant 0 : i32
      %dma_start3A_621 = arith.constant 0 : i32
      %dma_start3A_622 = tpu.memref_slice %arg6[%dma_start3A_620, %add3A_617, %dma_start3A_621] : memref<4x200x64xf32, #tpu.memory_space<vmem>> -> memref<1x1x64xf32, #tpu.memory_space<vmem>>
      %dma_start3A_623 = tpu.memref_squeeze %dma_start3A_622 : memref<1x1x64xf32, #tpu.memory_space<vmem>> -> memref<64xf32, #tpu.memory_space<vmem>>
      %dma_start3A_624 = arith.constant 0 : i32
      %dma_start3A_625 = tpu.memref_slice %arg3[%squeeze3A_619, %dma_start3A_624] : memref<1000000x64xf32, #tpu.memory_space<hbm>> -> memref<1x64xf32, #tpu.memory_space<hbm>>
      %dma_start3A_626 = tpu.memref_squeeze %dma_start3A_625 : memref<1x64xf32, #tpu.memory_space<hbm>> -> memref<64xf32, #tpu.memory_space<hbm>>
      %dma_start3A_627 = arith.constant 0 : i32
      %dma_start3A_628 = tpu.memref_slice %arg6[%dma_start3A_620, %add3A_617, %dma_start3A_627] : memref<4x200x64xf32, #tpu.memory_space<vmem>> -> memref<1x1x64xf32, #tpu.memory_space<vmem>>
      %dma_start3A_629 = tpu.memref_squeeze %dma_start3A_628 : memref<1x1x64xf32, #tpu.memory_space<vmem>> -> memref<64xf32, #tpu.memory_space<vmem>>
      %dma_start3A_630 = arith.constant 0 : i32
      %dma_start3A_631 = tpu.memref_slice %arg3[%squeeze3A_619, %dma_start3A_630] : memref<1000000x64xf32, #tpu.memory_space<hbm>> -> memref<1x64xf32, #tpu.memory_space<hbm>>
      %dma_start3A_632 = tpu.memref_squeeze %dma_start3A_631 : memref<1x64xf32, #tpu.memory_space<hbm>> -> memref<64xf32, #tpu.memory_space<hbm>>
      tpu.enqueue_dma source(%dma_start3A_632 : memref<64xf32, #tpu.memory_space<hbm>>) target(%dma_start3A_629 : memref<64xf32, #tpu.memory_space<vmem>>) target_semaphore(%arg10 : memref<!tpu.dma_semaphore, #tpu.memory_space<semaphore_mem>>)
      %mul3A_633 = arith.constant 16 : i32
      %mul3A_634 = arith.muli %scan3A_341, %mul3A_633 : i32
      %add3A_635 = arith.constant 15 : i32
      %add3A_636 = arith.addi %mul3A_634, %add3A_635 : i32
      %slice3A_637 = vector.extract_strided_slice %get3A_347 {offsets = [15], sizes = [1], strides = [1]} : vector<16xi32> to vector<1xi32>
      %squeeze3A_638 = vector.extract %slice3A_637[0] : i32 from vector<1xi32>
      %dma_start3A_639 = arith.constant 0 : i32
      %dma_start3A_640 = arith.constant 0 : i32
      %dma_start3A_641 = tpu.memref_slice %arg6[%dma_start3A_639, %add3A_636, %dma_start3A_640] : memref<4x200x64xf32, #tpu.memory_space<vmem>> -> memref<1x1x64xf32, #tpu.memory_space<vmem>>
      %dma_start3A_642 = tpu.memref_squeeze %dma_start3A_641 : memref<1x1x64xf32, #tpu.memory_space<vmem>> -> memref<64xf32, #tpu.memory_space<vmem>>
      %dma_start3A_643 = arith.constant 0 : i32
      %dma_start3A_644 = tpu.memref_slice %arg3[%squeeze3A_638, %dma_start3A_643] : memref<1000000x64xf32, #tpu.memory_space<hbm>> -> memref<1x64xf32, #tpu.memory_space<hbm>>
      %dma_start3A_645 = tpu.memref_squeeze %dma_start3A_644 : memref<1x64xf32, #tpu.memory_space<hbm>> -> memref<64xf32, #tpu.memory_space<hbm>>
      %dma_start3A_646 = arith.constant 0 : i32
      %dma_start3A_647 = tpu.memref_slice %arg6[%dma_start3A_639, %add3A_636, %dma_start3A_646] : memref<4x200x64xf32, #tpu.memory_space<vmem>> -> memref<1x1x64xf32, #tpu.memory_space<vmem>>
      %dma_start3A_648 = tpu.memref_squeeze %dma_start3A_647 : memref<1x1x64xf32, #tpu.memory_space<vmem>> -> memref<64xf32, #tpu.memory_space<vmem>>
      %dma_start3A_649 = arith.constant 0 : i32
      %dma_start3A_650 = tpu.memref_slice %arg3[%squeeze3A_638, %dma_start3A_649] : memref<1000000x64xf32, #tpu.memory_space<hbm>> -> memref<1x64xf32, #tpu.memory_space<hbm>>
      %dma_start3A_651 = tpu.memref_squeeze %dma_start3A_650 : memref<1x64xf32, #tpu.memory_space<hbm>> -> memref<64xf32, #tpu.memory_space<hbm>>
      tpu.enqueue_dma source(%dma_start3A_651 : memref<64xf32, #tpu.memory_space<hbm>>) target(%dma_start3A_648 : memref<64xf32, #tpu.memory_space<vmem>>) target_semaphore(%arg10 : memref<!tpu.dma_semaphore, #tpu.memory_space<semaphore_mem>>)
    }
    %scan3A_25 = arith.constant 12 : i32
    %get3A = arith.constant 0 : i32
    %get3A_26 = arith.index_cast %get3A : i32 to index
    %get3A_27 = arith.constant 184 : index
    %get3A_28 = tpu.vector_load %arg5[%get3A_26, %get3A_27] {strides = array<i32>} : memref<128x200xi32, #tpu.memory_space<vmem>>, vector<1x16xi32>,
    %get3A_29 = vector.shape_cast %get3A_28 : vector<1x16xi32> to vector<16xi32>
    %slice3A = vector.extract_strided_slice %get3A_29 {offsets = [8], sizes = [1], strides = [1]} : vector<16xi32> to vector<1xi32>
    %squeeze3A = vector.extract %slice3A[0] : i32 from vector<1xi32>
    %dma_start3A_30 = arith.constant 0 : i32
    %dma_start3A_31 = arith.constant 192 : i32
    %dma_start3A_32 = arith.constant 0 : i32
    %dma_start3A_33 = tpu.memref_slice %arg6[%dma_start3A_30, %dma_start3A_31, %dma_start3A_32] : memref<4x200x64xf32, #tpu.memory_space<vmem>> -> memref<1x1x64xf32, #tpu.memory_space<vmem>>
    %dma_start3A_34 = tpu.memref_squeeze %dma_start3A_33 : memref<1x1x64xf32, #tpu.memory_space<vmem>> -> memref<64xf32, #tpu.memory_space<vmem>>
    %dma_start3A_35 = arith.constant 0 : i32
    %dma_start3A_36 = tpu.memref_slice %arg3[%squeeze3A, %dma_start3A_35] : memref<1000000x64xf32, #tpu.memory_space<hbm>> -> memref<1x64xf32, #tpu.memory_space<hbm>>
    %dma_start3A_37 = tpu.memref_squeeze %dma_start3A_36 : memref<1x64xf32, #tpu.memory_space<hbm>> -> memref<64xf32, #tpu.memory_space<hbm>>
    %dma_start3A_38 = arith.constant 0 : i32
    %dma_start3A_39 = tpu.memref_slice %arg6[%dma_start3A_30, %dma_start3A_31, %dma_start3A_38] : memref<4x200x64xf32, #tpu.memory_space<vmem>> -> memref<1x1x64xf32, #tpu.memory_space<vmem>>
    %dma_start3A_40 = tpu.memref_squeeze %dma_start3A_39 : memref<1x1x64xf32, #tpu.memory_space<vmem>> -> memref<64xf32, #tpu.memory_space<vmem>>
    %dma_start3A_41 = arith.constant 0 : i32
    %dma_start3A_42 = tpu.memref_slice %arg3[%squeeze3A, %dma_start3A_41] : memref<1000000x64xf32, #tpu.memory_space<hbm>> -> memref<1x64xf32, #tpu.memory_space<hbm>>
    %dma_start3A_43 = tpu.memref_squeeze %dma_start3A_42 : memref<1x64xf32, #tpu.memory_space<hbm>> -> memref<64xf32, #tpu.memory_space<hbm>>
    tpu.enqueue_dma source(%dma_start3A_43 : memref<64xf32, #tpu.memory_space<hbm>>) target(%dma_start3A_40 : memref<64xf32, #tpu.memory_space<vmem>>) target_semaphore(%arg10 : memref<!tpu.dma_semaphore, #tpu.memory_space<semaphore_mem>>)
    %slice3A_44 = vector.extract_strided_slice %get3A_29 {offsets = [9], sizes = [1], strides = [1]} : vector<16xi32> to vector<1xi32>
    %squeeze3A_45 = vector.extract %slice3A_44[0] : i32 from vector<1xi32>
    %dma_start3A_46 = arith.constant 0 : i32
    %dma_start3A_47 = arith.constant 193 : i32
    %dma_start3A_48 = arith.constant 0 : i32
    %dma_start3A_49 = tpu.memref_slice %arg6[%dma_start3A_46, %dma_start3A_47, %dma_start3A_48] : memref<4x200x64xf32, #tpu.memory_space<vmem>> -> memref<1x1x64xf32, #tpu.memory_space<vmem>>
    %dma_start3A_50 = tpu.memref_squeeze %dma_start3A_49 : memref<1x1x64xf32, #tpu.memory_space<vmem>> -> memref<64xf32, #tpu.memory_space<vmem>>
    %dma_start3A_51 = arith.constant 0 : i32
    %dma_start3A_52 = tpu.memref_slice %arg3[%squeeze3A_45, %dma_start3A_51] : memref<1000000x64xf32, #tpu.memory_space<hbm>> -> memref<1x64xf32, #tpu.memory_space<hbm>>
    %dma_start3A_53 = tpu.memref_squeeze %dma_start3A_52 : memref<1x64xf32, #tpu.memory_space<hbm>> -> memref<64xf32, #tpu.memory_space<hbm>>
    %dma_start3A_54 = arith.constant 0 : i32
    %dma_start3A_55 = tpu.memref_slice %arg6[%dma_start3A_46, %dma_start3A_47, %dma_start3A_54] : memref<4x200x64xf32, #tpu.memory_space<vmem>> -> memref<1x1x64xf32, #tpu.memory_space<vmem>>
    %dma_start3A_56 = tpu.memref_squeeze %dma_start3A_55 : memref<1x1x64xf32, #tpu.memory_space<vmem>> -> memref<64xf32, #tpu.memory_space<vmem>>
    %dma_start3A_57 = arith.constant 0 : i32
    %dma_start3A_58 = tpu.memref_slice %arg3[%squeeze3A_45, %dma_start3A_57] : memref<1000000x64xf32, #tpu.memory_space<hbm>> -> memref<1x64xf32, #tpu.memory_space<hbm>>
    %dma_start3A_59 = tpu.memref_squeeze %dma_start3A_58 : memref<1x64xf32, #tpu.memory_space<hbm>> -> memref<64xf32, #tpu.memory_space<hbm>>
    tpu.enqueue_dma source(%dma_start3A_59 : memref<64xf32, #tpu.memory_space<hbm>>) target(%dma_start3A_56 : memref<64xf32, #tpu.memory_space<vmem>>) target_semaphore(%arg10 : memref<!tpu.dma_semaphore, #tpu.memory_space<semaphore_mem>>)
    %slice3A_60 = vector.extract_strided_slice %get3A_29 {offsets = [10], sizes = [1], strides = [1]} : vector<16xi32> to vector<1xi32>
    %squeeze3A_61 = vector.extract %slice3A_60[0] : i32 from vector<1xi32>
    %dma_start3A_62 = arith.constant 0 : i32
    %dma_start3A_63 = arith.constant 194 : i32
    %dma_start3A_64 = arith.constant 0 : i32
    %dma_start3A_65 = tpu.memref_slice %arg6[%dma_start3A_62, %dma_start3A_63, %dma_start3A_64] : memref<4x200x64xf32, #tpu.memory_space<vmem>> -> memref<1x1x64xf32, #tpu.memory_space<vmem>>
    %dma_start3A_66 = tpu.memref_squeeze %dma_start3A_65 : memref<1x1x64xf32, #tpu.memory_space<vmem>> -> memref<64xf32, #tpu.memory_space<vmem>>
    %dma_start3A_67 = arith.constant 0 : i32
    %dma_start3A_68 = tpu.memref_slice %arg3[%squeeze3A_61, %dma_start3A_67] : memref<1000000x64xf32, #tpu.memory_space<hbm>> -> memref<1x64xf32, #tpu.memory_space<hbm>>
    %dma_start3A_69 = tpu.memref_squeeze %dma_start3A_68 : memref<1x64xf32, #tpu.memory_space<hbm>> -> memref<64xf32, #tpu.memory_space<hbm>>
    %dma_start3A_70 = arith.constant 0 : i32
    %dma_start3A_71 = tpu.memref_slice %arg6[%dma_start3A_62, %dma_start3A_63, %dma_start3A_70] : memref<4x200x64xf32, #tpu.memory_space<vmem>> -> memref<1x1x64xf32, #tpu.memory_space<vmem>>
    %dma_start3A_72 = tpu.memref_squeeze %dma_start3A_71 : memref<1x1x64xf32, #tpu.memory_space<vmem>> -> memref<64xf32, #tpu.memory_space<vmem>>
    %dma_start3A_73 = arith.constant 0 : i32
    %dma_start3A_74 = tpu.memref_slice %arg3[%squeeze3A_61, %dma_start3A_73] : memref<1000000x64xf32, #tpu.memory_space<hbm>> -> memref<1x64xf32, #tpu.memory_space<hbm>>
    %dma_start3A_75 = tpu.memref_squeeze %dma_start3A_74 : memref<1x64xf32, #tpu.memory_space<hbm>> -> memref<64xf32, #tpu.memory_space<hbm>>
    tpu.enqueue_dma source(%dma_start3A_75 : memref<64xf32, #tpu.memory_space<hbm>>) target(%dma_start3A_72 : memref<64xf32, #tpu.memory_space<vmem>>) target_semaphore(%arg10 : memref<!tpu.dma_semaphore, #tpu.memory_space<semaphore_mem>>)
    %slice3A_76 = vector.extract_strided_slice %get3A_29 {offsets = [11], sizes = [1], strides = [1]} : vector<16xi32> to vector<1xi32>
    %squeeze3A_77 = vector.extract %slice3A_76[0] : i32 from vector<1xi32>
    %dma_start3A_78 = arith.constant 0 : i32
    %dma_start3A_79 = arith.constant 195 : i32
    %dma_start3A_80 = arith.constant 0 : i32
    %dma_start3A_81 = tpu.memref_slice %arg6[%dma_start3A_78, %dma_start3A_79, %dma_start3A_80] : memref<4x200x64xf32, #tpu.memory_space<vmem>> -> memref<1x1x64xf32, #tpu.memory_space<vmem>>
    %dma_start3A_82 = tpu.memref_squeeze %dma_start3A_81 : memref<1x1x64xf32, #tpu.memory_space<vmem>> -> memref<64xf32, #tpu.memory_space<vmem>>
    %dma_start3A_83 = arith.constant 0 : i32
    %dma_start3A_84 = tpu.memref_slice %arg3[%squeeze3A_77, %dma_start3A_83] : memref<1000000x64xf32, #tpu.memory_space<hbm>> -> memref<1x64xf32, #tpu.memory_space<hbm>>
    %dma_start3A_85 = tpu.memref_squeeze %dma_start3A_84 : memref<1x64xf32, #tpu.memory_space<hbm>> -> memref<64xf32, #tpu.memory_space<hbm>>
    %dma_start3A_86 = arith.constant 0 : i32
    %dma_start3A_87 = tpu.memref_slice %arg6[%dma_start3A_78, %dma_start3A_79, %dma_start3A_86] : memref<4x200x64xf32, #tpu.memory_space<vmem>> -> memref<1x1x64xf32, #tpu.memory_space<vmem>>
    %dma_start3A_88 = tpu.memref_squeeze %dma_start3A_87 : memref<1x1x64xf32, #tpu.memory_space<vmem>> -> memref<64xf32, #tpu.memory_space<vmem>>
    %dma_start3A_89 = arith.constant 0 : i32
    %dma_start3A_90 = tpu.memref_slice %arg3[%squeeze3A_77, %dma_start3A_89] : memref<1000000x64xf32, #tpu.memory_space<hbm>> -> memref<1x64xf32, #tpu.memory_space<hbm>>
    %dma_start3A_91 = tpu.memref_squeeze %dma_start3A_90 : memref<1x64xf32, #tpu.memory_space<hbm>> -> memref<64xf32, #tpu.memory_space<hbm>>
    tpu.enqueue_dma source(%dma_start3A_91 : memref<64xf32, #tpu.memory_space<hbm>>) target(%dma_start3A_88 : memref<64xf32, #tpu.memory_space<vmem>>) target_semaphore(%arg10 : memref<!tpu.dma_semaphore, #tpu.memory_space<semaphore_mem>>)
    %slice3A_92 = vector.extract_strided_slice %get3A_29 {offsets = [12], sizes = [1], strides = [1]} : vector<16xi32> to vector<1xi32>
    %squeeze3A_93 = vector.extract %slice3A_92[0] : i32 from vector<1xi32>
    %dma_start3A_94 = arith.constant 0 : i32
    %dma_start3A_95 = arith.constant 196 : i32
    %dma_start3A_96 = arith.constant 0 : i32
    %dma_start3A_97 = tpu.memref_slice %arg6[%dma_start3A_94, %dma_start3A_95, %dma_start3A_96] : memref<4x200x64xf32, #tpu.memory_space<vmem>> -> memref<1x1x64xf32, #tpu.memory_space<vmem>>
    %dma_start3A_98 = tpu.memref_squeeze %dma_start3A_97 : memref<1x1x64xf32, #tpu.memory_space<vmem>> -> memref<64xf32, #tpu.memory_space<vmem>>
    %dma_start3A_99 = arith.constant 0 : i32
    %dma_start3A_100 = tpu.memref_slice %arg3[%squeeze3A_93, %dma_start3A_99] : memref<1000000x64xf32, #tpu.memory_space<hbm>> -> memref<1x64xf32, #tpu.memory_space<hbm>>
    %dma_start3A_101 = tpu.memref_squeeze %dma_start3A_100 : memref<1x64xf32, #tpu.memory_space<hbm>> -> memref<64xf32, #tpu.memory_space<hbm>>
    %dma_start3A_102 = arith.constant 0 : i32
    %dma_start3A_103 = tpu.memref_slice %arg6[%dma_start3A_94, %dma_start3A_95, %dma_start3A_102] : memref<4x200x64xf32, #tpu.memory_space<vmem>> -> memref<1x1x64xf32, #tpu.memory_space<vmem>>
    %dma_start3A_104 = tpu.memref_squeeze %dma_start3A_103 : memref<1x1x64xf32, #tpu.memory_space<vmem>> -> memref<64xf32, #tpu.memory_space<vmem>>
    %dma_start3A_105 = arith.constant 0 : i32
    %dma_start3A_106 = tpu.memref_slice %arg3[%squeeze3A_93, %dma_start3A_105] : memref<1000000x64xf32, #tpu.memory_space<hbm>> -> memref<1x64xf32, #tpu.memory_space<hbm>>
    %dma_start3A_107 = tpu.memref_squeeze %dma_start3A_106 : memref<1x64xf32, #tpu.memory_space<hbm>> -> memref<64xf32, #tpu.memory_space<hbm>>
    tpu.enqueue_dma source(%dma_start3A_107 : memref<64xf32, #tpu.memory_space<hbm>>) target(%dma_start3A_104 : memref<64xf32, #tpu.memory_space<vmem>>) target_semaphore(%arg10 : memref<!tpu.dma_semaphore, #tpu.memory_space<semaphore_mem>>)
    %slice3A_108 = vector.extract_strided_slice %get3A_29 {offsets = [13], sizes = [1], strides = [1]} : vector<16xi32> to vector<1xi32>
    %squeeze3A_109 = vector.extract %slice3A_108[0] : i32 from vector<1xi32>
    %dma_start3A_110 = arith.constant 0 : i32
    %dma_start3A_111 = arith.constant 197 : i32
    %dma_start3A_112 = arith.constant 0 : i32
    %dma_start3A_113 = tpu.memref_slice %arg6[%dma_start3A_110, %dma_start3A_111, %dma_start3A_112] : memref<4x200x64xf32, #tpu.memory_space<vmem>> -> memref<1x1x64xf32, #tpu.memory_space<vmem>>
    %dma_start3A_114 = tpu.memref_squeeze %dma_start3A_113 : memref<1x1x64xf32, #tpu.memory_space<vmem>> -> memref<64xf32, #tpu.memory_space<vmem>>
    %dma_start3A_115 = arith.constant 0 : i32
    %dma_start3A_116 = tpu.memref_slice %arg3[%squeeze3A_109, %dma_start3A_115] : memref<1000000x64xf32, #tpu.memory_space<hbm>> -> memref<1x64xf32, #tpu.memory_space<hbm>>
    %dma_start3A_117 = tpu.memref_squeeze %dma_start3A_116 : memref<1x64xf32, #tpu.memory_space<hbm>> -> memref<64xf32, #tpu.memory_space<hbm>>
    %dma_start3A_118 = arith.constant 0 : i32
    %dma_start3A_119 = tpu.memref_slice %arg6[%dma_start3A_110, %dma_start3A_111, %dma_start3A_118] : memref<4x200x64xf32, #tpu.memory_space<vmem>> -> memref<1x1x64xf32, #tpu.memory_space<vmem>>
    %dma_start3A_120 = tpu.memref_squeeze %dma_start3A_119 : memref<1x1x64xf32, #tpu.memory_space<vmem>> -> memref<64xf32, #tpu.memory_space<vmem>>
    %dma_start3A_121 = arith.constant 0 : i32
    %dma_start3A_122 = tpu.memref_slice %arg3[%squeeze3A_109, %dma_start3A_121] : memref<1000000x64xf32, #tpu.memory_space<hbm>> -> memref<1x64xf32, #tpu.memory_space<hbm>>
    %dma_start3A_123 = tpu.memref_squeeze %dma_start3A_122 : memref<1x64xf32, #tpu.memory_space<hbm>> -> memref<64xf32, #tpu.memory_space<hbm>>
    tpu.enqueue_dma source(%dma_start3A_123 : memref<64xf32, #tpu.memory_space<hbm>>) target(%dma_start3A_120 : memref<64xf32, #tpu.memory_space<vmem>>) target_semaphore(%arg10 : memref<!tpu.dma_semaphore, #tpu.memory_space<semaphore_mem>>)
    %slice3A_124 = vector.extract_strided_slice %get3A_29 {offsets = [14], sizes = [1], strides = [1]} : vector<16xi32> to vector<1xi32>
    %squeeze3A_125 = vector.extract %slice3A_124[0] : i32 from vector<1xi32>
    %dma_start3A_126 = arith.constant 0 : i32
    %dma_start3A_127 = arith.constant 198 : i32
    %dma_start3A_128 = arith.constant 0 : i32
    %dma_start3A_129 = tpu.memref_slice %arg6[%dma_start3A_126, %dma_start3A_127, %dma_start3A_128] : memref<4x200x64xf32, #tpu.memory_space<vmem>> -> memref<1x1x64xf32, #tpu.memory_space<vmem>>
    %dma_start3A_130 = tpu.memref_squeeze %dma_start3A_129 : memref<1x1x64xf32, #tpu.memory_space<vmem>> -> memref<64xf32, #tpu.memory_space<vmem>>
    %dma_start3A_131 = arith.constant 0 : i32
    %dma_start3A_132 = tpu.memref_slice %arg3[%squeeze3A_125, %dma_start3A_131] : memref<1000000x64xf32, #tpu.memory_space<hbm>> -> memref<1x64xf32, #tpu.memory_space<hbm>>
    %dma_start3A_133 = tpu.memref_squeeze %dma_start3A_132 : memref<1x64xf32, #tpu.memory_space<hbm>> -> memref<64xf32, #tpu.memory_space<hbm>>
    %dma_start3A_134 = arith.constant 0 : i32
    %dma_start3A_135 = tpu.memref_slice %arg6[%dma_start3A_126, %dma_start3A_127, %dma_start3A_134] : memref<4x200x64xf32, #tpu.memory_space<vmem>> -> memref<1x1x64xf32, #tpu.memory_space<vmem>>
    %dma_start3A_136 = tpu.memref_squeeze %dma_start3A_135 : memref<1x1x64xf32, #tpu.memory_space<vmem>> -> memref<64xf32, #tpu.memory_space<vmem>>
    %dma_start3A_137 = arith.constant 0 : i32
    %dma_start3A_138 = tpu.memref_slice %arg3[%squeeze3A_125, %dma_start3A_137] : memref<1000000x64xf32, #tpu.memory_space<hbm>> -> memref<1x64xf32, #tpu.memory_space<hbm>>
    %dma_start3A_139 = tpu.memref_squeeze %dma_start3A_138 : memref<1x64xf32, #tpu.memory_space<hbm>> -> memref<64xf32, #tpu.memory_space<hbm>>
    tpu.enqueue_dma source(%dma_start3A_139 : memref<64xf32, #tpu.memory_space<hbm>>) target(%dma_start3A_136 : memref<64xf32, #tpu.memory_space<vmem>>) target_semaphore(%arg10 : memref<!tpu.dma_semaphore, #tpu.memory_space<semaphore_mem>>)
    %slice3A_140 = vector.extract_strided_slice %get3A_29 {offsets = [15], sizes = [1], strides = [1]} : vector<16xi32> to vector<1xi32>
    %squeeze3A_141 = vector.extract %slice3A_140[0] : i32 from vector<1xi32>
    %dma_start3A_142 = arith.constant 0 : i32
    %dma_start3A_143 = arith.constant 199 : i32
    %dma_start3A_144 = arith.constant 0 : i32
    %dma_start3A_145 = tpu.memref_slice %arg6[%dma_start3A_142, %dma_start3A_143, %dma_start3A_144] : memref<4x200x64xf32, #tpu.memory_space<vmem>> -> memref<1x1x64xf32, #tpu.memory_space<vmem>>
    %dma_start3A_146 = tpu.memref_squeeze %dma_start3A_145 : memref<1x1x64xf32, #tpu.memory_space<vmem>> -> memref<64xf32, #tpu.memory_space<vmem>>
    %dma_start3A_147 = arith.constant 0 : i32
    %dma_start3A_148 = tpu.memref_slice %arg3[%squeeze3A_141, %dma_start3A_147] : memref<1000000x64xf32, #tpu.memory_space<hbm>> -> memref<1x64xf32, #tpu.memory_space<hbm>>
    %dma_start3A_149 = tpu.memref_squeeze %dma_start3A_148 : memref<1x64xf32, #tpu.memory_space<hbm>> -> memref<64xf32, #tpu.memory_space<hbm>>
    %dma_start3A_150 = arith.constant 0 : i32
    %dma_start3A_151 = tpu.memref_slice %arg6[%dma_start3A_142, %dma_start3A_143, %dma_start3A_150] : memref<4x200x64xf32, #tpu.memory_space<vmem>> -> memref<1x1x64xf32, #tpu.memory_space<vmem>>
    %dma_start3A_152 = tpu.memref_squeeze %dma_start3A_151 : memref<1x1x64xf32, #tpu.memory_space<vmem>> -> memref<64xf32, #tpu.memory_space<vmem>>
    %dma_start3A_153 = arith.constant 0 : i32
    %dma_start3A_154 = tpu.memref_slice %arg3[%squeeze3A_141, %dma_start3A_153] : memref<1000000x64xf32, #tpu.memory_space<hbm>> -> memref<1x64xf32, #tpu.memory_space<hbm>>
    %dma_start3A_155 = tpu.memref_squeeze %dma_start3A_154 : memref<1x64xf32, #tpu.memory_space<hbm>> -> memref<64xf32, #tpu.memory_space<hbm>>
    tpu.enqueue_dma source(%dma_start3A_155 : memref<64xf32, #tpu.memory_space<hbm>>) target(%dma_start3A_152 : memref<64xf32, #tpu.memory_space<vmem>>) target_semaphore(%arg10 : memref<!tpu.dma_semaphore, #tpu.memory_space<semaphore_mem>>)
    %scan3A_156 = arith.constant 0 : i32
    %scan3A_157 = arith.constant 1 : i32
    %scan3A_158 = arith.constant 0 : i32
    %scan3A_159 = arith.constant 12 : i32
    %scan3A_160 = arith.addi %scan3A_158, %scan3A_159 : i32
    %scan3A_161 = arith.constant 1 : i32
    scf.for %scan3A_341 = %scan3A_158 to %scan3A_160 step %scan3A_161  : i32 {
      %mul3A_342 = arith.constant 16 : i32
      %mul3A_343 = arith.muli %scan3A_341, %mul3A_342 : i32
      %get3A_344 = arith.index_cast %scan3A_157 : i32 to index
      %get3A_345 = arith.index_cast %mul3A_343 : i32 to index
      %get3A_346 = tpu.vector_load %arg5[%get3A_344, %get3A_345] {strides = array<i32>} : memref<128x200xi32, #tpu.memory_space<vmem>>, vector<1x16xi32>,
      %get3A_347 = vector.shape_cast %get3A_346 : vector<1x16xi32> to vector<16xi32>
      %mul3A_348 = arith.constant 16 : i32
      %mul3A_349 = arith.muli %scan3A_341, %mul3A_348 : i32
      %add3A_350 = arith.constant 0 : i32
      %add3A_351 = arith.addi %mul3A_349, %add3A_350 : i32
      %slice3A_352 = vector.extract_strided_slice %get3A_347 {offsets = [0], sizes = [1], strides = [1]} : vector<16xi32> to vector<1xi32>
      %squeeze3A_353 = vector.extract %slice3A_352[0] : i32 from vector<1xi32>
      %dma_start3A_354 = arith.constant 1 : i32
      %dma_start3A_355 = arith.constant 0 : i32
      %dma_start3A_356 = tpu.memref_slice %arg6[%dma_start3A_354, %add3A_351, %dma_start3A_355] : memref<4x200x64xf32, #tpu.memory_space<vmem>> -> memref<1x1x64xf32, #tpu.memory_space<vmem>>
      %dma_start3A_357 = tpu.memref_squeeze %dma_start3A_356 : memref<1x1x64xf32, #tpu.memory_space<vmem>> -> memref<64xf32, #tpu.memory_space<vmem>>
      %dma_start3A_358 = arith.constant 0 : i32
      %dma_start3A_359 = tpu.memref_slice %arg3[%squeeze3A_353, %dma_start3A_358] : memref<1000000x64xf32, #tpu.memory_space<hbm>> -> memref<1x64xf32, #tpu.memory_space<hbm>>
      %dma_start3A_360 = tpu.memref_squeeze %dma_start3A_359 : memref<1x64xf32, #tpu.memory_space<hbm>> -> memref<64xf32, #tpu.memory_space<hbm>>
      %dma_start3A_361 = arith.constant 0 : i32
      %dma_start3A_362 = tpu.memref_slice %arg6[%dma_start3A_354, %add3A_351, %dma_start3A_361] : memref<4x200x64xf32, #tpu.memory_space<vmem>> -> memref<1x1x64xf32, #tpu.memory_space<vmem>>
      %dma_start3A_363 = tpu.memref_squeeze %dma_start3A_362 : memref<1x1x64xf32, #tpu.memory_space<vmem>> -> memref<64xf32, #tpu.memory_space<vmem>>
      %dma_start3A_364 = arith.constant 0 : i32
      %dma_start3A_365 = tpu.memref_slice %arg3[%squeeze3A_353, %dma_start3A_364] : memref<1000000x64xf32, #tpu.memory_space<hbm>> -> memref<1x64xf32, #tpu.memory_space<hbm>>
      %dma_start3A_366 = tpu.memref_squeeze %dma_start3A_365 : memref<1x64xf32, #tpu.memory_space<hbm>> -> memref<64xf32, #tpu.memory_space<hbm>>
      tpu.enqueue_dma source(%dma_start3A_366 : memref<64xf32, #tpu.memory_space<hbm>>) target(%dma_start3A_363 : memref<64xf32, #tpu.memory_space<vmem>>) target_semaphore(%arg11 : memref<!tpu.dma_semaphore, #tpu.memory_space<semaphore_mem>>)
      %mul3A_367 = arith.constant 16 : i32
      %mul3A_368 = arith.muli %scan3A_341, %mul3A_367 : i32
      %add3A_369 = arith.constant 1 : i32
      %add3A_370 = arith.addi %mul3A_368, %add3A_369 : i32
      %slice3A_371 = vector.extract_strided_slice %get3A_347 {offsets = [1], sizes = [1], strides = [1]} : vector<16xi32> to vector<1xi32>
      %squeeze3A_372 = vector.extract %slice3A_371[0] : i32 from vector<1xi32>
      %dma_start3A_373 = arith.constant 1 : i32
      %dma_start3A_374 = arith.constant 0 : i32
      %dma_start3A_375 = tpu.memref_slice %arg6[%dma_start3A_373, %add3A_370, %dma_start3A_374] : memref<4x200x64xf32, #tpu.memory_space<vmem>> -> memref<1x1x64xf32, #tpu.memory_space<vmem>>
      %dma_start3A_376 = tpu.memref_squeeze %dma_start3A_375 : memref<1x1x64xf32, #tpu.memory_space<vmem>> -> memref<64xf32, #tpu.memory_space<vmem>>
      %dma_start3A_377 = arith.constant 0 : i32
      %dma_start3A_378 = tpu.memref_slice %arg3[%squeeze3A_372, %dma_start3A_377] : memref<1000000x64xf32, #tpu.memory_space<hbm>> -> memref<1x64xf32, #tpu.memory_space<hbm>>
      %dma_start3A_379 = tpu.memref_squeeze %dma_start3A_378 : memref<1x64xf32, #tpu.memory_space<hbm>> -> memref<64xf32, #tpu.memory_space<hbm>>
      %dma_start3A_380 = arith.constant 0 : i32
      %dma_start3A_381 = tpu.memref_slice %arg6[%dma_start3A_373, %add3A_370, %dma_start3A_380] : memref<4x200x64xf32, #tpu.memory_space<vmem>> -> memref<1x1x64xf32, #tpu.memory_space<vmem>>
      %dma_start3A_382 = tpu.memref_squeeze %dma_start3A_381 : memref<1x1x64xf32, #tpu.memory_space<vmem>> -> memref<64xf32, #tpu.memory_space<vmem>>
      %dma_start3A_383 = arith.constant 0 : i32
      %dma_start3A_384 = tpu.memref_slice %arg3[%squeeze3A_372, %dma_start3A_383] : memref<1000000x64xf32, #tpu.memory_space<hbm>> -> memref<1x64xf32, #tpu.memory_space<hbm>>
      %dma_start3A_385 = tpu.memref_squeeze %dma_start3A_384 : memref<1x64xf32, #tpu.memory_space<hbm>> -> memref<64xf32, #tpu.memory_space<hbm>>
      tpu.enqueue_dma source(%dma_start3A_385 : memref<64xf32, #tpu.memory_space<hbm>>) target(%dma_start3A_382 : memref<64xf32, #tpu.memory_space<vmem>>) target_semaphore(%arg11 : memref<!tpu.dma_semaphore, #tpu.memory_space<semaphore_mem>>)
      %mul3A_386 = arith.constant 16 : i32
      %mul3A_387 = arith.muli %scan3A_341, %mul3A_386 : i32
      %add3A_388 = arith.constant 2 : i32
      %add3A_389 = arith.addi %mul3A_387, %add3A_388 : i32
      %slice3A_390 = vector.extract_strided_slice %get3A_347 {offsets = [2], sizes = [1], strides = [1]} : vector<16xi32> to vector<1xi32>
      %squeeze3A_391 = vector.extract %slice3A_390[0] : i32 from vector<1xi32>
      %dma_start3A_392 = arith.constant 1 : i32
      %dma_start3A_393 = arith.constant 0 : i32
      %dma_start3A_394 = tpu.memref_slice %arg6[%dma_start3A_392, %add3A_389, %dma_start3A_393] : memref<4x200x64xf32, #tpu.memory_space<vmem>> -> memref<1x1x64xf32, #tpu.memory_space<vmem>>
      %dma_start3A_395 = tpu.memref_squeeze %dma_start3A_394 : memref<1x1x64xf32, #tpu.memory_space<vmem>> -> memref<64xf32, #tpu.memory_space<vmem>>
      %dma_start3A_396 = arith.constant 0 : i32
      %dma_start3A_397 = tpu.memref_slice %arg3[%squeeze3A_391, %dma_start3A_396] : memref<1000000x64xf32, #tpu.memory_space<hbm>> -> memref<1x64xf32, #tpu.memory_space<hbm>>
      %dma_start3A_398 = tpu.memref_squeeze %dma_start3A_397 : memref<1x64xf32, #tpu.memory_space<hbm>> -> memref<64xf32, #tpu.memory_space<hbm>>
      %dma_start3A_399 = arith.constant 0 : i32
      %dma_start3A_400 = tpu.memref_slice %arg6[%dma_start3A_392, %add3A_389, %dma_start3A_399] : memref<4x200x64xf32, #tpu.memory_space<vmem>> -> memref<1x1x64xf32, #tpu.memory_space<vmem>>
      %dma_start3A_401 = tpu.memref_squeeze %dma_start3A_400 : memref<1x1x64xf32, #tpu.memory_space<vmem>> -> memref<64xf32, #tpu.memory_space<vmem>>
      %dma_start3A_402 = arith.constant 0 : i32
      %dma_start3A_403 = tpu.memref_slice %arg3[%squeeze3A_391, %dma_start3A_402] : memref<1000000x64xf32, #tpu.memory_space<hbm>> -> memref<1x64xf32, #tpu.memory_space<hbm>>
      %dma_start3A_404 = tpu.memref_squeeze %dma_start3A_403 : memref<1x64xf32, #tpu.memory_space<hbm>> -> memref<64xf32, #tpu.memory_space<hbm>>
      tpu.enqueue_dma source(%dma_start3A_404 : memref<64xf32, #tpu.memory_space<hbm>>) target(%dma_start3A_401 : memref<64xf32, #tpu.memory_space<vmem>>) target_semaphore(%arg11 : memref<!tpu.dma_semaphore, #tpu.memory_space<semaphore_mem>>)
      %mul3A_405 = arith.constant 16 : i32
      %mul3A_406 = arith.muli %scan3A_341, %mul3A_405 : i32
      %add3A_407 = arith.constant 3 : i32
      %add3A_408 = arith.addi %mul3A_406, %add3A_407 : i32
      %slice3A_409 = vector.extract_strided_slice %get3A_347 {offsets = [3], sizes = [1], strides = [1]} : vector<16xi32> to vector<1xi32>
      %squeeze3A_410 = vector.extract %slice3A_409[0] : i32 from vector<1xi32>
      %dma_start3A_411 = arith.constant 1 : i32
      %dma_start3A_412 = arith.constant 0 : i32
      %dma_start3A_413 = tpu.memref_slice %arg6[%dma_start3A_411, %add3A_408, %dma_start3A_412] : memref<4x200x64xf32, #tpu.memory_space<vmem>> -> memref<1x1x64xf32, #tpu.memory_space<vmem>>
      %dma_start3A_414 = tpu.memref_squeeze %dma_start3A_413 : memref<1x1x64xf32, #tpu.memory_space<vmem>> -> memref<64xf32, #tpu.memory_space<vmem>>
      %dma_start3A_415 = arith.constant 0 : i32
      %dma_start3A_416 = tpu.memref_slice %arg3[%squeeze3A_410, %dma_start3A_415] : memref<1000000x64xf32, #tpu.memory_space<hbm>> -> memref<1x64xf32, #tpu.memory_space<hbm>>
      %dma_start3A_417 = tpu.memref_squeeze %dma_start3A_416 : memref<1x64xf32, #tpu.memory_space<hbm>> -> memref<64xf32, #tpu.memory_space<hbm>>
      %dma_start3A_418 = arith.constant 0 : i32
      %dma_start3A_419 = tpu.memref_slice %arg6[%dma_start3A_411, %add3A_408, %dma_start3A_418] : memref<4x200x64xf32, #tpu.memory_space<vmem>> -> memref<1x1x64xf32, #tpu.memory_space<vmem>>
      %dma_start3A_420 = tpu.memref_squeeze %dma_start3A_419 : memref<1x1x64xf32, #tpu.memory_space<vmem>> -> memref<64xf32, #tpu.memory_space<vmem>>
      %dma_start3A_421 = arith.constant 0 : i32
      %dma_start3A_422 = tpu.memref_slice %arg3[%squeeze3A_410, %dma_start3A_421] : memref<1000000x64xf32, #tpu.memory_space<hbm>> -> memref<1x64xf32, #tpu.memory_space<hbm>>
      %dma_start3A_423 = tpu.memref_squeeze %dma_start3A_422 : memref<1x64xf32, #tpu.memory_space<hbm>> -> memref<64xf32, #tpu.memory_space<hbm>>
      tpu.enqueue_dma source(%dma_start3A_423 : memref<64xf32, #tpu.memory_space<hbm>>) target(%dma_start3A_420 : memref<64xf32, #tpu.memory_space<vmem>>) target_semaphore(%arg11 : memref<!tpu.dma_semaphore, #tpu.memory_space<semaphore_mem>>)
      %mul3A_424 = arith.constant 16 : i32
      %mul3A_425 = arith.muli %scan3A_341, %mul3A_424 : i32
      %add3A_426 = arith.constant 4 : i32
      %add3A_427 = arith.addi %mul3A_425, %add3A_426 : i32
      %slice3A_428 = vector.extract_strided_slice %get3A_347 {offsets = [4], sizes = [1], strides = [1]} : vector<16xi32> to vector<1xi32>
      %squeeze3A_429 = vector.extract %slice3A_428[0] : i32 from vector<1xi32>
      %dma_start3A_430 = arith.constant 1 : i32
      %dma_start3A_431 = arith.constant 0 : i32
      %dma_start3A_432 = tpu.memref_slice %arg6[%dma_start3A_430, %add3A_427, %dma_start3A_431] : memref<4x200x64xf32, #tpu.memory_space<vmem>> -> memref<1x1x64xf32, #tpu.memory_space<vmem>>
      %dma_start3A_433 = tpu.memref_squeeze %dma_start3A_432 : memref<1x1x64xf32, #tpu.memory_space<vmem>> -> memref<64xf32, #tpu.memory_space<vmem>>
      %dma_start3A_434 = arith.constant 0 : i32
      %dma_start3A_435 = tpu.memref_slice %arg3[%squeeze3A_429, %dma_start3A_434] : memref<1000000x64xf32, #tpu.memory_space<hbm>> -> memref<1x64xf32, #tpu.memory_space<hbm>>
      %dma_start3A_436 = tpu.memref_squeeze %dma_start3A_435 : memref<1x64xf32, #tpu.memory_space<hbm>> -> memref<64xf32, #tpu.memory_space<hbm>>
      %dma_start3A_437 = arith.constant 0 : i32
      %dma_start3A_438 = tpu.memref_slice %arg6[%dma_start3A_430, %add3A_427, %dma_start3A_437] : memref<4x200x64xf32, #tpu.memory_space<vmem>> -> memref<1x1x64xf32, #tpu.memory_space<vmem>>
      %dma_start3A_439 = tpu.memref_squeeze %dma_start3A_438 : memref<1x1x64xf32, #tpu.memory_space<vmem>> -> memref<64xf32, #tpu.memory_space<vmem>>
      %dma_start3A_440 = arith.constant 0 : i32
      %dma_start3A_441 = tpu.memref_slice %arg3[%squeeze3A_429, %dma_start3A_440] : memref<1000000x64xf32, #tpu.memory_space<hbm>> -> memref<1x64xf32, #tpu.memory_space<hbm>>
      %dma_start3A_442 = tpu.memref_squeeze %dma_start3A_441 : memref<1x64xf32, #tpu.memory_space<hbm>> -> memref<64xf32, #tpu.memory_space<hbm>>
      tpu.enqueue_dma source(%dma_start3A_442 : memref<64xf32, #tpu.memory_space<hbm>>) target(%dma_start3A_439 : memref<64xf32, #tpu.memory_space<vmem>>) target_semaphore(%arg11 : memref<!tpu.dma_semaphore, #tpu.memory_space<semaphore_mem>>)
      %mul3A_443 = arith.constant 16 : i32
      %mul3A_444 = arith.muli %scan3A_341, %mul3A_443 : i32
      %add3A_445 = arith.constant 5 : i32
      %add3A_446 = arith.addi %mul3A_444, %add3A_445 : i32
      %slice3A_447 = vector.extract_strided_slice %get3A_347 {offsets = [5], sizes = [1], strides = [1]} : vector<16xi32> to vector<1xi32>
      %squeeze3A_448 = vector.extract %slice3A_447[0] : i32 from vector<1xi32>
      %dma_start3A_449 = arith.constant 1 : i32
      %dma_start3A_450 = arith.constant 0 : i32
      %dma_start3A_451 = tpu.memref_slice %arg6[%dma_start3A_449, %add3A_446, %dma_start3A_450] : memref<4x200x64xf32, #tpu.memory_space<vmem>> -> memref<1x1x64xf32, #tpu.memory_space<vmem>>
      %dma_start3A_452 = tpu.memref_squeeze %dma_start3A_451 : memref<1x1x64xf32, #tpu.memory_space<vmem>> -> memref<64xf32, #tpu.memory_space<vmem>>
      %dma_start3A_453 = arith.constant 0 : i32
      %dma_start3A_454 = tpu.memref_slice %arg3[%squeeze3A_448, %dma_start3A_453] : memref<1000000x64xf32, #tpu.memory_space<hbm>> -> memref<1x64xf32, #tpu.memory_space<hbm>>
      %dma_start3A_455 = tpu.memref_squeeze %dma_start3A_454 : memref<1x64xf32, #tpu.memory_space<hbm>> -> memref<64xf32, #tpu.memory_space<hbm>>
      %dma_start3A_456 = arith.constant 0 : i32
      %dma_start3A_457 = tpu.memref_slice %arg6[%dma_start3A_449, %add3A_446, %dma_start3A_456] : memref<4x200x64xf32, #tpu.memory_space<vmem>> -> memref<1x1x64xf32, #tpu.memory_space<vmem>>
      %dma_start3A_458 = tpu.memref_squeeze %dma_start3A_457 : memref<1x1x64xf32, #tpu.memory_space<vmem>> -> memref<64xf32, #tpu.memory_space<vmem>>
      %dma_start3A_459 = arith.constant 0 : i32
      %dma_start3A_460 = tpu.memref_slice %arg3[%squeeze3A_448, %dma_start3A_459] : memref<1000000x64xf32, #tpu.memory_space<hbm>> -> memref<1x64xf32, #tpu.memory_space<hbm>>
      %dma_start3A_461 = tpu.memref_squeeze %dma_start3A_460 : memref<1x64xf32, #tpu.memory_space<hbm>> -> memref<64xf32, #tpu.memory_space<hbm>>
      tpu.enqueue_dma source(%dma_start3A_461 : memref<64xf32, #tpu.memory_space<hbm>>) target(%dma_start3A_458 : memref<64xf32, #tpu.memory_space<vmem>>) target_semaphore(%arg11 : memref<!tpu.dma_semaphore, #tpu.memory_space<semaphore_mem>>)
      %mul3A_462 = arith.constant 16 : i32
      %mul3A_463 = arith.muli %scan3A_341, %mul3A_462 : i32
      %add3A_464 = arith.constant 6 : i32
      %add3A_465 = arith.addi %mul3A_463, %add3A_464 : i32
      %slice3A_466 = vector.extract_strided_slice %get3A_347 {offsets = [6], sizes = [1], strides = [1]} : vector<16xi32> to vector<1xi32>
      %squeeze3A_467 = vector.extract %slice3A_466[0] : i32 from vector<1xi32>
      %dma_start3A_468 = arith.constant 1 : i32
      %dma_start3A_469 = arith.constant 0 : i32
      %dma_start3A_470 = tpu.memref_slice %arg6[%dma_start3A_468, %add3A_465, %dma_start3A_469] : memref<4x200x64xf32, #tpu.memory_space<vmem>> -> memref<1x1x64xf32, #tpu.memory_space<vmem>>
      %dma_start3A_471 = tpu.memref_squeeze %dma_start3A_470 : memref<1x1x64xf32, #tpu.memory_space<vmem>> -> memref<64xf32, #tpu.memory_space<vmem>>
      %dma_start3A_472 = arith.constant 0 : i32
      %dma_start3A_473 = tpu.memref_slice %arg3[%squeeze3A_467, %dma_start3A_472] : memref<1000000x64xf32, #tpu.memory_space<hbm>> -> memref<1x64xf32, #tpu.memory_space<hbm>>
      %dma_start3A_474 = tpu.memref_squeeze %dma_start3A_473 : memref<1x64xf32, #tpu.memory_space<hbm>> -> memref<64xf32, #tpu.memory_space<hbm>>
      %dma_start3A_475 = arith.constant 0 : i32
      %dma_start3A_476 = tpu.memref_slice %arg6[%dma_start3A_468, %add3A_465, %dma_start3A_475] : memref<4x200x64xf32, #tpu.memory_space<vmem>> -> memref<1x1x64xf32, #tpu.memory_space<vmem>>
      %dma_start3A_477 = tpu.memref_squeeze %dma_start3A_476 : memref<1x1x64xf32, #tpu.memory_space<vmem>> -> memref<64xf32, #tpu.memory_space<vmem>>
      %dma_start3A_478 = arith.constant 0 : i32
      %dma_start3A_479 = tpu.memref_slice %arg3[%squeeze3A_467, %dma_start3A_478] : memref<1000000x64xf32, #tpu.memory_space<hbm>> -> memref<1x64xf32, #tpu.memory_space<hbm>>
      %dma_start3A_480 = tpu.memref_squeeze %dma_start3A_479 : memref<1x64xf32, #tpu.memory_space<hbm>> -> memref<64xf32, #tpu.memory_space<hbm>>
      tpu.enqueue_dma source(%dma_start3A_480 : memref<64xf32, #tpu.memory_space<hbm>>) target(%dma_start3A_477 : memref<64xf32, #tpu.memory_space<vmem>>) target_semaphore(%arg11 : memref<!tpu.dma_semaphore, #tpu.memory_space<semaphore_mem>>)
      %mul3A_481 = arith.constant 16 : i32
      %mul3A_482 = arith.muli %scan3A_341, %mul3A_481 : i32
      %add3A_483 = arith.constant 7 : i32
      %add3A_484 = arith.addi %mul3A_482, %add3A_483 : i32
      %slice3A_485 = vector.extract_strided_slice %get3A_347 {offsets = [7], sizes = [1], strides = [1]} : vector<16xi32> to vector<1xi32>
      %squeeze3A_486 = vector.extract %slice3A_485[0] : i32 from vector<1xi32>
      %dma_start3A_487 = arith.constant 1 : i32
      %dma_start3A_488 = arith.constant 0 : i32
      %dma_start3A_489 = tpu.memref_slice %arg6[%dma_start3A_487, %add3A_484, %dma_start3A_488] : memref<4x200x64xf32, #tpu.memory_space<vmem>> -> memref<1x1x64xf32, #tpu.memory_space<vmem>>
      %dma_start3A_490 = tpu.memref_squeeze %dma_start3A_489 : memref<1x1x64xf32, #tpu.memory_space<vmem>> -> memref<64xf32, #tpu.memory_space<vmem>>
      %dma_start3A_491 = arith.constant 0 : i32
      %dma_start3A_492 = tpu.memref_slice %arg3[%squeeze3A_486, %dma_start3A_491] : memref<1000000x64xf32, #tpu.memory_space<hbm>> -> memref<1x64xf32, #tpu.memory_space<hbm>>
      %dma_start3A_493 = tpu.memref_squeeze %dma_start3A_492 : memref<1x64xf32, #tpu.memory_space<hbm>> -> memref<64xf32, #tpu.memory_space<hbm>>
      %dma_start3A_494 = arith.constant 0 : i32
      %dma_start3A_495 = tpu.memref_slice %arg6[%dma_start3A_487, %add3A_484, %dma_start3A_494] : memref<4x200x64xf32, #tpu.memory_space<vmem>> -> memref<1x1x64xf32, #tpu.memory_space<vmem>>
      %dma_start3A_496 = tpu.memref_squeeze %dma_start3A_495 : memref<1x1x64xf32, #tpu.memory_space<vmem>> -> memref<64xf32, #tpu.memory_space<vmem>>
      %dma_start3A_497 = arith.constant 0 : i32
      %dma_start3A_498 = tpu.memref_slice %arg3[%squeeze3A_486, %dma_start3A_497] : memref<1000000x64xf32, #tpu.memory_space<hbm>> -> memref<1x64xf32, #tpu.memory_space<hbm>>
      %dma_start3A_499 = tpu.memref_squeeze %dma_start3A_498 : memref<1x64xf32, #tpu.memory_space<hbm>> -> memref<64xf32, #tpu.memory_space<hbm>>
      tpu.enqueue_dma source(%dma_start3A_499 : memref<64xf32, #tpu.memory_space<hbm>>) target(%dma_start3A_496 : memref<64xf32, #tpu.memory_space<vmem>>) target_semaphore(%arg11 : memref<!tpu.dma_semaphore, #tpu.memory_space<semaphore_mem>>)
      %mul3A_500 = arith.constant 16 : i32
      %mul3A_501 = arith.muli %scan3A_341, %mul3A_500 : i32
      %add3A_502 = arith.constant 8 : i32
      %add3A_503 = arith.addi %mul3A_501, %add3A_502 : i32
      %slice3A_504 = vector.extract_strided_slice %get3A_347 {offsets = [8], sizes = [1], strides = [1]} : vector<16xi32> to vector<1xi32>
      %squeeze3A_505 = vector.extract %slice3A_504[0] : i32 from vector<1xi32>
      %dma_start3A_506 = arith.constant 1 : i32
      %dma_start3A_507 = arith.constant 0 : i32
      %dma_start3A_508 = tpu.memref_slice %arg6[%dma_start3A_506, %add3A_503, %dma_start3A_507] : memref<4x200x64xf32, #tpu.memory_space<vmem>> -> memref<1x1x64xf32, #tpu.memory_space<vmem>>
      %dma_start3A_509 = tpu.memref_squeeze %dma_start3A_508 : memref<1x1x64xf32, #tpu.memory_space<vmem>> -> memref<64xf32, #tpu.memory_space<vmem>>
      %dma_start3A_510 = arith.constant 0 : i32
      %dma_start3A_511 = tpu.memref_slice %arg3[%squeeze3A_505, %dma_start3A_510] : memref<1000000x64xf32, #tpu.memory_space<hbm>> -> memref<1x64xf32, #tpu.memory_space<hbm>>
      %dma_start3A_512 = tpu.memref_squeeze %dma_start3A_511 : memref<1x64xf32, #tpu.memory_space<hbm>> -> memref<64xf32, #tpu.memory_space<hbm>>
      %dma_start3A_513 = arith.constant 0 : i32
      %dma_start3A_514 = tpu.memref_slice %arg6[%dma_start3A_506, %add3A_503, %dma_start3A_513] : memref<4x200x64xf32, #tpu.memory_space<vmem>> -> memref<1x1x64xf32, #tpu.memory_space<vmem>>
      %dma_start3A_515 = tpu.memref_squeeze %dma_start3A_514 : memref<1x1x64xf32, #tpu.memory_space<vmem>> -> memref<64xf32, #tpu.memory_space<vmem>>
      %dma_start3A_516 = arith.constant 0 : i32
      %dma_start3A_517 = tpu.memref_slice %arg3[%squeeze3A_505, %dma_start3A_516] : memref<1000000x64xf32, #tpu.memory_space<hbm>> -> memref<1x64xf32, #tpu.memory_space<hbm>>
      %dma_start3A_518 = tpu.memref_squeeze %dma_start3A_517 : memref<1x64xf32, #tpu.memory_space<hbm>> -> memref<64xf32, #tpu.memory_space<hbm>>
      tpu.enqueue_dma source(%dma_start3A_518 : memref<64xf32, #tpu.memory_space<hbm>>) target(%dma_start3A_515 : memref<64xf32, #tpu.memory_space<vmem>>) target_semaphore(%arg11 : memref<!tpu.dma_semaphore, #tpu.memory_space<semaphore_mem>>)
      %mul3A_519 = arith.constant 16 : i32
      %mul3A_520 = arith.muli %scan3A_341, %mul3A_519 : i32
      %add3A_521 = arith.constant 9 : i32
      %add3A_522 = arith.addi %mul3A_520, %add3A_521 : i32
      %slice3A_523 = vector.extract_strided_slice %get3A_347 {offsets = [9], sizes = [1], strides = [1]} : vector<16xi32> to vector<1xi32>
      %squeeze3A_524 = vector.extract %slice3A_523[0] : i32 from vector<1xi32>
      %dma_start3A_525 = arith.constant 1 : i32
      %dma_start3A_526 = arith.constant 0 : i32
      %dma_start3A_527 = tpu.memref_slice %arg6[%dma_start3A_525, %add3A_522, %dma_start3A_526] : memref<4x200x64xf32, #tpu.memory_space<vmem>> -> memref<1x1x64xf32, #tpu.memory_space<vmem>>
      %dma_start3A_528 = tpu.memref_squeeze %dma_start3A_527 : memref<1x1x64xf32, #tpu.memory_space<vmem>> -> memref<64xf32, #tpu.memory_space<vmem>>
      %dma_start3A_529 = arith.constant 0 : i32
      %dma_start3A_530 = tpu.memref_slice %arg3[%squeeze3A_524, %dma_start3A_529] : memref<1000000x64xf32, #tpu.memory_space<hbm>> -> memref<1x64xf32, #tpu.memory_space<hbm>>
      %dma_start3A_531 = tpu.memref_squeeze %dma_start3A_530 : memref<1x64xf32, #tpu.memory_space<hbm>> -> memref<64xf32, #tpu.memory_space<hbm>>
      %dma_start3A_532 = arith.constant 0 : i32
      %dma_start3A_533 = tpu.memref_slice %arg6[%dma_start3A_525, %add3A_522, %dma_start3A_532] : memref<4x200x64xf32, #tpu.memory_space<vmem>> -> memref<1x1x64xf32, #tpu.memory_space<vmem>>
      %dma_start3A_534 = tpu.memref_squeeze %dma_start3A_533 : memref<1x1x64xf32, #tpu.memory_space<vmem>> -> memref<64xf32, #tpu.memory_space<vmem>>
      %dma_start3A_535 = arith.constant 0 : i32
      %dma_start3A_536 = tpu.memref_slice %arg3[%squeeze3A_524, %dma_start3A_535] : memref<1000000x64xf32, #tpu.memory_space<hbm>> -> memref<1x64xf32, #tpu.memory_space<hbm>>
      %dma_start3A_537 = tpu.memref_squeeze %dma_start3A_536 : memref<1x64xf32, #tpu.memory_space<hbm>> -> memref<64xf32, #tpu.memory_space<hbm>>
      tpu.enqueue_dma source(%dma_start3A_537 : memref<64xf32, #tpu.memory_space<hbm>>) target(%dma_start3A_534 : memref<64xf32, #tpu.memory_space<vmem>>) target_semaphore(%arg11 : memref<!tpu.dma_semaphore, #tpu.memory_space<semaphore_mem>>)
      %mul3A_538 = arith.constant 16 : i32
      %mul3A_539 = arith.muli %scan3A_341, %mul3A_538 : i32
      %add3A_540 = arith.constant 10 : i32
      %add3A_541 = arith.addi %mul3A_539, %add3A_540 : i32
      %slice3A_542 = vector.extract_strided_slice %get3A_347 {offsets = [10], sizes = [1], strides = [1]} : vector<16xi32> to vector<1xi32>
      %squeeze3A_543 = vector.extract %slice3A_542[0] : i32 from vector<1xi32>
      %dma_start3A_544 = arith.constant 1 : i32
      %dma_start3A_545 = arith.constant 0 : i32
      %dma_start3A_546 = tpu.memref_slice %arg6[%dma_start3A_544, %add3A_541, %dma_start3A_545] : memref<4x200x64xf32, #tpu.memory_space<vmem>> -> memref<1x1x64xf32, #tpu.memory_space<vmem>>
      %dma_start3A_547 = tpu.memref_squeeze %dma_start3A_546 : memref<1x1x64xf32, #tpu.memory_space<vmem>> -> memref<64xf32, #tpu.memory_space<vmem>>
      %dma_start3A_548 = arith.constant 0 : i32
      %dma_start3A_549 = tpu.memref_slice %arg3[%squeeze3A_543, %dma_start3A_548] : memref<1000000x64xf32, #tpu.memory_space<hbm>> -> memref<1x64xf32, #tpu.memory_space<hbm>>
      %dma_start3A_550 = tpu.memref_squeeze %dma_start3A_549 : memref<1x64xf32, #tpu.memory_space<hbm>> -> memref<64xf32, #tpu.memory_space<hbm>>
      %dma_start3A_551 = arith.constant 0 : i32
      %dma_start3A_552 = tpu.memref_slice %arg6[%dma_start3A_544, %add3A_541, %dma_start3A_551] : memref<4x200x64xf32, #tpu.memory_space<vmem>> -> memref<1x1x64xf32, #tpu.memory_space<vmem>>
      %dma_start3A_553 = tpu.memref_squeeze %dma_start3A_552 : memref<1x1x64xf32, #tpu.memory_space<vmem>> -> memref<64xf32, #tpu.memory_space<vmem>>
      %dma_start3A_554 = arith.constant 0 : i32
      %dma_start3A_555 = tpu.memref_slice %arg3[%squeeze3A_543, %dma_start3A_554] : memref<1000000x64xf32, #tpu.memory_space<hbm>> -> memref<1x64xf32, #tpu.memory_space<hbm>>
      %dma_start3A_556 = tpu.memref_squeeze %dma_start3A_555 : memref<1x64xf32, #tpu.memory_space<hbm>> -> memref<64xf32, #tpu.memory_space<hbm>>
      tpu.enqueue_dma source(%dma_start3A_556 : memref<64xf32, #tpu.memory_space<hbm>>) target(%dma_start3A_553 : memref<64xf32, #tpu.memory_space<vmem>>) target_semaphore(%arg11 : memref<!tpu.dma_semaphore, #tpu.memory_space<semaphore_mem>>)
      %mul3A_557 = arith.constant 16 : i32
      %mul3A_558 = arith.muli %scan3A_341, %mul3A_557 : i32
      %add3A_559 = arith.constant 11 : i32
      %add3A_560 = arith.addi %mul3A_558, %add3A_559 : i32
      %slice3A_561 = vector.extract_strided_slice %get3A_347 {offsets = [11], sizes = [1], strides = [1]} : vector<16xi32> to vector<1xi32>
      %squeeze3A_562 = vector.extract %slice3A_561[0] : i32 from vector<1xi32>
      %dma_start3A_563 = arith.constant 1 : i32
      %dma_start3A_564 = arith.constant 0 : i32
      %dma_start3A_565 = tpu.memref_slice %arg6[%dma_start3A_563, %add3A_560, %dma_start3A_564] : memref<4x200x64xf32, #tpu.memory_space<vmem>> -> memref<1x1x64xf32, #tpu.memory_space<vmem>>
      %dma_start3A_566 = tpu.memref_squeeze %dma_start3A_565 : memref<1x1x64xf32, #tpu.memory_space<vmem>> -> memref<64xf32, #tpu.memory_space<vmem>>
      %dma_start3A_567 = arith.constant 0 : i32
      %dma_start3A_568 = tpu.memref_slice %arg3[%squeeze3A_562, %dma_start3A_567] : memref<1000000x64xf32, #tpu.memory_space<hbm>> -> memref<1x64xf32, #tpu.memory_space<hbm>>
      %dma_start3A_569 = tpu.memref_squeeze %dma_start3A_568 : memref<1x64xf32, #tpu.memory_space<hbm>> -> memref<64xf32, #tpu.memory_space<hbm>>
      %dma_start3A_570 = arith.constant 0 : i32
      %dma_start3A_571 = tpu.memref_slice %arg6[%dma_start3A_563, %add3A_560, %dma_start3A_570] : memref<4x200x64xf32, #tpu.memory_space<vmem>> -> memref<1x1x64xf32, #tpu.memory_space<vmem>>
      %dma_start3A_572 = tpu.memref_squeeze %dma_start3A_571 : memref<1x1x64xf32, #tpu.memory_space<vmem>> -> memref<64xf32, #tpu.memory_space<vmem>>
      %dma_start3A_573 = arith.constant 0 : i32
      %dma_start3A_574 = tpu.memref_slice %arg3[%squeeze3A_562, %dma_start3A_573] : memref<1000000x64xf32, #tpu.memory_space<hbm>> -> memref<1x64xf32, #tpu.memory_space<hbm>>
      %dma_start3A_575 = tpu.memref_squeeze %dma_start3A_574 : memref<1x64xf32, #tpu.memory_space<hbm>> -> memref<64xf32, #tpu.memory_space<hbm>>
      tpu.enqueue_dma source(%dma_start3A_575 : memref<64xf32, #tpu.memory_space<hbm>>) target(%dma_start3A_572 : memref<64xf32, #tpu.memory_space<vmem>>) target_semaphore(%arg11 : memref<!tpu.dma_semaphore, #tpu.memory_space<semaphore_mem>>)
      %mul3A_576 = arith.constant 16 : i32
      %mul3A_577 = arith.muli %scan3A_341, %mul3A_576 : i32
      %add3A_578 = arith.constant 12 : i32
      %add3A_579 = arith.addi %mul3A_577, %add3A_578 : i32
      %slice3A_580 = vector.extract_strided_slice %get3A_347 {offsets = [12], sizes = [1], strides = [1]} : vector<16xi32> to vector<1xi32>
      %squeeze3A_581 = vector.extract %slice3A_580[0] : i32 from vector<1xi32>
      %dma_start3A_582 = arith.constant 1 : i32
      %dma_start3A_583 = arith.constant 0 : i32
      %dma_start3A_584 = tpu.memref_slice %arg6[%dma_start3A_582, %add3A_579, %dma_start3A_583] : memref<4x200x64xf32, #tpu.memory_space<vmem>> -> memref<1x1x64xf32, #tpu.memory_space<vmem>>
      %dma_start3A_585 = tpu.memref_squeeze %dma_start3A_584 : memref<1x1x64xf32, #tpu.memory_space<vmem>> -> memref<64xf32, #tpu.memory_space<vmem>>
      %dma_start3A_586 = arith.constant 0 : i32
      %dma_start3A_587 = tpu.memref_slice %arg3[%squeeze3A_581, %dma_start3A_586] : memref<1000000x64xf32, #tpu.memory_space<hbm>> -> memref<1x64xf32, #tpu.memory_space<hbm>>
      %dma_start3A_588 = tpu.memref_squeeze %dma_start3A_587 : memref<1x64xf32, #tpu.memory_space<hbm>> -> memref<64xf32, #tpu.memory_space<hbm>>
      %dma_start3A_589 = arith.constant 0 : i32
      %dma_start3A_590 = tpu.memref_slice %arg6[%dma_start3A_582, %add3A_579, %dma_start3A_589] : memref<4x200x64xf32, #tpu.memory_space<vmem>> -> memref<1x1x64xf32, #tpu.memory_space<vmem>>
      %dma_start3A_591 = tpu.memref_squeeze %dma_start3A_590 : memref<1x1x64xf32, #tpu.memory_space<vmem>> -> memref<64xf32, #tpu.memory_space<vmem>>
      %dma_start3A_592 = arith.constant 0 : i32
      %dma_start3A_593 = tpu.memref_slice %arg3[%squeeze3A_581, %dma_start3A_592] : memref<1000000x64xf32, #tpu.memory_space<hbm>> -> memref<1x64xf32, #tpu.memory_space<hbm>>
      %dma_start3A_594 = tpu.memref_squeeze %dma_start3A_593 : memref<1x64xf32, #tpu.memory_space<hbm>> -> memref<64xf32, #tpu.memory_space<hbm>>
      tpu.enqueue_dma source(%dma_start3A_594 : memref<64xf32, #tpu.memory_space<hbm>>) target(%dma_start3A_591 : memref<64xf32, #tpu.memory_space<vmem>>) target_semaphore(%arg11 : memref<!tpu.dma_semaphore, #tpu.memory_space<semaphore_mem>>)
      %mul3A_595 = arith.constant 16 : i32
      %mul3A_596 = arith.muli %scan3A_341, %mul3A_595 : i32
      %add3A_597 = arith.constant 13 : i32
      %add3A_598 = arith.addi %mul3A_596, %add3A_597 : i32
      %slice3A_599 = vector.extract_strided_slice %get3A_347 {offsets = [13], sizes = [1], strides = [1]} : vector<16xi32> to vector<1xi32>
      %squeeze3A_600 = vector.extract %slice3A_599[0] : i32 from vector<1xi32>
      %dma_start3A_601 = arith.constant 1 : i32
      %dma_start3A_602 = arith.constant 0 : i32
      %dma_start3A_603 = tpu.memref_slice %arg6[%dma_start3A_601, %add3A_598, %dma_start3A_602] : memref<4x200x64xf32, #tpu.memory_space<vmem>> -> memref<1x1x64xf32, #tpu.memory_space<vmem>>
      %dma_start3A_604 = tpu.memref_squeeze %dma_start3A_603 : memref<1x1x64xf32, #tpu.memory_space<vmem>> -> memref<64xf32, #tpu.memory_space<vmem>>
      %dma_start3A_605 = arith.constant 0 : i32
      %dma_start3A_606 = tpu.memref_slice %arg3[%squeeze3A_600, %dma_start3A_605] : memref<1000000x64xf32, #tpu.memory_space<hbm>> -> memref<1x64xf32, #tpu.memory_space<hbm>>
      %dma_start3A_607 = tpu.memref_squeeze %dma_start3A_606 : memref<1x64xf32, #tpu.memory_space<hbm>> -> memref<64xf32, #tpu.memory_space<hbm>>
      %dma_start3A_608 = arith.constant 0 : i32
      %dma_start3A_609 = tpu.memref_slice %arg6[%dma_start3A_601, %add3A_598, %dma_start3A_608] : memref<4x200x64xf32, #tpu.memory_space<vmem>> -> memref<1x1x64xf32, #tpu.memory_space<vmem>>
      %dma_start3A_610 = tpu.memref_squeeze %dma_start3A_609 : memref<1x1x64xf32, #tpu.memory_space<vmem>> -> memref<64xf32, #tpu.memory_space<vmem>>
      %dma_start3A_611 = arith.constant 0 : i32
      %dma_start3A_612 = tpu.memref_slice %arg3[%squeeze3A_600, %dma_start3A_611] : memref<1000000x64xf32, #tpu.memory_space<hbm>> -> memref<1x64xf32, #tpu.memory_space<hbm>>
      %dma_start3A_613 = tpu.memref_squeeze %dma_start3A_612 : memref<1x64xf32, #tpu.memory_space<hbm>> -> memref<64xf32, #tpu.memory_space<hbm>>
      tpu.enqueue_dma source(%dma_start3A_613 : memref<64xf32, #tpu.memory_space<hbm>>) target(%dma_start3A_610 : memref<64xf32, #tpu.memory_space<vmem>>) target_semaphore(%arg11 : memref<!tpu.dma_semaphore, #tpu.memory_space<semaphore_mem>>)
      %mul3A_614 = arith.constant 16 : i32
      %mul3A_615 = arith.muli %scan3A_341, %mul3A_614 : i32
      %add3A_616 = arith.constant 14 : i32
      %add3A_617 = arith.addi %mul3A_615, %add3A_616 : i32
      %slice3A_618 = vector.extract_strided_slice %get3A_347 {offsets = [14], sizes = [1], strides = [1]} : vector<16xi32> to vector<1xi32>
      %squeeze3A_619 = vector.extract %slice3A_618[0] : i32 from vector<1xi32>
      %dma_start3A_620 = arith.constant 1 : i32
      %dma_start3A_621 = arith.constant 0 : i32
      %dma_start3A_622 = tpu.memref_slice %arg6[%dma_start3A_620, %add3A_617, %dma_start3A_621] : memref<4x200x64xf32, #tpu.memory_space<vmem>> -> memref<1x1x64xf32, #tpu.memory_space<vmem>>
      %dma_start3A_623 = tpu.memref_squeeze %dma_start3A_622 : memref<1x1x64xf32, #tpu.memory_space<vmem>> -> memref<64xf32, #tpu.memory_space<vmem>>
      %dma_start3A_624 = arith.constant 0 : i32
      %dma_start3A_625 = tpu.memref_slice %arg3[%squeeze3A_619, %dma_start3A_624] : memref<1000000x64xf32, #tpu.memory_space<hbm>> -> memref<1x64xf32, #tpu.memory_space<hbm>>
      %dma_start3A_626 = tpu.memref_squeeze %dma_start3A_625 : memref<1x64xf32, #tpu.memory_space<hbm>> -> memref<64xf32, #tpu.memory_space<hbm>>
      %dma_start3A_627 = arith.constant 0 : i32
      %dma_start3A_628 = tpu.memref_slice %arg6[%dma_start3A_620, %add3A_617, %dma_start3A_627] : memref<4x200x64xf32, #tpu.memory_space<vmem>> -> memref<1x1x64xf32, #tpu.memory_space<vmem>>
      %dma_start3A_629 = tpu.memref_squeeze %dma_start3A_628 : memref<1x1x64xf32, #tpu.memory_space<vmem>> -> memref<64xf32, #tpu.memory_space<vmem>>
      %dma_start3A_630 = arith.constant 0 : i32
      %dma_start3A_631 = tpu.memref_slice %arg3[%squeeze3A_619, %dma_start3A_630] : memref<1000000x64xf32, #tpu.memory_space<hbm>> -> memref<1x64xf32, #tpu.memory_space<hbm>>
      %dma_start3A_632 = tpu.memref_squeeze %dma_start3A_631 : memref<1x64xf32, #tpu.memory_space<hbm>> -> memref<64xf32, #tpu.memory_space<hbm>>
      tpu.enqueue_dma source(%dma_start3A_632 : memref<64xf32, #tpu.memory_space<hbm>>) target(%dma_start3A_629 : memref<64xf32, #tpu.memory_space<vmem>>) target_semaphore(%arg11 : memref<!tpu.dma_semaphore, #tpu.memory_space<semaphore_mem>>)
      %mul3A_633 = arith.constant 16 : i32
      %mul3A_634 = arith.muli %scan3A_341, %mul3A_633 : i32
      %add3A_635 = arith.constant 15 : i32
      %add3A_636 = arith.addi %mul3A_634, %add3A_635 : i32
      %slice3A_637 = vector.extract_strided_slice %get3A_347 {offsets = [15], sizes = [1], strides = [1]} : vector<16xi32> to vector<1xi32>
      %squeeze3A_638 = vector.extract %slice3A_637[0] : i32 from vector<1xi32>
      %dma_start3A_639 = arith.constant 1 : i32
      %dma_start3A_640 = arith.constant 0 : i32
      %dma_start3A_641 = tpu.memref_slice %arg6[%dma_start3A_639, %add3A_636, %dma_start3A_640] : memref<4x200x64xf32, #tpu.memory_space<vmem>> -> memref<1x1x64xf32, #tpu.memory_space<vmem>>
      %dma_start3A_642 = tpu.memref_squeeze %dma_start3A_641 : memref<1x1x64xf32, #tpu.memory_space<vmem>> -> memref<64xf32, #tpu.memory_space<vmem>>
      %dma_start3A_643 = arith.constant 0 : i32
      %dma_start3A_644 = tpu.memref_slice %arg3[%squeeze3A_638, %dma_start3A_643] : memref<1000000x64xf32, #tpu.memory_space<hbm>> -> memref<1x64xf32, #tpu.memory_space<hbm>>
      %dma_start3A_645 = tpu.memref_squeeze %dma_start3A_644 : memref<1x64xf32, #tpu.memory_space<hbm>> -> memref<64xf32, #tpu.memory_space<hbm>>
      %dma_start3A_646 = arith.constant 0 : i32
      %dma_start3A_647 = tpu.memref_slice %arg6[%dma_start3A_639, %add3A_636, %dma_start3A_646] : memref<4x200x64xf32, #tpu.memory_space<vmem>> -> memref<1x1x64xf32, #tpu.memory_space<vmem>>
      %dma_start3A_648 = tpu.memref_squeeze %dma_start3A_647 : memref<1x1x64xf32, #tpu.memory_space<vmem>> -> memref<64xf32, #tpu.memory_space<vmem>>
      %dma_start3A_649 = arith.constant 0 : i32
      %dma_start3A_650 = tpu.memref_slice %arg3[%squeeze3A_638, %dma_start3A_649] : memref<1000000x64xf32, #tpu.memory_space<hbm>> -> memref<1x64xf32, #tpu.memory_space<hbm>>
      %dma_start3A_651 = tpu.memref_squeeze %dma_start3A_650 : memref<1x64xf32, #tpu.memory_space<hbm>> -> memref<64xf32, #tpu.memory_space<hbm>>
      tpu.enqueue_dma source(%dma_start3A_651 : memref<64xf32, #tpu.memory_space<hbm>>) target(%dma_start3A_648 : memref<64xf32, #tpu.memory_space<vmem>>) target_semaphore(%arg11 : memref<!tpu.dma_semaphore, #tpu.memory_space<semaphore_mem>>)
    }
    %scan3A_162 = arith.constant 12 : i32
    %get3A_163 = arith.constant 1 : i32
    %get3A_164 = arith.index_cast %get3A_163 : i32 to index
    %get3A_165 = arith.constant 184 : index
    %get3A_166 = tpu.vector_load %arg5[%get3A_164, %get3A_165] {strides = array<i32>} : memref<128x200xi32, #tpu.memory_space<vmem>>, vector<1x16xi32>,
    %get3A_167 = vector.shape_cast %get3A_166 : vector<1x16xi32> to vector<16xi32>
    %slice3A_168 = vector.extract_strided_slice %get3A_167 {offsets = [8], sizes = [1], strides = [1]} : vector<16xi32> to vector<1xi32>
    %squeeze3A_169 = vector.extract %slice3A_168[0] : i32 from vector<1xi32>
    %dma_start3A_170 = arith.constant 1 : i32
    %dma_start3A_171 = arith.constant 192 : i32
    %dma_start3A_172 = arith.constant 0 : i32
    %dma_start3A_173 = tpu.memref_slice %arg6[%dma_start3A_170, %dma_start3A_171, %dma_start3A_172] : memref<4x200x64xf32, #tpu.memory_space<vmem>> -> memref<1x1x64xf32, #tpu.memory_space<vmem>>
    %dma_start3A_174 = tpu.memref_squeeze %dma_start3A_173 : memref<1x1x64xf32, #tpu.memory_space<vmem>> -> memref<64xf32, #tpu.memory_space<vmem>>
    %dma_start3A_175 = arith.constant 0 : i32
    %dma_start3A_176 = tpu.memref_slice %arg3[%squeeze3A_169, %dma_start3A_175] : memref<1000000x64xf32, #tpu.memory_space<hbm>> -> memref<1x64xf32, #tpu.memory_space<hbm>>
    %dma_start3A_177 = tpu.memref_squeeze %dma_start3A_176 : memref<1x64xf32, #tpu.memory_space<hbm>> -> memref<64xf32, #tpu.memory_space<hbm>>
    %dma_start3A_178 = arith.constant 0 : i32
    %dma_start3A_179 = tpu.memref_slice %arg6[%dma_start3A_170, %dma_start3A_171, %dma_start3A_178] : memref<4x200x64xf32, #tpu.memory_space<vmem>> -> memref<1x1x64xf32, #tpu.memory_space<vmem>>
    %dma_start3A_180 = tpu.memref_squeeze %dma_start3A_179 : memref<1x1x64xf32, #tpu.memory_space<vmem>> -> memref<64xf32, #tpu.memory_space<vmem>>
    %dma_start3A_181 = arith.constant 0 : i32
    %dma_start3A_182 = tpu.memref_slice %arg3[%squeeze3A_169, %dma_start3A_181] : memref<1000000x64xf32, #tpu.memory_space<hbm>> -> memref<1x64xf32, #tpu.memory_space<hbm>>
    %dma_start3A_183 = tpu.memref_squeeze %dma_start3A_182 : memref<1x64xf32, #tpu.memory_space<hbm>> -> memref<64xf32, #tpu.memory_space<hbm>>
    tpu.enqueue_dma source(%dma_start3A_183 : memref<64xf32, #tpu.memory_space<hbm>>) target(%dma_start3A_180 : memref<64xf32, #tpu.memory_space<vmem>>) target_semaphore(%arg11 : memref<!tpu.dma_semaphore, #tpu.memory_space<semaphore_mem>>)
    %slice3A_184 = vector.extract_strided_slice %get3A_167 {offsets = [9], sizes = [1], strides = [1]} : vector<16xi32> to vector<1xi32>
    %squeeze3A_185 = vector.extract %slice3A_184[0] : i32 from vector<1xi32>
    %dma_start3A_186 = arith.constant 1 : i32
    %dma_start3A_187 = arith.constant 193 : i32
    %dma_start3A_188 = arith.constant 0 : i32
    %dma_start3A_189 = tpu.memref_slice %arg6[%dma_start3A_186, %dma_start3A_187, %dma_start3A_188] : memref<4x200x64xf32, #tpu.memory_space<vmem>> -> memref<1x1x64xf32, #tpu.memory_space<vmem>>
    %dma_start3A_190 = tpu.memref_squeeze %dma_start3A_189 : memref<1x1x64xf32, #tpu.memory_space<vmem>> -> memref<64xf32, #tpu.memory_space<vmem>>
    %dma_start3A_191 = arith.constant 0 : i32
    %dma_start3A_192 = tpu.memref_slice %arg3[%squeeze3A_185, %dma_start3A_191] : memref<1000000x64xf32, #tpu.memory_space<hbm>> -> memref<1x64xf32, #tpu.memory_space<hbm>>
    %dma_start3A_193 = tpu.memref_squeeze %dma_start3A_192 : memref<1x64xf32, #tpu.memory_space<hbm>> -> memref<64xf32, #tpu.memory_space<hbm>>
    %dma_start3A_194 = arith.constant 0 : i32
    %dma_start3A_195 = tpu.memref_slice %arg6[%dma_start3A_186, %dma_start3A_187, %dma_start3A_194] : memref<4x200x64xf32, #tpu.memory_space<vmem>> -> memref<1x1x64xf32, #tpu.memory_space<vmem>>
    %dma_start3A_196 = tpu.memref_squeeze %dma_start3A_195 : memref<1x1x64xf32, #tpu.memory_space<vmem>> -> memref<64xf32, #tpu.memory_space<vmem>>
    %dma_start3A_197 = arith.constant 0 : i32
    %dma_start3A_198 = tpu.memref_slice %arg3[%squeeze3A_185, %dma_start3A_197] : memref<1000000x64xf32, #tpu.memory_space<hbm>> -> memref<1x64xf32, #tpu.memory_space<hbm>>
    %dma_start3A_199 = tpu.memref_squeeze %dma_start3A_198 : memref<1x64xf32, #tpu.memory_space<hbm>> -> memref<64xf32, #tpu.memory_space<hbm>>
    tpu.enqueue_dma source(%dma_start3A_199 : memref<64xf32, #tpu.memory_space<hbm>>) target(%dma_start3A_196 : memref<64xf32, #tpu.memory_space<vmem>>) target_semaphore(%arg11 : memref<!tpu.dma_semaphore, #tpu.memory_space<semaphore_mem>>)
    %slice3A_200 = vector.extract_strided_slice %get3A_167 {offsets = [10], sizes = [1], strides = [1]} : vector<16xi32> to vector<1xi32>
    %squeeze3A_201 = vector.extract %slice3A_200[0] : i32 from vector<1xi32>
    %dma_start3A_202 = arith.constant 1 : i32
    %dma_start3A_203 = arith.constant 194 : i32
    %dma_start3A_204 = arith.constant 0 : i32
    %dma_start3A_205 = tpu.memref_slice %arg6[%dma_start3A_202, %dma_start3A_203, %dma_start3A_204] : memref<4x200x64xf32, #tpu.memory_space<vmem>> -> memref<1x1x64xf32, #tpu.memory_space<vmem>>
    %dma_start3A_206 = tpu.memref_squeeze %dma_start3A_205 : memref<1x1x64xf32, #tpu.memory_space<vmem>> -> memref<64xf32, #tpu.memory_space<vmem>>
    %dma_start3A_207 = arith.constant 0 : i32
    %dma_start3A_208 = tpu.memref_slice %arg3[%squeeze3A_201, %dma_start3A_207] : memref<1000000x64xf32, #tpu.memory_space<hbm>> -> memref<1x64xf32, #tpu.memory_space<hbm>>
    %dma_start3A_209 = tpu.memref_squeeze %dma_start3A_208 : memref<1x64xf32, #tpu.memory_space<hbm>> -> memref<64xf32, #tpu.memory_space<hbm>>
    %dma_start3A_210 = arith.constant 0 : i32
    %dma_start3A_211 = tpu.memref_slice %arg6[%dma_start3A_202, %dma_start3A_203, %dma_start3A_210] : memref<4x200x64xf32, #tpu.memory_space<vmem>> -> memref<1x1x64xf32, #tpu.memory_space<vmem>>
    %dma_start3A_212 = tpu.memref_squeeze %dma_start3A_211 : memref<1x1x64xf32, #tpu.memory_space<vmem>> -> memref<64xf32, #tpu.memory_space<vmem>>
    %dma_start3A_213 = arith.constant 0 : i32
    %dma_start3A_214 = tpu.memref_slice %arg3[%squeeze3A_201, %dma_start3A_213] : memref<1000000x64xf32, #tpu.memory_space<hbm>> -> memref<1x64xf32, #tpu.memory_space<hbm>>
    %dma_start3A_215 = tpu.memref_squeeze %dma_start3A_214 : memref<1x64xf32, #tpu.memory_space<hbm>> -> memref<64xf32, #tpu.memory_space<hbm>>
    tpu.enqueue_dma source(%dma_start3A_215 : memref<64xf32, #tpu.memory_space<hbm>>) target(%dma_start3A_212 : memref<64xf32, #tpu.memory_space<vmem>>) target_semaphore(%arg11 : memref<!tpu.dma_semaphore, #tpu.memory_space<semaphore_mem>>)
    %slice3A_216 = vector.extract_strided_slice %get3A_167 {offsets = [11], sizes = [1], strides = [1]} : vector<16xi32> to vector<1xi32>
    %squeeze3A_217 = vector.extract %slice3A_216[0] : i32 from vector<1xi32>
    %dma_start3A_218 = arith.constant 1 : i32
    %dma_start3A_219 = arith.constant 195 : i32
    %dma_start3A_220 = arith.constant 0 : i32
    %dma_start3A_221 = tpu.memref_slice %arg6[%dma_start3A_218, %dma_start3A_219, %dma_start3A_220] : memref<4x200x64xf32, #tpu.memory_space<vmem>> -> memref<1x1x64xf32, #tpu.memory_space<vmem>>
    %dma_start3A_222 = tpu.memref_squeeze %dma_start3A_221 : memref<1x1x64xf32, #tpu.memory_space<vmem>> -> memref<64xf32, #tpu.memory_space<vmem>>
    %dma_start3A_223 = arith.constant 0 : i32
    %dma_start3A_224 = tpu.memref_slice %arg3[%squeeze3A_217, %dma_start3A_223] : memref<1000000x64xf32, #tpu.memory_space<hbm>> -> memref<1x64xf32, #tpu.memory_space<hbm>>
    %dma_start3A_225 = tpu.memref_squeeze %dma_start3A_224 : memref<1x64xf32, #tpu.memory_space<hbm>> -> memref<64xf32, #tpu.memory_space<hbm>>
    %dma_start3A_226 = arith.constant 0 : i32
    %dma_start3A_227 = tpu.memref_slice %arg6[%dma_start3A_218, %dma_start3A_219, %dma_start3A_226] : memref<4x200x64xf32, #tpu.memory_space<vmem>> -> memref<1x1x64xf32, #tpu.memory_space<vmem>>
    %dma_start3A_228 = tpu.memref_squeeze %dma_start3A_227 : memref<1x1x64xf32, #tpu.memory_space<vmem>> -> memref<64xf32, #tpu.memory_space<vmem>>
    %dma_start3A_229 = arith.constant 0 : i32
    %dma_start3A_230 = tpu.memref_slice %arg3[%squeeze3A_217, %dma_start3A_229] : memref<1000000x64xf32, #tpu.memory_space<hbm>> -> memref<1x64xf32, #tpu.memory_space<hbm>>
    %dma_start3A_231 = tpu.memref_squeeze %dma_start3A_230 : memref<1x64xf32, #tpu.memory_space<hbm>> -> memref<64xf32, #tpu.memory_space<hbm>>
    tpu.enqueue_dma source(%dma_start3A_231 : memref<64xf32, #tpu.memory_space<hbm>>) target(%dma_start3A_228 : memref<64xf32, #tpu.memory_space<vmem>>) target_semaphore(%arg11 : memref<!tpu.dma_semaphore, #tpu.memory_space<semaphore_mem>>)
    %slice3A_232 = vector.extract_strided_slice %get3A_167 {offsets = [12], sizes = [1], strides = [1]} : vector<16xi32> to vector<1xi32>
    %squeeze3A_233 = vector.extract %slice3A_232[0] : i32 from vector<1xi32>
    %dma_start3A_234 = arith.constant 1 : i32
    %dma_start3A_235 = arith.constant 196 : i32
    %dma_start3A_236 = arith.constant 0 : i32
    %dma_start3A_237 = tpu.memref_slice %arg6[%dma_start3A_234, %dma_start3A_235, %dma_start3A_236] : memref<4x200x64xf32, #tpu.memory_space<vmem>> -> memref<1x1x64xf32, #tpu.memory_space<vmem>>
    %dma_start3A_238 = tpu.memref_squeeze %dma_start3A_237 : memref<1x1x64xf32, #tpu.memory_space<vmem>> -> memref<64xf32, #tpu.memory_space<vmem>>
    %dma_start3A_239 = arith.constant 0 : i32
    %dma_start3A_240 = tpu.memref_slice %arg3[%squeeze3A_233, %dma_start3A_239] : memref<1000000x64xf32, #tpu.memory_space<hbm>> -> memref<1x64xf32, #tpu.memory_space<hbm>>
    %dma_start3A_241 = tpu.memref_squeeze %dma_start3A_240 : memref<1x64xf32, #tpu.memory_space<hbm>> -> memref<64xf32, #tpu.memory_space<hbm>>
    %dma_start3A_242 = arith.constant 0 : i32
    %dma_start3A_243 = tpu.memref_slice %arg6[%dma_start3A_234, %dma_start3A_235, %dma_start3A_242] : memref<4x200x64xf32, #tpu.memory_space<vmem>> -> memref<1x1x64xf32, #tpu.memory_space<vmem>>
    %dma_start3A_244 = tpu.memref_squeeze %dma_start3A_243 : memref<1x1x64xf32, #tpu.memory_space<vmem>> -> memref<64xf32, #tpu.memory_space<vmem>>
    %dma_start3A_245 = arith.constant 0 : i32
    %dma_start3A_246 = tpu.memref_slice %arg3[%squeeze3A_233, %dma_start3A_245] : memref<1000000x64xf32, #tpu.memory_space<hbm>> -> memref<1x64xf32, #tpu.memory_space<hbm>>
    %dma_start3A_247 = tpu.memref_squeeze %dma_start3A_246 : memref<1x64xf32, #tpu.memory_space<hbm>> -> memref<64xf32, #tpu.memory_space<hbm>>
    tpu.enqueue_dma source(%dma_start3A_247 : memref<64xf32, #tpu.memory_space<hbm>>) target(%dma_start3A_244 : memref<64xf32, #tpu.memory_space<vmem>>) target_semaphore(%arg11 : memref<!tpu.dma_semaphore, #tpu.memory_space<semaphore_mem>>)
    %slice3A_248 = vector.extract_strided_slice %get3A_167 {offsets = [13], sizes = [1], strides = [1]} : vector<16xi32> to vector<1xi32>
    %squeeze3A_249 = vector.extract %slice3A_248[0] : i32 from vector<1xi32>
    %dma_start3A_250 = arith.constant 1 : i32
    %dma_start3A_251 = arith.constant 197 : i32
    %dma_start3A_252 = arith.constant 0 : i32
    %dma_start3A_253 = tpu.memref_slice %arg6[%dma_start3A_250, %dma_start3A_251, %dma_start3A_252] : memref<4x200x64xf32, #tpu.memory_space<vmem>> -> memref<1x1x64xf32, #tpu.memory_space<vmem>>
    %dma_start3A_254 = tpu.memref_squeeze %dma_start3A_253 : memref<1x1x64xf32, #tpu.memory_space<vmem>> -> memref<64xf32, #tpu.memory_space<vmem>>
    %dma_start3A_255 = arith.constant 0 : i32
    %dma_start3A_256 = tpu.memref_slice %arg3[%squeeze3A_249, %dma_start3A_255] : memref<1000000x64xf32, #tpu.memory_space<hbm>> -> memref<1x64xf32, #tpu.memory_space<hbm>>
    %dma_start3A_257 = tpu.memref_squeeze %dma_start3A_256 : memref<1x64xf32, #tpu.memory_space<hbm>> -> memref<64xf32, #tpu.memory_space<hbm>>
    %dma_start3A_258 = arith.constant 0 : i32
    %dma_start3A_259 = tpu.memref_slice %arg6[%dma_start3A_250, %dma_start3A_251, %dma_start3A_258] : memref<4x200x64xf32, #tpu.memory_space<vmem>> -> memref<1x1x64xf32, #tpu.memory_space<vmem>>
    %dma_start3A_260 = tpu.memref_squeeze %dma_start3A_259 : memref<1x1x64xf32, #tpu.memory_space<vmem>> -> memref<64xf32, #tpu.memory_space<vmem>>
    %dma_start3A_261 = arith.constant 0 : i32
    %dma_start3A_262 = tpu.memref_slice %arg3[%squeeze3A_249, %dma_start3A_261] : memref<1000000x64xf32, #tpu.memory_space<hbm>> -> memref<1x64xf32, #tpu.memory_space<hbm>>
    %dma_start3A_263 = tpu.memref_squeeze %dma_start3A_262 : memref<1x64xf32, #tpu.memory_space<hbm>> -> memref<64xf32, #tpu.memory_space<hbm>>
    tpu.enqueue_dma source(%dma_start3A_263 : memref<64xf32, #tpu.memory_space<hbm>>) target(%dma_start3A_260 : memref<64xf32, #tpu.memory_space<vmem>>) target_semaphore(%arg11 : memref<!tpu.dma_semaphore, #tpu.memory_space<semaphore_mem>>)
    %slice3A_264 = vector.extract_strided_slice %get3A_167 {offsets = [14], sizes = [1], strides = [1]} : vector<16xi32> to vector<1xi32>
    %squeeze3A_265 = vector.extract %slice3A_264[0] : i32 from vector<1xi32>
    %dma_start3A_266 = arith.constant 1 : i32
    %dma_start3A_267 = arith.constant 198 : i32
    %dma_start3A_268 = arith.constant 0 : i32
    %dma_start3A_269 = tpu.memref_slice %arg6[%dma_start3A_266, %dma_start3A_267, %dma_start3A_268] : memref<4x200x64xf32, #tpu.memory_space<vmem>> -> memref<1x1x64xf32, #tpu.memory_space<vmem>>
    %dma_start3A_270 = tpu.memref_squeeze %dma_start3A_269 : memref<1x1x64xf32, #tpu.memory_space<vmem>> -> memref<64xf32, #tpu.memory_space<vmem>>
    %dma_start3A_271 = arith.constant 0 : i32
    %dma_start3A_272 = tpu.memref_slice %arg3[%squeeze3A_265, %dma_start3A_271] : memref<1000000x64xf32, #tpu.memory_space<hbm>> -> memref<1x64xf32, #tpu.memory_space<hbm>>
    %dma_start3A_273 = tpu.memref_squeeze %dma_start3A_272 : memref<1x64xf32, #tpu.memory_space<hbm>> -> memref<64xf32, #tpu.memory_space<hbm>>
    %dma_start3A_274 = arith.constant 0 : i32
    %dma_start3A_275 = tpu.memref_slice %arg6[%dma_start3A_266, %dma_start3A_267, %dma_start3A_274] : memref<4x200x64xf32, #tpu.memory_space<vmem>> -> memref<1x1x64xf32, #tpu.memory_space<vmem>>
    %dma_start3A_276 = tpu.memref_squeeze %dma_start3A_275 : memref<1x1x64xf32, #tpu.memory_space<vmem>> -> memref<64xf32, #tpu.memory_space<vmem>>
    %dma_start3A_277 = arith.constant 0 : i32
    %dma_start3A_278 = tpu.memref_slice %arg3[%squeeze3A_265, %dma_start3A_277] : memref<1000000x64xf32, #tpu.memory_space<hbm>> -> memref<1x64xf32, #tpu.memory_space<hbm>>
    %dma_start3A_279 = tpu.memref_squeeze %dma_start3A_278 : memref<1x64xf32, #tpu.memory_space<hbm>> -> memref<64xf32, #tpu.memory_space<hbm>>
    tpu.enqueue_dma source(%dma_start3A_279 : memref<64xf32, #tpu.memory_space<hbm>>) target(%dma_start3A_276 : memref<64xf32, #tpu.memory_space<vmem>>) target_semaphore(%arg11 : memref<!tpu.dma_semaphore, #tpu.memory_space<semaphore_mem>>)
    %slice3A_280 = vector.extract_strided_slice %get3A_167 {offsets = [15], sizes = [1], strides = [1]} : vector<16xi32> to vector<1xi32>
    %squeeze3A_281 = vector.extract %slice3A_280[0] : i32 from vector<1xi32>
    %dma_start3A_282 = arith.constant 1 : i32
    %dma_start3A_283 = arith.constant 199 : i32
    %dma_start3A_284 = arith.constant 0 : i32
    %dma_start3A_285 = tpu.memref_slice %arg6[%dma_start3A_282, %dma_start3A_283, %dma_start3A_284] : memref<4x200x64xf32, #tpu.memory_space<vmem>> -> memref<1x1x64xf32, #tpu.memory_space<vmem>>
    %dma_start3A_286 = tpu.memref_squeeze %dma_start3A_285 : memref<1x1x64xf32, #tpu.memory_space<vmem>> -> memref<64xf32, #tpu.memory_space<vmem>>
    %dma_start3A_287 = arith.constant 0 : i32
    %dma_start3A_288 = tpu.memref_slice %arg3[%squeeze3A_281, %dma_start3A_287] : memref<1000000x64xf32, #tpu.memory_space<hbm>> -> memref<1x64xf32, #tpu.memory_space<hbm>>
    %dma_start3A_289 = tpu.memref_squeeze %dma_start3A_288 : memref<1x64xf32, #tpu.memory_space<hbm>> -> memref<64xf32, #tpu.memory_space<hbm>>
    %dma_start3A_290 = arith.constant 0 : i32
    %dma_start3A_291 = tpu.memref_slice %arg6[%dma_start3A_282, %dma_start3A_283, %dma_start3A_290] : memref<4x200x64xf32, #tpu.memory_space<vmem>> -> memref<1x1x64xf32, #tpu.memory_space<vmem>>
    %dma_start3A_292 = tpu.memref_squeeze %dma_start3A_291 : memref<1x1x64xf32, #tpu.memory_space<vmem>> -> memref<64xf32, #tpu.memory_space<vmem>>
    %dma_start3A_293 = arith.constant 0 : i32
    %dma_start3A_294 = tpu.memref_slice %arg3[%squeeze3A_281, %dma_start3A_293] : memref<1000000x64xf32, #tpu.memory_space<hbm>> -> memref<1x64xf32, #tpu.memory_space<hbm>>
    %dma_start3A_295 = tpu.memref_squeeze %dma_start3A_294 : memref<1x64xf32, #tpu.memory_space<hbm>> -> memref<64xf32, #tpu.memory_space<hbm>>
    tpu.enqueue_dma source(%dma_start3A_295 : memref<64xf32, #tpu.memory_space<hbm>>) target(%dma_start3A_292 : memref<64xf32, #tpu.memory_space<vmem>>) target_semaphore(%arg11 : memref<!tpu.dma_semaphore, #tpu.memory_space<semaphore_mem>>)
    %scan3A_296 = arith.constant 0 : i32
    %scan3A_297 = arith.constant 0 : i32
    %scan3A_298 = arith.constant 32 : i32
    %scan3A_299 = arith.addi %scan3A_297, %scan3A_298 : i32
    %scan3A_300 = arith.constant 1 : i32
    scf.for %scan3A_341 = %scan3A_297 to %scan3A_299 step %scan3A_300  : i32 {
      %mul3A_342 = arith.constant 4 : i32
      %mul3A_343 = arith.muli %scan3A_341, %mul3A_342 : i32
      %add3A_344 = arith.constant 0 : i32
      %add3A_345 = arith.addi %mul3A_343, %add3A_344 : i32
      %dma_wait3A_346 = arith.constant 0 : i32
      %dma_wait3A_347 = arith.constant 0 : i32
      %dma_wait3A_348 = arith.constant 0 : i32
      %dma_wait3A_349 = tpu.memref_slice %arg6[%dma_wait3A_346, %dma_wait3A_347, %dma_wait3A_348] : memref<4x200x64xf32, #tpu.memory_space<vmem>> -> memref<1x200x64xf32, #tpu.memory_space<vmem>>
      %dma_wait3A_350 = tpu.memref_squeeze %dma_wait3A_349 : memref<1x200x64xf32, #tpu.memory_space<vmem>> -> memref<200x64xf32, #tpu.memory_space<vmem>>
      %dma_wait3A_351 = arith.constant 0 : i32
      %dma_wait3A_352 = arith.constant 0 : i32
      %dma_wait3A_353 = tpu.memref_slice %arg3[%dma_wait3A_351, %dma_wait3A_352] : memref<1000000x64xf32, #tpu.memory_space<hbm>> -> memref<200x64xf32, #tpu.memory_space<hbm>>
      %dma_wait3A_354 = arith.constant 0 : i32
      %dma_wait3A_355 = arith.constant 0 : i32
      %dma_wait3A_356 = tpu.memref_slice %arg6[%dma_wait3A_346, %dma_wait3A_354, %dma_wait3A_355] : memref<4x200x64xf32, #tpu.memory_space<vmem>> -> memref<1x200x64xf32, #tpu.memory_space<vmem>>
      %dma_wait3A_357 = tpu.memref_squeeze %dma_wait3A_356 : memref<1x200x64xf32, #tpu.memory_space<vmem>> -> memref<200x64xf32, #tpu.memory_space<vmem>>
      %dma_wait3A_358 = arith.constant 0 : i32
      %dma_wait3A_359 = arith.constant 0 : i32
      %dma_wait3A_360 = tpu.memref_slice %arg3[%dma_wait3A_358, %dma_wait3A_359] : memref<1000000x64xf32, #tpu.memory_space<hbm>> -> memref<200x64xf32, #tpu.memory_space<hbm>>
      tpu.wait_dma2 semaphore(%arg10 : memref<!tpu.dma_semaphore, #tpu.memory_space<semaphore_mem>>) src(%dma_wait3A_360 : memref<200x64xf32, #tpu.memory_space<hbm>>) dst(%dma_wait3A_357 : memref<200x64xf32, #tpu.memory_space<vmem>>)
      %broadcast_in_dim3A_361 = arith.constant 0 : i32
      %broadcast_in_dim3A_362 = vector.broadcast %broadcast_in_dim3A_361 : i32 to vector<16xi32>
      %add3A_363 = arith.addi %mul3A_6, %add3A_345 : i32
      %add3A_364 = vector.broadcast %add3A_363 : i32 to vector<16xi32>
      %add3A_365 = arith.addi %broadcast_in_dim3A_362, %add3A_364 : vector<16xi32>
      %swap3A = arith.constant 0 : i32
      %swap3A_366 = arith.index_cast %swap3A : i32 to index
      %swap3A_367 = arith.constant 0 : index
      %swap3A_368 = tpu.vector_load %arg7[%swap3A_366, %swap3A_367] {strides = array<i32>} : memref<4x200xi32, #tpu.memory_space<vmem>>, vector<1x16xi32>,
      %swap3A_369 = vector.shape_cast %swap3A_368 : vector<1x16xi32> to vector<16xi32>
      %swap3A_370 = vector.shape_cast %add3A_365 : vector<16xi32> to vector<1x16xi32>
      tpu.vector_store %arg7[%swap3A_366, %swap3A_367], %swap3A_370 {strides = array<i32>} : memref<4x200xi32, #tpu.memory_space<vmem>>, vector<1x16xi32>,
      %swap3A_371 = arith.constant 0 : i32
      %swap3A_372 = arith.index_cast %swap3A_371 : i32 to index
      %swap3A_373 = arith.constant 16 : index
      %swap3A_374 = tpu.vector_load %arg7[%swap3A_372, %swap3A_373] {strides = array<i32>} : memref<4x200xi32, #tpu.memory_space<vmem>>, vector<1x16xi32>,
      %swap3A_375 = vector.shape_cast %swap3A_374 : vector<1x16xi32> to vector<16xi32>
      %swap3A_376 = vector.shape_cast %add3A_365 : vector<16xi32> to vector<1x16xi32>
      tpu.vector_store %arg7[%swap3A_372, %swap3A_373], %swap3A_376 {strides = array<i32>} : memref<4x200xi32, #tpu.memory_space<vmem>>, vector<1x16xi32>,
      %swap3A_377 = arith.constant 0 : i32
      %swap3A_378 = arith.index_cast %swap3A_377 : i32 to index
      %swap3A_379 = arith.constant 32 : index
      %swap3A_380 = tpu.vector_load %arg7[%swap3A_378, %swap3A_379] {strides = array<i32>} : memref<4x200xi32, #tpu.memory_space<vmem>>, vector<1x16xi32>,
      %swap3A_381 = vector.shape_cast %swap3A_380 : vector<1x16xi32> to vector<16xi32>
      %swap3A_382 = vector.shape_cast %add3A_365 : vector<16xi32> to vector<1x16xi32>
      tpu.vector_store %arg7[%swap3A_378, %swap3A_379], %swap3A_382 {strides = array<i32>} : memref<4x200xi32, #tpu.memory_space<vmem>>, vector<1x16xi32>,
      %swap3A_383 = arith.constant 0 : i32
      %swap3A_384 = arith.index_cast %swap3A_383 : i32 to index
      %swap3A_385 = arith.constant 48 : index
      %swap3A_386 = tpu.vector_load %arg7[%swap3A_384, %swap3A_385] {strides = array<i32>} : memref<4x200xi32, #tpu.memory_space<vmem>>, vector<1x16xi32>,
      %swap3A_387 = vector.shape_cast %swap3A_386 : vector<1x16xi32> to vector<16xi32>
      %swap3A_388 = vector.shape_cast %add3A_365 : vector<16xi32> to vector<1x16xi32>
      tpu.vector_store %arg7[%swap3A_384, %swap3A_385], %swap3A_388 {strides = array<i32>} : memref<4x200xi32, #tpu.memory_space<vmem>>, vector<1x16xi32>,
      %swap3A_389 = arith.constant 0 : i32
      %swap3A_390 = arith.index_cast %swap3A_389 : i32 to index
      %swap3A_391 = arith.constant 64 : index
      %swap3A_392 = tpu.vector_load %arg7[%swap3A_390, %swap3A_391] {strides = array<i32>} : memref<4x200xi32, #tpu.memory_space<vmem>>, vector<1x16xi32>,
      %swap3A_393 = vector.shape_cast %swap3A_392 : vector<1x16xi32> to vector<16xi32>
      %swap3A_394 = vector.shape_cast %add3A_365 : vector<16xi32> to vector<1x16xi32>
      tpu.vector_store %arg7[%swap3A_390, %swap3A_391], %swap3A_394 {strides = array<i32>} : memref<4x200xi32, #tpu.memory_space<vmem>>, vector<1x16xi32>,
      %swap3A_395 = arith.constant 0 : i32
      %swap3A_396 = arith.index_cast %swap3A_395 : i32 to index
      %swap3A_397 = arith.constant 80 : index
      %swap3A_398 = tpu.vector_load %arg7[%swap3A_396, %swap3A_397] {strides = array<i32>} : memref<4x200xi32, #tpu.memory_space<vmem>>, vector<1x16xi32>,
      %swap3A_399 = vector.shape_cast %swap3A_398 : vector<1x16xi32> to vector<16xi32>
      %swap3A_400 = vector.shape_cast %add3A_365 : vector<16xi32> to vector<1x16xi32>
      tpu.vector_store %arg7[%swap3A_396, %swap3A_397], %swap3A_400 {strides = array<i32>} : memref<4x200xi32, #tpu.memory_space<vmem>>, vector<1x16xi32>,
      %swap3A_401 = arith.constant 0 : i32
      %swap3A_402 = arith.index_cast %swap3A_401 : i32 to index
      %swap3A_403 = arith.constant 96 : index
      %swap3A_404 = tpu.vector_load %arg7[%swap3A_402, %swap3A_403] {strides = array<i32>} : memref<4x200xi32, #tpu.memory_space<vmem>>, vector<1x16xi32>,
      %swap3A_405 = vector.shape_cast %swap3A_404 : vector<1x16xi32> to vector<16xi32>
      %swap3A_406 = vector.shape_cast %add3A_365 : vector<16xi32> to vector<1x16xi32>
      tpu.vector_store %arg7[%swap3A_402, %swap3A_403], %swap3A_406 {strides = array<i32>} : memref<4x200xi32, #tpu.memory_space<vmem>>, vector<1x16xi32>,
      %swap3A_407 = arith.constant 0 : i32
      %swap3A_408 = arith.index_cast %swap3A_407 : i32 to index
      %swap3A_409 = arith.constant 112 : index
      %swap3A_410 = tpu.vector_load %arg7[%swap3A_408, %swap3A_409] {strides = array<i32>} : memref<4x200xi32, #tpu.memory_space<vmem>>, vector<1x16xi32>,
      %swap3A_411 = vector.shape_cast %swap3A_410 : vector<1x16xi32> to vector<16xi32>
      %swap3A_412 = vector.shape_cast %add3A_365 : vector<16xi32> to vector<1x16xi32>
      tpu.vector_store %arg7[%swap3A_408, %swap3A_409], %swap3A_412 {strides = array<i32>} : memref<4x200xi32, #tpu.memory_space<vmem>>, vector<1x16xi32>,
      %swap3A_413 = arith.constant 0 : i32
      %swap3A_414 = arith.index_cast %swap3A_413 : i32 to index
      %swap3A_415 = arith.constant 128 : index
      %swap3A_416 = tpu.vector_load %arg7[%swap3A_414, %swap3A_415] {strides = array<i32>} : memref<4x200xi32, #tpu.memory_space<vmem>>, vector<1x16xi32>,
      %swap3A_417 = vector.shape_cast %swap3A_416 : vector<1x16xi32> to vector<16xi32>
      %swap3A_418 = vector.shape_cast %add3A_365 : vector<16xi32> to vector<1x16xi32>
      tpu.vector_store %arg7[%swap3A_414, %swap3A_415], %swap3A_418 {strides = array<i32>} : memref<4x200xi32, #tpu.memory_space<vmem>>, vector<1x16xi32>,
      %swap3A_419 = arith.constant 0 : i32
      %swap3A_420 = arith.index_cast %swap3A_419 : i32 to index
      %swap3A_421 = arith.constant 144 : index
      %swap3A_422 = tpu.vector_load %arg7[%swap3A_420, %swap3A_421] {strides = array<i32>} : memref<4x200xi32, #tpu.memory_space<vmem>>, vector<1x16xi32>,
      %swap3A_423 = vector.shape_cast %swap3A_422 : vector<1x16xi32> to vector<16xi32>
      %swap3A_424 = vector.shape_cast %add3A_365 : vector<16xi32> to vector<1x16xi32>
      tpu.vector_store %arg7[%swap3A_420, %swap3A_421], %swap3A_424 {strides = array<i32>} : memref<4x200xi32, #tpu.memory_space<vmem>>, vector<1x16xi32>,
      %swap3A_425 = arith.constant 0 : i32
      %swap3A_426 = arith.index_cast %swap3A_425 : i32 to index
      %swap3A_427 = arith.constant 160 : index
      %swap3A_428 = tpu.vector_load %arg7[%swap3A_426, %swap3A_427] {strides = array<i32>} : memref<4x200xi32, #tpu.memory_space<vmem>>, vector<1x16xi32>,
      %swap3A_429 = vector.shape_cast %swap3A_428 : vector<1x16xi32> to vector<16xi32>
      %swap3A_430 = vector.shape_cast %add3A_365 : vector<16xi32> to vector<1x16xi32>
      tpu.vector_store %arg7[%swap3A_426, %swap3A_427], %swap3A_430 {strides = array<i32>} : memref<4x200xi32, #tpu.memory_space<vmem>>, vector<1x16xi32>,
      %swap3A_431 = arith.constant 0 : i32
      %swap3A_432 = arith.index_cast %swap3A_431 : i32 to index
      %swap3A_433 = arith.constant 176 : index
      %swap3A_434 = tpu.vector_load %arg7[%swap3A_432, %swap3A_433] {strides = array<i32>} : memref<4x200xi32, #tpu.memory_space<vmem>>, vector<1x16xi32>,
      %swap3A_435 = vector.shape_cast %swap3A_434 : vector<1x16xi32> to vector<16xi32>
      %swap3A_436 = vector.shape_cast %add3A_365 : vector<16xi32> to vector<1x16xi32>
      tpu.vector_store %arg7[%swap3A_432, %swap3A_433], %swap3A_436 {strides = array<i32>} : memref<4x200xi32, #tpu.memory_space<vmem>>, vector<1x16xi32>,
      %swap3A_437 = arith.constant 0 : i32
      %swap3A_438 = arith.index_cast %swap3A_437 : i32 to index
      %swap3A_439 = arith.constant 184 : index
      %swap3A_440 = tpu.vector_load %arg7[%swap3A_438, %swap3A_439] {strides = array<i32>} : memref<4x200xi32, #tpu.memory_space<vmem>>, vector<1x16xi32>,
      %swap3A_441 = vector.shape_cast %swap3A_440 : vector<1x16xi32> to vector<16xi32>
      %swap3A_442 = vector.shape_cast %add3A_365 : vector<16xi32> to vector<1x16xi32>
      tpu.vector_store %arg7[%swap3A_438, %swap3A_439], %swap3A_442 {strides = array<i32>} : memref<4x200xi32, #tpu.memory_space<vmem>>, vector<1x16xi32>,
      %dma_start3A_443 = arith.constant 0 : i32
      %dma_start3A_444 = arith.constant 0 : i32
      %dma_start3A_445 = arith.constant 0 : i32
      %dma_start3A_446 = arith.constant 0 : i32
      %dma_start3A_447 = tpu.memref_slice %arg6[%dma_start3A_443, %dma_start3A_445, %dma_start3A_446] : memref<4x200x64xf32, #tpu.memory_space<vmem>> -> memref<1x200x64xf32, #tpu.memory_space<vmem>>
      %dma_start3A_448 = tpu.memref_squeeze %dma_start3A_447 : memref<1x200x64xf32, #tpu.memory_space<vmem>> -> memref<200x64xf32, #tpu.memory_space<vmem>>
      %dma_start3A_449 = arith.constant 0 : i32
      %dma_start3A_450 = tpu.memref_slice %arg7[%dma_start3A_444, %dma_start3A_449] : memref<4x200xi32, #tpu.memory_space<vmem>> -> memref<1x200xi32, #tpu.memory_space<vmem>>
      %dma_start3A_451 = tpu.memref_squeeze %dma_start3A_450 : memref<1x200xi32, #tpu.memory_space<vmem>> -> memref<200xi32, #tpu.memory_space<vmem>>
      %dma_start3A_452 = arith.constant 0 : i32
      %dma_start3A_453 = arith.constant 0 : i32
      %dma_start3A_454 = tpu.memref_slice %arg9[%dma_start3A_452, %dma_start3A_453] : memref<2048x64xf32, #tpu.memory_space<vmem_shared>> -> memref<2048x64xf32, #tpu.memory_space<vmem_shared>>
      tpu.enqueue_indirect_dma source(%dma_start3A_448 : memref<200x64xf32, #tpu.memory_space<vmem>>) target(%dma_start3A_454 : memref<2048x64xf32, #tpu.memory_space<vmem_shared>>) offsets(%dma_start3A_451 : memref<200xi32, #tpu.memory_space<vmem>>) semaphore(%arg14 : memref<!tpu.dma_semaphore, #tpu.memory_space<semaphore_mem>>) {add = true}
      %add3A_455 = arith.constant 2 : i32
      %add3A_456 = arith.addi %add3A_345, %add3A_455 : i32
      %ge3A = arith.constant 4 : i32
      %ge3A_457 = arith.cmpi sge, %add3A_456, %ge3A : i32
      %convert_element_type3A = arith.extui %ge3A_457 : i1 to i32
      %cond3A = arith.constant 0 : i32
      %cond3A_458 = arith.cmpi ne, %convert_element_type3A, %cond3A : i32
      scf.if %cond3A_458 {
        %dma_wait3A_841 = arith.constant 2 : i32
        %dma_wait3A_842 = arith.constant 2 : i32
        %dma_wait3A_843 = arith.constant 0 : i32
        %dma_wait3A_844 = arith.constant 0 : i32
        %dma_wait3A_845 = tpu.memref_slice %arg6[%dma_wait3A_841, %dma_wait3A_843, %dma_wait3A_844] : memref<4x200x64xf32, #tpu.memory_space<vmem>> -> memref<1x200x64xf32, #tpu.memory_space<vmem>>
        %dma_wait3A_846 = tpu.memref_squeeze %dma_wait3A_845 : memref<1x200x64xf32, #tpu.memory_space<vmem>> -> memref<200x64xf32, #tpu.memory_space<vmem>>
        %dma_wait3A_847 = arith.constant 0 : i32
        %dma_wait3A_848 = tpu.memref_slice %arg7[%dma_wait3A_842, %dma_wait3A_847] : memref<4x200xi32, #tpu.memory_space<vmem>> -> memref<1x200xi32, #tpu.memory_space<vmem>>
        %dma_wait3A_849 = tpu.memref_squeeze %dma_wait3A_848 : memref<1x200xi32, #tpu.memory_space<vmem>> -> memref<200xi32, #tpu.memory_space<vmem>>
        %dma_wait3A_850 = arith.constant 0 : i32
        %dma_wait3A_851 = arith.constant 0 : i32
        %dma_wait3A_852 = tpu.memref_slice %arg9[%dma_wait3A_850, %dma_wait3A_851] : memref<2048x64xf32, #tpu.memory_space<vmem_shared>> -> memref<2048x64xf32, #tpu.memory_space<vmem_shared>>
        tpu.wait_indirect_dma semaphore(%arg16 : memref<!tpu.dma_semaphore, #tpu.memory_space<semaphore_mem>>) src(%dma_wait3A_846 : memref<200x64xf32, #tpu.memory_space<vmem>>) dst(%dma_wait3A_852 : memref<2048x64xf32, #tpu.memory_space<vmem_shared>>)
      } else {
      }
      %lt3A = arith.constant 128 : i32
      %lt3A_459 = arith.cmpi slt, %add3A_456, %lt3A : i32
      %convert_element_type3A_460 = arith.extui %lt3A_459 : i1 to i32
      %cond3A_461 = arith.constant 0 : i32
      %cond3A_462 = arith.cmpi ne, %convert_element_type3A_460, %cond3A_461 : i32
      scf.if %cond3A_462 {
        %scan3A_841 = arith.constant 0 : i32
        %scan3A_842 = arith.constant 0 : i32
        %scan3A_843 = arith.constant 12 : i32
        %scan3A_844 = arith.addi %scan3A_842, %scan3A_843 : i32
        %scan3A_845 = arith.constant 1 : i32
        scf.for %scan3A_979 = %scan3A_842 to %scan3A_844 step %scan3A_845  : i32 {
          %mul3A_980 = arith.constant 16 : i32
          %mul3A_981 = arith.muli %scan3A_979, %mul3A_980 : i32
          %get3A_982 = arith.index_cast %add3A_456 : i32 to index
          %get3A_983 = arith.index_cast %mul3A_981 : i32 to index
          %get3A_984 = tpu.vector_load %arg5[%get3A_982, %get3A_983] {strides = array<i32>} : memref<128x200xi32, #tpu.memory_space<vmem>>, vector<1x16xi32>,
          %get3A_985 = vector.shape_cast %get3A_984 : vector<1x16xi32> to vector<16xi32>
          %mul3A_986 = arith.constant 16 : i32
          %mul3A_987 = arith.muli %scan3A_979, %mul3A_986 : i32
          %add3A_988 = arith.constant 0 : i32
          %add3A_989 = arith.addi %mul3A_987, %add3A_988 : i32
          %slice3A_990 = vector.extract_strided_slice %get3A_985 {offsets = [0], sizes = [1], strides = [1]} : vector<16xi32> to vector<1xi32>
          %squeeze3A_991 = vector.extract %slice3A_990[0] : i32 from vector<1xi32>
          %dma_start3A_992 = arith.constant 2 : i32
          %dma_start3A_993 = arith.constant 0 : i32
          %dma_start3A_994 = tpu.memref_slice %arg6[%dma_start3A_992, %add3A_989, %dma_start3A_993] : memref<4x200x64xf32, #tpu.memory_space<vmem>> -> memref<1x1x64xf32, #tpu.memory_space<vmem>>
          %dma_start3A_995 = tpu.memref_squeeze %dma_start3A_994 : memref<1x1x64xf32, #tpu.memory_space<vmem>> -> memref<64xf32, #tpu.memory_space<vmem>>
          %dma_start3A_996 = arith.constant 0 : i32
          %dma_start3A_997 = tpu.memref_slice %arg3[%squeeze3A_991, %dma_start3A_996] : memref<1000000x64xf32, #tpu.memory_space<hbm>> -> memref<1x64xf32, #tpu.memory_space<hbm>>
          %dma_start3A_998 = tpu.memref_squeeze %dma_start3A_997 : memref<1x64xf32, #tpu.memory_space<hbm>> -> memref<64xf32, #tpu.memory_space<hbm>>
          %dma_start3A_999 = arith.constant 0 : i32
          %dma_start3A_1000 = tpu.memref_slice %arg6[%dma_start3A_992, %add3A_989, %dma_start3A_999] : memref<4x200x64xf32, #tpu.memory_space<vmem>> -> memref<1x1x64xf32, #tpu.memory_space<vmem>>
          %dma_start3A_1001 = tpu.memref_squeeze %dma_start3A_1000 : memref<1x1x64xf32, #tpu.memory_space<vmem>> -> memref<64xf32, #tpu.memory_space<vmem>>
          %dma_start3A_1002 = arith.constant 0 : i32
          %dma_start3A_1003 = tpu.memref_slice %arg3[%squeeze3A_991, %dma_start3A_1002] : memref<1000000x64xf32, #tpu.memory_space<hbm>> -> memref<1x64xf32, #tpu.memory_space<hbm>>
          %dma_start3A_1004 = tpu.memref_squeeze %dma_start3A_1003 : memref<1x64xf32, #tpu.memory_space<hbm>> -> memref<64xf32, #tpu.memory_space<hbm>>
          tpu.enqueue_dma source(%dma_start3A_1004 : memref<64xf32, #tpu.memory_space<hbm>>) target(%dma_start3A_1001 : memref<64xf32, #tpu.memory_space<vmem>>) target_semaphore(%arg12 : memref<!tpu.dma_semaphore, #tpu.memory_space<semaphore_mem>>)
          %mul3A_1005 = arith.constant 16 : i32
          %mul3A_1006 = arith.muli %scan3A_979, %mul3A_1005 : i32
          %add3A_1007 = arith.constant 1 : i32
          %add3A_1008 = arith.addi %mul3A_1006, %add3A_1007 : i32
          %slice3A_1009 = vector.extract_strided_slice %get3A_985 {offsets = [1], sizes = [1], strides = [1]} : vector<16xi32> to vector<1xi32>
          %squeeze3A_1010 = vector.extract %slice3A_1009[0] : i32 from vector<1xi32>
          %dma_start3A_1011 = arith.constant 2 : i32
          %dma_start3A_1012 = arith.constant 0 : i32
          %dma_start3A_1013 = tpu.memref_slice %arg6[%dma_start3A_1011, %add3A_1008, %dma_start3A_1012] : memref<4x200x64xf32, #tpu.memory_space<vmem>> -> memref<1x1x64xf32, #tpu.memory_space<vmem>>
          %dma_start3A_1014 = tpu.memref_squeeze %dma_start3A_1013 : memref<1x1x64xf32, #tpu.memory_space<vmem>> -> memref<64xf32, #tpu.memory_space<vmem>>
          %dma_start3A_1015 = arith.constant 0 : i32
          %dma_start3A_1016 = tpu.memref_slice %arg3[%squeeze3A_1010, %dma_start3A_1015] : memref<1000000x64xf32, #tpu.memory_space<hbm>> -> memref<1x64xf32, #tpu.memory_space<hbm>>
          %dma_start3A_1017 = tpu.memref_squeeze %dma_start3A_1016 : memref<1x64xf32, #tpu.memory_space<hbm>> -> memref<64xf32, #tpu.memory_space<hbm>>
          %dma_start3A_1018 = arith.constant 0 : i32
          %dma_start3A_1019 = tpu.memref_slice %arg6[%dma_start3A_1011, %add3A_1008, %dma_start3A_1018] : memref<4x200x64xf32, #tpu.memory_space<vmem>> -> memref<1x1x64xf32, #tpu.memory_space<vmem>>
          %dma_start3A_1020 = tpu.memref_squeeze %dma_start3A_1019 : memref<1x1x64xf32, #tpu.memory_space<vmem>> -> memref<64xf32, #tpu.memory_space<vmem>>
          %dma_start3A_1021 = arith.constant 0 : i32
          %dma_start3A_1022 = tpu.memref_slice %arg3[%squeeze3A_1010, %dma_start3A_1021] : memref<1000000x64xf32, #tpu.memory_space<hbm>> -> memref<1x64xf32, #tpu.memory_space<hbm>>
          %dma_start3A_1023 = tpu.memref_squeeze %dma_start3A_1022 : memref<1x64xf32, #tpu.memory_space<hbm>> -> memref<64xf32, #tpu.memory_space<hbm>>
          tpu.enqueue_dma source(%dma_start3A_1023 : memref<64xf32, #tpu.memory_space<hbm>>) target(%dma_start3A_1020 : memref<64xf32, #tpu.memory_space<vmem>>) target_semaphore(%arg12 : memref<!tpu.dma_semaphore, #tpu.memory_space<semaphore_mem>>)
          %mul3A_1024 = arith.constant 16 : i32
          %mul3A_1025 = arith.muli %scan3A_979, %mul3A_1024 : i32
          %add3A_1026 = arith.constant 2 : i32
          %add3A_1027 = arith.addi %mul3A_1025, %add3A_1026 : i32
          %slice3A_1028 = vector.extract_strided_slice %get3A_985 {offsets = [2], sizes = [1], strides = [1]} : vector<16xi32> to vector<1xi32>
          %squeeze3A_1029 = vector.extract %slice3A_1028[0] : i32 from vector<1xi32>
          %dma_start3A_1030 = arith.constant 2 : i32
          %dma_start3A_1031 = arith.constant 0 : i32
          %dma_start3A_1032 = tpu.memref_slice %arg6[%dma_start3A_1030, %add3A_1027, %dma_start3A_1031] : memref<4x200x64xf32, #tpu.memory_space<vmem>> -> memref<1x1x64xf32, #tpu.memory_space<vmem>>
          %dma_start3A_1033 = tpu.memref_squeeze %dma_start3A_1032 : memref<1x1x64xf32, #tpu.memory_space<vmem>> -> memref<64xf32, #tpu.memory_space<vmem>>
          %dma_start3A_1034 = arith.constant 0 : i32
          %dma_start3A_1035 = tpu.memref_slice %arg3[%squeeze3A_1029, %dma_start3A_1034] : memref<1000000x64xf32, #tpu.memory_space<hbm>> -> memref<1x64xf32, #tpu.memory_space<hbm>>
          %dma_start3A_1036 = tpu.memref_squeeze %dma_start3A_1035 : memref<1x64xf32, #tpu.memory_space<hbm>> -> memref<64xf32, #tpu.memory_space<hbm>>
          %dma_start3A_1037 = arith.constant 0 : i32
          %dma_start3A_1038 = tpu.memref_slice %arg6[%dma_start3A_1030, %add3A_1027, %dma_start3A_1037] : memref<4x200x64xf32, #tpu.memory_space<vmem>> -> memref<1x1x64xf32, #tpu.memory_space<vmem>>
          %dma_start3A_1039 = tpu.memref_squeeze %dma_start3A_1038 : memref<1x1x64xf32, #tpu.memory_space<vmem>> -> memref<64xf32, #tpu.memory_space<vmem>>
          %dma_start3A_1040 = arith.constant 0 : i32
          %dma_start3A_1041 = tpu.memref_slice %arg3[%squeeze3A_1029, %dma_start3A_1040] : memref<1000000x64xf32, #tpu.memory_space<hbm>> -> memref<1x64xf32, #tpu.memory_space<hbm>>
          %dma_start3A_1042 = tpu.memref_squeeze %dma_start3A_1041 : memref<1x64xf32, #tpu.memory_space<hbm>> -> memref<64xf32, #tpu.memory_space<hbm>>
          tpu.enqueue_dma source(%dma_start3A_1042 : memref<64xf32, #tpu.memory_space<hbm>>) target(%dma_start3A_1039 : memref<64xf32, #tpu.memory_space<vmem>>) target_semaphore(%arg12 : memref<!tpu.dma_semaphore, #tpu.memory_space<semaphore_mem>>)
          %mul3A_1043 = arith.constant 16 : i32
          %mul3A_1044 = arith.muli %scan3A_979, %mul3A_1043 : i32
          %add3A_1045 = arith.constant 3 : i32
          %add3A_1046 = arith.addi %mul3A_1044, %add3A_1045 : i32
          %slice3A_1047 = vector.extract_strided_slice %get3A_985 {offsets = [3], sizes = [1], strides = [1]} : vector<16xi32> to vector<1xi32>
          %squeeze3A_1048 = vector.extract %slice3A_1047[0] : i32 from vector<1xi32>
          %dma_start3A_1049 = arith.constant 2 : i32
          %dma_start3A_1050 = arith.constant 0 : i32
          %dma_start3A_1051 = tpu.memref_slice %arg6[%dma_start3A_1049, %add3A_1046, %dma_start3A_1050] : memref<4x200x64xf32, #tpu.memory_space<vmem>> -> memref<1x1x64xf32, #tpu.memory_space<vmem>>
          %dma_start3A_1052 = tpu.memref_squeeze %dma_start3A_1051 : memref<1x1x64xf32, #tpu.memory_space<vmem>> -> memref<64xf32, #tpu.memory_space<vmem>>
          %dma_start3A_1053 = arith.constant 0 : i32
          %dma_start3A_1054 = tpu.memref_slice %arg3[%squeeze3A_1048, %dma_start3A_1053] : memref<1000000x64xf32, #tpu.memory_space<hbm>> -> memref<1x64xf32, #tpu.memory_space<hbm>>
          %dma_start3A_1055 = tpu.memref_squeeze %dma_start3A_1054 : memref<1x64xf32, #tpu.memory_space<hbm>> -> memref<64xf32, #tpu.memory_space<hbm>>
          %dma_start3A_1056 = arith.constant 0 : i32
          %dma_start3A_1057 = tpu.memref_slice %arg6[%dma_start3A_1049, %add3A_1046, %dma_start3A_1056] : memref<4x200x64xf32, #tpu.memory_space<vmem>> -> memref<1x1x64xf32, #tpu.memory_space<vmem>>
          %dma_start3A_1058 = tpu.memref_squeeze %dma_start3A_1057 : memref<1x1x64xf32, #tpu.memory_space<vmem>> -> memref<64xf32, #tpu.memory_space<vmem>>
          %dma_start3A_1059 = arith.constant 0 : i32
          %dma_start3A_1060 = tpu.memref_slice %arg3[%squeeze3A_1048, %dma_start3A_1059] : memref<1000000x64xf32, #tpu.memory_space<hbm>> -> memref<1x64xf32, #tpu.memory_space<hbm>>
          %dma_start3A_1061 = tpu.memref_squeeze %dma_start3A_1060 : memref<1x64xf32, #tpu.memory_space<hbm>> -> memref<64xf32, #tpu.memory_space<hbm>>
          tpu.enqueue_dma source(%dma_start3A_1061 : memref<64xf32, #tpu.memory_space<hbm>>) target(%dma_start3A_1058 : memref<64xf32, #tpu.memory_space<vmem>>) target_semaphore(%arg12 : memref<!tpu.dma_semaphore, #tpu.memory_space<semaphore_mem>>)
          %mul3A_1062 = arith.constant 16 : i32
          %mul3A_1063 = arith.muli %scan3A_979, %mul3A_1062 : i32
          %add3A_1064 = arith.constant 4 : i32
          %add3A_1065 = arith.addi %mul3A_1063, %add3A_1064 : i32
          %slice3A_1066 = vector.extract_strided_slice %get3A_985 {offsets = [4], sizes = [1], strides = [1]} : vector<16xi32> to vector<1xi32>
          %squeeze3A_1067 = vector.extract %slice3A_1066[0] : i32 from vector<1xi32>
          %dma_start3A_1068 = arith.constant 2 : i32
          %dma_start3A_1069 = arith.constant 0 : i32
          %dma_start3A_1070 = tpu.memref_slice %arg6[%dma_start3A_1068, %add3A_1065, %dma_start3A_1069] : memref<4x200x64xf32, #tpu.memory_space<vmem>> -> memref<1x1x64xf32, #tpu.memory_space<vmem>>
          %dma_start3A_1071 = tpu.memref_squeeze %dma_start3A_1070 : memref<1x1x64xf32, #tpu.memory_space<vmem>> -> memref<64xf32, #tpu.memory_space<vmem>>
          %dma_start3A_1072 = arith.constant 0 : i32
          %dma_start3A_1073 = tpu.memref_slice %arg3[%squeeze3A_1067, %dma_start3A_1072] : memref<1000000x64xf32, #tpu.memory_space<hbm>> -> memref<1x64xf32, #tpu.memory_space<hbm>>
          %dma_start3A_1074 = tpu.memref_squeeze %dma_start3A_1073 : memref<1x64xf32, #tpu.memory_space<hbm>> -> memref<64xf32, #tpu.memory_space<hbm>>
          %dma_start3A_1075 = arith.constant 0 : i32
          %dma_start3A_1076 = tpu.memref_slice %arg6[%dma_start3A_1068, %add3A_1065, %dma_start3A_1075] : memref<4x200x64xf32, #tpu.memory_space<vmem>> -> memref<1x1x64xf32, #tpu.memory_space<vmem>>
          %dma_start3A_1077 = tpu.memref_squeeze %dma_start3A_1076 : memref<1x1x64xf32, #tpu.memory_space<vmem>> -> memref<64xf32, #tpu.memory_space<vmem>>
          %dma_start3A_1078 = arith.constant 0 : i32
          %dma_start3A_1079 = tpu.memref_slice %arg3[%squeeze3A_1067, %dma_start3A_1078] : memref<1000000x64xf32, #tpu.memory_space<hbm>> -> memref<1x64xf32, #tpu.memory_space<hbm>>
          %dma_start3A_1080 = tpu.memref_squeeze %dma_start3A_1079 : memref<1x64xf32, #tpu.memory_space<hbm>> -> memref<64xf32, #tpu.memory_space<hbm>>
          tpu.enqueue_dma source(%dma_start3A_1080 : memref<64xf32, #tpu.memory_space<hbm>>) target(%dma_start3A_1077 : memref<64xf32, #tpu.memory_space<vmem>>) target_semaphore(%arg12 : memref<!tpu.dma_semaphore, #tpu.memory_space<semaphore_mem>>)
          %mul3A_1081 = arith.constant 16 : i32
          %mul3A_1082 = arith.muli %scan3A_979, %mul3A_1081 : i32
          %add3A_1083 = arith.constant 5 : i32
          %add3A_1084 = arith.addi %mul3A_1082, %add3A_1083 : i32
          %slice3A_1085 = vector.extract_strided_slice %get3A_985 {offsets = [5], sizes = [1], strides = [1]} : vector<16xi32> to vector<1xi32>
          %squeeze3A_1086 = vector.extract %slice3A_1085[0] : i32 from vector<1xi32>
          %dma_start3A_1087 = arith.constant 2 : i32
          %dma_start3A_1088 = arith.constant 0 : i32
          %dma_start3A_1089 = tpu.memref_slice %arg6[%dma_start3A_1087, %add3A_1084, %dma_start3A_1088] : memref<4x200x64xf32, #tpu.memory_space<vmem>> -> memref<1x1x64xf32, #tpu.memory_space<vmem>>
          %dma_start3A_1090 = tpu.memref_squeeze %dma_start3A_1089 : memref<1x1x64xf32, #tpu.memory_space<vmem>> -> memref<64xf32, #tpu.memory_space<vmem>>
          %dma_start3A_1091 = arith.constant 0 : i32
          %dma_start3A_1092 = tpu.memref_slice %arg3[%squeeze3A_1086, %dma_start3A_1091] : memref<1000000x64xf32, #tpu.memory_space<hbm>> -> memref<1x64xf32, #tpu.memory_space<hbm>>
          %dma_start3A_1093 = tpu.memref_squeeze %dma_start3A_1092 : memref<1x64xf32, #tpu.memory_space<hbm>> -> memref<64xf32, #tpu.memory_space<hbm>>
          %dma_start3A_1094 = arith.constant 0 : i32
          %dma_start3A_1095 = tpu.memref_slice %arg6[%dma_start3A_1087, %add3A_1084, %dma_start3A_1094] : memref<4x200x64xf32, #tpu.memory_space<vmem>> -> memref<1x1x64xf32, #tpu.memory_space<vmem>>
          %dma_start3A_1096 = tpu.memref_squeeze %dma_start3A_1095 : memref<1x1x64xf32, #tpu.memory_space<vmem>> -> memref<64xf32, #tpu.memory_space<vmem>>
          %dma_start3A_1097 = arith.constant 0 : i32
          %dma_start3A_1098 = tpu.memref_slice %arg3[%squeeze3A_1086, %dma_start3A_1097] : memref<1000000x64xf32, #tpu.memory_space<hbm>> -> memref<1x64xf32, #tpu.memory_space<hbm>>
          %dma_start3A_1099 = tpu.memref_squeeze %dma_start3A_1098 : memref<1x64xf32, #tpu.memory_space<hbm>> -> memref<64xf32, #tpu.memory_space<hbm>>
          tpu.enqueue_dma source(%dma_start3A_1099 : memref<64xf32, #tpu.memory_space<hbm>>) target(%dma_start3A_1096 : memref<64xf32, #tpu.memory_space<vmem>>) target_semaphore(%arg12 : memref<!tpu.dma_semaphore, #tpu.memory_space<semaphore_mem>>)
          %mul3A_1100 = arith.constant 16 : i32
          %mul3A_1101 = arith.muli %scan3A_979, %mul3A_1100 : i32
          %add3A_1102 = arith.constant 6 : i32
          %add3A_1103 = arith.addi %mul3A_1101, %add3A_1102 : i32
          %slice3A_1104 = vector.extract_strided_slice %get3A_985 {offsets = [6], sizes = [1], strides = [1]} : vector<16xi32> to vector<1xi32>
          %squeeze3A_1105 = vector.extract %slice3A_1104[0] : i32 from vector<1xi32>
          %dma_start3A_1106 = arith.constant 2 : i32
          %dma_start3A_1107 = arith.constant 0 : i32
          %dma_start3A_1108 = tpu.memref_slice %arg6[%dma_start3A_1106, %add3A_1103, %dma_start3A_1107] : memref<4x200x64xf32, #tpu.memory_space<vmem>> -> memref<1x1x64xf32, #tpu.memory_space<vmem>>
          %dma_start3A_1109 = tpu.memref_squeeze %dma_start3A_1108 : memref<1x1x64xf32, #tpu.memory_space<vmem>> -> memref<64xf32, #tpu.memory_space<vmem>>
          %dma_start3A_1110 = arith.constant 0 : i32
          %dma_start3A_1111 = tpu.memref_slice %arg3[%squeeze3A_1105, %dma_start3A_1110] : memref<1000000x64xf32, #tpu.memory_space<hbm>> -> memref<1x64xf32, #tpu.memory_space<hbm>>
          %dma_start3A_1112 = tpu.memref_squeeze %dma_start3A_1111 : memref<1x64xf32, #tpu.memory_space<hbm>> -> memref<64xf32, #tpu.memory_space<hbm>>
          %dma_start3A_1113 = arith.constant 0 : i32
          %dma_start3A_1114 = tpu.memref_slice %arg6[%dma_start3A_1106, %add3A_1103, %dma_start3A_1113] : memref<4x200x64xf32, #tpu.memory_space<vmem>> -> memref<1x1x64xf32, #tpu.memory_space<vmem>>
          %dma_start3A_1115 = tpu.memref_squeeze %dma_start3A_1114 : memref<1x1x64xf32, #tpu.memory_space<vmem>> -> memref<64xf32, #tpu.memory_space<vmem>>
          %dma_start3A_1116 = arith.constant 0 : i32
          %dma_start3A_1117 = tpu.memref_slice %arg3[%squeeze3A_1105, %dma_start3A_1116] : memref<1000000x64xf32, #tpu.memory_space<hbm>> -> memref<1x64xf32, #tpu.memory_space<hbm>>
          %dma_start3A_1118 = tpu.memref_squeeze %dma_start3A_1117 : memref<1x64xf32, #tpu.memory_space<hbm>> -> memref<64xf32, #tpu.memory_space<hbm>>
          tpu.enqueue_dma source(%dma_start3A_1118 : memref<64xf32, #tpu.memory_space<hbm>>) target(%dma_start3A_1115 : memref<64xf32, #tpu.memory_space<vmem>>) target_semaphore(%arg12 : memref<!tpu.dma_semaphore, #tpu.memory_space<semaphore_mem>>)
          %mul3A_1119 = arith.constant 16 : i32
          %mul3A_1120 = arith.muli %scan3A_979, %mul3A_1119 : i32
          %add3A_1121 = arith.constant 7 : i32
          %add3A_1122 = arith.addi %mul3A_1120, %add3A_1121 : i32
          %slice3A_1123 = vector.extract_strided_slice %get3A_985 {offsets = [7], sizes = [1], strides = [1]} : vector<16xi32> to vector<1xi32>
          %squeeze3A_1124 = vector.extract %slice3A_1123[0] : i32 from vector<1xi32>
          %dma_start3A_1125 = arith.constant 2 : i32
          %dma_start3A_1126 = arith.constant 0 : i32
          %dma_start3A_1127 = tpu.memref_slice %arg6[%dma_start3A_1125, %add3A_1122, %dma_start3A_1126] : memref<4x200x64xf32, #tpu.memory_space<vmem>> -> memref<1x1x64xf32, #tpu.memory_space<vmem>>
          %dma_start3A_1128 = tpu.memref_squeeze %dma_start3A_1127 : memref<1x1x64xf32, #tpu.memory_space<vmem>> -> memref<64xf32, #tpu.memory_space<vmem>>
          %dma_start3A_1129 = arith.constant 0 : i32
          %dma_start3A_1130 = tpu.memref_slice %arg3[%squeeze3A_1124, %dma_start3A_1129] : memref<1000000x64xf32, #tpu.memory_space<hbm>> -> memref<1x64xf32, #tpu.memory_space<hbm>>
          %dma_start3A_1131 = tpu.memref_squeeze %dma_start3A_1130 : memref<1x64xf32, #tpu.memory_space<hbm>> -> memref<64xf32, #tpu.memory_space<hbm>>
          %dma_start3A_1132 = arith.constant 0 : i32
          %dma_start3A_1133 = tpu.memref_slice %arg6[%dma_start3A_1125, %add3A_1122, %dma_start3A_1132] : memref<4x200x64xf32, #tpu.memory_space<vmem>> -> memref<1x1x64xf32, #tpu.memory_space<vmem>>
          %dma_start3A_1134 = tpu.memref_squeeze %dma_start3A_1133 : memref<1x1x64xf32, #tpu.memory_space<vmem>> -> memref<64xf32, #tpu.memory_space<vmem>>
          %dma_start3A_1135 = arith.constant 0 : i32
          %dma_start3A_1136 = tpu.memref_slice %arg3[%squeeze3A_1124, %dma_start3A_1135] : memref<1000000x64xf32, #tpu.memory_space<hbm>> -> memref<1x64xf32, #tpu.memory_space<hbm>>
          %dma_start3A_1137 = tpu.memref_squeeze %dma_start3A_1136 : memref<1x64xf32, #tpu.memory_space<hbm>> -> memref<64xf32, #tpu.memory_space<hbm>>
          tpu.enqueue_dma source(%dma_start3A_1137 : memref<64xf32, #tpu.memory_space<hbm>>) target(%dma_start3A_1134 : memref<64xf32, #tpu.memory_space<vmem>>) target_semaphore(%arg12 : memref<!tpu.dma_semaphore, #tpu.memory_space<semaphore_mem>>)
          %mul3A_1138 = arith.constant 16 : i32
          %mul3A_1139 = arith.muli %scan3A_979, %mul3A_1138 : i32
          %add3A_1140 = arith.constant 8 : i32
          %add3A_1141 = arith.addi %mul3A_1139, %add3A_1140 : i32
          %slice3A_1142 = vector.extract_strided_slice %get3A_985 {offsets = [8], sizes = [1], strides = [1]} : vector<16xi32> to vector<1xi32>
          %squeeze3A_1143 = vector.extract %slice3A_1142[0] : i32 from vector<1xi32>
          %dma_start3A_1144 = arith.constant 2 : i32
          %dma_start3A_1145 = arith.constant 0 : i32
          %dma_start3A_1146 = tpu.memref_slice %arg6[%dma_start3A_1144, %add3A_1141, %dma_start3A_1145] : memref<4x200x64xf32, #tpu.memory_space<vmem>> -> memref<1x1x64xf32, #tpu.memory_space<vmem>>
          %dma_start3A_1147 = tpu.memref_squeeze %dma_start3A_1146 : memref<1x1x64xf32, #tpu.memory_space<vmem>> -> memref<64xf32, #tpu.memory_space<vmem>>
          %dma_start3A_1148 = arith.constant 0 : i32
          %dma_start3A_1149 = tpu.memref_slice %arg3[%squeeze3A_1143, %dma_start3A_1148] : memref<1000000x64xf32, #tpu.memory_space<hbm>> -> memref<1x64xf32, #tpu.memory_space<hbm>>
          %dma_start3A_1150 = tpu.memref_squeeze %dma_start3A_1149 : memref<1x64xf32, #tpu.memory_space<hbm>> -> memref<64xf32, #tpu.memory_space<hbm>>
          %dma_start3A_1151 = arith.constant 0 : i32
          %dma_start3A_1152 = tpu.memref_slice %arg6[%dma_start3A_1144, %add3A_1141, %dma_start3A_1151] : memref<4x200x64xf32, #tpu.memory_space<vmem>> -> memref<1x1x64xf32, #tpu.memory_space<vmem>>
          %dma_start3A_1153 = tpu.memref_squeeze %dma_start3A_1152 : memref<1x1x64xf32, #tpu.memory_space<vmem>> -> memref<64xf32, #tpu.memory_space<vmem>>
          %dma_start3A_1154 = arith.constant 0 : i32
          %dma_start3A_1155 = tpu.memref_slice %arg3[%squeeze3A_1143, %dma_start3A_1154] : memref<1000000x64xf32, #tpu.memory_space<hbm>> -> memref<1x64xf32, #tpu.memory_space<hbm>>
          %dma_start3A_1156 = tpu.memref_squeeze %dma_start3A_1155 : memref<1x64xf32, #tpu.memory_space<hbm>> -> memref<64xf32, #tpu.memory_space<hbm>>
          tpu.enqueue_dma source(%dma_start3A_1156 : memref<64xf32, #tpu.memory_space<hbm>>) target(%dma_start3A_1153 : memref<64xf32, #tpu.memory_space<vmem>>) target_semaphore(%arg12 : memref<!tpu.dma_semaphore, #tpu.memory_space<semaphore_mem>>)
          %mul3A_1157 = arith.constant 16 : i32
          %mul3A_1158 = arith.muli %scan3A_979, %mul3A_1157 : i32
          %add3A_1159 = arith.constant 9 : i32
          %add3A_1160 = arith.addi %mul3A_1158, %add3A_1159 : i32
          %slice3A_1161 = vector.extract_strided_slice %get3A_985 {offsets = [9], sizes = [1], strides = [1]} : vector<16xi32> to vector<1xi32>
          %squeeze3A_1162 = vector.extract %slice3A_1161[0] : i32 from vector<1xi32>
          %dma_start3A_1163 = arith.constant 2 : i32
          %dma_start3A_1164 = arith.constant 0 : i32
          %dma_start3A_1165 = tpu.memref_slice %arg6[%dma_start3A_1163, %add3A_1160, %dma_start3A_1164] : memref<4x200x64xf32, #tpu.memory_space<vmem>> -> memref<1x1x64xf32, #tpu.memory_space<vmem>>
          %dma_start3A_1166 = tpu.memref_squeeze %dma_start3A_1165 : memref<1x1x64xf32, #tpu.memory_space<vmem>> -> memref<64xf32, #tpu.memory_space<vmem>>
          %dma_start3A_1167 = arith.constant 0 : i32
          %dma_start3A_1168 = tpu.memref_slice %arg3[%squeeze3A_1162, %dma_start3A_1167] : memref<1000000x64xf32, #tpu.memory_space<hbm>> -> memref<1x64xf32, #tpu.memory_space<hbm>>
          %dma_start3A_1169 = tpu.memref_squeeze %dma_start3A_1168 : memref<1x64xf32, #tpu.memory_space<hbm>> -> memref<64xf32, #tpu.memory_space<hbm>>
          %dma_start3A_1170 = arith.constant 0 : i32
          %dma_start3A_1171 = tpu.memref_slice %arg6[%dma_start3A_1163, %add3A_1160, %dma_start3A_1170] : memref<4x200x64xf32, #tpu.memory_space<vmem>> -> memref<1x1x64xf32, #tpu.memory_space<vmem>>
          %dma_start3A_1172 = tpu.memref_squeeze %dma_start3A_1171 : memref<1x1x64xf32, #tpu.memory_space<vmem>> -> memref<64xf32, #tpu.memory_space<vmem>>
          %dma_start3A_1173 = arith.constant 0 : i32
          %dma_start3A_1174 = tpu.memref_slice %arg3[%squeeze3A_1162, %dma_start3A_1173] : memref<1000000x64xf32, #tpu.memory_space<hbm>> -> memref<1x64xf32, #tpu.memory_space<hbm>>
          %dma_start3A_1175 = tpu.memref_squeeze %dma_start3A_1174 : memref<1x64xf32, #tpu.memory_space<hbm>> -> memref<64xf32, #tpu.memory_space<hbm>>
          tpu.enqueue_dma source(%dma_start3A_1175 : memref<64xf32, #tpu.memory_space<hbm>>) target(%dma_start3A_1172 : memref<64xf32, #tpu.memory_space<vmem>>) target_semaphore(%arg12 : memref<!tpu.dma_semaphore, #tpu.memory_space<semaphore_mem>>)
          %mul3A_1176 = arith.constant 16 : i32
          %mul3A_1177 = arith.muli %scan3A_979, %mul3A_1176 : i32
          %add3A_1178 = arith.constant 10 : i32
          %add3A_1179 = arith.addi %mul3A_1177, %add3A_1178 : i32
          %slice3A_1180 = vector.extract_strided_slice %get3A_985 {offsets = [10], sizes = [1], strides = [1]} : vector<16xi32> to vector<1xi32>
          %squeeze3A_1181 = vector.extract %slice3A_1180[0] : i32 from vector<1xi32>
          %dma_start3A_1182 = arith.constant 2 : i32
          %dma_start3A_1183 = arith.constant 0 : i32
          %dma_start3A_1184 = tpu.memref_slice %arg6[%dma_start3A_1182, %add3A_1179, %dma_start3A_1183] : memref<4x200x64xf32, #tpu.memory_space<vmem>> -> memref<1x1x64xf32, #tpu.memory_space<vmem>>
          %dma_start3A_1185 = tpu.memref_squeeze %dma_start3A_1184 : memref<1x1x64xf32, #tpu.memory_space<vmem>> -> memref<64xf32, #tpu.memory_space<vmem>>
          %dma_start3A_1186 = arith.constant 0 : i32
          %dma_start3A_1187 = tpu.memref_slice %arg3[%squeeze3A_1181, %dma_start3A_1186] : memref<1000000x64xf32, #tpu.memory_space<hbm>> -> memref<1x64xf32, #tpu.memory_space<hbm>>
          %dma_start3A_1188 = tpu.memref_squeeze %dma_start3A_1187 : memref<1x64xf32, #tpu.memory_space<hbm>> -> memref<64xf32, #tpu.memory_space<hbm>>
          %dma_start3A_1189 = arith.constant 0 : i32
          %dma_start3A_1190 = tpu.memref_slice %arg6[%dma_start3A_1182, %add3A_1179, %dma_start3A_1189] : memref<4x200x64xf32, #tpu.memory_space<vmem>> -> memref<1x1x64xf32, #tpu.memory_space<vmem>>
          %dma_start3A_1191 = tpu.memref_squeeze %dma_start3A_1190 : memref<1x1x64xf32, #tpu.memory_space<vmem>> -> memref<64xf32, #tpu.memory_space<vmem>>
          %dma_start3A_1192 = arith.constant 0 : i32
          %dma_start3A_1193 = tpu.memref_slice %arg3[%squeeze3A_1181, %dma_start3A_1192] : memref<1000000x64xf32, #tpu.memory_space<hbm>> -> memref<1x64xf32, #tpu.memory_space<hbm>>
          %dma_start3A_1194 = tpu.memref_squeeze %dma_start3A_1193 : memref<1x64xf32, #tpu.memory_space<hbm>> -> memref<64xf32, #tpu.memory_space<hbm>>
          tpu.enqueue_dma source(%dma_start3A_1194 : memref<64xf32, #tpu.memory_space<hbm>>) target(%dma_start3A_1191 : memref<64xf32, #tpu.memory_space<vmem>>) target_semaphore(%arg12 : memref<!tpu.dma_semaphore, #tpu.memory_space<semaphore_mem>>)
          %mul3A_1195 = arith.constant 16 : i32
          %mul3A_1196 = arith.muli %scan3A_979, %mul3A_1195 : i32
          %add3A_1197 = arith.constant 11 : i32
          %add3A_1198 = arith.addi %mul3A_1196, %add3A_1197 : i32
          %slice3A_1199 = vector.extract_strided_slice %get3A_985 {offsets = [11], sizes = [1], strides = [1]} : vector<16xi32> to vector<1xi32>
          %squeeze3A_1200 = vector.extract %slice3A_1199[0] : i32 from vector<1xi32>
          %dma_start3A_1201 = arith.constant 2 : i32
          %dma_start3A_1202 = arith.constant 0 : i32
          %dma_start3A_1203 = tpu.memref_slice %arg6[%dma_start3A_1201, %add3A_1198, %dma_start3A_1202] : memref<4x200x64xf32, #tpu.memory_space<vmem>> -> memref<1x1x64xf32, #tpu.memory_space<vmem>>
          %dma_start3A_1204 = tpu.memref_squeeze %dma_start3A_1203 : memref<1x1x64xf32, #tpu.memory_space<vmem>> -> memref<64xf32, #tpu.memory_space<vmem>>
          %dma_start3A_1205 = arith.constant 0 : i32
          %dma_start3A_1206 = tpu.memref_slice %arg3[%squeeze3A_1200, %dma_start3A_1205] : memref<1000000x64xf32, #tpu.memory_space<hbm>> -> memref<1x64xf32, #tpu.memory_space<hbm>>
          %dma_start3A_1207 = tpu.memref_squeeze %dma_start3A_1206 : memref<1x64xf32, #tpu.memory_space<hbm>> -> memref<64xf32, #tpu.memory_space<hbm>>
          %dma_start3A_1208 = arith.constant 0 : i32
          %dma_start3A_1209 = tpu.memref_slice %arg6[%dma_start3A_1201, %add3A_1198, %dma_start3A_1208] : memref<4x200x64xf32, #tpu.memory_space<vmem>> -> memref<1x1x64xf32, #tpu.memory_space<vmem>>
          %dma_start3A_1210 = tpu.memref_squeeze %dma_start3A_1209 : memref<1x1x64xf32, #tpu.memory_space<vmem>> -> memref<64xf32, #tpu.memory_space<vmem>>
          %dma_start3A_1211 = arith.constant 0 : i32
          %dma_start3A_1212 = tpu.memref_slice %arg3[%squeeze3A_1200, %dma_start3A_1211] : memref<1000000x64xf32, #tpu.memory_space<hbm>> -> memref<1x64xf32, #tpu.memory_space<hbm>>
          %dma_start3A_1213 = tpu.memref_squeeze %dma_start3A_1212 : memref<1x64xf32, #tpu.memory_space<hbm>> -> memref<64xf32, #tpu.memory_space<hbm>>
          tpu.enqueue_dma source(%dma_start3A_1213 : memref<64xf32, #tpu.memory_space<hbm>>) target(%dma_start3A_1210 : memref<64xf32, #tpu.memory_space<vmem>>) target_semaphore(%arg12 : memref<!tpu.dma_semaphore, #tpu.memory_space<semaphore_mem>>)
          %mul3A_1214 = arith.constant 16 : i32
          %mul3A_1215 = arith.muli %scan3A_979, %mul3A_1214 : i32
          %add3A_1216 = arith.constant 12 : i32
          %add3A_1217 = arith.addi %mul3A_1215, %add3A_1216 : i32
          %slice3A_1218 = vector.extract_strided_slice %get3A_985 {offsets = [12], sizes = [1], strides = [1]} : vector<16xi32> to vector<1xi32>
          %squeeze3A_1219 = vector.extract %slice3A_1218[0] : i32 from vector<1xi32>
          %dma_start3A_1220 = arith.constant 2 : i32
          %dma_start3A_1221 = arith.constant 0 : i32
          %dma_start3A_1222 = tpu.memref_slice %arg6[%dma_start3A_1220, %add3A_1217, %dma_start3A_1221] : memref<4x200x64xf32, #tpu.memory_space<vmem>> -> memref<1x1x64xf32, #tpu.memory_space<vmem>>
          %dma_start3A_1223 = tpu.memref_squeeze %dma_start3A_1222 : memref<1x1x64xf32, #tpu.memory_space<vmem>> -> memref<64xf32, #tpu.memory_space<vmem>>
          %dma_start3A_1224 = arith.constant 0 : i32
          %dma_start3A_1225 = tpu.memref_slice %arg3[%squeeze3A_1219, %dma_start3A_1224] : memref<1000000x64xf32, #tpu.memory_space<hbm>> -> memref<1x64xf32, #tpu.memory_space<hbm>>
          %dma_start3A_1226 = tpu.memref_squeeze %dma_start3A_1225 : memref<1x64xf32, #tpu.memory_space<hbm>> -> memref<64xf32, #tpu.memory_space<hbm>>
          %dma_start3A_1227 = arith.constant 0 : i32
          %dma_start3A_1228 = tpu.memref_slice %arg6[%dma_start3A_1220, %add3A_1217, %dma_start3A_1227] : memref<4x200x64xf32, #tpu.memory_space<vmem>> -> memref<1x1x64xf32, #tpu.memory_space<vmem>>
          %dma_start3A_1229 = tpu.memref_squeeze %dma_start3A_1228 : memref<1x1x64xf32, #tpu.memory_space<vmem>> -> memref<64xf32, #tpu.memory_space<vmem>>
          %dma_start3A_1230 = arith.constant 0 : i32
          %dma_start3A_1231 = tpu.memref_slice %arg3[%squeeze3A_1219, %dma_start3A_1230] : memref<1000000x64xf32, #tpu.memory_space<hbm>> -> memref<1x64xf32, #tpu.memory_space<hbm>>
          %dma_start3A_1232 = tpu.memref_squeeze %dma_start3A_1231 : memref<1x64xf32, #tpu.memory_space<hbm>> -> memref<64xf32, #tpu.memory_space<hbm>>
          tpu.enqueue_dma source(%dma_start3A_1232 : memref<64xf32, #tpu.memory_space<hbm>>) target(%dma_start3A_1229 : memref<64xf32, #tpu.memory_space<vmem>>) target_semaphore(%arg12 : memref<!tpu.dma_semaphore, #tpu.memory_space<semaphore_mem>>)
          %mul3A_1233 = arith.constant 16 : i32
          %mul3A_1234 = arith.muli %scan3A_979, %mul3A_1233 : i32
          %add3A_1235 = arith.constant 13 : i32
          %add3A_1236 = arith.addi %mul3A_1234, %add3A_1235 : i32
          %slice3A_1237 = vector.extract_strided_slice %get3A_985 {offsets = [13], sizes = [1], strides = [1]} : vector<16xi32> to vector<1xi32>
          %squeeze3A_1238 = vector.extract %slice3A_1237[0] : i32 from vector<1xi32>
          %dma_start3A_1239 = arith.constant 2 : i32
          %dma_start3A_1240 = arith.constant 0 : i32
          %dma_start3A_1241 = tpu.memref_slice %arg6[%dma_start3A_1239, %add3A_1236, %dma_start3A_1240] : memref<4x200x64xf32, #tpu.memory_space<vmem>> -> memref<1x1x64xf32, #tpu.memory_space<vmem>>
          %dma_start3A_1242 = tpu.memref_squeeze %dma_start3A_1241 : memref<1x1x64xf32, #tpu.memory_space<vmem>> -> memref<64xf32, #tpu.memory_space<vmem>>
          %dma_start3A_1243 = arith.constant 0 : i32
          %dma_start3A_1244 = tpu.memref_slice %arg3[%squeeze3A_1238, %dma_start3A_1243] : memref<1000000x64xf32, #tpu.memory_space<hbm>> -> memref<1x64xf32, #tpu.memory_space<hbm>>
          %dma_start3A_1245 = tpu.memref_squeeze %dma_start3A_1244 : memref<1x64xf32, #tpu.memory_space<hbm>> -> memref<64xf32, #tpu.memory_space<hbm>>
          %dma_start3A_1246 = arith.constant 0 : i32
          %dma_start3A_1247 = tpu.memref_slice %arg6[%dma_start3A_1239, %add3A_1236, %dma_start3A_1246] : memref<4x200x64xf32, #tpu.memory_space<vmem>> -> memref<1x1x64xf32, #tpu.memory_space<vmem>>
          %dma_start3A_1248 = tpu.memref_squeeze %dma_start3A_1247 : memref<1x1x64xf32, #tpu.memory_space<vmem>> -> memref<64xf32, #tpu.memory_space<vmem>>
          %dma_start3A_1249 = arith.constant 0 : i32
          %dma_start3A_1250 = tpu.memref_slice %arg3[%squeeze3A_1238, %dma_start3A_1249] : memref<1000000x64xf32, #tpu.memory_space<hbm>> -> memref<1x64xf32, #tpu.memory_space<hbm>>
          %dma_start3A_1251 = tpu.memref_squeeze %dma_start3A_1250 : memref<1x64xf32, #tpu.memory_space<hbm>> -> memref<64xf32, #tpu.memory_space<hbm>>
          tpu.enqueue_dma source(%dma_start3A_1251 : memref<64xf32, #tpu.memory_space<hbm>>) target(%dma_start3A_1248 : memref<64xf32, #tpu.memory_space<vmem>>) target_semaphore(%arg12 : memref<!tpu.dma_semaphore, #tpu.memory_space<semaphore_mem>>)
          %mul3A_1252 = arith.constant 16 : i32
          %mul3A_1253 = arith.muli %scan3A_979, %mul3A_1252 : i32
          %add3A_1254 = arith.constant 14 : i32
          %add3A_1255 = arith.addi %mul3A_1253, %add3A_1254 : i32
          %slice3A_1256 = vector.extract_strided_slice %get3A_985 {offsets = [14], sizes = [1], strides = [1]} : vector<16xi32> to vector<1xi32>
          %squeeze3A_1257 = vector.extract %slice3A_1256[0] : i32 from vector<1xi32>
          %dma_start3A_1258 = arith.constant 2 : i32
          %dma_start3A_1259 = arith.constant 0 : i32
          %dma_start3A_1260 = tpu.memref_slice %arg6[%dma_start3A_1258, %add3A_1255, %dma_start3A_1259] : memref<4x200x64xf32, #tpu.memory_space<vmem>> -> memref<1x1x64xf32, #tpu.memory_space<vmem>>
          %dma_start3A_1261 = tpu.memref_squeeze %dma_start3A_1260 : memref<1x1x64xf32, #tpu.memory_space<vmem>> -> memref<64xf32, #tpu.memory_space<vmem>>
          %dma_start3A_1262 = arith.constant 0 : i32
          %dma_start3A_1263 = tpu.memref_slice %arg3[%squeeze3A_1257, %dma_start3A_1262] : memref<1000000x64xf32, #tpu.memory_space<hbm>> -> memref<1x64xf32, #tpu.memory_space<hbm>>
          %dma_start3A_1264 = tpu.memref_squeeze %dma_start3A_1263 : memref<1x64xf32, #tpu.memory_space<hbm>> -> memref<64xf32, #tpu.memory_space<hbm>>
          %dma_start3A_1265 = arith.constant 0 : i32
          %dma_start3A_1266 = tpu.memref_slice %arg6[%dma_start3A_1258, %add3A_1255, %dma_start3A_1265] : memref<4x200x64xf32, #tpu.memory_space<vmem>> -> memref<1x1x64xf32, #tpu.memory_space<vmem>>
          %dma_start3A_1267 = tpu.memref_squeeze %dma_start3A_1266 : memref<1x1x64xf32, #tpu.memory_space<vmem>> -> memref<64xf32, #tpu.memory_space<vmem>>
          %dma_start3A_1268 = arith.constant 0 : i32
          %dma_start3A_1269 = tpu.memref_slice %arg3[%squeeze3A_1257, %dma_start3A_1268] : memref<1000000x64xf32, #tpu.memory_space<hbm>> -> memref<1x64xf32, #tpu.memory_space<hbm>>
          %dma_start3A_1270 = tpu.memref_squeeze %dma_start3A_1269 : memref<1x64xf32, #tpu.memory_space<hbm>> -> memref<64xf32, #tpu.memory_space<hbm>>
          tpu.enqueue_dma source(%dma_start3A_1270 : memref<64xf32, #tpu.memory_space<hbm>>) target(%dma_start3A_1267 : memref<64xf32, #tpu.memory_space<vmem>>) target_semaphore(%arg12 : memref<!tpu.dma_semaphore, #tpu.memory_space<semaphore_mem>>)
          %mul3A_1271 = arith.constant 16 : i32
          %mul3A_1272 = arith.muli %scan3A_979, %mul3A_1271 : i32
          %add3A_1273 = arith.constant 15 : i32
          %add3A_1274 = arith.addi %mul3A_1272, %add3A_1273 : i32
          %slice3A_1275 = vector.extract_strided_slice %get3A_985 {offsets = [15], sizes = [1], strides = [1]} : vector<16xi32> to vector<1xi32>
          %squeeze3A_1276 = vector.extract %slice3A_1275[0] : i32 from vector<1xi32>
          %dma_start3A_1277 = arith.constant 2 : i32
          %dma_start3A_1278 = arith.constant 0 : i32
          %dma_start3A_1279 = tpu.memref_slice %arg6[%dma_start3A_1277, %add3A_1274, %dma_start3A_1278] : memref<4x200x64xf32, #tpu.memory_space<vmem>> -> memref<1x1x64xf32, #tpu.memory_space<vmem>>
          %dma_start3A_1280 = tpu.memref_squeeze %dma_start3A_1279 : memref<1x1x64xf32, #tpu.memory_space<vmem>> -> memref<64xf32, #tpu.memory_space<vmem>>
          %dma_start3A_1281 = arith.constant 0 : i32
          %dma_start3A_1282 = tpu.memref_slice %arg3[%squeeze3A_1276, %dma_start3A_1281] : memref<1000000x64xf32, #tpu.memory_space<hbm>> -> memref<1x64xf32, #tpu.memory_space<hbm>>
          %dma_start3A_1283 = tpu.memref_squeeze %dma_start3A_1282 : memref<1x64xf32, #tpu.memory_space<hbm>> -> memref<64xf32, #tpu.memory_space<hbm>>
          %dma_start3A_1284 = arith.constant 0 : i32
          %dma_start3A_1285 = tpu.memref_slice %arg6[%dma_start3A_1277, %add3A_1274, %dma_start3A_1284] : memref<4x200x64xf32, #tpu.memory_space<vmem>> -> memref<1x1x64xf32, #tpu.memory_space<vmem>>
          %dma_start3A_1286 = tpu.memref_squeeze %dma_start3A_1285 : memref<1x1x64xf32, #tpu.memory_space<vmem>> -> memref<64xf32, #tpu.memory_space<vmem>>
          %dma_start3A_1287 = arith.constant 0 : i32
          %dma_start3A_1288 = tpu.memref_slice %arg3[%squeeze3A_1276, %dma_start3A_1287] : memref<1000000x64xf32, #tpu.memory_space<hbm>> -> memref<1x64xf32, #tpu.memory_space<hbm>>
          %dma_start3A_1289 = tpu.memref_squeeze %dma_start3A_1288 : memref<1x64xf32, #tpu.memory_space<hbm>> -> memref<64xf32, #tpu.memory_space<hbm>>
          tpu.enqueue_dma source(%dma_start3A_1289 : memref<64xf32, #tpu.memory_space<hbm>>) target(%dma_start3A_1286 : memref<64xf32, #tpu.memory_space<vmem>>) target_semaphore(%arg12 : memref<!tpu.dma_semaphore, #tpu.memory_space<semaphore_mem>>)
        }
        %scan3A_846 = arith.constant 12 : i32
        %get3A_847 = arith.index_cast %add3A_456 : i32 to index
        %get3A_848 = arith.constant 184 : index
        %get3A_849 = tpu.vector_load %arg5[%get3A_847, %get3A_848] {strides = array<i32>} : memref<128x200xi32, #tpu.memory_space<vmem>>, vector<1x16xi32>,
        %get3A_850 = vector.shape_cast %get3A_849 : vector<1x16xi32> to vector<16xi32>
        %slice3A_851 = vector.extract_strided_slice %get3A_850 {offsets = [8], sizes = [1], strides = [1]} : vector<16xi32> to vector<1xi32>
        %squeeze3A_852 = vector.extract %slice3A_851[0] : i32 from vector<1xi32>
        %dma_start3A_853 = arith.constant 2 : i32
        %dma_start3A_854 = arith.constant 192 : i32
        %dma_start3A_855 = arith.constant 0 : i32
        %dma_start3A_856 = tpu.memref_slice %arg6[%dma_start3A_853, %dma_start3A_854, %dma_start3A_855] : memref<4x200x64xf32, #tpu.memory_space<vmem>> -> memref<1x1x64xf32, #tpu.memory_space<vmem>>
        %dma_start3A_857 = tpu.memref_squeeze %dma_start3A_856 : memref<1x1x64xf32, #tpu.memory_space<vmem>> -> memref<64xf32, #tpu.memory_space<vmem>>
        %dma_start3A_858 = arith.constant 0 : i32
        %dma_start3A_859 = tpu.memref_slice %arg3[%squeeze3A_852, %dma_start3A_858] : memref<1000000x64xf32, #tpu.memory_space<hbm>> -> memref<1x64xf32, #tpu.memory_space<hbm>>
        %dma_start3A_860 = tpu.memref_squeeze %dma_start3A_859 : memref<1x64xf32, #tpu.memory_space<hbm>> -> memref<64xf32, #tpu.memory_space<hbm>>
        %dma_start3A_861 = arith.constant 0 : i32
        %dma_start3A_862 = tpu.memref_slice %arg6[%dma_start3A_853, %dma_start3A_854, %dma_start3A_861] : memref<4x200x64xf32, #tpu.memory_space<vmem>> -> memref<1x1x64xf32, #tpu.memory_space<vmem>>
        %dma_start3A_863 = tpu.memref_squeeze %dma_start3A_862 : memref<1x1x64xf32, #tpu.memory_space<vmem>> -> memref<64xf32, #tpu.memory_space<vmem>>
        %dma_start3A_864 = arith.constant 0 : i32
        %dma_start3A_865 = tpu.memref_slice %arg3[%squeeze3A_852, %dma_start3A_864] : memref<1000000x64xf32, #tpu.memory_space<hbm>> -> memref<1x64xf32, #tpu.memory_space<hbm>>
        %dma_start3A_866 = tpu.memref_squeeze %dma_start3A_865 : memref<1x64xf32, #tpu.memory_space<hbm>> -> memref<64xf32, #tpu.memory_space<hbm>>
        tpu.enqueue_dma source(%dma_start3A_866 : memref<64xf32, #tpu.memory_space<hbm>>) target(%dma_start3A_863 : memref<64xf32, #tpu.memory_space<vmem>>) target_semaphore(%arg12 : memref<!tpu.dma_semaphore, #tpu.memory_space<semaphore_mem>>)
        %slice3A_867 = vector.extract_strided_slice %get3A_850 {offsets = [9], sizes = [1], strides = [1]} : vector<16xi32> to vector<1xi32>
        %squeeze3A_868 = vector.extract %slice3A_867[0] : i32 from vector<1xi32>
        %dma_start3A_869 = arith.constant 2 : i32
        %dma_start3A_870 = arith.constant 193 : i32
        %dma_start3A_871 = arith.constant 0 : i32
        %dma_start3A_872 = tpu.memref_slice %arg6[%dma_start3A_869, %dma_start3A_870, %dma_start3A_871] : memref<4x200x64xf32, #tpu.memory_space<vmem>> -> memref<1x1x64xf32, #tpu.memory_space<vmem>>
        %dma_start3A_873 = tpu.memref_squeeze %dma_start3A_872 : memref<1x1x64xf32, #tpu.memory_space<vmem>> -> memref<64xf32, #tpu.memory_space<vmem>>
        %dma_start3A_874 = arith.constant 0 : i32
        %dma_start3A_875 = tpu.memref_slice %arg3[%squeeze3A_868, %dma_start3A_874] : memref<1000000x64xf32, #tpu.memory_space<hbm>> -> memref<1x64xf32, #tpu.memory_space<hbm>>
        %dma_start3A_876 = tpu.memref_squeeze %dma_start3A_875 : memref<1x64xf32, #tpu.memory_space<hbm>> -> memref<64xf32, #tpu.memory_space<hbm>>
        %dma_start3A_877 = arith.constant 0 : i32
        %dma_start3A_878 = tpu.memref_slice %arg6[%dma_start3A_869, %dma_start3A_870, %dma_start3A_877] : memref<4x200x64xf32, #tpu.memory_space<vmem>> -> memref<1x1x64xf32, #tpu.memory_space<vmem>>
        %dma_start3A_879 = tpu.memref_squeeze %dma_start3A_878 : memref<1x1x64xf32, #tpu.memory_space<vmem>> -> memref<64xf32, #tpu.memory_space<vmem>>
        %dma_start3A_880 = arith.constant 0 : i32
        %dma_start3A_881 = tpu.memref_slice %arg3[%squeeze3A_868, %dma_start3A_880] : memref<1000000x64xf32, #tpu.memory_space<hbm>> -> memref<1x64xf32, #tpu.memory_space<hbm>>
        %dma_start3A_882 = tpu.memref_squeeze %dma_start3A_881 : memref<1x64xf32, #tpu.memory_space<hbm>> -> memref<64xf32, #tpu.memory_space<hbm>>
        tpu.enqueue_dma source(%dma_start3A_882 : memref<64xf32, #tpu.memory_space<hbm>>) target(%dma_start3A_879 : memref<64xf32, #tpu.memory_space<vmem>>) target_semaphore(%arg12 : memref<!tpu.dma_semaphore, #tpu.memory_space<semaphore_mem>>)
        %slice3A_883 = vector.extract_strided_slice %get3A_850 {offsets = [10], sizes = [1], strides = [1]} : vector<16xi32> to vector<1xi32>
        %squeeze3A_884 = vector.extract %slice3A_883[0] : i32 from vector<1xi32>
        %dma_start3A_885 = arith.constant 2 : i32
        %dma_start3A_886 = arith.constant 194 : i32
        %dma_start3A_887 = arith.constant 0 : i32
        %dma_start3A_888 = tpu.memref_slice %arg6[%dma_start3A_885, %dma_start3A_886, %dma_start3A_887] : memref<4x200x64xf32, #tpu.memory_space<vmem>> -> memref<1x1x64xf32, #tpu.memory_space<vmem>>
        %dma_start3A_889 = tpu.memref_squeeze %dma_start3A_888 : memref<1x1x64xf32, #tpu.memory_space<vmem>> -> memref<64xf32, #tpu.memory_space<vmem>>
        %dma_start3A_890 = arith.constant 0 : i32
        %dma_start3A_891 = tpu.memref_slice %arg3[%squeeze3A_884, %dma_start3A_890] : memref<1000000x64xf32, #tpu.memory_space<hbm>> -> memref<1x64xf32, #tpu.memory_space<hbm>>
        %dma_start3A_892 = tpu.memref_squeeze %dma_start3A_891 : memref<1x64xf32, #tpu.memory_space<hbm>> -> memref<64xf32, #tpu.memory_space<hbm>>
        %dma_start3A_893 = arith.constant 0 : i32
        %dma_start3A_894 = tpu.memref_slice %arg6[%dma_start3A_885, %dma_start3A_886, %dma_start3A_893] : memref<4x200x64xf32, #tpu.memory_space<vmem>> -> memref<1x1x64xf32, #tpu.memory_space<vmem>>
        %dma_start3A_895 = tpu.memref_squeeze %dma_start3A_894 : memref<1x1x64xf32, #tpu.memory_space<vmem>> -> memref<64xf32, #tpu.memory_space<vmem>>
        %dma_start3A_896 = arith.constant 0 : i32
        %dma_start3A_897 = tpu.memref_slice %arg3[%squeeze3A_884, %dma_start3A_896] : memref<1000000x64xf32, #tpu.memory_space<hbm>> -> memref<1x64xf32, #tpu.memory_space<hbm>>
        %dma_start3A_898 = tpu.memref_squeeze %dma_start3A_897 : memref<1x64xf32, #tpu.memory_space<hbm>> -> memref<64xf32, #tpu.memory_space<hbm>>
        tpu.enqueue_dma source(%dma_start3A_898 : memref<64xf32, #tpu.memory_space<hbm>>) target(%dma_start3A_895 : memref<64xf32, #tpu.memory_space<vmem>>) target_semaphore(%arg12 : memref<!tpu.dma_semaphore, #tpu.memory_space<semaphore_mem>>)
        %slice3A_899 = vector.extract_strided_slice %get3A_850 {offsets = [11], sizes = [1], strides = [1]} : vector<16xi32> to vector<1xi32>
        %squeeze3A_900 = vector.extract %slice3A_899[0] : i32 from vector<1xi32>
        %dma_start3A_901 = arith.constant 2 : i32
        %dma_start3A_902 = arith.constant 195 : i32
        %dma_start3A_903 = arith.constant 0 : i32
        %dma_start3A_904 = tpu.memref_slice %arg6[%dma_start3A_901, %dma_start3A_902, %dma_start3A_903] : memref<4x200x64xf32, #tpu.memory_space<vmem>> -> memref<1x1x64xf32, #tpu.memory_space<vmem>>
        %dma_start3A_905 = tpu.memref_squeeze %dma_start3A_904 : memref<1x1x64xf32, #tpu.memory_space<vmem>> -> memref<64xf32, #tpu.memory_space<vmem>>
        %dma_start3A_906 = arith.constant 0 : i32
        %dma_start3A_907 = tpu.memref_slice %arg3[%squeeze3A_900, %dma_start3A_906] : memref<1000000x64xf32, #tpu.memory_space<hbm>> -> memref<1x64xf32, #tpu.memory_space<hbm>>
        %dma_start3A_908 = tpu.memref_squeeze %dma_start3A_907 : memref<1x64xf32, #tpu.memory_space<hbm>> -> memref<64xf32, #tpu.memory_space<hbm>>
        %dma_start3A_909 = arith.constant 0 : i32
        %dma_start3A_910 = tpu.memref_slice %arg6[%dma_start3A_901, %dma_start3A_902, %dma_start3A_909] : memref<4x200x64xf32, #tpu.memory_space<vmem>> -> memref<1x1x64xf32, #tpu.memory_space<vmem>>
        %dma_start3A_911 = tpu.memref_squeeze %dma_start3A_910 : memref<1x1x64xf32, #tpu.memory_space<vmem>> -> memref<64xf32, #tpu.memory_space<vmem>>
        %dma_start3A_912 = arith.constant 0 : i32
        %dma_start3A_913 = tpu.memref_slice %arg3[%squeeze3A_900, %dma_start3A_912] : memref<1000000x64xf32, #tpu.memory_space<hbm>> -> memref<1x64xf32, #tpu.memory_space<hbm>>
        %dma_start3A_914 = tpu.memref_squeeze %dma_start3A_913 : memref<1x64xf32, #tpu.memory_space<hbm>> -> memref<64xf32, #tpu.memory_space<hbm>>
        tpu.enqueue_dma source(%dma_start3A_914 : memref<64xf32, #tpu.memory_space<hbm>>) target(%dma_start3A_911 : memref<64xf32, #tpu.memory_space<vmem>>) target_semaphore(%arg12 : memref<!tpu.dma_semaphore, #tpu.memory_space<semaphore_mem>>)
        %slice3A_915 = vector.extract_strided_slice %get3A_850 {offsets = [12], sizes = [1], strides = [1]} : vector<16xi32> to vector<1xi32>
        %squeeze3A_916 = vector.extract %slice3A_915[0] : i32 from vector<1xi32>
        %dma_start3A_917 = arith.constant 2 : i32
        %dma_start3A_918 = arith.constant 196 : i32
        %dma_start3A_919 = arith.constant 0 : i32
        %dma_start3A_920 = tpu.memref_slice %arg6[%dma_start3A_917, %dma_start3A_918, %dma_start3A_919] : memref<4x200x64xf32, #tpu.memory_space<vmem>> -> memref<1x1x64xf32, #tpu.memory_space<vmem>>
        %dma_start3A_921 = tpu.memref_squeeze %dma_start3A_920 : memref<1x1x64xf32, #tpu.memory_space<vmem>> -> memref<64xf32, #tpu.memory_space<vmem>>
        %dma_start3A_922 = arith.constant 0 : i32
        %dma_start3A_923 = tpu.memref_slice %arg3[%squeeze3A_916, %dma_start3A_922] : memref<1000000x64xf32, #tpu.memory_space<hbm>> -> memref<1x64xf32, #tpu.memory_space<hbm>>
        %dma_start3A_924 = tpu.memref_squeeze %dma_start3A_923 : memref<1x64xf32, #tpu.memory_space<hbm>> -> memref<64xf32, #tpu.memory_space<hbm>>
        %dma_start3A_925 = arith.constant 0 : i32
        %dma_start3A_926 = tpu.memref_slice %arg6[%dma_start3A_917, %dma_start3A_918, %dma_start3A_925] : memref<4x200x64xf32, #tpu.memory_space<vmem>> -> memref<1x1x64xf32, #tpu.memory_space<vmem>>
        %dma_start3A_927 = tpu.memref_squeeze %dma_start3A_926 : memref<1x1x64xf32, #tpu.memory_space<vmem>> -> memref<64xf32, #tpu.memory_space<vmem>>
        %dma_start3A_928 = arith.constant 0 : i32
        %dma_start3A_929 = tpu.memref_slice %arg3[%squeeze3A_916, %dma_start3A_928] : memref<1000000x64xf32, #tpu.memory_space<hbm>> -> memref<1x64xf32, #tpu.memory_space<hbm>>
        %dma_start3A_930 = tpu.memref_squeeze %dma_start3A_929 : memref<1x64xf32, #tpu.memory_space<hbm>> -> memref<64xf32, #tpu.memory_space<hbm>>
        tpu.enqueue_dma source(%dma_start3A_930 : memref<64xf32, #tpu.memory_space<hbm>>) target(%dma_start3A_927 : memref<64xf32, #tpu.memory_space<vmem>>) target_semaphore(%arg12 : memref<!tpu.dma_semaphore, #tpu.memory_space<semaphore_mem>>)
        %slice3A_931 = vector.extract_strided_slice %get3A_850 {offsets = [13], sizes = [1], strides = [1]} : vector<16xi32> to vector<1xi32>
        %squeeze3A_932 = vector.extract %slice3A_931[0] : i32 from vector<1xi32>
        %dma_start3A_933 = arith.constant 2 : i32
        %dma_start3A_934 = arith.constant 197 : i32
        %dma_start3A_935 = arith.constant 0 : i32
        %dma_start3A_936 = tpu.memref_slice %arg6[%dma_start3A_933, %dma_start3A_934, %dma_start3A_935] : memref<4x200x64xf32, #tpu.memory_space<vmem>> -> memref<1x1x64xf32, #tpu.memory_space<vmem>>
        %dma_start3A_937 = tpu.memref_squeeze %dma_start3A_936 : memref<1x1x64xf32, #tpu.memory_space<vmem>> -> memref<64xf32, #tpu.memory_space<vmem>>
        %dma_start3A_938 = arith.constant 0 : i32
        %dma_start3A_939 = tpu.memref_slice %arg3[%squeeze3A_932, %dma_start3A_938] : memref<1000000x64xf32, #tpu.memory_space<hbm>> -> memref<1x64xf32, #tpu.memory_space<hbm>>
        %dma_start3A_940 = tpu.memref_squeeze %dma_start3A_939 : memref<1x64xf32, #tpu.memory_space<hbm>> -> memref<64xf32, #tpu.memory_space<hbm>>
        %dma_start3A_941 = arith.constant 0 : i32
        %dma_start3A_942 = tpu.memref_slice %arg6[%dma_start3A_933, %dma_start3A_934, %dma_start3A_941] : memref<4x200x64xf32, #tpu.memory_space<vmem>> -> memref<1x1x64xf32, #tpu.memory_space<vmem>>
        %dma_start3A_943 = tpu.memref_squeeze %dma_start3A_942 : memref<1x1x64xf32, #tpu.memory_space<vmem>> -> memref<64xf32, #tpu.memory_space<vmem>>
        %dma_start3A_944 = arith.constant 0 : i32
        %dma_start3A_945 = tpu.memref_slice %arg3[%squeeze3A_932, %dma_start3A_944] : memref<1000000x64xf32, #tpu.memory_space<hbm>> -> memref<1x64xf32, #tpu.memory_space<hbm>>
        %dma_start3A_946 = tpu.memref_squeeze %dma_start3A_945 : memref<1x64xf32, #tpu.memory_space<hbm>> -> memref<64xf32, #tpu.memory_space<hbm>>
        tpu.enqueue_dma source(%dma_start3A_946 : memref<64xf32, #tpu.memory_space<hbm>>) target(%dma_start3A_943 : memref<64xf32, #tpu.memory_space<vmem>>) target_semaphore(%arg12 : memref<!tpu.dma_semaphore, #tpu.memory_space<semaphore_mem>>)
        %slice3A_947 = vector.extract_strided_slice %get3A_850 {offsets = [14], sizes = [1], strides = [1]} : vector<16xi32> to vector<1xi32>
        %squeeze3A_948 = vector.extract %slice3A_947[0] : i32 from vector<1xi32>
        %dma_start3A_949 = arith.constant 2 : i32
        %dma_start3A_950 = arith.constant 198 : i32
        %dma_start3A_951 = arith.constant 0 : i32
        %dma_start3A_952 = tpu.memref_slice %arg6[%dma_start3A_949, %dma_start3A_950, %dma_start3A_951] : memref<4x200x64xf32, #tpu.memory_space<vmem>> -> memref<1x1x64xf32, #tpu.memory_space<vmem>>
        %dma_start3A_953 = tpu.memref_squeeze %dma_start3A_952 : memref<1x1x64xf32, #tpu.memory_space<vmem>> -> memref<64xf32, #tpu.memory_space<vmem>>
        %dma_start3A_954 = arith.constant 0 : i32
        %dma_start3A_955 = tpu.memref_slice %arg3[%squeeze3A_948, %dma_start3A_954] : memref<1000000x64xf32, #tpu.memory_space<hbm>> -> memref<1x64xf32, #tpu.memory_space<hbm>>
        %dma_start3A_956 = tpu.memref_squeeze %dma_start3A_955 : memref<1x64xf32, #tpu.memory_space<hbm>> -> memref<64xf32, #tpu.memory_space<hbm>>
        %dma_start3A_957 = arith.constant 0 : i32
        %dma_start3A_958 = tpu.memref_slice %arg6[%dma_start3A_949, %dma_start3A_950, %dma_start3A_957] : memref<4x200x64xf32, #tpu.memory_space<vmem>> -> memref<1x1x64xf32, #tpu.memory_space<vmem>>
        %dma_start3A_959 = tpu.memref_squeeze %dma_start3A_958 : memref<1x1x64xf32, #tpu.memory_space<vmem>> -> memref<64xf32, #tpu.memory_space<vmem>>
        %dma_start3A_960 = arith.constant 0 : i32
        %dma_start3A_961 = tpu.memref_slice %arg3[%squeeze3A_948, %dma_start3A_960] : memref<1000000x64xf32, #tpu.memory_space<hbm>> -> memref<1x64xf32, #tpu.memory_space<hbm>>
        %dma_start3A_962 = tpu.memref_squeeze %dma_start3A_961 : memref<1x64xf32, #tpu.memory_space<hbm>> -> memref<64xf32, #tpu.memory_space<hbm>>
        tpu.enqueue_dma source(%dma_start3A_962 : memref<64xf32, #tpu.memory_space<hbm>>) target(%dma_start3A_959 : memref<64xf32, #tpu.memory_space<vmem>>) target_semaphore(%arg12 : memref<!tpu.dma_semaphore, #tpu.memory_space<semaphore_mem>>)
        %slice3A_963 = vector.extract_strided_slice %get3A_850 {offsets = [15], sizes = [1], strides = [1]} : vector<16xi32> to vector<1xi32>
        %squeeze3A_964 = vector.extract %slice3A_963[0] : i32 from vector<1xi32>
        %dma_start3A_965 = arith.constant 2 : i32
        %dma_start3A_966 = arith.constant 199 : i32
        %dma_start3A_967 = arith.constant 0 : i32
        %dma_start3A_968 = tpu.memref_slice %arg6[%dma_start3A_965, %dma_start3A_966, %dma_start3A_967] : memref<4x200x64xf32, #tpu.memory_space<vmem>> -> memref<1x1x64xf32, #tpu.memory_space<vmem>>
        %dma_start3A_969 = tpu.memref_squeeze %dma_start3A_968 : memref<1x1x64xf32, #tpu.memory_space<vmem>> -> memref<64xf32, #tpu.memory_space<vmem>>
        %dma_start3A_970 = arith.constant 0 : i32
        %dma_start3A_971 = tpu.memref_slice %arg3[%squeeze3A_964, %dma_start3A_970] : memref<1000000x64xf32, #tpu.memory_space<hbm>> -> memref<1x64xf32, #tpu.memory_space<hbm>>
        %dma_start3A_972 = tpu.memref_squeeze %dma_start3A_971 : memref<1x64xf32, #tpu.memory_space<hbm>> -> memref<64xf32, #tpu.memory_space<hbm>>
        %dma_start3A_973 = arith.constant 0 : i32
        %dma_start3A_974 = tpu.memref_slice %arg6[%dma_start3A_965, %dma_start3A_966, %dma_start3A_973] : memref<4x200x64xf32, #tpu.memory_space<vmem>> -> memref<1x1x64xf32, #tpu.memory_space<vmem>>
        %dma_start3A_975 = tpu.memref_squeeze %dma_start3A_974 : memref<1x1x64xf32, #tpu.memory_space<vmem>> -> memref<64xf32, #tpu.memory_space<vmem>>
        %dma_start3A_976 = arith.constant 0 : i32
        %dma_start3A_977 = tpu.memref_slice %arg3[%squeeze3A_964, %dma_start3A_976] : memref<1000000x64xf32, #tpu.memory_space<hbm>> -> memref<1x64xf32, #tpu.memory_space<hbm>>
        %dma_start3A_978 = tpu.memref_squeeze %dma_start3A_977 : memref<1x64xf32, #tpu.memory_space<hbm>> -> memref<64xf32, #tpu.memory_space<hbm>>
        tpu.enqueue_dma source(%dma_start3A_978 : memref<64xf32, #tpu.memory_space<hbm>>) target(%dma_start3A_975 : memref<64xf32, #tpu.memory_space<vmem>>) target_semaphore(%arg12 : memref<!tpu.dma_semaphore, #tpu.memory_space<semaphore_mem>>)
      } else {
      }
      %mul3A_463 = arith.constant 4 : i32
      %mul3A_464 = arith.muli %scan3A_341, %mul3A_463 : i32
      %add3A_465 = arith.constant 1 : i32
      %add3A_466 = arith.addi %mul3A_464, %add3A_465 : i32
      %dma_wait3A_467 = arith.constant 1 : i32
      %dma_wait3A_468 = arith.constant 0 : i32
      %dma_wait3A_469 = arith.constant 0 : i32
      %dma_wait3A_470 = tpu.memref_slice %arg6[%dma_wait3A_467, %dma_wait3A_468, %dma_wait3A_469] : memref<4x200x64xf32, #tpu.memory_space<vmem>> -> memref<1x200x64xf32, #tpu.memory_space<vmem>>
      %dma_wait3A_471 = tpu.memref_squeeze %dma_wait3A_470 : memref<1x200x64xf32, #tpu.memory_space<vmem>> -> memref<200x64xf32, #tpu.memory_space<vmem>>
      %dma_wait3A_472 = arith.constant 0 : i32
      %dma_wait3A_473 = arith.constant 0 : i32
      %dma_wait3A_474 = tpu.memref_slice %arg3[%dma_wait3A_472, %dma_wait3A_473] : memref<1000000x64xf32, #tpu.memory_space<hbm>> -> memref<200x64xf32, #tpu.memory_space<hbm>>
      %dma_wait3A_475 = arith.constant 0 : i32
      %dma_wait3A_476 = arith.constant 0 : i32
      %dma_wait3A_477 = tpu.memref_slice %arg6[%dma_wait3A_467, %dma_wait3A_475, %dma_wait3A_476] : memref<4x200x64xf32, #tpu.memory_space<vmem>> -> memref<1x200x64xf32, #tpu.memory_space<vmem>>
      %dma_wait3A_478 = tpu.memref_squeeze %dma_wait3A_477 : memref<1x200x64xf32, #tpu.memory_space<vmem>> -> memref<200x64xf32, #tpu.memory_space<vmem>>
      %dma_wait3A_479 = arith.constant 0 : i32
      %dma_wait3A_480 = arith.constant 0 : i32
      %dma_wait3A_481 = tpu.memref_slice %arg3[%dma_wait3A_479, %dma_wait3A_480] : memref<1000000x64xf32, #tpu.memory_space<hbm>> -> memref<200x64xf32, #tpu.memory_space<hbm>>
      tpu.wait_dma2 semaphore(%arg11 : memref<!tpu.dma_semaphore, #tpu.memory_space<semaphore_mem>>) src(%dma_wait3A_481 : memref<200x64xf32, #tpu.memory_space<hbm>>) dst(%dma_wait3A_478 : memref<200x64xf32, #tpu.memory_space<vmem>>)
      %broadcast_in_dim3A_482 = arith.constant 0 : i32
      %broadcast_in_dim3A_483 = vector.broadcast %broadcast_in_dim3A_482 : i32 to vector<16xi32>
      %add3A_484 = arith.addi %mul3A_6, %add3A_466 : i32
      %add3A_485 = vector.broadcast %add3A_484 : i32 to vector<16xi32>
      %add3A_486 = arith.addi %broadcast_in_dim3A_483, %add3A_485 : vector<16xi32>
      %swap3A_487 = arith.constant 1 : i32
      %swap3A_488 = arith.index_cast %swap3A_487 : i32 to index
      %swap3A_489 = arith.constant 0 : index
      %swap3A_490 = tpu.vector_load %arg7[%swap3A_488, %swap3A_489] {strides = array<i32>} : memref<4x200xi32, #tpu.memory_space<vmem>>, vector<1x16xi32>,
      %swap3A_491 = vector.shape_cast %swap3A_490 : vector<1x16xi32> to vector<16xi32>
      %swap3A_492 = vector.shape_cast %add3A_486 : vector<16xi32> to vector<1x16xi32>
      tpu.vector_store %arg7[%swap3A_488, %swap3A_489], %swap3A_492 {strides = array<i32>} : memref<4x200xi32, #tpu.memory_space<vmem>>, vector<1x16xi32>,
      %swap3A_493 = arith.constant 1 : i32
      %swap3A_494 = arith.index_cast %swap3A_493 : i32 to index
      %swap3A_495 = arith.constant 16 : index
      %swap3A_496 = tpu.vector_load %arg7[%swap3A_494, %swap3A_495] {strides = array<i32>} : memref<4x200xi32, #tpu.memory_space<vmem>>, vector<1x16xi32>,
      %swap3A_497 = vector.shape_cast %swap3A_496 : vector<1x16xi32> to vector<16xi32>
      %swap3A_498 = vector.shape_cast %add3A_486 : vector<16xi32> to vector<1x16xi32>
      tpu.vector_store %arg7[%swap3A_494, %swap3A_495], %swap3A_498 {strides = array<i32>} : memref<4x200xi32, #tpu.memory_space<vmem>>, vector<1x16xi32>,
      %swap3A_499 = arith.constant 1 : i32
      %swap3A_500 = arith.index_cast %swap3A_499 : i32 to index
      %swap3A_501 = arith.constant 32 : index
      %swap3A_502 = tpu.vector_load %arg7[%swap3A_500, %swap3A_501] {strides = array<i32>} : memref<4x200xi32, #tpu.memory_space<vmem>>, vector<1x16xi32>,
      %swap3A_503 = vector.shape_cast %swap3A_502 : vector<1x16xi32> to vector<16xi32>
      %swap3A_504 = vector.shape_cast %add3A_486 : vector<16xi32> to vector<1x16xi32>
      tpu.vector_store %arg7[%swap3A_500, %swap3A_501], %swap3A_504 {strides = array<i32>} : memref<4x200xi32, #tpu.memory_space<vmem>>, vector<1x16xi32>,
      %swap3A_505 = arith.constant 1 : i32
      %swap3A_506 = arith.index_cast %swap3A_505 : i32 to index
      %swap3A_507 = arith.constant 48 : index
      %swap3A_508 = tpu.vector_load %arg7[%swap3A_506, %swap3A_507] {strides = array<i32>} : memref<4x200xi32, #tpu.memory_space<vmem>>, vector<1x16xi32>,
      %swap3A_509 = vector.shape_cast %swap3A_508 : vector<1x16xi32> to vector<16xi32>
      %swap3A_510 = vector.shape_cast %add3A_486 : vector<16xi32> to vector<1x16xi32>
      tpu.vector_store %arg7[%swap3A_506, %swap3A_507], %swap3A_510 {strides = array<i32>} : memref<4x200xi32, #tpu.memory_space<vmem>>, vector<1x16xi32>,
      %swap3A_511 = arith.constant 1 : i32
      %swap3A_512 = arith.index_cast %swap3A_511 : i32 to index
      %swap3A_513 = arith.constant 64 : index
      %swap3A_514 = tpu.vector_load %arg7[%swap3A_512, %swap3A_513] {strides = array<i32>} : memref<4x200xi32, #tpu.memory_space<vmem>>, vector<1x16xi32>,
      %swap3A_515 = vector.shape_cast %swap3A_514 : vector<1x16xi32> to vector<16xi32>
      %swap3A_516 = vector.shape_cast %add3A_486 : vector<16xi32> to vector<1x16xi32>
      tpu.vector_store %arg7[%swap3A_512, %swap3A_513], %swap3A_516 {strides = array<i32>} : memref<4x200xi32, #tpu.memory_space<vmem>>, vector<1x16xi32>,
      %swap3A_517 = arith.constant 1 : i32
      %swap3A_518 = arith.index_cast %swap3A_517 : i32 to index
      %swap3A_519 = arith.constant 80 : index
      %swap3A_520 = tpu.vector_load %arg7[%swap3A_518, %swap3A_519] {strides = array<i32>} : memref<4x200xi32, #tpu.memory_space<vmem>>, vector<1x16xi32>,
      %swap3A_521 = vector.shape_cast %swap3A_520 : vector<1x16xi32> to vector<16xi32>
      %swap3A_522 = vector.shape_cast %add3A_486 : vector<16xi32> to vector<1x16xi32>
      tpu.vector_store %arg7[%swap3A_518, %swap3A_519], %swap3A_522 {strides = array<i32>} : memref<4x200xi32, #tpu.memory_space<vmem>>, vector<1x16xi32>,
      %swap3A_523 = arith.constant 1 : i32
      %swap3A_524 = arith.index_cast %swap3A_523 : i32 to index
      %swap3A_525 = arith.constant 96 : index
      %swap3A_526 = tpu.vector_load %arg7[%swap3A_524, %swap3A_525] {strides = array<i32>} : memref<4x200xi32, #tpu.memory_space<vmem>>, vector<1x16xi32>,
      %swap3A_527 = vector.shape_cast %swap3A_526 : vector<1x16xi32> to vector<16xi32>
      %swap3A_528 = vector.shape_cast %add3A_486 : vector<16xi32> to vector<1x16xi32>
      tpu.vector_store %arg7[%swap3A_524, %swap3A_525], %swap3A_528 {strides = array<i32>} : memref<4x200xi32, #tpu.memory_space<vmem>>, vector<1x16xi32>,
      %swap3A_529 = arith.constant 1 : i32
      %swap3A_530 = arith.index_cast %swap3A_529 : i32 to index
      %swap3A_531 = arith.constant 112 : index
      %swap3A_532 = tpu.vector_load %arg7[%swap3A_530, %swap3A_531] {strides = array<i32>} : memref<4x200xi32, #tpu.memory_space<vmem>>, vector<1x16xi32>,
      %swap3A_533 = vector.shape_cast %swap3A_532 : vector<1x16xi32> to vector<16xi32>
      %swap3A_534 = vector.shape_cast %add3A_486 : vector<16xi32> to vector<1x16xi32>
      tpu.vector_store %arg7[%swap3A_530, %swap3A_531], %swap3A_534 {strides = array<i32>} : memref<4x200xi32, #tpu.memory_space<vmem>>, vector<1x16xi32>,
      %swap3A_535 = arith.constant 1 : i32
      %swap3A_536 = arith.index_cast %swap3A_535 : i32 to index
      %swap3A_537 = arith.constant 128 : index
      %swap3A_538 = tpu.vector_load %arg7[%swap3A_536, %swap3A_537] {strides = array<i32>} : memref<4x200xi32, #tpu.memory_space<vmem>>, vector<1x16xi32>,
      %swap3A_539 = vector.shape_cast %swap3A_538 : vector<1x16xi32> to vector<16xi32>
      %swap3A_540 = vector.shape_cast %add3A_486 : vector<16xi32> to vector<1x16xi32>
      tpu.vector_store %arg7[%swap3A_536, %swap3A_537], %swap3A_540 {strides = array<i32>} : memref<4x200xi32, #tpu.memory_space<vmem>>, vector<1x16xi32>,
      %swap3A_541 = arith.constant 1 : i32
      %swap3A_542 = arith.index_cast %swap3A_541 : i32 to index
      %swap3A_543 = arith.constant 144 : index
      %swap3A_544 = tpu.vector_load %arg7[%swap3A_542, %swap3A_543] {strides = array<i32>} : memref<4x200xi32, #tpu.memory_space<vmem>>, vector<1x16xi32>,
      %swap3A_545 = vector.shape_cast %swap3A_544 : vector<1x16xi32> to vector<16xi32>
      %swap3A_546 = vector.shape_cast %add3A_486 : vector<16xi32> to vector<1x16xi32>
      tpu.vector_store %arg7[%swap3A_542, %swap3A_543], %swap3A_546 {strides = array<i32>} : memref<4x200xi32, #tpu.memory_space<vmem>>, vector<1x16xi32>,
      %swap3A_547 = arith.constant 1 : i32
      %swap3A_548 = arith.index_cast %swap3A_547 : i32 to index
      %swap3A_549 = arith.constant 160 : index
      %swap3A_550 = tpu.vector_load %arg7[%swap3A_548, %swap3A_549] {strides = array<i32>} : memref<4x200xi32, #tpu.memory_space<vmem>>, vector<1x16xi32>,
      %swap3A_551 = vector.shape_cast %swap3A_550 : vector<1x16xi32> to vector<16xi32>
      %swap3A_552 = vector.shape_cast %add3A_486 : vector<16xi32> to vector<1x16xi32>
      tpu.vector_store %arg7[%swap3A_548, %swap3A_549], %swap3A_552 {strides = array<i32>} : memref<4x200xi32, #tpu.memory_space<vmem>>, vector<1x16xi32>,
      %swap3A_553 = arith.constant 1 : i32
      %swap3A_554 = arith.index_cast %swap3A_553 : i32 to index
      %swap3A_555 = arith.constant 176 : index
      %swap3A_556 = tpu.vector_load %arg7[%swap3A_554, %swap3A_555] {strides = array<i32>} : memref<4x200xi32, #tpu.memory_space<vmem>>, vector<1x16xi32>,
      %swap3A_557 = vector.shape_cast %swap3A_556 : vector<1x16xi32> to vector<16xi32>
      %swap3A_558 = vector.shape_cast %add3A_486 : vector<16xi32> to vector<1x16xi32>
      tpu.vector_store %arg7[%swap3A_554, %swap3A_555], %swap3A_558 {strides = array<i32>} : memref<4x200xi32, #tpu.memory_space<vmem>>, vector<1x16xi32>,
      %swap3A_559 = arith.constant 1 : i32
      %swap3A_560 = arith.index_cast %swap3A_559 : i32 to index
      %swap3A_561 = arith.constant 184 : index
      %swap3A_562 = tpu.vector_load %arg7[%swap3A_560, %swap3A_561] {strides = array<i32>} : memref<4x200xi32, #tpu.memory_space<vmem>>, vector<1x16xi32>,
      %swap3A_563 = vector.shape_cast %swap3A_562 : vector<1x16xi32> to vector<16xi32>
      %swap3A_564 = vector.shape_cast %add3A_486 : vector<16xi32> to vector<1x16xi32>
      tpu.vector_store %arg7[%swap3A_560, %swap3A_561], %swap3A_564 {strides = array<i32>} : memref<4x200xi32, #tpu.memory_space<vmem>>, vector<1x16xi32>,
      %dma_start3A_565 = arith.constant 1 : i32
      %dma_start3A_566 = arith.constant 1 : i32
      %dma_start3A_567 = arith.constant 0 : i32
      %dma_start3A_568 = arith.constant 0 : i32
      %dma_start3A_569 = tpu.memref_slice %arg6[%dma_start3A_565, %dma_start3A_567, %dma_start3A_568] : memref<4x200x64xf32, #tpu.memory_space<vmem>> -> memref<1x200x64xf32, #tpu.memory_space<vmem>>
      %dma_start3A_570 = tpu.memref_squeeze %dma_start3A_569 : memref<1x200x64xf32, #tpu.memory_space<vmem>> -> memref<200x64xf32, #tpu.memory_space<vmem>>
      %dma_start3A_571 = arith.constant 0 : i32
      %dma_start3A_572 = tpu.memref_slice %arg7[%dma_start3A_566, %dma_start3A_571] : memref<4x200xi32, #tpu.memory_space<vmem>> -> memref<1x200xi32, #tpu.memory_space<vmem>>
      %dma_start3A_573 = tpu.memref_squeeze %dma_start3A_572 : memref<1x200xi32, #tpu.memory_space<vmem>> -> memref<200xi32, #tpu.memory_space<vmem>>
      %dma_start3A_574 = arith.constant 0 : i32
      %dma_start3A_575 = arith.constant 0 : i32
      %dma_start3A_576 = tpu.memref_slice %arg9[%dma_start3A_574, %dma_start3A_575] : memref<2048x64xf32, #tpu.memory_space<vmem_shared>> -> memref<2048x64xf32, #tpu.memory_space<vmem_shared>>
      tpu.enqueue_indirect_dma source(%dma_start3A_570 : memref<200x64xf32, #tpu.memory_space<vmem>>) target(%dma_start3A_576 : memref<2048x64xf32, #tpu.memory_space<vmem_shared>>) offsets(%dma_start3A_573 : memref<200xi32, #tpu.memory_space<vmem>>) semaphore(%arg15 : memref<!tpu.dma_semaphore, #tpu.memory_space<semaphore_mem>>) {add = true}
      %add3A_577 = arith.constant 2 : i32
      %add3A_578 = arith.addi %add3A_466, %add3A_577 : i32
      %ge3A_579 = arith.constant 4 : i32
      %ge3A_580 = arith.cmpi sge, %add3A_578, %ge3A_579 : i32
      %convert_element_type3A_581 = arith.extui %ge3A_580 : i1 to i32
      %cond3A_582 = arith.constant 0 : i32
      %cond3A_583 = arith.cmpi ne, %convert_element_type3A_581, %cond3A_582 : i32
      scf.if %cond3A_583 {
        %dma_wait3A_841 = arith.constant 3 : i32
        %dma_wait3A_842 = arith.constant 3 : i32
        %dma_wait3A_843 = arith.constant 0 : i32
        %dma_wait3A_844 = arith.constant 0 : i32
        %dma_wait3A_845 = tpu.memref_slice %arg6[%dma_wait3A_841, %dma_wait3A_843, %dma_wait3A_844] : memref<4x200x64xf32, #tpu.memory_space<vmem>> -> memref<1x200x64xf32, #tpu.memory_space<vmem>>
        %dma_wait3A_846 = tpu.memref_squeeze %dma_wait3A_845 : memref<1x200x64xf32, #tpu.memory_space<vmem>> -> memref<200x64xf32, #tpu.memory_space<vmem>>
        %dma_wait3A_847 = arith.constant 0 : i32
        %dma_wait3A_848 = tpu.memref_slice %arg7[%dma_wait3A_842, %dma_wait3A_847] : memref<4x200xi32, #tpu.memory_space<vmem>> -> memref<1x200xi32, #tpu.memory_space<vmem>>
        %dma_wait3A_849 = tpu.memref_squeeze %dma_wait3A_848 : memref<1x200xi32, #tpu.memory_space<vmem>> -> memref<200xi32, #tpu.memory_space<vmem>>
        %dma_wait3A_850 = arith.constant 0 : i32
        %dma_wait3A_851 = arith.constant 0 : i32
        %dma_wait3A_852 = tpu.memref_slice %arg9[%dma_wait3A_850, %dma_wait3A_851] : memref<2048x64xf32, #tpu.memory_space<vmem_shared>> -> memref<2048x64xf32, #tpu.memory_space<vmem_shared>>
        tpu.wait_indirect_dma semaphore(%arg17 : memref<!tpu.dma_semaphore, #tpu.memory_space<semaphore_mem>>) src(%dma_wait3A_846 : memref<200x64xf32, #tpu.memory_space<vmem>>) dst(%dma_wait3A_852 : memref<2048x64xf32, #tpu.memory_space<vmem_shared>>)
      } else {
      }
      %lt3A_584 = arith.constant 128 : i32
      %lt3A_585 = arith.cmpi slt, %add3A_578, %lt3A_584 : i32
      %convert_element_type3A_586 = arith.extui %lt3A_585 : i1 to i32
      %cond3A_587 = arith.constant 0 : i32
      %cond3A_588 = arith.cmpi ne, %convert_element_type3A_586, %cond3A_587 : i32
      scf.if %cond3A_588 {
        %scan3A_841 = arith.constant 0 : i32
        %scan3A_842 = arith.constant 0 : i32
        %scan3A_843 = arith.constant 12 : i32
        %scan3A_844 = arith.addi %scan3A_842, %scan3A_843 : i32
        %scan3A_845 = arith.constant 1 : i32
        scf.for %scan3A_979 = %scan3A_842 to %scan3A_844 step %scan3A_845  : i32 {
          %mul3A_980 = arith.constant 16 : i32
          %mul3A_981 = arith.muli %scan3A_979, %mul3A_980 : i32
          %get3A_982 = arith.index_cast %add3A_578 : i32 to index
          %get3A_983 = arith.index_cast %mul3A_981 : i32 to index
          %get3A_984 = tpu.vector_load %arg5[%get3A_982, %get3A_983] {strides = array<i32>} : memref<128x200xi32, #tpu.memory_space<vmem>>, vector<1x16xi32>,
          %get3A_985 = vector.shape_cast %get3A_984 : vector<1x16xi32> to vector<16xi32>
          %mul3A_986 = arith.constant 16 : i32
          %mul3A_987 = arith.muli %scan3A_979, %mul3A_986 : i32
          %add3A_988 = arith.constant 0 : i32
          %add3A_989 = arith.addi %mul3A_987, %add3A_988 : i32
          %slice3A_990 = vector.extract_strided_slice %get3A_985 {offsets = [0], sizes = [1], strides = [1]} : vector<16xi32> to vector<1xi32>
          %squeeze3A_991 = vector.extract %slice3A_990[0] : i32 from vector<1xi32>
          %dma_start3A_992 = arith.constant 3 : i32
          %dma_start3A_993 = arith.constant 0 : i32
          %dma_start3A_994 = tpu.memref_slice %arg6[%dma_start3A_992, %add3A_989, %dma_start3A_993] : memref<4x200x64xf32, #tpu.memory_space<vmem>> -> memref<1x1x64xf32, #tpu.memory_space<vmem>>
          %dma_start3A_995 = tpu.memref_squeeze %dma_start3A_994 : memref<1x1x64xf32, #tpu.memory_space<vmem>> -> memref<64xf32, #tpu.memory_space<vmem>>
          %dma_start3A_996 = arith.constant 0 : i32
          %dma_start3A_997 = tpu.memref_slice %arg3[%squeeze3A_991, %dma_start3A_996] : memref<1000000x64xf32, #tpu.memory_space<hbm>> -> memref<1x64xf32, #tpu.memory_space<hbm>>
          %dma_start3A_998 = tpu.memref_squeeze %dma_start3A_997 : memref<1x64xf32, #tpu.memory_space<hbm>> -> memref<64xf32, #tpu.memory_space<hbm>>
          %dma_start3A_999 = arith.constant 0 : i32
          %dma_start3A_1000 = tpu.memref_slice %arg6[%dma_start3A_992, %add3A_989, %dma_start3A_999] : memref<4x200x64xf32, #tpu.memory_space<vmem>> -> memref<1x1x64xf32, #tpu.memory_space<vmem>>
          %dma_start3A_1001 = tpu.memref_squeeze %dma_start3A_1000 : memref<1x1x64xf32, #tpu.memory_space<vmem>> -> memref<64xf32, #tpu.memory_space<vmem>>
          %dma_start3A_1002 = arith.constant 0 : i32
          %dma_start3A_1003 = tpu.memref_slice %arg3[%squeeze3A_991, %dma_start3A_1002] : memref<1000000x64xf32, #tpu.memory_space<hbm>> -> memref<1x64xf32, #tpu.memory_space<hbm>>
          %dma_start3A_1004 = tpu.memref_squeeze %dma_start3A_1003 : memref<1x64xf32, #tpu.memory_space<hbm>> -> memref<64xf32, #tpu.memory_space<hbm>>
          tpu.enqueue_dma source(%dma_start3A_1004 : memref<64xf32, #tpu.memory_space<hbm>>) target(%dma_start3A_1001 : memref<64xf32, #tpu.memory_space<vmem>>) target_semaphore(%arg13 : memref<!tpu.dma_semaphore, #tpu.memory_space<semaphore_mem>>)
          %mul3A_1005 = arith.constant 16 : i32
          %mul3A_1006 = arith.muli %scan3A_979, %mul3A_1005 : i32
          %add3A_1007 = arith.constant 1 : i32
          %add3A_1008 = arith.addi %mul3A_1006, %add3A_1007 : i32
          %slice3A_1009 = vector.extract_strided_slice %get3A_985 {offsets = [1], sizes = [1], strides = [1]} : vector<16xi32> to vector<1xi32>
          %squeeze3A_1010 = vector.extract %slice3A_1009[0] : i32 from vector<1xi32>
          %dma_start3A_1011 = arith.constant 3 : i32
          %dma_start3A_1012 = arith.constant 0 : i32
          %dma_start3A_1013 = tpu.memref_slice %arg6[%dma_start3A_1011, %add3A_1008, %dma_start3A_1012] : memref<4x200x64xf32, #tpu.memory_space<vmem>> -> memref<1x1x64xf32, #tpu.memory_space<vmem>>
          %dma_start3A_1014 = tpu.memref_squeeze %dma_start3A_1013 : memref<1x1x64xf32, #tpu.memory_space<vmem>> -> memref<64xf32, #tpu.memory_space<vmem>>
          %dma_start3A_1015 = arith.constant 0 : i32
          %dma_start3A_1016 = tpu.memref_slice %arg3[%squeeze3A_1010, %dma_start3A_1015] : memref<1000000x64xf32, #tpu.memory_space<hbm>> -> memref<1x64xf32, #tpu.memory_space<hbm>>
          %dma_start3A_1017 = tpu.memref_squeeze %dma_start3A_1016 : memref<1x64xf32, #tpu.memory_space<hbm>> -> memref<64xf32, #tpu.memory_space<hbm>>
          %dma_start3A_1018 = arith.constant 0 : i32
          %dma_start3A_1019 = tpu.memref_slice %arg6[%dma_start3A_1011, %add3A_1008, %dma_start3A_1018] : memref<4x200x64xf32, #tpu.memory_space<vmem>> -> memref<1x1x64xf32, #tpu.memory_space<vmem>>
          %dma_start3A_1020 = tpu.memref_squeeze %dma_start3A_1019 : memref<1x1x64xf32, #tpu.memory_space<vmem>> -> memref<64xf32, #tpu.memory_space<vmem>>
          %dma_start3A_1021 = arith.constant 0 : i32
          %dma_start3A_1022 = tpu.memref_slice %arg3[%squeeze3A_1010, %dma_start3A_1021] : memref<1000000x64xf32, #tpu.memory_space<hbm>> -> memref<1x64xf32, #tpu.memory_space<hbm>>
          %dma_start3A_1023 = tpu.memref_squeeze %dma_start3A_1022 : memref<1x64xf32, #tpu.memory_space<hbm>> -> memref<64xf32, #tpu.memory_space<hbm>>
          tpu.enqueue_dma source(%dma_start3A_1023 : memref<64xf32, #tpu.memory_space<hbm>>) target(%dma_start3A_1020 : memref<64xf32, #tpu.memory_space<vmem>>) target_semaphore(%arg13 : memref<!tpu.dma_semaphore, #tpu.memory_space<semaphore_mem>>)
          %mul3A_1024 = arith.constant 16 : i32
          %mul3A_1025 = arith.muli %scan3A_979, %mul3A_1024 : i32
          %add3A_1026 = arith.constant 2 : i32
          %add3A_1027 = arith.addi %mul3A_1025, %add3A_1026 : i32
          %slice3A_1028 = vector.extract_strided_slice %get3A_985 {offsets = [2], sizes = [1], strides = [1]} : vector<16xi32> to vector<1xi32>
          %squeeze3A_1029 = vector.extract %slice3A_1028[0] : i32 from vector<1xi32>
          %dma_start3A_1030 = arith.constant 3 : i32
          %dma_start3A_1031 = arith.constant 0 : i32
          %dma_start3A_1032 = tpu.memref_slice %arg6[%dma_start3A_1030, %add3A_1027, %dma_start3A_1031] : memref<4x200x64xf32, #tpu.memory_space<vmem>> -> memref<1x1x64xf32, #tpu.memory_space<vmem>>
          %dma_start3A_1033 = tpu.memref_squeeze %dma_start3A_1032 : memref<1x1x64xf32, #tpu.memory_space<vmem>> -> memref<64xf32, #tpu.memory_space<vmem>>
          %dma_start3A_1034 = arith.constant 0 : i32
          %dma_start3A_1035 = tpu.memref_slice %arg3[%squeeze3A_1029, %dma_start3A_1034] : memref<1000000x64xf32, #tpu.memory_space<hbm>> -> memref<1x64xf32, #tpu.memory_space<hbm>>
          %dma_start3A_1036 = tpu.memref_squeeze %dma_start3A_1035 : memref<1x64xf32, #tpu.memory_space<hbm>> -> memref<64xf32, #tpu.memory_space<hbm>>
          %dma_start3A_1037 = arith.constant 0 : i32
          %dma_start3A_1038 = tpu.memref_slice %arg6[%dma_start3A_1030, %add3A_1027, %dma_start3A_1037] : memref<4x200x64xf32, #tpu.memory_space<vmem>> -> memref<1x1x64xf32, #tpu.memory_space<vmem>>
          %dma_start3A_1039 = tpu.memref_squeeze %dma_start3A_1038 : memref<1x1x64xf32, #tpu.memory_space<vmem>> -> memref<64xf32, #tpu.memory_space<vmem>>
          %dma_start3A_1040 = arith.constant 0 : i32
          %dma_start3A_1041 = tpu.memref_slice %arg3[%squeeze3A_1029, %dma_start3A_1040] : memref<1000000x64xf32, #tpu.memory_space<hbm>> -> memref<1x64xf32, #tpu.memory_space<hbm>>
          %dma_start3A_1042 = tpu.memref_squeeze %dma_start3A_1041 : memref<1x64xf32, #tpu.memory_space<hbm>> -> memref<64xf32, #tpu.memory_space<hbm>>
          tpu.enqueue_dma source(%dma_start3A_1042 : memref<64xf32, #tpu.memory_space<hbm>>) target(%dma_start3A_1039 : memref<64xf32, #tpu.memory_space<vmem>>) target_semaphore(%arg13 : memref<!tpu.dma_semaphore, #tpu.memory_space<semaphore_mem>>)
          %mul3A_1043 = arith.constant 16 : i32
          %mul3A_1044 = arith.muli %scan3A_979, %mul3A_1043 : i32
          %add3A_1045 = arith.constant 3 : i32
          %add3A_1046 = arith.addi %mul3A_1044, %add3A_1045 : i32
          %slice3A_1047 = vector.extract_strided_slice %get3A_985 {offsets = [3], sizes = [1], strides = [1]} : vector<16xi32> to vector<1xi32>
          %squeeze3A_1048 = vector.extract %slice3A_1047[0] : i32 from vector<1xi32>
          %dma_start3A_1049 = arith.constant 3 : i32
          %dma_start3A_1050 = arith.constant 0 : i32
          %dma_start3A_1051 = tpu.memref_slice %arg6[%dma_start3A_1049, %add3A_1046, %dma_start3A_1050] : memref<4x200x64xf32, #tpu.memory_space<vmem>> -> memref<1x1x64xf32, #tpu.memory_space<vmem>>
          %dma_start3A_1052 = tpu.memref_squeeze %dma_start3A_1051 : memref<1x1x64xf32, #tpu.memory_space<vmem>> -> memref<64xf32, #tpu.memory_space<vmem>>
          %dma_start3A_1053 = arith.constant 0 : i32
          %dma_start3A_1054 = tpu.memref_slice %arg3[%squeeze3A_1048, %dma_start3A_1053] : memref<1000000x64xf32, #tpu.memory_space<hbm>> -> memref<1x64xf32, #tpu.memory_space<hbm>>
          %dma_start3A_1055 = tpu.memref_squeeze %dma_start3A_1054 : memref<1x64xf32, #tpu.memory_space<hbm>> -> memref<64xf32, #tpu.memory_space<hbm>>
          %dma_start3A_1056 = arith.constant 0 : i32
          %dma_start3A_1057 = tpu.memref_slice %arg6[%dma_start3A_1049, %add3A_1046, %dma_start3A_1056] : memref<4x200x64xf32, #tpu.memory_space<vmem>> -> memref<1x1x64xf32, #tpu.memory_space<vmem>>
          %dma_start3A_1058 = tpu.memref_squeeze %dma_start3A_1057 : memref<1x1x64xf32, #tpu.memory_space<vmem>> -> memref<64xf32, #tpu.memory_space<vmem>>
          %dma_start3A_1059 = arith.constant 0 : i32
          %dma_start3A_1060 = tpu.memref_slice %arg3[%squeeze3A_1048, %dma_start3A_1059] : memref<1000000x64xf32, #tpu.memory_space<hbm>> -> memref<1x64xf32, #tpu.memory_space<hbm>>
          %dma_start3A_1061 = tpu.memref_squeeze %dma_start3A_1060 : memref<1x64xf32, #tpu.memory_space<hbm>> -> memref<64xf32, #tpu.memory_space<hbm>>
          tpu.enqueue_dma source(%dma_start3A_1061 : memref<64xf32, #tpu.memory_space<hbm>>) target(%dma_start3A_1058 : memref<64xf32, #tpu.memory_space<vmem>>) target_semaphore(%arg13 : memref<!tpu.dma_semaphore, #tpu.memory_space<semaphore_mem>>)
          %mul3A_1062 = arith.constant 16 : i32
          %mul3A_1063 = arith.muli %scan3A_979, %mul3A_1062 : i32
          %add3A_1064 = arith.constant 4 : i32
          %add3A_1065 = arith.addi %mul3A_1063, %add3A_1064 : i32
          %slice3A_1066 = vector.extract_strided_slice %get3A_985 {offsets = [4], sizes = [1], strides = [1]} : vector<16xi32> to vector<1xi32>
          %squeeze3A_1067 = vector.extract %slice3A_1066[0] : i32 from vector<1xi32>
          %dma_start3A_1068 = arith.constant 3 : i32
          %dma_start3A_1069 = arith.constant 0 : i32
          %dma_start3A_1070 = tpu.memref_slice %arg6[%dma_start3A_1068, %add3A_1065, %dma_start3A_1069] : memref<4x200x64xf32, #tpu.memory_space<vmem>> -> memref<1x1x64xf32, #tpu.memory_space<vmem>>
          %dma_start3A_1071 = tpu.memref_squeeze %dma_start3A_1070 : memref<1x1x64xf32, #tpu.memory_space<vmem>> -> memref<64xf32, #tpu.memory_space<vmem>>
          %dma_start3A_1072 = arith.constant 0 : i32
          %dma_start3A_1073 = tpu.memref_slice %arg3[%squeeze3A_1067, %dma_start3A_1072] : memref<1000000x64xf32, #tpu.memory_space<hbm>> -> memref<1x64xf32, #tpu.memory_space<hbm>>
          %dma_start3A_1074 = tpu.memref_squeeze %dma_start3A_1073 : memref<1x64xf32, #tpu.memory_space<hbm>> -> memref<64xf32, #tpu.memory_space<hbm>>
          %dma_start3A_1075 = arith.constant 0 : i32
          %dma_start3A_1076 = tpu.memref_slice %arg6[%dma_start3A_1068, %add3A_1065, %dma_start3A_1075] : memref<4x200x64xf32, #tpu.memory_space<vmem>> -> memref<1x1x64xf32, #tpu.memory_space<vmem>>
          %dma_start3A_1077 = tpu.memref_squeeze %dma_start3A_1076 : memref<1x1x64xf32, #tpu.memory_space<vmem>> -> memref<64xf32, #tpu.memory_space<vmem>>
          %dma_start3A_1078 = arith.constant 0 : i32
          %dma_start3A_1079 = tpu.memref_slice %arg3[%squeeze3A_1067, %dma_start3A_1078] : memref<1000000x64xf32, #tpu.memory_space<hbm>> -> memref<1x64xf32, #tpu.memory_space<hbm>>
          %dma_start3A_1080 = tpu.memref_squeeze %dma_start3A_1079 : memref<1x64xf32, #tpu.memory_space<hbm>> -> memref<64xf32, #tpu.memory_space<hbm>>
          tpu.enqueue_dma source(%dma_start3A_1080 : memref<64xf32, #tpu.memory_space<hbm>>) target(%dma_start3A_1077 : memref<64xf32, #tpu.memory_space<vmem>>) target_semaphore(%arg13 : memref<!tpu.dma_semaphore, #tpu.memory_space<semaphore_mem>>)
          %mul3A_1081 = arith.constant 16 : i32
          %mul3A_1082 = arith.muli %scan3A_979, %mul3A_1081 : i32
          %add3A_1083 = arith.constant 5 : i32
          %add3A_1084 = arith.addi %mul3A_1082, %add3A_1083 : i32
          %slice3A_1085 = vector.extract_strided_slice %get3A_985 {offsets = [5], sizes = [1], strides = [1]} : vector<16xi32> to vector<1xi32>
          %squeeze3A_1086 = vector.extract %slice3A_1085[0] : i32 from vector<1xi32>
          %dma_start3A_1087 = arith.constant 3 : i32
          %dma_start3A_1088 = arith.constant 0 : i32
          %dma_start3A_1089 = tpu.memref_slice %arg6[%dma_start3A_1087, %add3A_1084, %dma_start3A_1088] : memref<4x200x64xf32, #tpu.memory_space<vmem>> -> memref<1x1x64xf32, #tpu.memory_space<vmem>>
          %dma_start3A_1090 = tpu.memref_squeeze %dma_start3A_1089 : memref<1x1x64xf32, #tpu.memory_space<vmem>> -> memref<64xf32, #tpu.memory_space<vmem>>
          %dma_start3A_1091 = arith.constant 0 : i32
          %dma_start3A_1092 = tpu.memref_slice %arg3[%squeeze3A_1086, %dma_start3A_1091] : memref<1000000x64xf32, #tpu.memory_space<hbm>> -> memref<1x64xf32, #tpu.memory_space<hbm>>
          %dma_start3A_1093 = tpu.memref_squeeze %dma_start3A_1092 : memref<1x64xf32, #tpu.memory_space<hbm>> -> memref<64xf32, #tpu.memory_space<hbm>>
          %dma_start3A_1094 = arith.constant 0 : i32
          %dma_start3A_1095 = tpu.memref_slice %arg6[%dma_start3A_1087, %add3A_1084, %dma_start3A_1094] : memref<4x200x64xf32, #tpu.memory_space<vmem>> -> memref<1x1x64xf32, #tpu.memory_space<vmem>>
          %dma_start3A_1096 = tpu.memref_squeeze %dma_start3A_1095 : memref<1x1x64xf32, #tpu.memory_space<vmem>> -> memref<64xf32, #tpu.memory_space<vmem>>
          %dma_start3A_1097 = arith.constant 0 : i32
          %dma_start3A_1098 = tpu.memref_slice %arg3[%squeeze3A_1086, %dma_start3A_1097] : memref<1000000x64xf32, #tpu.memory_space<hbm>> -> memref<1x64xf32, #tpu.memory_space<hbm>>
          %dma_start3A_1099 = tpu.memref_squeeze %dma_start3A_1098 : memref<1x64xf32, #tpu.memory_space<hbm>> -> memref<64xf32, #tpu.memory_space<hbm>>
          tpu.enqueue_dma source(%dma_start3A_1099 : memref<64xf32, #tpu.memory_space<hbm>>) target(%dma_start3A_1096 : memref<64xf32, #tpu.memory_space<vmem>>) target_semaphore(%arg13 : memref<!tpu.dma_semaphore, #tpu.memory_space<semaphore_mem>>)
          %mul3A_1100 = arith.constant 16 : i32
          %mul3A_1101 = arith.muli %scan3A_979, %mul3A_1100 : i32
          %add3A_1102 = arith.constant 6 : i32
          %add3A_1103 = arith.addi %mul3A_1101, %add3A_1102 : i32
          %slice3A_1104 = vector.extract_strided_slice %get3A_985 {offsets = [6], sizes = [1], strides = [1]} : vector<16xi32> to vector<1xi32>
          %squeeze3A_1105 = vector.extract %slice3A_1104[0] : i32 from vector<1xi32>
          %dma_start3A_1106 = arith.constant 3 : i32
          %dma_start3A_1107 = arith.constant 0 : i32
          %dma_start3A_1108 = tpu.memref_slice %arg6[%dma_start3A_1106, %add3A_1103, %dma_start3A_1107] : memref<4x200x64xf32, #tpu.memory_space<vmem>> -> memref<1x1x64xf32, #tpu.memory_space<vmem>>
          %dma_start3A_1109 = tpu.memref_squeeze %dma_start3A_1108 : memref<1x1x64xf32, #tpu.memory_space<vmem>> -> memref<64xf32, #tpu.memory_space<vmem>>
          %dma_start3A_1110 = arith.constant 0 : i32
          %dma_start3A_1111 = tpu.memref_slice %arg3[%squeeze3A_1105, %dma_start3A_1110] : memref<1000000x64xf32, #tpu.memory_space<hbm>> -> memref<1x64xf32, #tpu.memory_space<hbm>>
          %dma_start3A_1112 = tpu.memref_squeeze %dma_start3A_1111 : memref<1x64xf32, #tpu.memory_space<hbm>> -> memref<64xf32, #tpu.memory_space<hbm>>
          %dma_start3A_1113 = arith.constant 0 : i32
          %dma_start3A_1114 = tpu.memref_slice %arg6[%dma_start3A_1106, %add3A_1103, %dma_start3A_1113] : memref<4x200x64xf32, #tpu.memory_space<vmem>> -> memref<1x1x64xf32, #tpu.memory_space<vmem>>
          %dma_start3A_1115 = tpu.memref_squeeze %dma_start3A_1114 : memref<1x1x64xf32, #tpu.memory_space<vmem>> -> memref<64xf32, #tpu.memory_space<vmem>>
          %dma_start3A_1116 = arith.constant 0 : i32
          %dma_start3A_1117 = tpu.memref_slice %arg3[%squeeze3A_1105, %dma_start3A_1116] : memref<1000000x64xf32, #tpu.memory_space<hbm>> -> memref<1x64xf32, #tpu.memory_space<hbm>>
          %dma_start3A_1118 = tpu.memref_squeeze %dma_start3A_1117 : memref<1x64xf32, #tpu.memory_space<hbm>> -> memref<64xf32, #tpu.memory_space<hbm>>
          tpu.enqueue_dma source(%dma_start3A_1118 : memref<64xf32, #tpu.memory_space<hbm>>) target(%dma_start3A_1115 : memref<64xf32, #tpu.memory_space<vmem>>) target_semaphore(%arg13 : memref<!tpu.dma_semaphore, #tpu.memory_space<semaphore_mem>>)
          %mul3A_1119 = arith.constant 16 : i32
          %mul3A_1120 = arith.muli %scan3A_979, %mul3A_1119 : i32
          %add3A_1121 = arith.constant 7 : i32
          %add3A_1122 = arith.addi %mul3A_1120, %add3A_1121 : i32
          %slice3A_1123 = vector.extract_strided_slice %get3A_985 {offsets = [7], sizes = [1], strides = [1]} : vector<16xi32> to vector<1xi32>
          %squeeze3A_1124 = vector.extract %slice3A_1123[0] : i32 from vector<1xi32>
          %dma_start3A_1125 = arith.constant 3 : i32
          %dma_start3A_1126 = arith.constant 0 : i32
          %dma_start3A_1127 = tpu.memref_slice %arg6[%dma_start3A_1125, %add3A_1122, %dma_start3A_1126] : memref<4x200x64xf32, #tpu.memory_space<vmem>> -> memref<1x1x64xf32, #tpu.memory_space<vmem>>
          %dma_start3A_1128 = tpu.memref_squeeze %dma_start3A_1127 : memref<1x1x64xf32, #tpu.memory_space<vmem>> -> memref<64xf32, #tpu.memory_space<vmem>>
          %dma_start3A_1129 = arith.constant 0 : i32
          %dma_start3A_1130 = tpu.memref_slice %arg3[%squeeze3A_1124, %dma_start3A_1129] : memref<1000000x64xf32, #tpu.memory_space<hbm>> -> memref<1x64xf32, #tpu.memory_space<hbm>>
          %dma_start3A_1131 = tpu.memref_squeeze %dma_start3A_1130 : memref<1x64xf32, #tpu.memory_space<hbm>> -> memref<64xf32, #tpu.memory_space<hbm>>
          %dma_start3A_1132 = arith.constant 0 : i32
          %dma_start3A_1133 = tpu.memref_slice %arg6[%dma_start3A_1125, %add3A_1122, %dma_start3A_1132] : memref<4x200x64xf32, #tpu.memory_space<vmem>> -> memref<1x1x64xf32, #tpu.memory_space<vmem>>
          %dma_start3A_1134 = tpu.memref_squeeze %dma_start3A_1133 : memref<1x1x64xf32, #tpu.memory_space<vmem>> -> memref<64xf32, #tpu.memory_space<vmem>>
          %dma_start3A_1135 = arith.constant 0 : i32
          %dma_start3A_1136 = tpu.memref_slice %arg3[%squeeze3A_1124, %dma_start3A_1135] : memref<1000000x64xf32, #tpu.memory_space<hbm>> -> memref<1x64xf32, #tpu.memory_space<hbm>>
          %dma_start3A_1137 = tpu.memref_squeeze %dma_start3A_1136 : memref<1x64xf32, #tpu.memory_space<hbm>> -> memref<64xf32, #tpu.memory_space<hbm>>
          tpu.enqueue_dma source(%dma_start3A_1137 : memref<64xf32, #tpu.memory_space<hbm>>) target(%dma_start3A_1134 : memref<64xf32, #tpu.memory_space<vmem>>) target_semaphore(%arg13 : memref<!tpu.dma_semaphore, #tpu.memory_space<semaphore_mem>>)
          %mul3A_1138 = arith.constant 16 : i32
          %mul3A_1139 = arith.muli %scan3A_979, %mul3A_1138 : i32
          %add3A_1140 = arith.constant 8 : i32
          %add3A_1141 = arith.addi %mul3A_1139, %add3A_1140 : i32
          %slice3A_1142 = vector.extract_strided_slice %get3A_985 {offsets = [8], sizes = [1], strides = [1]} : vector<16xi32> to vector<1xi32>
          %squeeze3A_1143 = vector.extract %slice3A_1142[0] : i32 from vector<1xi32>
          %dma_start3A_1144 = arith.constant 3 : i32
          %dma_start3A_1145 = arith.constant 0 : i32
          %dma_start3A_1146 = tpu.memref_slice %arg6[%dma_start3A_1144, %add3A_1141, %dma_start3A_1145] : memref<4x200x64xf32, #tpu.memory_space<vmem>> -> memref<1x1x64xf32, #tpu.memory_space<vmem>>
          %dma_start3A_1147 = tpu.memref_squeeze %dma_start3A_1146 : memref<1x1x64xf32, #tpu.memory_space<vmem>> -> memref<64xf32, #tpu.memory_space<vmem>>
          %dma_start3A_1148 = arith.constant 0 : i32
          %dma_start3A_1149 = tpu.memref_slice %arg3[%squeeze3A_1143, %dma_start3A_1148] : memref<1000000x64xf32, #tpu.memory_space<hbm>> -> memref<1x64xf32, #tpu.memory_space<hbm>>
          %dma_start3A_1150 = tpu.memref_squeeze %dma_start3A_1149 : memref<1x64xf32, #tpu.memory_space<hbm>> -> memref<64xf32, #tpu.memory_space<hbm>>
          %dma_start3A_1151 = arith.constant 0 : i32
          %dma_start3A_1152 = tpu.memref_slice %arg6[%dma_start3A_1144, %add3A_1141, %dma_start3A_1151] : memref<4x200x64xf32, #tpu.memory_space<vmem>> -> memref<1x1x64xf32, #tpu.memory_space<vmem>>
          %dma_start3A_1153 = tpu.memref_squeeze %dma_start3A_1152 : memref<1x1x64xf32, #tpu.memory_space<vmem>> -> memref<64xf32, #tpu.memory_space<vmem>>
          %dma_start3A_1154 = arith.constant 0 : i32
          %dma_start3A_1155 = tpu.memref_slice %arg3[%squeeze3A_1143, %dma_start3A_1154] : memref<1000000x64xf32, #tpu.memory_space<hbm>> -> memref<1x64xf32, #tpu.memory_space<hbm>>
          %dma_start3A_1156 = tpu.memref_squeeze %dma_start3A_1155 : memref<1x64xf32, #tpu.memory_space<hbm>> -> memref<64xf32, #tpu.memory_space<hbm>>
          tpu.enqueue_dma source(%dma_start3A_1156 : memref<64xf32, #tpu.memory_space<hbm>>) target(%dma_start3A_1153 : memref<64xf32, #tpu.memory_space<vmem>>) target_semaphore(%arg13 : memref<!tpu.dma_semaphore, #tpu.memory_space<semaphore_mem>>)
          %mul3A_1157 = arith.constant 16 : i32
          %mul3A_1158 = arith.muli %scan3A_979, %mul3A_1157 : i32
          %add3A_1159 = arith.constant 9 : i32
          %add3A_1160 = arith.addi %mul3A_1158, %add3A_1159 : i32
          %slice3A_1161 = vector.extract_strided_slice %get3A_985 {offsets = [9], sizes = [1], strides = [1]} : vector<16xi32> to vector<1xi32>
          %squeeze3A_1162 = vector.extract %slice3A_1161[0] : i32 from vector<1xi32>
          %dma_start3A_1163 = arith.constant 3 : i32
          %dma_start3A_1164 = arith.constant 0 : i32
          %dma_start3A_1165 = tpu.memref_slice %arg6[%dma_start3A_1163, %add3A_1160, %dma_start3A_1164] : memref<4x200x64xf32, #tpu.memory_space<vmem>> -> memref<1x1x64xf32, #tpu.memory_space<vmem>>
          %dma_start3A_1166 = tpu.memref_squeeze %dma_start3A_1165 : memref<1x1x64xf32, #tpu.memory_space<vmem>> -> memref<64xf32, #tpu.memory_space<vmem>>
          %dma_start3A_1167 = arith.constant 0 : i32
          %dma_start3A_1168 = tpu.memref_slice %arg3[%squeeze3A_1162, %dma_start3A_1167] : memref<1000000x64xf32, #tpu.memory_space<hbm>> -> memref<1x64xf32, #tpu.memory_space<hbm>>
          %dma_start3A_1169 = tpu.memref_squeeze %dma_start3A_1168 : memref<1x64xf32, #tpu.memory_space<hbm>> -> memref<64xf32, #tpu.memory_space<hbm>>
          %dma_start3A_1170 = arith.constant 0 : i32
          %dma_start3A_1171 = tpu.memref_slice %arg6[%dma_start3A_1163, %add3A_1160, %dma_start3A_1170] : memref<4x200x64xf32, #tpu.memory_space<vmem>> -> memref<1x1x64xf32, #tpu.memory_space<vmem>>
          %dma_start3A_1172 = tpu.memref_squeeze %dma_start3A_1171 : memref<1x1x64xf32, #tpu.memory_space<vmem>> -> memref<64xf32, #tpu.memory_space<vmem>>
          %dma_start3A_1173 = arith.constant 0 : i32
          %dma_start3A_1174 = tpu.memref_slice %arg3[%squeeze3A_1162, %dma_start3A_1173] : memref<1000000x64xf32, #tpu.memory_space<hbm>> -> memref<1x64xf32, #tpu.memory_space<hbm>>
          %dma_start3A_1175 = tpu.memref_squeeze %dma_start3A_1174 : memref<1x64xf32, #tpu.memory_space<hbm>> -> memref<64xf32, #tpu.memory_space<hbm>>
          tpu.enqueue_dma source(%dma_start3A_1175 : memref<64xf32, #tpu.memory_space<hbm>>) target(%dma_start3A_1172 : memref<64xf32, #tpu.memory_space<vmem>>) target_semaphore(%arg13 : memref<!tpu.dma_semaphore, #tpu.memory_space<semaphore_mem>>)
          %mul3A_1176 = arith.constant 16 : i32
          %mul3A_1177 = arith.muli %scan3A_979, %mul3A_1176 : i32
          %add3A_1178 = arith.constant 10 : i32
          %add3A_1179 = arith.addi %mul3A_1177, %add3A_1178 : i32
          %slice3A_1180 = vector.extract_strided_slice %get3A_985 {offsets = [10], sizes = [1], strides = [1]} : vector<16xi32> to vector<1xi32>
          %squeeze3A_1181 = vector.extract %slice3A_1180[0] : i32 from vector<1xi32>
          %dma_start3A_1182 = arith.constant 3 : i32
          %dma_start3A_1183 = arith.constant 0 : i32
          %dma_start3A_1184 = tpu.memref_slice %arg6[%dma_start3A_1182, %add3A_1179, %dma_start3A_1183] : memref<4x200x64xf32, #tpu.memory_space<vmem>> -> memref<1x1x64xf32, #tpu.memory_space<vmem>>
          %dma_start3A_1185 = tpu.memref_squeeze %dma_start3A_1184 : memref<1x1x64xf32, #tpu.memory_space<vmem>> -> memref<64xf32, #tpu.memory_space<vmem>>
          %dma_start3A_1186 = arith.constant 0 : i32
          %dma_start3A_1187 = tpu.memref_slice %arg3[%squeeze3A_1181, %dma_start3A_1186] : memref<1000000x64xf32, #tpu.memory_space<hbm>> -> memref<1x64xf32, #tpu.memory_space<hbm>>
          %dma_start3A_1188 = tpu.memref_squeeze %dma_start3A_1187 : memref<1x64xf32, #tpu.memory_space<hbm>> -> memref<64xf32, #tpu.memory_space<hbm>>
          %dma_start3A_1189 = arith.constant 0 : i32
          %dma_start3A_1190 = tpu.memref_slice %arg6[%dma_start3A_1182, %add3A_1179, %dma_start3A_1189] : memref<4x200x64xf32, #tpu.memory_space<vmem>> -> memref<1x1x64xf32, #tpu.memory_space<vmem>>
          %dma_start3A_1191 = tpu.memref_squeeze %dma_start3A_1190 : memref<1x1x64xf32, #tpu.memory_space<vmem>> -> memref<64xf32, #tpu.memory_space<vmem>>
          %dma_start3A_1192 = arith.constant 0 : i32
          %dma_start3A_1193 = tpu.memref_slice %arg3[%squeeze3A_1181, %dma_start3A_1192] : memref<1000000x64xf32, #tpu.memory_space<hbm>> -> memref<1x64xf32, #tpu.memory_space<hbm>>
          %dma_start3A_1194 = tpu.memref_squeeze %dma_start3A_1193 : memref<1x64xf32, #tpu.memory_space<hbm>> -> memref<64xf32, #tpu.memory_space<hbm>>
          tpu.enqueue_dma source(%dma_start3A_1194 : memref<64xf32, #tpu.memory_space<hbm>>) target(%dma_start3A_1191 : memref<64xf32, #tpu.memory_space<vmem>>) target_semaphore(%arg13 : memref<!tpu.dma_semaphore, #tpu.memory_space<semaphore_mem>>)
          %mul3A_1195 = arith.constant 16 : i32
          %mul3A_1196 = arith.muli %scan3A_979, %mul3A_1195 : i32
          %add3A_1197 = arith.constant 11 : i32
          %add3A_1198 = arith.addi %mul3A_1196, %add3A_1197 : i32
          %slice3A_1199 = vector.extract_strided_slice %get3A_985 {offsets = [11], sizes = [1], strides = [1]} : vector<16xi32> to vector<1xi32>
          %squeeze3A_1200 = vector.extract %slice3A_1199[0] : i32 from vector<1xi32>
          %dma_start3A_1201 = arith.constant 3 : i32
          %dma_start3A_1202 = arith.constant 0 : i32
          %dma_start3A_1203 = tpu.memref_slice %arg6[%dma_start3A_1201, %add3A_1198, %dma_start3A_1202] : memref<4x200x64xf32, #tpu.memory_space<vmem>> -> memref<1x1x64xf32, #tpu.memory_space<vmem>>
          %dma_start3A_1204 = tpu.memref_squeeze %dma_start3A_1203 : memref<1x1x64xf32, #tpu.memory_space<vmem>> -> memref<64xf32, #tpu.memory_space<vmem>>
          %dma_start3A_1205 = arith.constant 0 : i32
          %dma_start3A_1206 = tpu.memref_slice %arg3[%squeeze3A_1200, %dma_start3A_1205] : memref<1000000x64xf32, #tpu.memory_space<hbm>> -> memref<1x64xf32, #tpu.memory_space<hbm>>
          %dma_start3A_1207 = tpu.memref_squeeze %dma_start3A_1206 : memref<1x64xf32, #tpu.memory_space<hbm>> -> memref<64xf32, #tpu.memory_space<hbm>>
          %dma_start3A_1208 = arith.constant 0 : i32
          %dma_start3A_1209 = tpu.memref_slice %arg6[%dma_start3A_1201, %add3A_1198, %dma_start3A_1208] : memref<4x200x64xf32, #tpu.memory_space<vmem>> -> memref<1x1x64xf32, #tpu.memory_space<vmem>>
          %dma_start3A_1210 = tpu.memref_squeeze %dma_start3A_1209 : memref<1x1x64xf32, #tpu.memory_space<vmem>> -> memref<64xf32, #tpu.memory_space<vmem>>
          %dma_start3A_1211 = arith.constant 0 : i32
          %dma_start3A_1212 = tpu.memref_slice %arg3[%squeeze3A_1200, %dma_start3A_1211] : memref<1000000x64xf32, #tpu.memory_space<hbm>> -> memref<1x64xf32, #tpu.memory_space<hbm>>
          %dma_start3A_1213 = tpu.memref_squeeze %dma_start3A_1212 : memref<1x64xf32, #tpu.memory_space<hbm>> -> memref<64xf32, #tpu.memory_space<hbm>>
          tpu.enqueue_dma source(%dma_start3A_1213 : memref<64xf32, #tpu.memory_space<hbm>>) target(%dma_start3A_1210 : memref<64xf32, #tpu.memory_space<vmem>>) target_semaphore(%arg13 : memref<!tpu.dma_semaphore, #tpu.memory_space<semaphore_mem>>)
          %mul3A_1214 = arith.constant 16 : i32
          %mul3A_1215 = arith.muli %scan3A_979, %mul3A_1214 : i32
          %add3A_1216 = arith.constant 12 : i32
          %add3A_1217 = arith.addi %mul3A_1215, %add3A_1216 : i32
          %slice3A_1218 = vector.extract_strided_slice %get3A_985 {offsets = [12], sizes = [1], strides = [1]} : vector<16xi32> to vector<1xi32>
          %squeeze3A_1219 = vector.extract %slice3A_1218[0] : i32 from vector<1xi32>
          %dma_start3A_1220 = arith.constant 3 : i32
          %dma_start3A_1221 = arith.constant 0 : i32
          %dma_start3A_1222 = tpu.memref_slice %arg6[%dma_start3A_1220, %add3A_1217, %dma_start3A_1221] : memref<4x200x64xf32, #tpu.memory_space<vmem>> -> memref<1x1x64xf32, #tpu.memory_space<vmem>>
          %dma_start3A_1223 = tpu.memref_squeeze %dma_start3A_1222 : memref<1x1x64xf32, #tpu.memory_space<vmem>> -> memref<64xf32, #tpu.memory_space<vmem>>
          %dma_start3A_1224 = arith.constant 0 : i32
          %dma_start3A_1225 = tpu.memref_slice %arg3[%squeeze3A_1219, %dma_start3A_1224] : memref<1000000x64xf32, #tpu.memory_space<hbm>> -> memref<1x64xf32, #tpu.memory_space<hbm>>
          %dma_start3A_1226 = tpu.memref_squeeze %dma_start3A_1225 : memref<1x64xf32, #tpu.memory_space<hbm>> -> memref<64xf32, #tpu.memory_space<hbm>>
          %dma_start3A_1227 = arith.constant 0 : i32
          %dma_start3A_1228 = tpu.memref_slice %arg6[%dma_start3A_1220, %add3A_1217, %dma_start3A_1227] : memref<4x200x64xf32, #tpu.memory_space<vmem>> -> memref<1x1x64xf32, #tpu.memory_space<vmem>>
          %dma_start3A_1229 = tpu.memref_squeeze %dma_start3A_1228 : memref<1x1x64xf32, #tpu.memory_space<vmem>> -> memref<64xf32, #tpu.memory_space<vmem>>
          %dma_start3A_1230 = arith.constant 0 : i32
          %dma_start3A_1231 = tpu.memref_slice %arg3[%squeeze3A_1219, %dma_start3A_1230] : memref<1000000x64xf32, #tpu.memory_space<hbm>> -> memref<1x64xf32, #tpu.memory_space<hbm>>
          %dma_start3A_1232 = tpu.memref_squeeze %dma_start3A_1231 : memref<1x64xf32, #tpu.memory_space<hbm>> -> memref<64xf32, #tpu.memory_space<hbm>>
          tpu.enqueue_dma source(%dma_start3A_1232 : memref<64xf32, #tpu.memory_space<hbm>>) target(%dma_start3A_1229 : memref<64xf32, #tpu.memory_space<vmem>>) target_semaphore(%arg13 : memref<!tpu.dma_semaphore, #tpu.memory_space<semaphore_mem>>)
          %mul3A_1233 = arith.constant 16 : i32
          %mul3A_1234 = arith.muli %scan3A_979, %mul3A_1233 : i32
          %add3A_1235 = arith.constant 13 : i32
          %add3A_1236 = arith.addi %mul3A_1234, %add3A_1235 : i32
          %slice3A_1237 = vector.extract_strided_slice %get3A_985 {offsets = [13], sizes = [1], strides = [1]} : vector<16xi32> to vector<1xi32>
          %squeeze3A_1238 = vector.extract %slice3A_1237[0] : i32 from vector<1xi32>
          %dma_start3A_1239 = arith.constant 3 : i32
          %dma_start3A_1240 = arith.constant 0 : i32
          %dma_start3A_1241 = tpu.memref_slice %arg6[%dma_start3A_1239, %add3A_1236, %dma_start3A_1240] : memref<4x200x64xf32, #tpu.memory_space<vmem>> -> memref<1x1x64xf32, #tpu.memory_space<vmem>>
          %dma_start3A_1242 = tpu.memref_squeeze %dma_start3A_1241 : memref<1x1x64xf32, #tpu.memory_space<vmem>> -> memref<64xf32, #tpu.memory_space<vmem>>
          %dma_start3A_1243 = arith.constant 0 : i32
          %dma_start3A_1244 = tpu.memref_slice %arg3[%squeeze3A_1238, %dma_start3A_1243] : memref<1000000x64xf32, #tpu.memory_space<hbm>> -> memref<1x64xf32, #tpu.memory_space<hbm>>
          %dma_start3A_1245 = tpu.memref_squeeze %dma_start3A_1244 : memref<1x64xf32, #tpu.memory_space<hbm>> -> memref<64xf32, #tpu.memory_space<hbm>>
          %dma_start3A_1246 = arith.constant 0 : i32
          %dma_start3A_1247 = tpu.memref_slice %arg6[%dma_start3A_1239, %add3A_1236, %dma_start3A_1246] : memref<4x200x64xf32, #tpu.memory_space<vmem>> -> memref<1x1x64xf32, #tpu.memory_space<vmem>>
          %dma_start3A_1248 = tpu.memref_squeeze %dma_start3A_1247 : memref<1x1x64xf32, #tpu.memory_space<vmem>> -> memref<64xf32, #tpu.memory_space<vmem>>
          %dma_start3A_1249 = arith.constant 0 : i32
          %dma_start3A_1250 = tpu.memref_slice %arg3[%squeeze3A_1238, %dma_start3A_1249] : memref<1000000x64xf32, #tpu.memory_space<hbm>> -> memref<1x64xf32, #tpu.memory_space<hbm>>
          %dma_start3A_1251 = tpu.memref_squeeze %dma_start3A_1250 : memref<1x64xf32, #tpu.memory_space<hbm>> -> memref<64xf32, #tpu.memory_space<hbm>>
          tpu.enqueue_dma source(%dma_start3A_1251 : memref<64xf32, #tpu.memory_space<hbm>>) target(%dma_start3A_1248 : memref<64xf32, #tpu.memory_space<vmem>>) target_semaphore(%arg13 : memref<!tpu.dma_semaphore, #tpu.memory_space<semaphore_mem>>)
          %mul3A_1252 = arith.constant 16 : i32
          %mul3A_1253 = arith.muli %scan3A_979, %mul3A_1252 : i32
          %add3A_1254 = arith.constant 14 : i32
          %add3A_1255 = arith.addi %mul3A_1253, %add3A_1254 : i32
          %slice3A_1256 = vector.extract_strided_slice %get3A_985 {offsets = [14], sizes = [1], strides = [1]} : vector<16xi32> to vector<1xi32>
          %squeeze3A_1257 = vector.extract %slice3A_1256[0] : i32 from vector<1xi32>
          %dma_start3A_1258 = arith.constant 3 : i32
          %dma_start3A_1259 = arith.constant 0 : i32
          %dma_start3A_1260 = tpu.memref_slice %arg6[%dma_start3A_1258, %add3A_1255, %dma_start3A_1259] : memref<4x200x64xf32, #tpu.memory_space<vmem>> -> memref<1x1x64xf32, #tpu.memory_space<vmem>>
          %dma_start3A_1261 = tpu.memref_squeeze %dma_start3A_1260 : memref<1x1x64xf32, #tpu.memory_space<vmem>> -> memref<64xf32, #tpu.memory_space<vmem>>
          %dma_start3A_1262 = arith.constant 0 : i32
          %dma_start3A_1263 = tpu.memref_slice %arg3[%squeeze3A_1257, %dma_start3A_1262] : memref<1000000x64xf32, #tpu.memory_space<hbm>> -> memref<1x64xf32, #tpu.memory_space<hbm>>
          %dma_start3A_1264 = tpu.memref_squeeze %dma_start3A_1263 : memref<1x64xf32, #tpu.memory_space<hbm>> -> memref<64xf32, #tpu.memory_space<hbm>>
          %dma_start3A_1265 = arith.constant 0 : i32
          %dma_start3A_1266 = tpu.memref_slice %arg6[%dma_start3A_1258, %add3A_1255, %dma_start3A_1265] : memref<4x200x64xf32, #tpu.memory_space<vmem>> -> memref<1x1x64xf32, #tpu.memory_space<vmem>>
          %dma_start3A_1267 = tpu.memref_squeeze %dma_start3A_1266 : memref<1x1x64xf32, #tpu.memory_space<vmem>> -> memref<64xf32, #tpu.memory_space<vmem>>
          %dma_start3A_1268 = arith.constant 0 : i32
          %dma_start3A_1269 = tpu.memref_slice %arg3[%squeeze3A_1257, %dma_start3A_1268] : memref<1000000x64xf32, #tpu.memory_space<hbm>> -> memref<1x64xf32, #tpu.memory_space<hbm>>
          %dma_start3A_1270 = tpu.memref_squeeze %dma_start3A_1269 : memref<1x64xf32, #tpu.memory_space<hbm>> -> memref<64xf32, #tpu.memory_space<hbm>>
          tpu.enqueue_dma source(%dma_start3A_1270 : memref<64xf32, #tpu.memory_space<hbm>>) target(%dma_start3A_1267 : memref<64xf32, #tpu.memory_space<vmem>>) target_semaphore(%arg13 : memref<!tpu.dma_semaphore, #tpu.memory_space<semaphore_mem>>)
          %mul3A_1271 = arith.constant 16 : i32
          %mul3A_1272 = arith.muli %scan3A_979, %mul3A_1271 : i32
          %add3A_1273 = arith.constant 15 : i32
          %add3A_1274 = arith.addi %mul3A_1272, %add3A_1273 : i32
          %slice3A_1275 = vector.extract_strided_slice %get3A_985 {offsets = [15], sizes = [1], strides = [1]} : vector<16xi32> to vector<1xi32>
          %squeeze3A_1276 = vector.extract %slice3A_1275[0] : i32 from vector<1xi32>
          %dma_start3A_1277 = arith.constant 3 : i32
          %dma_start3A_1278 = arith.constant 0 : i32
          %dma_start3A_1279 = tpu.memref_slice %arg6[%dma_start3A_1277, %add3A_1274, %dma_start3A_1278] : memref<4x200x64xf32, #tpu.memory_space<vmem>> -> memref<1x1x64xf32, #tpu.memory_space<vmem>>
          %dma_start3A_1280 = tpu.memref_squeeze %dma_start3A_1279 : memref<1x1x64xf32, #tpu.memory_space<vmem>> -> memref<64xf32, #tpu.memory_space<vmem>>
          %dma_start3A_1281 = arith.constant 0 : i32
          %dma_start3A_1282 = tpu.memref_slice %arg3[%squeeze3A_1276, %dma_start3A_1281] : memref<1000000x64xf32, #tpu.memory_space<hbm>> -> memref<1x64xf32, #tpu.memory_space<hbm>>
          %dma_start3A_1283 = tpu.memref_squeeze %dma_start3A_1282 : memref<1x64xf32, #tpu.memory_space<hbm>> -> memref<64xf32, #tpu.memory_space<hbm>>
          %dma_start3A_1284 = arith.constant 0 : i32
          %dma_start3A_1285 = tpu.memref_slice %arg6[%dma_start3A_1277, %add3A_1274, %dma_start3A_1284] : memref<4x200x64xf32, #tpu.memory_space<vmem>> -> memref<1x1x64xf32, #tpu.memory_space<vmem>>
          %dma_start3A_1286 = tpu.memref_squeeze %dma_start3A_1285 : memref<1x1x64xf32, #tpu.memory_space<vmem>> -> memref<64xf32, #tpu.memory_space<vmem>>
          %dma_start3A_1287 = arith.constant 0 : i32
          %dma_start3A_1288 = tpu.memref_slice %arg3[%squeeze3A_1276, %dma_start3A_1287] : memref<1000000x64xf32, #tpu.memory_space<hbm>> -> memref<1x64xf32, #tpu.memory_space<hbm>>
          %dma_start3A_1289 = tpu.memref_squeeze %dma_start3A_1288 : memref<1x64xf32, #tpu.memory_space<hbm>> -> memref<64xf32, #tpu.memory_space<hbm>>
          tpu.enqueue_dma source(%dma_start3A_1289 : memref<64xf32, #tpu.memory_space<hbm>>) target(%dma_start3A_1286 : memref<64xf32, #tpu.memory_space<vmem>>) target_semaphore(%arg13 : memref<!tpu.dma_semaphore, #tpu.memory_space<semaphore_mem>>)
        }
        %scan3A_846 = arith.constant 12 : i32
        %get3A_847 = arith.index_cast %add3A_578 : i32 to index
        %get3A_848 = arith.constant 184 : index
        %get3A_849 = tpu.vector_load %arg5[%get3A_847, %get3A_848] {strides = array<i32>} : memref<128x200xi32, #tpu.memory_space<vmem>>, vector<1x16xi32>,
        %get3A_850 = vector.shape_cast %get3A_849 : vector<1x16xi32> to vector<16xi32>
        %slice3A_851 = vector.extract_strided_slice %get3A_850 {offsets = [8], sizes = [1], strides = [1]} : vector<16xi32> to vector<1xi32>
        %squeeze3A_852 = vector.extract %slice3A_851[0] : i32 from vector<1xi32>
        %dma_start3A_853 = arith.constant 3 : i32
        %dma_start3A_854 = arith.constant 192 : i32
        %dma_start3A_855 = arith.constant 0 : i32
        %dma_start3A_856 = tpu.memref_slice %arg6[%dma_start3A_853, %dma_start3A_854, %dma_start3A_855] : memref<4x200x64xf32, #tpu.memory_space<vmem>> -> memref<1x1x64xf32, #tpu.memory_space<vmem>>
        %dma_start3A_857 = tpu.memref_squeeze %dma_start3A_856 : memref<1x1x64xf32, #tpu.memory_space<vmem>> -> memref<64xf32, #tpu.memory_space<vmem>>
        %dma_start3A_858 = arith.constant 0 : i32
        %dma_start3A_859 = tpu.memref_slice %arg3[%squeeze3A_852, %dma_start3A_858] : memref<1000000x64xf32, #tpu.memory_space<hbm>> -> memref<1x64xf32, #tpu.memory_space<hbm>>
        %dma_start3A_860 = tpu.memref_squeeze %dma_start3A_859 : memref<1x64xf32, #tpu.memory_space<hbm>> -> memref<64xf32, #tpu.memory_space<hbm>>
        %dma_start3A_861 = arith.constant 0 : i32
        %dma_start3A_862 = tpu.memref_slice %arg6[%dma_start3A_853, %dma_start3A_854, %dma_start3A_861] : memref<4x200x64xf32, #tpu.memory_space<vmem>> -> memref<1x1x64xf32, #tpu.memory_space<vmem>>
        %dma_start3A_863 = tpu.memref_squeeze %dma_start3A_862 : memref<1x1x64xf32, #tpu.memory_space<vmem>> -> memref<64xf32, #tpu.memory_space<vmem>>
        %dma_start3A_864 = arith.constant 0 : i32
        %dma_start3A_865 = tpu.memref_slice %arg3[%squeeze3A_852, %dma_start3A_864] : memref<1000000x64xf32, #tpu.memory_space<hbm>> -> memref<1x64xf32, #tpu.memory_space<hbm>>
        %dma_start3A_866 = tpu.memref_squeeze %dma_start3A_865 : memref<1x64xf32, #tpu.memory_space<hbm>> -> memref<64xf32, #tpu.memory_space<hbm>>
        tpu.enqueue_dma source(%dma_start3A_866 : memref<64xf32, #tpu.memory_space<hbm>>) target(%dma_start3A_863 : memref<64xf32, #tpu.memory_space<vmem>>) target_semaphore(%arg13 : memref<!tpu.dma_semaphore, #tpu.memory_space<semaphore_mem>>)
        %slice3A_867 = vector.extract_strided_slice %get3A_850 {offsets = [9], sizes = [1], strides = [1]} : vector<16xi32> to vector<1xi32>
        %squeeze3A_868 = vector.extract %slice3A_867[0] : i32 from vector<1xi32>
        %dma_start3A_869 = arith.constant 3 : i32
        %dma_start3A_870 = arith.constant 193 : i32
        %dma_start3A_871 = arith.constant 0 : i32
        %dma_start3A_872 = tpu.memref_slice %arg6[%dma_start3A_869, %dma_start3A_870, %dma_start3A_871] : memref<4x200x64xf32, #tpu.memory_space<vmem>> -> memref<1x1x64xf32, #tpu.memory_space<vmem>>
        %dma_start3A_873 = tpu.memref_squeeze %dma_start3A_872 : memref<1x1x64xf32, #tpu.memory_space<vmem>> -> memref<64xf32, #tpu.memory_space<vmem>>
        %dma_start3A_874 = arith.constant 0 : i32
        %dma_start3A_875 = tpu.memref_slice %arg3[%squeeze3A_868, %dma_start3A_874] : memref<1000000x64xf32, #tpu.memory_space<hbm>> -> memref<1x64xf32, #tpu.memory_space<hbm>>
        %dma_start3A_876 = tpu.memref_squeeze %dma_start3A_875 : memref<1x64xf32, #tpu.memory_space<hbm>> -> memref<64xf32, #tpu.memory_space<hbm>>
        %dma_start3A_877 = arith.constant 0 : i32
        %dma_start3A_878 = tpu.memref_slice %arg6[%dma_start3A_869, %dma_start3A_870, %dma_start3A_877] : memref<4x200x64xf32, #tpu.memory_space<vmem>> -> memref<1x1x64xf32, #tpu.memory_space<vmem>>
        %dma_start3A_879 = tpu.memref_squeeze %dma_start3A_878 : memref<1x1x64xf32, #tpu.memory_space<vmem>> -> memref<64xf32, #tpu.memory_space<vmem>>
        %dma_start3A_880 = arith.constant 0 : i32
        %dma_start3A_881 = tpu.memref_slice %arg3[%squeeze3A_868, %dma_start3A_880] : memref<1000000x64xf32, #tpu.memory_space<hbm>> -> memref<1x64xf32, #tpu.memory_space<hbm>>
        %dma_start3A_882 = tpu.memref_squeeze %dma_start3A_881 : memref<1x64xf32, #tpu.memory_space<hbm>> -> memref<64xf32, #tpu.memory_space<hbm>>
        tpu.enqueue_dma source(%dma_start3A_882 : memref<64xf32, #tpu.memory_space<hbm>>) target(%dma_start3A_879 : memref<64xf32, #tpu.memory_space<vmem>>) target_semaphore(%arg13 : memref<!tpu.dma_semaphore, #tpu.memory_space<semaphore_mem>>)
        %slice3A_883 = vector.extract_strided_slice %get3A_850 {offsets = [10], sizes = [1], strides = [1]} : vector<16xi32> to vector<1xi32>
        %squeeze3A_884 = vector.extract %slice3A_883[0] : i32 from vector<1xi32>
        %dma_start3A_885 = arith.constant 3 : i32
        %dma_start3A_886 = arith.constant 194 : i32
        %dma_start3A_887 = arith.constant 0 : i32
        %dma_start3A_888 = tpu.memref_slice %arg6[%dma_start3A_885, %dma_start3A_886, %dma_start3A_887] : memref<4x200x64xf32, #tpu.memory_space<vmem>> -> memref<1x1x64xf32, #tpu.memory_space<vmem>>
        %dma_start3A_889 = tpu.memref_squeeze %dma_start3A_888 : memref<1x1x64xf32, #tpu.memory_space<vmem>> -> memref<64xf32, #tpu.memory_space<vmem>>
        %dma_start3A_890 = arith.constant 0 : i32
        %dma_start3A_891 = tpu.memref_slice %arg3[%squeeze3A_884, %dma_start3A_890] : memref<1000000x64xf32, #tpu.memory_space<hbm>> -> memref<1x64xf32, #tpu.memory_space<hbm>>
        %dma_start3A_892 = tpu.memref_squeeze %dma_start3A_891 : memref<1x64xf32, #tpu.memory_space<hbm>> -> memref<64xf32, #tpu.memory_space<hbm>>
        %dma_start3A_893 = arith.constant 0 : i32
        %dma_start3A_894 = tpu.memref_slice %arg6[%dma_start3A_885, %dma_start3A_886, %dma_start3A_893] : memref<4x200x64xf32, #tpu.memory_space<vmem>> -> memref<1x1x64xf32, #tpu.memory_space<vmem>>
        %dma_start3A_895 = tpu.memref_squeeze %dma_start3A_894 : memref<1x1x64xf32, #tpu.memory_space<vmem>> -> memref<64xf32, #tpu.memory_space<vmem>>
        %dma_start3A_896 = arith.constant 0 : i32
        %dma_start3A_897 = tpu.memref_slice %arg3[%squeeze3A_884, %dma_start3A_896] : memref<1000000x64xf32, #tpu.memory_space<hbm>> -> memref<1x64xf32, #tpu.memory_space<hbm>>
        %dma_start3A_898 = tpu.memref_squeeze %dma_start3A_897 : memref<1x64xf32, #tpu.memory_space<hbm>> -> memref<64xf32, #tpu.memory_space<hbm>>
        tpu.enqueue_dma source(%dma_start3A_898 : memref<64xf32, #tpu.memory_space<hbm>>) target(%dma_start3A_895 : memref<64xf32, #tpu.memory_space<vmem>>) target_semaphore(%arg13 : memref<!tpu.dma_semaphore, #tpu.memory_space<semaphore_mem>>)
        %slice3A_899 = vector.extract_strided_slice %get3A_850 {offsets = [11], sizes = [1], strides = [1]} : vector<16xi32> to vector<1xi32>
        %squeeze3A_900 = vector.extract %slice3A_899[0] : i32 from vector<1xi32>
        %dma_start3A_901 = arith.constant 3 : i32
        %dma_start3A_902 = arith.constant 195 : i32
        %dma_start3A_903 = arith.constant 0 : i32
        %dma_start3A_904 = tpu.memref_slice %arg6[%dma_start3A_901, %dma_start3A_902, %dma_start3A_903] : memref<4x200x64xf32, #tpu.memory_space<vmem>> -> memref<1x1x64xf32, #tpu.memory_space<vmem>>
        %dma_start3A_905 = tpu.memref_squeeze %dma_start3A_904 : memref<1x1x64xf32, #tpu.memory_space<vmem>> -> memref<64xf32, #tpu.memory_space<vmem>>
        %dma_start3A_906 = arith.constant 0 : i32
        %dma_start3A_907 = tpu.memref_slice %arg3[%squeeze3A_900, %dma_start3A_906] : memref<1000000x64xf32, #tpu.memory_space<hbm>> -> memref<1x64xf32, #tpu.memory_space<hbm>>
        %dma_start3A_908 = tpu.memref_squeeze %dma_start3A_907 : memref<1x64xf32, #tpu.memory_space<hbm>> -> memref<64xf32, #tpu.memory_space<hbm>>
        %dma_start3A_909 = arith.constant 0 : i32
        %dma_start3A_910 = tpu.memref_slice %arg6[%dma_start3A_901, %dma_start3A_902, %dma_start3A_909] : memref<4x200x64xf32, #tpu.memory_space<vmem>> -> memref<1x1x64xf32, #tpu.memory_space<vmem>>
        %dma_start3A_911 = tpu.memref_squeeze %dma_start3A_910 : memref<1x1x64xf32, #tpu.memory_space<vmem>> -> memref<64xf32, #tpu.memory_space<vmem>>
        %dma_start3A_912 = arith.constant 0 : i32
        %dma_start3A_913 = tpu.memref_slice %arg3[%squeeze3A_900, %dma_start3A_912] : memref<1000000x64xf32, #tpu.memory_space<hbm>> -> memref<1x64xf32, #tpu.memory_space<hbm>>
        %dma_start3A_914 = tpu.memref_squeeze %dma_start3A_913 : memref<1x64xf32, #tpu.memory_space<hbm>> -> memref<64xf32, #tpu.memory_space<hbm>>
        tpu.enqueue_dma source(%dma_start3A_914 : memref<64xf32, #tpu.memory_space<hbm>>) target(%dma_start3A_911 : memref<64xf32, #tpu.memory_space<vmem>>) target_semaphore(%arg13 : memref<!tpu.dma_semaphore, #tpu.memory_space<semaphore_mem>>)
        %slice3A_915 = vector.extract_strided_slice %get3A_850 {offsets = [12], sizes = [1], strides = [1]} : vector<16xi32> to vector<1xi32>
        %squeeze3A_916 = vector.extract %slice3A_915[0] : i32 from vector<1xi32>
        %dma_start3A_917 = arith.constant 3 : i32
        %dma_start3A_918 = arith.constant 196 : i32
        %dma_start3A_919 = arith.constant 0 : i32
        %dma_start3A_920 = tpu.memref_slice %arg6[%dma_start3A_917, %dma_start3A_918, %dma_start3A_919] : memref<4x200x64xf32, #tpu.memory_space<vmem>> -> memref<1x1x64xf32, #tpu.memory_space<vmem>>
        %dma_start3A_921 = tpu.memref_squeeze %dma_start3A_920 : memref<1x1x64xf32, #tpu.memory_space<vmem>> -> memref<64xf32, #tpu.memory_space<vmem>>
        %dma_start3A_922 = arith.constant 0 : i32
        %dma_start3A_923 = tpu.memref_slice %arg3[%squeeze3A_916, %dma_start3A_922] : memref<1000000x64xf32, #tpu.memory_space<hbm>> -> memref<1x64xf32, #tpu.memory_space<hbm>>
        %dma_start3A_924 = tpu.memref_squeeze %dma_start3A_923 : memref<1x64xf32, #tpu.memory_space<hbm>> -> memref<64xf32, #tpu.memory_space<hbm>>
        %dma_start3A_925 = arith.constant 0 : i32
        %dma_start3A_926 = tpu.memref_slice %arg6[%dma_start3A_917, %dma_start3A_918, %dma_start3A_925] : memref<4x200x64xf32, #tpu.memory_space<vmem>> -> memref<1x1x64xf32, #tpu.memory_space<vmem>>
        %dma_start3A_927 = tpu.memref_squeeze %dma_start3A_926 : memref<1x1x64xf32, #tpu.memory_space<vmem>> -> memref<64xf32, #tpu.memory_space<vmem>>
        %dma_start3A_928 = arith.constant 0 : i32
        %dma_start3A_929 = tpu.memref_slice %arg3[%squeeze3A_916, %dma_start3A_928] : memref<1000000x64xf32, #tpu.memory_space<hbm>> -> memref<1x64xf32, #tpu.memory_space<hbm>>
        %dma_start3A_930 = tpu.memref_squeeze %dma_start3A_929 : memref<1x64xf32, #tpu.memory_space<hbm>> -> memref<64xf32, #tpu.memory_space<hbm>>
        tpu.enqueue_dma source(%dma_start3A_930 : memref<64xf32, #tpu.memory_space<hbm>>) target(%dma_start3A_927 : memref<64xf32, #tpu.memory_space<vmem>>) target_semaphore(%arg13 : memref<!tpu.dma_semaphore, #tpu.memory_space<semaphore_mem>>)
        %slice3A_931 = vector.extract_strided_slice %get3A_850 {offsets = [13], sizes = [1], strides = [1]} : vector<16xi32> to vector<1xi32>
        %squeeze3A_932 = vector.extract %slice3A_931[0] : i32 from vector<1xi32>
        %dma_start3A_933 = arith.constant 3 : i32
        %dma_start3A_934 = arith.constant 197 : i32
        %dma_start3A_935 = arith.constant 0 : i32
        %dma_start3A_936 = tpu.memref_slice %arg6[%dma_start3A_933, %dma_start3A_934, %dma_start3A_935] : memref<4x200x64xf32, #tpu.memory_space<vmem>> -> memref<1x1x64xf32, #tpu.memory_space<vmem>>
        %dma_start3A_937 = tpu.memref_squeeze %dma_start3A_936 : memref<1x1x64xf32, #tpu.memory_space<vmem>> -> memref<64xf32, #tpu.memory_space<vmem>>
        %dma_start3A_938 = arith.constant 0 : i32
        %dma_start3A_939 = tpu.memref_slice %arg3[%squeeze3A_932, %dma_start3A_938] : memref<1000000x64xf32, #tpu.memory_space<hbm>> -> memref<1x64xf32, #tpu.memory_space<hbm>>
        %dma_start3A_940 = tpu.memref_squeeze %dma_start3A_939 : memref<1x64xf32, #tpu.memory_space<hbm>> -> memref<64xf32, #tpu.memory_space<hbm>>
        %dma_start3A_941 = arith.constant 0 : i32
        %dma_start3A_942 = tpu.memref_slice %arg6[%dma_start3A_933, %dma_start3A_934, %dma_start3A_941] : memref<4x200x64xf32, #tpu.memory_space<vmem>> -> memref<1x1x64xf32, #tpu.memory_space<vmem>>
        %dma_start3A_943 = tpu.memref_squeeze %dma_start3A_942 : memref<1x1x64xf32, #tpu.memory_space<vmem>> -> memref<64xf32, #tpu.memory_space<vmem>>
        %dma_start3A_944 = arith.constant 0 : i32
        %dma_start3A_945 = tpu.memref_slice %arg3[%squeeze3A_932, %dma_start3A_944] : memref<1000000x64xf32, #tpu.memory_space<hbm>> -> memref<1x64xf32, #tpu.memory_space<hbm>>
        %dma_start3A_946 = tpu.memref_squeeze %dma_start3A_945 : memref<1x64xf32, #tpu.memory_space<hbm>> -> memref<64xf32, #tpu.memory_space<hbm>>
        tpu.enqueue_dma source(%dma_start3A_946 : memref<64xf32, #tpu.memory_space<hbm>>) target(%dma_start3A_943 : memref<64xf32, #tpu.memory_space<vmem>>) target_semaphore(%arg13 : memref<!tpu.dma_semaphore, #tpu.memory_space<semaphore_mem>>)
        %slice3A_947 = vector.extract_strided_slice %get3A_850 {offsets = [14], sizes = [1], strides = [1]} : vector<16xi32> to vector<1xi32>
        %squeeze3A_948 = vector.extract %slice3A_947[0] : i32 from vector<1xi32>
        %dma_start3A_949 = arith.constant 3 : i32
        %dma_start3A_950 = arith.constant 198 : i32
        %dma_start3A_951 = arith.constant 0 : i32
        %dma_start3A_952 = tpu.memref_slice %arg6[%dma_start3A_949, %dma_start3A_950, %dma_start3A_951] : memref<4x200x64xf32, #tpu.memory_space<vmem>> -> memref<1x1x64xf32, #tpu.memory_space<vmem>>
        %dma_start3A_953 = tpu.memref_squeeze %dma_start3A_952 : memref<1x1x64xf32, #tpu.memory_space<vmem>> -> memref<64xf32, #tpu.memory_space<vmem>>
        %dma_start3A_954 = arith.constant 0 : i32
        %dma_start3A_955 = tpu.memref_slice %arg3[%squeeze3A_948, %dma_start3A_954] : memref<1000000x64xf32, #tpu.memory_space<hbm>> -> memref<1x64xf32, #tpu.memory_space<hbm>>
        %dma_start3A_956 = tpu.memref_squeeze %dma_start3A_955 : memref<1x64xf32, #tpu.memory_space<hbm>> -> memref<64xf32, #tpu.memory_space<hbm>>
        %dma_start3A_957 = arith.constant 0 : i32
        %dma_start3A_958 = tpu.memref_slice %arg6[%dma_start3A_949, %dma_start3A_950, %dma_start3A_957] : memref<4x200x64xf32, #tpu.memory_space<vmem>> -> memref<1x1x64xf32, #tpu.memory_space<vmem>>
        %dma_start3A_959 = tpu.memref_squeeze %dma_start3A_958 : memref<1x1x64xf32, #tpu.memory_space<vmem>> -> memref<64xf32, #tpu.memory_space<vmem>>
        %dma_start3A_960 = arith.constant 0 : i32
        %dma_start3A_961 = tpu.memref_slice %arg3[%squeeze3A_948, %dma_start3A_960] : memref<1000000x64xf32, #tpu.memory_space<hbm>> -> memref<1x64xf32, #tpu.memory_space<hbm>>
        %dma_start3A_962 = tpu.memref_squeeze %dma_start3A_961 : memref<1x64xf32, #tpu.memory_space<hbm>> -> memref<64xf32, #tpu.memory_space<hbm>>
        tpu.enqueue_dma source(%dma_start3A_962 : memref<64xf32, #tpu.memory_space<hbm>>) target(%dma_start3A_959 : memref<64xf32, #tpu.memory_space<vmem>>) target_semaphore(%arg13 : memref<!tpu.dma_semaphore, #tpu.memory_space<semaphore_mem>>)
        %slice3A_963 = vector.extract_strided_slice %get3A_850 {offsets = [15], sizes = [1], strides = [1]} : vector<16xi32> to vector<1xi32>
        %squeeze3A_964 = vector.extract %slice3A_963[0] : i32 from vector<1xi32>
        %dma_start3A_965 = arith.constant 3 : i32
        %dma_start3A_966 = arith.constant 199 : i32
        %dma_start3A_967 = arith.constant 0 : i32
        %dma_start3A_968 = tpu.memref_slice %arg6[%dma_start3A_965, %dma_start3A_966, %dma_start3A_967] : memref<4x200x64xf32, #tpu.memory_space<vmem>> -> memref<1x1x64xf32, #tpu.memory_space<vmem>>
        %dma_start3A_969 = tpu.memref_squeeze %dma_start3A_968 : memref<1x1x64xf32, #tpu.memory_space<vmem>> -> memref<64xf32, #tpu.memory_space<vmem>>
        %dma_start3A_970 = arith.constant 0 : i32
        %dma_start3A_971 = tpu.memref_slice %arg3[%squeeze3A_964, %dma_start3A_970] : memref<1000000x64xf32, #tpu.memory_space<hbm>> -> memref<1x64xf32, #tpu.memory_space<hbm>>
        %dma_start3A_972 = tpu.memref_squeeze %dma_start3A_971 : memref<1x64xf32, #tpu.memory_space<hbm>> -> memref<64xf32, #tpu.memory_space<hbm>>
        %dma_start3A_973 = arith.constant 0 : i32
        %dma_start3A_974 = tpu.memref_slice %arg6[%dma_start3A_965, %dma_start3A_966, %dma_start3A_973] : memref<4x200x64xf32, #tpu.memory_space<vmem>> -> memref<1x1x64xf32, #tpu.memory_space<vmem>>
        %dma_start3A_975 = tpu.memref_squeeze %dma_start3A_974 : memref<1x1x64xf32, #tpu.memory_space<vmem>> -> memref<64xf32, #tpu.memory_space<vmem>>
        %dma_start3A_976 = arith.constant 0 : i32
        %dma_start3A_977 = tpu.memref_slice %arg3[%squeeze3A_964, %dma_start3A_976] : memref<1000000x64xf32, #tpu.memory_space<hbm>> -> memref<1x64xf32, #tpu.memory_space<hbm>>
        %dma_start3A_978 = tpu.memref_squeeze %dma_start3A_977 : memref<1x64xf32, #tpu.memory_space<hbm>> -> memref<64xf32, #tpu.memory_space<hbm>>
        tpu.enqueue_dma source(%dma_start3A_978 : memref<64xf32, #tpu.memory_space<hbm>>) target(%dma_start3A_975 : memref<64xf32, #tpu.memory_space<vmem>>) target_semaphore(%arg13 : memref<!tpu.dma_semaphore, #tpu.memory_space<semaphore_mem>>)
      } else {
      }
      %mul3A_589 = arith.constant 4 : i32
      %mul3A_590 = arith.muli %scan3A_341, %mul3A_589 : i32
      %add3A_591 = arith.constant 2 : i32
      %add3A_592 = arith.addi %mul3A_590, %add3A_591 : i32
      %dma_wait3A_593 = arith.constant 2 : i32
      %dma_wait3A_594 = arith.constant 0 : i32
      %dma_wait3A_595 = arith.constant 0 : i32
      %dma_wait3A_596 = tpu.memref_slice %arg6[%dma_wait3A_593, %dma_wait3A_594, %dma_wait3A_595] : memref<4x200x64xf32, #tpu.memory_space<vmem>> -> memref<1x200x64xf32, #tpu.memory_space<vmem>>
      %dma_wait3A_597 = tpu.memref_squeeze %dma_wait3A_596 : memref<1x200x64xf32, #tpu.memory_space<vmem>> -> memref<200x64xf32, #tpu.memory_space<vmem>>
      %dma_wait3A_598 = arith.constant 0 : i32
      %dma_wait3A_599 = arith.constant 0 : i32
      %dma_wait3A_600 = tpu.memref_slice %arg3[%dma_wait3A_598, %dma_wait3A_599] : memref<1000000x64xf32, #tpu.memory_space<hbm>> -> memref<200x64xf32, #tpu.memory_space<hbm>>
      %dma_wait3A_601 = arith.constant 0 : i32
      %dma_wait3A_602 = arith.constant 0 : i32
      %dma_wait3A_603 = tpu.memref_slice %arg6[%dma_wait3A_593, %dma_wait3A_601, %dma_wait3A_602] : memref<4x200x64xf32, #tpu.memory_space<vmem>> -> memref<1x200x64xf32, #tpu.memory_space<vmem>>
      %dma_wait3A_604 = tpu.memref_squeeze %dma_wait3A_603 : memref<1x200x64xf32, #tpu.memory_space<vmem>> -> memref<200x64xf32, #tpu.memory_space<vmem>>
      %dma_wait3A_605 = arith.constant 0 : i32
      %dma_wait3A_606 = arith.constant 0 : i32
      %dma_wait3A_607 = tpu.memref_slice %arg3[%dma_wait3A_605, %dma_wait3A_606] : memref<1000000x64xf32, #tpu.memory_space<hbm>> -> memref<200x64xf32, #tpu.memory_space<hbm>>
      tpu.wait_dma2 semaphore(%arg12 : memref<!tpu.dma_semaphore, #tpu.memory_space<semaphore_mem>>) src(%dma_wait3A_607 : memref<200x64xf32, #tpu.memory_space<hbm>>) dst(%dma_wait3A_604 : memref<200x64xf32, #tpu.memory_space<vmem>>)
      %broadcast_in_dim3A_608 = arith.constant 0 : i32
      %broadcast_in_dim3A_609 = vector.broadcast %broadcast_in_dim3A_608 : i32 to vector<16xi32>
      %add3A_610 = arith.addi %mul3A_6, %add3A_592 : i32
      %add3A_611 = vector.broadcast %add3A_610 : i32 to vector<16xi32>
      %add3A_612 = arith.addi %broadcast_in_dim3A_609, %add3A_611 : vector<16xi32>
      %swap3A_613 = arith.constant 2 : i32
      %swap3A_614 = arith.index_cast %swap3A_613 : i32 to index
      %swap3A_615 = arith.constant 0 : index
      %swap3A_616 = tpu.vector_load %arg7[%swap3A_614, %swap3A_615] {strides = array<i32>} : memref<4x200xi32, #tpu.memory_space<vmem>>, vector<1x16xi32>,
      %swap3A_617 = vector.shape_cast %swap3A_616 : vector<1x16xi32> to vector<16xi32>
      %swap3A_618 = vector.shape_cast %add3A_612 : vector<16xi32> to vector<1x16xi32>
      tpu.vector_store %arg7[%swap3A_614, %swap3A_615], %swap3A_618 {strides = array<i32>} : memref<4x200xi32, #tpu.memory_space<vmem>>, vector<1x16xi32>,
      %swap3A_619 = arith.constant 2 : i32
      %swap3A_620 = arith.index_cast %swap3A_619 : i32 to index
      %swap3A_621 = arith.constant 16 : index
      %swap3A_622 = tpu.vector_load %arg7[%swap3A_620, %swap3A_621] {strides = array<i32>} : memref<4x200xi32, #tpu.memory_space<vmem>>, vector<1x16xi32>,
      %swap3A_623 = vector.shape_cast %swap3A_622 : vector<1x16xi32> to vector<16xi32>
      %swap3A_624 = vector.shape_cast %add3A_612 : vector<16xi32> to vector<1x16xi32>
      tpu.vector_store %arg7[%swap3A_620, %swap3A_621], %swap3A_624 {strides = array<i32>} : memref<4x200xi32, #tpu.memory_space<vmem>>, vector<1x16xi32>,
      %swap3A_625 = arith.constant 2 : i32
      %swap3A_626 = arith.index_cast %swap3A_625 : i32 to index
      %swap3A_627 = arith.constant 32 : index
      %swap3A_628 = tpu.vector_load %arg7[%swap3A_626, %swap3A_627] {strides = array<i32>} : memref<4x200xi32, #tpu.memory_space<vmem>>, vector<1x16xi32>,
      %swap3A_629 = vector.shape_cast %swap3A_628 : vector<1x16xi32> to vector<16xi32>
      %swap3A_630 = vector.shape_cast %add3A_612 : vector<16xi32> to vector<1x16xi32>
      tpu.vector_store %arg7[%swap3A_626, %swap3A_627], %swap3A_630 {strides = array<i32>} : memref<4x200xi32, #tpu.memory_space<vmem>>, vector<1x16xi32>,
      %swap3A_631 = arith.constant 2 : i32
      %swap3A_632 = arith.index_cast %swap3A_631 : i32 to index
      %swap3A_633 = arith.constant 48 : index
      %swap3A_634 = tpu.vector_load %arg7[%swap3A_632, %swap3A_633] {strides = array<i32>} : memref<4x200xi32, #tpu.memory_space<vmem>>, vector<1x16xi32>,
      %swap3A_635 = vector.shape_cast %swap3A_634 : vector<1x16xi32> to vector<16xi32>
      %swap3A_636 = vector.shape_cast %add3A_612 : vector<16xi32> to vector<1x16xi32>
      tpu.vector_store %arg7[%swap3A_632, %swap3A_633], %swap3A_636 {strides = array<i32>} : memref<4x200xi32, #tpu.memory_space<vmem>>, vector<1x16xi32>,
      %swap3A_637 = arith.constant 2 : i32
      %swap3A_638 = arith.index_cast %swap3A_637 : i32 to index
      %swap3A_639 = arith.constant 64 : index
      %swap3A_640 = tpu.vector_load %arg7[%swap3A_638, %swap3A_639] {strides = array<i32>} : memref<4x200xi32, #tpu.memory_space<vmem>>, vector<1x16xi32>,
      %swap3A_641 = vector.shape_cast %swap3A_640 : vector<1x16xi32> to vector<16xi32>
      %swap3A_642 = vector.shape_cast %add3A_612 : vector<16xi32> to vector<1x16xi32>
      tpu.vector_store %arg7[%swap3A_638, %swap3A_639], %swap3A_642 {strides = array<i32>} : memref<4x200xi32, #tpu.memory_space<vmem>>, vector<1x16xi32>,
      %swap3A_643 = arith.constant 2 : i32
      %swap3A_644 = arith.index_cast %swap3A_643 : i32 to index
      %swap3A_645 = arith.constant 80 : index
      %swap3A_646 = tpu.vector_load %arg7[%swap3A_644, %swap3A_645] {strides = array<i32>} : memref<4x200xi32, #tpu.memory_space<vmem>>, vector<1x16xi32>,
      %swap3A_647 = vector.shape_cast %swap3A_646 : vector<1x16xi32> to vector<16xi32>
      %swap3A_648 = vector.shape_cast %add3A_612 : vector<16xi32> to vector<1x16xi32>
      tpu.vector_store %arg7[%swap3A_644, %swap3A_645], %swap3A_648 {strides = array<i32>} : memref<4x200xi32, #tpu.memory_space<vmem>>, vector<1x16xi32>,
      %swap3A_649 = arith.constant 2 : i32
      %swap3A_650 = arith.index_cast %swap3A_649 : i32 to index
      %swap3A_651 = arith.constant 96 : index
      %swap3A_652 = tpu.vector_load %arg7[%swap3A_650, %swap3A_651] {strides = array<i32>} : memref<4x200xi32, #tpu.memory_space<vmem>>, vector<1x16xi32>,
      %swap3A_653 = vector.shape_cast %swap3A_652 : vector<1x16xi32> to vector<16xi32>
      %swap3A_654 = vector.shape_cast %add3A_612 : vector<16xi32> to vector<1x16xi32>
      tpu.vector_store %arg7[%swap3A_650, %swap3A_651], %swap3A_654 {strides = array<i32>} : memref<4x200xi32, #tpu.memory_space<vmem>>, vector<1x16xi32>,
      %swap3A_655 = arith.constant 2 : i32
      %swap3A_656 = arith.index_cast %swap3A_655 : i32 to index
      %swap3A_657 = arith.constant 112 : index
      %swap3A_658 = tpu.vector_load %arg7[%swap3A_656, %swap3A_657] {strides = array<i32>} : memref<4x200xi32, #tpu.memory_space<vmem>>, vector<1x16xi32>,
      %swap3A_659 = vector.shape_cast %swap3A_658 : vector<1x16xi32> to vector<16xi32>
      %swap3A_660 = vector.shape_cast %add3A_612 : vector<16xi32> to vector<1x16xi32>
      tpu.vector_store %arg7[%swap3A_656, %swap3A_657], %swap3A_660 {strides = array<i32>} : memref<4x200xi32, #tpu.memory_space<vmem>>, vector<1x16xi32>,
      %swap3A_661 = arith.constant 2 : i32
      %swap3A_662 = arith.index_cast %swap3A_661 : i32 to index
      %swap3A_663 = arith.constant 128 : index
      %swap3A_664 = tpu.vector_load %arg7[%swap3A_662, %swap3A_663] {strides = array<i32>} : memref<4x200xi32, #tpu.memory_space<vmem>>, vector<1x16xi32>,
      %swap3A_665 = vector.shape_cast %swap3A_664 : vector<1x16xi32> to vector<16xi32>
      %swap3A_666 = vector.shape_cast %add3A_612 : vector<16xi32> to vector<1x16xi32>
      tpu.vector_store %arg7[%swap3A_662, %swap3A_663], %swap3A_666 {strides = array<i32>} : memref<4x200xi32, #tpu.memory_space<vmem>>, vector<1x16xi32>,
      %swap3A_667 = arith.constant 2 : i32
      %swap3A_668 = arith.index_cast %swap3A_667 : i32 to index
      %swap3A_669 = arith.constant 144 : index
      %swap3A_670 = tpu.vector_load %arg7[%swap3A_668, %swap3A_669] {strides = array<i32>} : memref<4x200xi32, #tpu.memory_space<vmem>>, vector<1x16xi32>,
      %swap3A_671 = vector.shape_cast %swap3A_670 : vector<1x16xi32> to vector<16xi32>
      %swap3A_672 = vector.shape_cast %add3A_612 : vector<16xi32> to vector<1x16xi32>
      tpu.vector_store %arg7[%swap3A_668, %swap3A_669], %swap3A_672 {strides = array<i32>} : memref<4x200xi32, #tpu.memory_space<vmem>>, vector<1x16xi32>,
      %swap3A_673 = arith.constant 2 : i32
      %swap3A_674 = arith.index_cast %swap3A_673 : i32 to index
      %swap3A_675 = arith.constant 160 : index
      %swap3A_676 = tpu.vector_load %arg7[%swap3A_674, %swap3A_675] {strides = array<i32>} : memref<4x200xi32, #tpu.memory_space<vmem>>, vector<1x16xi32>,
      %swap3A_677 = vector.shape_cast %swap3A_676 : vector<1x16xi32> to vector<16xi32>
      %swap3A_678 = vector.shape_cast %add3A_612 : vector<16xi32> to vector<1x16xi32>
      tpu.vector_store %arg7[%swap3A_674, %swap3A_675], %swap3A_678 {strides = array<i32>} : memref<4x200xi32, #tpu.memory_space<vmem>>, vector<1x16xi32>,
      %swap3A_679 = arith.constant 2 : i32
      %swap3A_680 = arith.index_cast %swap3A_679 : i32 to index
      %swap3A_681 = arith.constant 176 : index
      %swap3A_682 = tpu.vector_load %arg7[%swap3A_680, %swap3A_681] {strides = array<i32>} : memref<4x200xi32, #tpu.memory_space<vmem>>, vector<1x16xi32>,
      %swap3A_683 = vector.shape_cast %swap3A_682 : vector<1x16xi32> to vector<16xi32>
      %swap3A_684 = vector.shape_cast %add3A_612 : vector<16xi32> to vector<1x16xi32>
      tpu.vector_store %arg7[%swap3A_680, %swap3A_681], %swap3A_684 {strides = array<i32>} : memref<4x200xi32, #tpu.memory_space<vmem>>, vector<1x16xi32>,
      %swap3A_685 = arith.constant 2 : i32
      %swap3A_686 = arith.index_cast %swap3A_685 : i32 to index
      %swap3A_687 = arith.constant 184 : index
      %swap3A_688 = tpu.vector_load %arg7[%swap3A_686, %swap3A_687] {strides = array<i32>} : memref<4x200xi32, #tpu.memory_space<vmem>>, vector<1x16xi32>,
      %swap3A_689 = vector.shape_cast %swap3A_688 : vector<1x16xi32> to vector<16xi32>
      %swap3A_690 = vector.shape_cast %add3A_612 : vector<16xi32> to vector<1x16xi32>
      tpu.vector_store %arg7[%swap3A_686, %swap3A_687], %swap3A_690 {strides = array<i32>} : memref<4x200xi32, #tpu.memory_space<vmem>>, vector<1x16xi32>,
      %dma_start3A_691 = arith.constant 2 : i32
      %dma_start3A_692 = arith.constant 2 : i32
      %dma_start3A_693 = arith.constant 0 : i32
      %dma_start3A_694 = arith.constant 0 : i32
      %dma_start3A_695 = tpu.memref_slice %arg6[%dma_start3A_691, %dma_start3A_693, %dma_start3A_694] : memref<4x200x64xf32, #tpu.memory_space<vmem>> -> memref<1x200x64xf32, #tpu.memory_space<vmem>>
      %dma_start3A_696 = tpu.memref_squeeze %dma_start3A_695 : memref<1x200x64xf32, #tpu.memory_space<vmem>> -> memref<200x64xf32, #tpu.memory_space<vmem>>
      %dma_start3A_697 = arith.constant 0 : i32
      %dma_start3A_698 = tpu.memref_slice %arg7[%dma_start3A_692, %dma_start3A_697] : memref<4x200xi32, #tpu.memory_space<vmem>> -> memref<1x200xi32, #tpu.memory_space<vmem>>
      %dma_start3A_699 = tpu.memref_squeeze %dma_start3A_698 : memref<1x200xi32, #tpu.memory_space<vmem>> -> memref<200xi32, #tpu.memory_space<vmem>>
      %dma_start3A_700 = arith.constant 0 : i32
      %dma_start3A_701 = arith.constant 0 : i32
      %dma_start3A_702 = tpu.memref_slice %arg9[%dma_start3A_700, %dma_start3A_701] : memref<2048x64xf32, #tpu.memory_space<vmem_shared>> -> memref<2048x64xf32, #tpu.memory_space<vmem_shared>>
      tpu.enqueue_indirect_dma source(%dma_start3A_696 : memref<200x64xf32, #tpu.memory_space<vmem>>) target(%dma_start3A_702 : memref<2048x64xf32, #tpu.memory_space<vmem_shared>>) offsets(%dma_start3A_699 : memref<200xi32, #tpu.memory_space<vmem>>) semaphore(%arg16 : memref<!tpu.dma_semaphore, #tpu.memory_space<semaphore_mem>>) {add = true}
      %add3A_703 = arith.constant 2 : i32
      %add3A_704 = arith.addi %add3A_592, %add3A_703 : i32
      %ge3A_705 = arith.constant 4 : i32
      %ge3A_706 = arith.cmpi sge, %add3A_704, %ge3A_705 : i32
      %convert_element_type3A_707 = arith.extui %ge3A_706 : i1 to i32
      %cond3A_708 = arith.constant 0 : i32
      %cond3A_709 = arith.cmpi ne, %convert_element_type3A_707, %cond3A_708 : i32
      scf.if %cond3A_709 {
        %dma_wait3A_841 = arith.constant 0 : i32
        %dma_wait3A_842 = arith.constant 0 : i32
        %dma_wait3A_843 = arith.constant 0 : i32
        %dma_wait3A_844 = arith.constant 0 : i32
        %dma_wait3A_845 = tpu.memref_slice %arg6[%dma_wait3A_841, %dma_wait3A_843, %dma_wait3A_844] : memref<4x200x64xf32, #tpu.memory_space<vmem>> -> memref<1x200x64xf32, #tpu.memory_space<vmem>>
        %dma_wait3A_846 = tpu.memref_squeeze %dma_wait3A_845 : memref<1x200x64xf32, #tpu.memory_space<vmem>> -> memref<200x64xf32, #tpu.memory_space<vmem>>
        %dma_wait3A_847 = arith.constant 0 : i32
        %dma_wait3A_848 = tpu.memref_slice %arg7[%dma_wait3A_842, %dma_wait3A_847] : memref<4x200xi32, #tpu.memory_space<vmem>> -> memref<1x200xi32, #tpu.memory_space<vmem>>
        %dma_wait3A_849 = tpu.memref_squeeze %dma_wait3A_848 : memref<1x200xi32, #tpu.memory_space<vmem>> -> memref<200xi32, #tpu.memory_space<vmem>>
        %dma_wait3A_850 = arith.constant 0 : i32
        %dma_wait3A_851 = arith.constant 0 : i32
        %dma_wait3A_852 = tpu.memref_slice %arg9[%dma_wait3A_850, %dma_wait3A_851] : memref<2048x64xf32, #tpu.memory_space<vmem_shared>> -> memref<2048x64xf32, #tpu.memory_space<vmem_shared>>
        tpu.wait_indirect_dma semaphore(%arg14 : memref<!tpu.dma_semaphore, #tpu.memory_space<semaphore_mem>>) src(%dma_wait3A_846 : memref<200x64xf32, #tpu.memory_space<vmem>>) dst(%dma_wait3A_852 : memref<2048x64xf32, #tpu.memory_space<vmem_shared>>)
      } else {
      }
      %lt3A_710 = arith.constant 128 : i32
      %lt3A_711 = arith.cmpi slt, %add3A_704, %lt3A_710 : i32
      %convert_element_type3A_712 = arith.extui %lt3A_711 : i1 to i32
      %cond3A_713 = arith.constant 0 : i32
      %cond3A_714 = arith.cmpi ne, %convert_element_type3A_712, %cond3A_713 : i32
      scf.if %cond3A_714 {
        %scan3A_841 = arith.constant 0 : i32
        %scan3A_842 = arith.constant 0 : i32
        %scan3A_843 = arith.constant 12 : i32
        %scan3A_844 = arith.addi %scan3A_842, %scan3A_843 : i32
        %scan3A_845 = arith.constant 1 : i32
        scf.for %scan3A_979 = %scan3A_842 to %scan3A_844 step %scan3A_845  : i32 {
          %mul3A_980 = arith.constant 16 : i32
          %mul3A_981 = arith.muli %scan3A_979, %mul3A_980 : i32
          %get3A_982 = arith.index_cast %add3A_704 : i32 to index
          %get3A_983 = arith.index_cast %mul3A_981 : i32 to index
          %get3A_984 = tpu.vector_load %arg5[%get3A_982, %get3A_983] {strides = array<i32>} : memref<128x200xi32, #tpu.memory_space<vmem>>, vector<1x16xi32>,
          %get3A_985 = vector.shape_cast %get3A_984 : vector<1x16xi32> to vector<16xi32>
          %mul3A_986 = arith.constant 16 : i32
          %mul3A_987 = arith.muli %scan3A_979, %mul3A_986 : i32
          %add3A_988 = arith.constant 0 : i32
          %add3A_989 = arith.addi %mul3A_987, %add3A_988 : i32
          %slice3A_990 = vector.extract_strided_slice %get3A_985 {offsets = [0], sizes = [1], strides = [1]} : vector<16xi32> to vector<1xi32>
          %squeeze3A_991 = vector.extract %slice3A_990[0] : i32 from vector<1xi32>
          %dma_start3A_992 = arith.constant 0 : i32
          %dma_start3A_993 = arith.constant 0 : i32
          %dma_start3A_994 = tpu.memref_slice %arg6[%dma_start3A_992, %add3A_989, %dma_start3A_993] : memref<4x200x64xf32, #tpu.memory_space<vmem>> -> memref<1x1x64xf32, #tpu.memory_space<vmem>>
          %dma_start3A_995 = tpu.memref_squeeze %dma_start3A_994 : memref<1x1x64xf32, #tpu.memory_space<vmem>> -> memref<64xf32, #tpu.memory_space<vmem>>
          %dma_start3A_996 = arith.constant 0 : i32
          %dma_start3A_997 = tpu.memref_slice %arg3[%squeeze3A_991, %dma_start3A_996] : memref<1000000x64xf32, #tpu.memory_space<hbm>> -> memref<1x64xf32, #tpu.memory_space<hbm>>
          %dma_start3A_998 = tpu.memref_squeeze %dma_start3A_997 : memref<1x64xf32, #tpu.memory_space<hbm>> -> memref<64xf32, #tpu.memory_space<hbm>>
          %dma_start3A_999 = arith.constant 0 : i32
          %dma_start3A_1000 = tpu.memref_slice %arg6[%dma_start3A_992, %add3A_989, %dma_start3A_999] : memref<4x200x64xf32, #tpu.memory_space<vmem>> -> memref<1x1x64xf32, #tpu.memory_space<vmem>>
          %dma_start3A_1001 = tpu.memref_squeeze %dma_start3A_1000 : memref<1x1x64xf32, #tpu.memory_space<vmem>> -> memref<64xf32, #tpu.memory_space<vmem>>
          %dma_start3A_1002 = arith.constant 0 : i32
          %dma_start3A_1003 = tpu.memref_slice %arg3[%squeeze3A_991, %dma_start3A_1002] : memref<1000000x64xf32, #tpu.memory_space<hbm>> -> memref<1x64xf32, #tpu.memory_space<hbm>>
          %dma_start3A_1004 = tpu.memref_squeeze %dma_start3A_1003 : memref<1x64xf32, #tpu.memory_space<hbm>> -> memref<64xf32, #tpu.memory_space<hbm>>
          tpu.enqueue_dma source(%dma_start3A_1004 : memref<64xf32, #tpu.memory_space<hbm>>) target(%dma_start3A_1001 : memref<64xf32, #tpu.memory_space<vmem>>) target_semaphore(%arg10 : memref<!tpu.dma_semaphore, #tpu.memory_space<semaphore_mem>>)
          %mul3A_1005 = arith.constant 16 : i32
          %mul3A_1006 = arith.muli %scan3A_979, %mul3A_1005 : i32
          %add3A_1007 = arith.constant 1 : i32
          %add3A_1008 = arith.addi %mul3A_1006, %add3A_1007 : i32
          %slice3A_1009 = vector.extract_strided_slice %get3A_985 {offsets = [1], sizes = [1], strides = [1]} : vector<16xi32> to vector<1xi32>
          %squeeze3A_1010 = vector.extract %slice3A_1009[0] : i32 from vector<1xi32>
          %dma_start3A_1011 = arith.constant 0 : i32
          %dma_start3A_1012 = arith.constant 0 : i32
          %dma_start3A_1013 = tpu.memref_slice %arg6[%dma_start3A_1011, %add3A_1008, %dma_start3A_1012] : memref<4x200x64xf32, #tpu.memory_space<vmem>> -> memref<1x1x64xf32, #tpu.memory_space<vmem>>
          %dma_start3A_1014 = tpu.memref_squeeze %dma_start3A_1013 : memref<1x1x64xf32, #tpu.memory_space<vmem>> -> memref<64xf32, #tpu.memory_space<vmem>>
          %dma_start3A_1015 = arith.constant 0 : i32
          %dma_start3A_1016 = tpu.memref_slice %arg3[%squeeze3A_1010, %dma_start3A_1015] : memref<1000000x64xf32, #tpu.memory_space<hbm>> -> memref<1x64xf32, #tpu.memory_space<hbm>>
          %dma_start3A_1017 = tpu.memref_squeeze %dma_start3A_1016 : memref<1x64xf32, #tpu.memory_space<hbm>> -> memref<64xf32, #tpu.memory_space<hbm>>
          %dma_start3A_1018 = arith.constant 0 : i32
          %dma_start3A_1019 = tpu.memref_slice %arg6[%dma_start3A_1011, %add3A_1008, %dma_start3A_1018] : memref<4x200x64xf32, #tpu.memory_space<vmem>> -> memref<1x1x64xf32, #tpu.memory_space<vmem>>
          %dma_start3A_1020 = tpu.memref_squeeze %dma_start3A_1019 : memref<1x1x64xf32, #tpu.memory_space<vmem>> -> memref<64xf32, #tpu.memory_space<vmem>>
          %dma_start3A_1021 = arith.constant 0 : i32
          %dma_start3A_1022 = tpu.memref_slice %arg3[%squeeze3A_1010, %dma_start3A_1021] : memref<1000000x64xf32, #tpu.memory_space<hbm>> -> memref<1x64xf32, #tpu.memory_space<hbm>>
          %dma_start3A_1023 = tpu.memref_squeeze %dma_start3A_1022 : memref<1x64xf32, #tpu.memory_space<hbm>> -> memref<64xf32, #tpu.memory_space<hbm>>
          tpu.enqueue_dma source(%dma_start3A_1023 : memref<64xf32, #tpu.memory_space<hbm>>) target(%dma_start3A_1020 : memref<64xf32, #tpu.memory_space<vmem>>) target_semaphore(%arg10 : memref<!tpu.dma_semaphore, #tpu.memory_space<semaphore_mem>>)
          %mul3A_1024 = arith.constant 16 : i32
          %mul3A_1025 = arith.muli %scan3A_979, %mul3A_1024 : i32
          %add3A_1026 = arith.constant 2 : i32
          %add3A_1027 = arith.addi %mul3A_1025, %add3A_1026 : i32
          %slice3A_1028 = vector.extract_strided_slice %get3A_985 {offsets = [2], sizes = [1], strides = [1]} : vector<16xi32> to vector<1xi32>
          %squeeze3A_1029 = vector.extract %slice3A_1028[0] : i32 from vector<1xi32>
          %dma_start3A_1030 = arith.constant 0 : i32
          %dma_start3A_1031 = arith.constant 0 : i32
          %dma_start3A_1032 = tpu.memref_slice %arg6[%dma_start3A_1030, %add3A_1027, %dma_start3A_1031] : memref<4x200x64xf32, #tpu.memory_space<vmem>> -> memref<1x1x64xf32, #tpu.memory_space<vmem>>
          %dma_start3A_1033 = tpu.memref_squeeze %dma_start3A_1032 : memref<1x1x64xf32, #tpu.memory_space<vmem>> -> memref<64xf32, #tpu.memory_space<vmem>>
          %dma_start3A_1034 = arith.constant 0 : i32
          %dma_start3A_1035 = tpu.memref_slice %arg3[%squeeze3A_1029, %dma_start3A_1034] : memref<1000000x64xf32, #tpu.memory_space<hbm>> -> memref<1x64xf32, #tpu.memory_space<hbm>>
          %dma_start3A_1036 = tpu.memref_squeeze %dma_start3A_1035 : memref<1x64xf32, #tpu.memory_space<hbm>> -> memref<64xf32, #tpu.memory_space<hbm>>
          %dma_start3A_1037 = arith.constant 0 : i32
          %dma_start3A_1038 = tpu.memref_slice %arg6[%dma_start3A_1030, %add3A_1027, %dma_start3A_1037] : memref<4x200x64xf32, #tpu.memory_space<vmem>> -> memref<1x1x64xf32, #tpu.memory_space<vmem>>
          %dma_start3A_1039 = tpu.memref_squeeze %dma_start3A_1038 : memref<1x1x64xf32, #tpu.memory_space<vmem>> -> memref<64xf32, #tpu.memory_space<vmem>>
          %dma_start3A_1040 = arith.constant 0 : i32
          %dma_start3A_1041 = tpu.memref_slice %arg3[%squeeze3A_1029, %dma_start3A_1040] : memref<1000000x64xf32, #tpu.memory_space<hbm>> -> memref<1x64xf32, #tpu.memory_space<hbm>>
          %dma_start3A_1042 = tpu.memref_squeeze %dma_start3A_1041 : memref<1x64xf32, #tpu.memory_space<hbm>> -> memref<64xf32, #tpu.memory_space<hbm>>
          tpu.enqueue_dma source(%dma_start3A_1042 : memref<64xf32, #tpu.memory_space<hbm>>) target(%dma_start3A_1039 : memref<64xf32, #tpu.memory_space<vmem>>) target_semaphore(%arg10 : memref<!tpu.dma_semaphore, #tpu.memory_space<semaphore_mem>>)
          %mul3A_1043 = arith.constant 16 : i32
          %mul3A_1044 = arith.muli %scan3A_979, %mul3A_1043 : i32
          %add3A_1045 = arith.constant 3 : i32
          %add3A_1046 = arith.addi %mul3A_1044, %add3A_1045 : i32
          %slice3A_1047 = vector.extract_strided_slice %get3A_985 {offsets = [3], sizes = [1], strides = [1]} : vector<16xi32> to vector<1xi32>
          %squeeze3A_1048 = vector.extract %slice3A_1047[0] : i32 from vector<1xi32>
          %dma_start3A_1049 = arith.constant 0 : i32
          %dma_start3A_1050 = arith.constant 0 : i32
          %dma_start3A_1051 = tpu.memref_slice %arg6[%dma_start3A_1049, %add3A_1046, %dma_start3A_1050] : memref<4x200x64xf32, #tpu.memory_space<vmem>> -> memref<1x1x64xf32, #tpu.memory_space<vmem>>
          %dma_start3A_1052 = tpu.memref_squeeze %dma_start3A_1051 : memref<1x1x64xf32, #tpu.memory_space<vmem>> -> memref<64xf32, #tpu.memory_space<vmem>>
          %dma_start3A_1053 = arith.constant 0 : i32
          %dma_start3A_1054 = tpu.memref_slice %arg3[%squeeze3A_1048, %dma_start3A_1053] : memref<1000000x64xf32, #tpu.memory_space<hbm>> -> memref<1x64xf32, #tpu.memory_space<hbm>>
          %dma_start3A_1055 = tpu.memref_squeeze %dma_start3A_1054 : memref<1x64xf32, #tpu.memory_space<hbm>> -> memref<64xf32, #tpu.memory_space<hbm>>
          %dma_start3A_1056 = arith.constant 0 : i32
          %dma_start3A_1057 = tpu.memref_slice %arg6[%dma_start3A_1049, %add3A_1046, %dma_start3A_1056] : memref<4x200x64xf32, #tpu.memory_space<vmem>> -> memref<1x1x64xf32, #tpu.memory_space<vmem>>
          %dma_start3A_1058 = tpu.memref_squeeze %dma_start3A_1057 : memref<1x1x64xf32, #tpu.memory_space<vmem>> -> memref<64xf32, #tpu.memory_space<vmem>>
          %dma_start3A_1059 = arith.constant 0 : i32
          %dma_start3A_1060 = tpu.memref_slice %arg3[%squeeze3A_1048, %dma_start3A_1059] : memref<1000000x64xf32, #tpu.memory_space<hbm>> -> memref<1x64xf32, #tpu.memory_space<hbm>>
          %dma_start3A_1061 = tpu.memref_squeeze %dma_start3A_1060 : memref<1x64xf32, #tpu.memory_space<hbm>> -> memref<64xf32, #tpu.memory_space<hbm>>
          tpu.enqueue_dma source(%dma_start3A_1061 : memref<64xf32, #tpu.memory_space<hbm>>) target(%dma_start3A_1058 : memref<64xf32, #tpu.memory_space<vmem>>) target_semaphore(%arg10 : memref<!tpu.dma_semaphore, #tpu.memory_space<semaphore_mem>>)
          %mul3A_1062 = arith.constant 16 : i32
          %mul3A_1063 = arith.muli %scan3A_979, %mul3A_1062 : i32
          %add3A_1064 = arith.constant 4 : i32
          %add3A_1065 = arith.addi %mul3A_1063, %add3A_1064 : i32
          %slice3A_1066 = vector.extract_strided_slice %get3A_985 {offsets = [4], sizes = [1], strides = [1]} : vector<16xi32> to vector<1xi32>
          %squeeze3A_1067 = vector.extract %slice3A_1066[0] : i32 from vector<1xi32>
          %dma_start3A_1068 = arith.constant 0 : i32
          %dma_start3A_1069 = arith.constant 0 : i32
          %dma_start3A_1070 = tpu.memref_slice %arg6[%dma_start3A_1068, %add3A_1065, %dma_start3A_1069] : memref<4x200x64xf32, #tpu.memory_space<vmem>> -> memref<1x1x64xf32, #tpu.memory_space<vmem>>
          %dma_start3A_1071 = tpu.memref_squeeze %dma_start3A_1070 : memref<1x1x64xf32, #tpu.memory_space<vmem>> -> memref<64xf32, #tpu.memory_space<vmem>>
          %dma_start3A_1072 = arith.constant 0 : i32
          %dma_start3A_1073 = tpu.memref_slice %arg3[%squeeze3A_1067, %dma_start3A_1072] : memref<1000000x64xf32, #tpu.memory_space<hbm>> -> memref<1x64xf32, #tpu.memory_space<hbm>>
          %dma_start3A_1074 = tpu.memref_squeeze %dma_start3A_1073 : memref<1x64xf32, #tpu.memory_space<hbm>> -> memref<64xf32, #tpu.memory_space<hbm>>
          %dma_start3A_1075 = arith.constant 0 : i32
          %dma_start3A_1076 = tpu.memref_slice %arg6[%dma_start3A_1068, %add3A_1065, %dma_start3A_1075] : memref<4x200x64xf32, #tpu.memory_space<vmem>> -> memref<1x1x64xf32, #tpu.memory_space<vmem>>
          %dma_start3A_1077 = tpu.memref_squeeze %dma_start3A_1076 : memref<1x1x64xf32, #tpu.memory_space<vmem>> -> memref<64xf32, #tpu.memory_space<vmem>>
          %dma_start3A_1078 = arith.constant 0 : i32
          %dma_start3A_1079 = tpu.memref_slice %arg3[%squeeze3A_1067, %dma_start3A_1078] : memref<1000000x64xf32, #tpu.memory_space<hbm>> -> memref<1x64xf32, #tpu.memory_space<hbm>>
          %dma_start3A_1080 = tpu.memref_squeeze %dma_start3A_1079 : memref<1x64xf32, #tpu.memory_space<hbm>> -> memref<64xf32, #tpu.memory_space<hbm>>
          tpu.enqueue_dma source(%dma_start3A_1080 : memref<64xf32, #tpu.memory_space<hbm>>) target(%dma_start3A_1077 : memref<64xf32, #tpu.memory_space<vmem>>) target_semaphore(%arg10 : memref<!tpu.dma_semaphore, #tpu.memory_space<semaphore_mem>>)
          %mul3A_1081 = arith.constant 16 : i32
          %mul3A_1082 = arith.muli %scan3A_979, %mul3A_1081 : i32
          %add3A_1083 = arith.constant 5 : i32
          %add3A_1084 = arith.addi %mul3A_1082, %add3A_1083 : i32
          %slice3A_1085 = vector.extract_strided_slice %get3A_985 {offsets = [5], sizes = [1], strides = [1]} : vector<16xi32> to vector<1xi32>
          %squeeze3A_1086 = vector.extract %slice3A_1085[0] : i32 from vector<1xi32>
          %dma_start3A_1087 = arith.constant 0 : i32
          %dma_start3A_1088 = arith.constant 0 : i32
          %dma_start3A_1089 = tpu.memref_slice %arg6[%dma_start3A_1087, %add3A_1084, %dma_start3A_1088] : memref<4x200x64xf32, #tpu.memory_space<vmem>> -> memref<1x1x64xf32, #tpu.memory_space<vmem>>
          %dma_start3A_1090 = tpu.memref_squeeze %dma_start3A_1089 : memref<1x1x64xf32, #tpu.memory_space<vmem>> -> memref<64xf32, #tpu.memory_space<vmem>>
          %dma_start3A_1091 = arith.constant 0 : i32
          %dma_start3A_1092 = tpu.memref_slice %arg3[%squeeze3A_1086, %dma_start3A_1091] : memref<1000000x64xf32, #tpu.memory_space<hbm>> -> memref<1x64xf32, #tpu.memory_space<hbm>>
          %dma_start3A_1093 = tpu.memref_squeeze %dma_start3A_1092 : memref<1x64xf32, #tpu.memory_space<hbm>> -> memref<64xf32, #tpu.memory_space<hbm>>
          %dma_start3A_1094 = arith.constant 0 : i32
          %dma_start3A_1095 = tpu.memref_slice %arg6[%dma_start3A_1087, %add3A_1084, %dma_start3A_1094] : memref<4x200x64xf32, #tpu.memory_space<vmem>> -> memref<1x1x64xf32, #tpu.memory_space<vmem>>
          %dma_start3A_1096 = tpu.memref_squeeze %dma_start3A_1095 : memref<1x1x64xf32, #tpu.memory_space<vmem>> -> memref<64xf32, #tpu.memory_space<vmem>>
          %dma_start3A_1097 = arith.constant 0 : i32
          %dma_start3A_1098 = tpu.memref_slice %arg3[%squeeze3A_1086, %dma_start3A_1097] : memref<1000000x64xf32, #tpu.memory_space<hbm>> -> memref<1x64xf32, #tpu.memory_space<hbm>>
          %dma_start3A_1099 = tpu.memref_squeeze %dma_start3A_1098 : memref<1x64xf32, #tpu.memory_space<hbm>> -> memref<64xf32, #tpu.memory_space<hbm>>
          tpu.enqueue_dma source(%dma_start3A_1099 : memref<64xf32, #tpu.memory_space<hbm>>) target(%dma_start3A_1096 : memref<64xf32, #tpu.memory_space<vmem>>) target_semaphore(%arg10 : memref<!tpu.dma_semaphore, #tpu.memory_space<semaphore_mem>>)
          %mul3A_1100 = arith.constant 16 : i32
          %mul3A_1101 = arith.muli %scan3A_979, %mul3A_1100 : i32
          %add3A_1102 = arith.constant 6 : i32
          %add3A_1103 = arith.addi %mul3A_1101, %add3A_1102 : i32
          %slice3A_1104 = vector.extract_strided_slice %get3A_985 {offsets = [6], sizes = [1], strides = [1]} : vector<16xi32> to vector<1xi32>
          %squeeze3A_1105 = vector.extract %slice3A_1104[0] : i32 from vector<1xi32>
          %dma_start3A_1106 = arith.constant 0 : i32
          %dma_start3A_1107 = arith.constant 0 : i32
          %dma_start3A_1108 = tpu.memref_slice %arg6[%dma_start3A_1106, %add3A_1103, %dma_start3A_1107] : memref<4x200x64xf32, #tpu.memory_space<vmem>> -> memref<1x1x64xf32, #tpu.memory_space<vmem>>
          %dma_start3A_1109 = tpu.memref_squeeze %dma_start3A_1108 : memref<1x1x64xf32, #tpu.memory_space<vmem>> -> memref<64xf32, #tpu.memory_space<vmem>>
          %dma_start3A_1110 = arith.constant 0 : i32
          %dma_start3A_1111 = tpu.memref_slice %arg3[%squeeze3A_1105, %dma_start3A_1110] : memref<1000000x64xf32, #tpu.memory_space<hbm>> -> memref<1x64xf32, #tpu.memory_space<hbm>>
          %dma_start3A_1112 = tpu.memref_squeeze %dma_start3A_1111 : memref<1x64xf32, #tpu.memory_space<hbm>> -> memref<64xf32, #tpu.memory_space<hbm>>
          %dma_start3A_1113 = arith.constant 0 : i32
          %dma_start3A_1114 = tpu.memref_slice %arg6[%dma_start3A_1106, %add3A_1103, %dma_start3A_1113] : memref<4x200x64xf32, #tpu.memory_space<vmem>> -> memref<1x1x64xf32, #tpu.memory_space<vmem>>
          %dma_start3A_1115 = tpu.memref_squeeze %dma_start3A_1114 : memref<1x1x64xf32, #tpu.memory_space<vmem>> -> memref<64xf32, #tpu.memory_space<vmem>>
          %dma_start3A_1116 = arith.constant 0 : i32
          %dma_start3A_1117 = tpu.memref_slice %arg3[%squeeze3A_1105, %dma_start3A_1116] : memref<1000000x64xf32, #tpu.memory_space<hbm>> -> memref<1x64xf32, #tpu.memory_space<hbm>>
          %dma_start3A_1118 = tpu.memref_squeeze %dma_start3A_1117 : memref<1x64xf32, #tpu.memory_space<hbm>> -> memref<64xf32, #tpu.memory_space<hbm>>
          tpu.enqueue_dma source(%dma_start3A_1118 : memref<64xf32, #tpu.memory_space<hbm>>) target(%dma_start3A_1115 : memref<64xf32, #tpu.memory_space<vmem>>) target_semaphore(%arg10 : memref<!tpu.dma_semaphore, #tpu.memory_space<semaphore_mem>>)
          %mul3A_1119 = arith.constant 16 : i32
          %mul3A_1120 = arith.muli %scan3A_979, %mul3A_1119 : i32
          %add3A_1121 = arith.constant 7 : i32
          %add3A_1122 = arith.addi %mul3A_1120, %add3A_1121 : i32
          %slice3A_1123 = vector.extract_strided_slice %get3A_985 {offsets = [7], sizes = [1], strides = [1]} : vector<16xi32> to vector<1xi32>
          %squeeze3A_1124 = vector.extract %slice3A_1123[0] : i32 from vector<1xi32>
          %dma_start3A_1125 = arith.constant 0 : i32
          %dma_start3A_1126 = arith.constant 0 : i32
          %dma_start3A_1127 = tpu.memref_slice %arg6[%dma_start3A_1125, %add3A_1122, %dma_start3A_1126] : memref<4x200x64xf32, #tpu.memory_space<vmem>> -> memref<1x1x64xf32, #tpu.memory_space<vmem>>
          %dma_start3A_1128 = tpu.memref_squeeze %dma_start3A_1127 : memref<1x1x64xf32, #tpu.memory_space<vmem>> -> memref<64xf32, #tpu.memory_space<vmem>>
          %dma_start3A_1129 = arith.constant 0 : i32
          %dma_start3A_1130 = tpu.memref_slice %arg3[%squeeze3A_1124, %dma_start3A_1129] : memref<1000000x64xf32, #tpu.memory_space<hbm>> -> memref<1x64xf32, #tpu.memory_space<hbm>>
          %dma_start3A_1131 = tpu.memref_squeeze %dma_start3A_1130 : memref<1x64xf32, #tpu.memory_space<hbm>> -> memref<64xf32, #tpu.memory_space<hbm>>
          %dma_start3A_1132 = arith.constant 0 : i32
          %dma_start3A_1133 = tpu.memref_slice %arg6[%dma_start3A_1125, %add3A_1122, %dma_start3A_1132] : memref<4x200x64xf32, #tpu.memory_space<vmem>> -> memref<1x1x64xf32, #tpu.memory_space<vmem>>
          %dma_start3A_1134 = tpu.memref_squeeze %dma_start3A_1133 : memref<1x1x64xf32, #tpu.memory_space<vmem>> -> memref<64xf32, #tpu.memory_space<vmem>>
          %dma_start3A_1135 = arith.constant 0 : i32
          %dma_start3A_1136 = tpu.memref_slice %arg3[%squeeze3A_1124, %dma_start3A_1135] : memref<1000000x64xf32, #tpu.memory_space<hbm>> -> memref<1x64xf32, #tpu.memory_space<hbm>>
          %dma_start3A_1137 = tpu.memref_squeeze %dma_start3A_1136 : memref<1x64xf32, #tpu.memory_space<hbm>> -> memref<64xf32, #tpu.memory_space<hbm>>
          tpu.enqueue_dma source(%dma_start3A_1137 : memref<64xf32, #tpu.memory_space<hbm>>) target(%dma_start3A_1134 : memref<64xf32, #tpu.memory_space<vmem>>) target_semaphore(%arg10 : memref<!tpu.dma_semaphore, #tpu.memory_space<semaphore_mem>>)
          %mul3A_1138 = arith.constant 16 : i32
          %mul3A_1139 = arith.muli %scan3A_979, %mul3A_1138 : i32
          %add3A_1140 = arith.constant 8 : i32
          %add3A_1141 = arith.addi %mul3A_1139, %add3A_1140 : i32
          %slice3A_1142 = vector.extract_strided_slice %get3A_985 {offsets = [8], sizes = [1], strides = [1]} : vector<16xi32> to vector<1xi32>
          %squeeze3A_1143 = vector.extract %slice3A_1142[0] : i32 from vector<1xi32>
          %dma_start3A_1144 = arith.constant 0 : i32
          %dma_start3A_1145 = arith.constant 0 : i32
          %dma_start3A_1146 = tpu.memref_slice %arg6[%dma_start3A_1144, %add3A_1141, %dma_start3A_1145] : memref<4x200x64xf32, #tpu.memory_space<vmem>> -> memref<1x1x64xf32, #tpu.memory_space<vmem>>
          %dma_start3A_1147 = tpu.memref_squeeze %dma_start3A_1146 : memref<1x1x64xf32, #tpu.memory_space<vmem>> -> memref<64xf32, #tpu.memory_space<vmem>>
          %dma_start3A_1148 = arith.constant 0 : i32
          %dma_start3A_1149 = tpu.memref_slice %arg3[%squeeze3A_1143, %dma_start3A_1148] : memref<1000000x64xf32, #tpu.memory_space<hbm>> -> memref<1x64xf32, #tpu.memory_space<hbm>>
          %dma_start3A_1150 = tpu.memref_squeeze %dma_start3A_1149 : memref<1x64xf32, #tpu.memory_space<hbm>> -> memref<64xf32, #tpu.memory_space<hbm>>
          %dma_start3A_1151 = arith.constant 0 : i32
          %dma_start3A_1152 = tpu.memref_slice %arg6[%dma_start3A_1144, %add3A_1141, %dma_start3A_1151] : memref<4x200x64xf32, #tpu.memory_space<vmem>> -> memref<1x1x64xf32, #tpu.memory_space<vmem>>
          %dma_start3A_1153 = tpu.memref_squeeze %dma_start3A_1152 : memref<1x1x64xf32, #tpu.memory_space<vmem>> -> memref<64xf32, #tpu.memory_space<vmem>>
          %dma_start3A_1154 = arith.constant 0 : i32
          %dma_start3A_1155 = tpu.memref_slice %arg3[%squeeze3A_1143, %dma_start3A_1154] : memref<1000000x64xf32, #tpu.memory_space<hbm>> -> memref<1x64xf32, #tpu.memory_space<hbm>>
          %dma_start3A_1156 = tpu.memref_squeeze %dma_start3A_1155 : memref<1x64xf32, #tpu.memory_space<hbm>> -> memref<64xf32, #tpu.memory_space<hbm>>
          tpu.enqueue_dma source(%dma_start3A_1156 : memref<64xf32, #tpu.memory_space<hbm>>) target(%dma_start3A_1153 : memref<64xf32, #tpu.memory_space<vmem>>) target_semaphore(%arg10 : memref<!tpu.dma_semaphore, #tpu.memory_space<semaphore_mem>>)
          %mul3A_1157 = arith.constant 16 : i32
          %mul3A_1158 = arith.muli %scan3A_979, %mul3A_1157 : i32
          %add3A_1159 = arith.constant 9 : i32
          %add3A_1160 = arith.addi %mul3A_1158, %add3A_1159 : i32
          %slice3A_1161 = vector.extract_strided_slice %get3A_985 {offsets = [9], sizes = [1], strides = [1]} : vector<16xi32> to vector<1xi32>
          %squeeze3A_1162 = vector.extract %slice3A_1161[0] : i32 from vector<1xi32>
          %dma_start3A_1163 = arith.constant 0 : i32
          %dma_start3A_1164 = arith.constant 0 : i32
          %dma_start3A_1165 = tpu.memref_slice %arg6[%dma_start3A_1163, %add3A_1160, %dma_start3A_1164] : memref<4x200x64xf32, #tpu.memory_space<vmem>> -> memref<1x1x64xf32, #tpu.memory_space<vmem>>
          %dma_start3A_1166 = tpu.memref_squeeze %dma_start3A_1165 : memref<1x1x64xf32, #tpu.memory_space<vmem>> -> memref<64xf32, #tpu.memory_space<vmem>>
          %dma_start3A_1167 = arith.constant 0 : i32
          %dma_start3A_1168 = tpu.memref_slice %arg3[%squeeze3A_1162, %dma_start3A_1167] : memref<1000000x64xf32, #tpu.memory_space<hbm>> -> memref<1x64xf32, #tpu.memory_space<hbm>>
          %dma_start3A_1169 = tpu.memref_squeeze %dma_start3A_1168 : memref<1x64xf32, #tpu.memory_space<hbm>> -> memref<64xf32, #tpu.memory_space<hbm>>
          %dma_start3A_1170 = arith.constant 0 : i32
          %dma_start3A_1171 = tpu.memref_slice %arg6[%dma_start3A_1163, %add3A_1160, %dma_start3A_1170] : memref<4x200x64xf32, #tpu.memory_space<vmem>> -> memref<1x1x64xf32, #tpu.memory_space<vmem>>
          %dma_start3A_1172 = tpu.memref_squeeze %dma_start3A_1171 : memref<1x1x64xf32, #tpu.memory_space<vmem>> -> memref<64xf32, #tpu.memory_space<vmem>>
          %dma_start3A_1173 = arith.constant 0 : i32
          %dma_start3A_1174 = tpu.memref_slice %arg3[%squeeze3A_1162, %dma_start3A_1173] : memref<1000000x64xf32, #tpu.memory_space<hbm>> -> memref<1x64xf32, #tpu.memory_space<hbm>>
          %dma_start3A_1175 = tpu.memref_squeeze %dma_start3A_1174 : memref<1x64xf32, #tpu.memory_space<hbm>> -> memref<64xf32, #tpu.memory_space<hbm>>
          tpu.enqueue_dma source(%dma_start3A_1175 : memref<64xf32, #tpu.memory_space<hbm>>) target(%dma_start3A_1172 : memref<64xf32, #tpu.memory_space<vmem>>) target_semaphore(%arg10 : memref<!tpu.dma_semaphore, #tpu.memory_space<semaphore_mem>>)
          %mul3A_1176 = arith.constant 16 : i32
          %mul3A_1177 = arith.muli %scan3A_979, %mul3A_1176 : i32
          %add3A_1178 = arith.constant 10 : i32
          %add3A_1179 = arith.addi %mul3A_1177, %add3A_1178 : i32
          %slice3A_1180 = vector.extract_strided_slice %get3A_985 {offsets = [10], sizes = [1], strides = [1]} : vector<16xi32> to vector<1xi32>
          %squeeze3A_1181 = vector.extract %slice3A_1180[0] : i32 from vector<1xi32>
          %dma_start3A_1182 = arith.constant 0 : i32
          %dma_start3A_1183 = arith.constant 0 : i32
          %dma_start3A_1184 = tpu.memref_slice %arg6[%dma_start3A_1182, %add3A_1179, %dma_start3A_1183] : memref<4x200x64xf32, #tpu.memory_space<vmem>> -> memref<1x1x64xf32, #tpu.memory_space<vmem>>
          %dma_start3A_1185 = tpu.memref_squeeze %dma_start3A_1184 : memref<1x1x64xf32, #tpu.memory_space<vmem>> -> memref<64xf32, #tpu.memory_space<vmem>>
          %dma_start3A_1186 = arith.constant 0 : i32
          %dma_start3A_1187 = tpu.memref_slice %arg3[%squeeze3A_1181, %dma_start3A_1186] : memref<1000000x64xf32, #tpu.memory_space<hbm>> -> memref<1x64xf32, #tpu.memory_space<hbm>>
          %dma_start3A_1188 = tpu.memref_squeeze %dma_start3A_1187 : memref<1x64xf32, #tpu.memory_space<hbm>> -> memref<64xf32, #tpu.memory_space<hbm>>
          %dma_start3A_1189 = arith.constant 0 : i32
          %dma_start3A_1190 = tpu.memref_slice %arg6[%dma_start3A_1182, %add3A_1179, %dma_start3A_1189] : memref<4x200x64xf32, #tpu.memory_space<vmem>> -> memref<1x1x64xf32, #tpu.memory_space<vmem>>
          %dma_start3A_1191 = tpu.memref_squeeze %dma_start3A_1190 : memref<1x1x64xf32, #tpu.memory_space<vmem>> -> memref<64xf32, #tpu.memory_space<vmem>>
          %dma_start3A_1192 = arith.constant 0 : i32
          %dma_start3A_1193 = tpu.memref_slice %arg3[%squeeze3A_1181, %dma_start3A_1192] : memref<1000000x64xf32, #tpu.memory_space<hbm>> -> memref<1x64xf32, #tpu.memory_space<hbm>>
          %dma_start3A_1194 = tpu.memref_squeeze %dma_start3A_1193 : memref<1x64xf32, #tpu.memory_space<hbm>> -> memref<64xf32, #tpu.memory_space<hbm>>
          tpu.enqueue_dma source(%dma_start3A_1194 : memref<64xf32, #tpu.memory_space<hbm>>) target(%dma_start3A_1191 : memref<64xf32, #tpu.memory_space<vmem>>) target_semaphore(%arg10 : memref<!tpu.dma_semaphore, #tpu.memory_space<semaphore_mem>>)
          %mul3A_1195 = arith.constant 16 : i32
          %mul3A_1196 = arith.muli %scan3A_979, %mul3A_1195 : i32
          %add3A_1197 = arith.constant 11 : i32
          %add3A_1198 = arith.addi %mul3A_1196, %add3A_1197 : i32
          %slice3A_1199 = vector.extract_strided_slice %get3A_985 {offsets = [11], sizes = [1], strides = [1]} : vector<16xi32> to vector<1xi32>
          %squeeze3A_1200 = vector.extract %slice3A_1199[0] : i32 from vector<1xi32>
          %dma_start3A_1201 = arith.constant 0 : i32
          %dma_start3A_1202 = arith.constant 0 : i32
          %dma_start3A_1203 = tpu.memref_slice %arg6[%dma_start3A_1201, %add3A_1198, %dma_start3A_1202] : memref<4x200x64xf32, #tpu.memory_space<vmem>> -> memref<1x1x64xf32, #tpu.memory_space<vmem>>
          %dma_start3A_1204 = tpu.memref_squeeze %dma_start3A_1203 : memref<1x1x64xf32, #tpu.memory_space<vmem>> -> memref<64xf32, #tpu.memory_space<vmem>>
          %dma_start3A_1205 = arith.constant 0 : i32
          %dma_start3A_1206 = tpu.memref_slice %arg3[%squeeze3A_1200, %dma_start3A_1205] : memref<1000000x64xf32, #tpu.memory_space<hbm>> -> memref<1x64xf32, #tpu.memory_space<hbm>>
          %dma_start3A_1207 = tpu.memref_squeeze %dma_start3A_1206 : memref<1x64xf32, #tpu.memory_space<hbm>> -> memref<64xf32, #tpu.memory_space<hbm>>
          %dma_start3A_1208 = arith.constant 0 : i32
          %dma_start3A_1209 = tpu.memref_slice %arg6[%dma_start3A_1201, %add3A_1198, %dma_start3A_1208] : memref<4x200x64xf32, #tpu.memory_space<vmem>> -> memref<1x1x64xf32, #tpu.memory_space<vmem>>
          %dma_start3A_1210 = tpu.memref_squeeze %dma_start3A_1209 : memref<1x1x64xf32, #tpu.memory_space<vmem>> -> memref<64xf32, #tpu.memory_space<vmem>>
          %dma_start3A_1211 = arith.constant 0 : i32
          %dma_start3A_1212 = tpu.memref_slice %arg3[%squeeze3A_1200, %dma_start3A_1211] : memref<1000000x64xf32, #tpu.memory_space<hbm>> -> memref<1x64xf32, #tpu.memory_space<hbm>>
          %dma_start3A_1213 = tpu.memref_squeeze %dma_start3A_1212 : memref<1x64xf32, #tpu.memory_space<hbm>> -> memref<64xf32, #tpu.memory_space<hbm>>
          tpu.enqueue_dma source(%dma_start3A_1213 : memref<64xf32, #tpu.memory_space<hbm>>) target(%dma_start3A_1210 : memref<64xf32, #tpu.memory_space<vmem>>) target_semaphore(%arg10 : memref<!tpu.dma_semaphore, #tpu.memory_space<semaphore_mem>>)
          %mul3A_1214 = arith.constant 16 : i32
          %mul3A_1215 = arith.muli %scan3A_979, %mul3A_1214 : i32
          %add3A_1216 = arith.constant 12 : i32
          %add3A_1217 = arith.addi %mul3A_1215, %add3A_1216 : i32
          %slice3A_1218 = vector.extract_strided_slice %get3A_985 {offsets = [12], sizes = [1], strides = [1]} : vector<16xi32> to vector<1xi32>
          %squeeze3A_1219 = vector.extract %slice3A_1218[0] : i32 from vector<1xi32>
          %dma_start3A_1220 = arith.constant 0 : i32
          %dma_start3A_1221 = arith.constant 0 : i32
          %dma_start3A_1222 = tpu.memref_slice %arg6[%dma_start3A_1220, %add3A_1217, %dma_start3A_1221] : memref<4x200x64xf32, #tpu.memory_space<vmem>> -> memref<1x1x64xf32, #tpu.memory_space<vmem>>
          %dma_start3A_1223 = tpu.memref_squeeze %dma_start3A_1222 : memref<1x1x64xf32, #tpu.memory_space<vmem>> -> memref<64xf32, #tpu.memory_space<vmem>>
          %dma_start3A_1224 = arith.constant 0 : i32
          %dma_start3A_1225 = tpu.memref_slice %arg3[%squeeze3A_1219, %dma_start3A_1224] : memref<1000000x64xf32, #tpu.memory_space<hbm>> -> memref<1x64xf32, #tpu.memory_space<hbm>>
          %dma_start3A_1226 = tpu.memref_squeeze %dma_start3A_1225 : memref<1x64xf32, #tpu.memory_space<hbm>> -> memref<64xf32, #tpu.memory_space<hbm>>
          %dma_start3A_1227 = arith.constant 0 : i32
          %dma_start3A_1228 = tpu.memref_slice %arg6[%dma_start3A_1220, %add3A_1217, %dma_start3A_1227] : memref<4x200x64xf32, #tpu.memory_space<vmem>> -> memref<1x1x64xf32, #tpu.memory_space<vmem>>
          %dma_start3A_1229 = tpu.memref_squeeze %dma_start3A_1228 : memref<1x1x64xf32, #tpu.memory_space<vmem>> -> memref<64xf32, #tpu.memory_space<vmem>>
          %dma_start3A_1230 = arith.constant 0 : i32
          %dma_start3A_1231 = tpu.memref_slice %arg3[%squeeze3A_1219, %dma_start3A_1230] : memref<1000000x64xf32, #tpu.memory_space<hbm>> -> memref<1x64xf32, #tpu.memory_space<hbm>>
          %dma_start3A_1232 = tpu.memref_squeeze %dma_start3A_1231 : memref<1x64xf32, #tpu.memory_space<hbm>> -> memref<64xf32, #tpu.memory_space<hbm>>
          tpu.enqueue_dma source(%dma_start3A_1232 : memref<64xf32, #tpu.memory_space<hbm>>) target(%dma_start3A_1229 : memref<64xf32, #tpu.memory_space<vmem>>) target_semaphore(%arg10 : memref<!tpu.dma_semaphore, #tpu.memory_space<semaphore_mem>>)
          %mul3A_1233 = arith.constant 16 : i32
          %mul3A_1234 = arith.muli %scan3A_979, %mul3A_1233 : i32
          %add3A_1235 = arith.constant 13 : i32
          %add3A_1236 = arith.addi %mul3A_1234, %add3A_1235 : i32
          %slice3A_1237 = vector.extract_strided_slice %get3A_985 {offsets = [13], sizes = [1], strides = [1]} : vector<16xi32> to vector<1xi32>
          %squeeze3A_1238 = vector.extract %slice3A_1237[0] : i32 from vector<1xi32>
          %dma_start3A_1239 = arith.constant 0 : i32
          %dma_start3A_1240 = arith.constant 0 : i32
          %dma_start3A_1241 = tpu.memref_slice %arg6[%dma_start3A_1239, %add3A_1236, %dma_start3A_1240] : memref<4x200x64xf32, #tpu.memory_space<vmem>> -> memref<1x1x64xf32, #tpu.memory_space<vmem>>
          %dma_start3A_1242 = tpu.memref_squeeze %dma_start3A_1241 : memref<1x1x64xf32, #tpu.memory_space<vmem>> -> memref<64xf32, #tpu.memory_space<vmem>>
          %dma_start3A_1243 = arith.constant 0 : i32
          %dma_start3A_1244 = tpu.memref_slice %arg3[%squeeze3A_1238, %dma_start3A_1243] : memref<1000000x64xf32, #tpu.memory_space<hbm>> -> memref<1x64xf32, #tpu.memory_space<hbm>>
          %dma_start3A_1245 = tpu.memref_squeeze %dma_start3A_1244 : memref<1x64xf32, #tpu.memory_space<hbm>> -> memref<64xf32, #tpu.memory_space<hbm>>
          %dma_start3A_1246 = arith.constant 0 : i32
          %dma_start3A_1247 = tpu.memref_slice %arg6[%dma_start3A_1239, %add3A_1236, %dma_start3A_1246] : memref<4x200x64xf32, #tpu.memory_space<vmem>> -> memref<1x1x64xf32, #tpu.memory_space<vmem>>
          %dma_start3A_1248 = tpu.memref_squeeze %dma_start3A_1247 : memref<1x1x64xf32, #tpu.memory_space<vmem>> -> memref<64xf32, #tpu.memory_space<vmem>>
          %dma_start3A_1249 = arith.constant 0 : i32
          %dma_start3A_1250 = tpu.memref_slice %arg3[%squeeze3A_1238, %dma_start3A_1249] : memref<1000000x64xf32, #tpu.memory_space<hbm>> -> memref<1x64xf32, #tpu.memory_space<hbm>>
          %dma_start3A_1251 = tpu.memref_squeeze %dma_start3A_1250 : memref<1x64xf32, #tpu.memory_space<hbm>> -> memref<64xf32, #tpu.memory_space<hbm>>
          tpu.enqueue_dma source(%dma_start3A_1251 : memref<64xf32, #tpu.memory_space<hbm>>) target(%dma_start3A_1248 : memref<64xf32, #tpu.memory_space<vmem>>) target_semaphore(%arg10 : memref<!tpu.dma_semaphore, #tpu.memory_space<semaphore_mem>>)
          %mul3A_1252 = arith.constant 16 : i32
          %mul3A_1253 = arith.muli %scan3A_979, %mul3A_1252 : i32
          %add3A_1254 = arith.constant 14 : i32
          %add3A_1255 = arith.addi %mul3A_1253, %add3A_1254 : i32
          %slice3A_1256 = vector.extract_strided_slice %get3A_985 {offsets = [14], sizes = [1], strides = [1]} : vector<16xi32> to vector<1xi32>
          %squeeze3A_1257 = vector.extract %slice3A_1256[0] : i32 from vector<1xi32>
          %dma_start3A_1258 = arith.constant 0 : i32
          %dma_start3A_1259 = arith.constant 0 : i32
          %dma_start3A_1260 = tpu.memref_slice %arg6[%dma_start3A_1258, %add3A_1255, %dma_start3A_1259] : memref<4x200x64xf32, #tpu.memory_space<vmem>> -> memref<1x1x64xf32, #tpu.memory_space<vmem>>
          %dma_start3A_1261 = tpu.memref_squeeze %dma_start3A_1260 : memref<1x1x64xf32, #tpu.memory_space<vmem>> -> memref<64xf32, #tpu.memory_space<vmem>>
          %dma_start3A_1262 = arith.constant 0 : i32
          %dma_start3A_1263 = tpu.memref_slice %arg3[%squeeze3A_1257, %dma_start3A_1262] : memref<1000000x64xf32, #tpu.memory_space<hbm>> -> memref<1x64xf32, #tpu.memory_space<hbm>>
          %dma_start3A_1264 = tpu.memref_squeeze %dma_start3A_1263 : memref<1x64xf32, #tpu.memory_space<hbm>> -> memref<64xf32, #tpu.memory_space<hbm>>
          %dma_start3A_1265 = arith.constant 0 : i32
          %dma_start3A_1266 = tpu.memref_slice %arg6[%dma_start3A_1258, %add3A_1255, %dma_start3A_1265] : memref<4x200x64xf32, #tpu.memory_space<vmem>> -> memref<1x1x64xf32, #tpu.memory_space<vmem>>
          %dma_start3A_1267 = tpu.memref_squeeze %dma_start3A_1266 : memref<1x1x64xf32, #tpu.memory_space<vmem>> -> memref<64xf32, #tpu.memory_space<vmem>>
          %dma_start3A_1268 = arith.constant 0 : i32
          %dma_start3A_1269 = tpu.memref_slice %arg3[%squeeze3A_1257, %dma_start3A_1268] : memref<1000000x64xf32, #tpu.memory_space<hbm>> -> memref<1x64xf32, #tpu.memory_space<hbm>>
          %dma_start3A_1270 = tpu.memref_squeeze %dma_start3A_1269 : memref<1x64xf32, #tpu.memory_space<hbm>> -> memref<64xf32, #tpu.memory_space<hbm>>
          tpu.enqueue_dma source(%dma_start3A_1270 : memref<64xf32, #tpu.memory_space<hbm>>) target(%dma_start3A_1267 : memref<64xf32, #tpu.memory_space<vmem>>) target_semaphore(%arg10 : memref<!tpu.dma_semaphore, #tpu.memory_space<semaphore_mem>>)
          %mul3A_1271 = arith.constant 16 : i32
          %mul3A_1272 = arith.muli %scan3A_979, %mul3A_1271 : i32
          %add3A_1273 = arith.constant 15 : i32
          %add3A_1274 = arith.addi %mul3A_1272, %add3A_1273 : i32
          %slice3A_1275 = vector.extract_strided_slice %get3A_985 {offsets = [15], sizes = [1], strides = [1]} : vector<16xi32> to vector<1xi32>
          %squeeze3A_1276 = vector.extract %slice3A_1275[0] : i32 from vector<1xi32>
          %dma_start3A_1277 = arith.constant 0 : i32
          %dma_start3A_1278 = arith.constant 0 : i32
          %dma_start3A_1279 = tpu.memref_slice %arg6[%dma_start3A_1277, %add3A_1274, %dma_start3A_1278] : memref<4x200x64xf32, #tpu.memory_space<vmem>> -> memref<1x1x64xf32, #tpu.memory_space<vmem>>
          %dma_start3A_1280 = tpu.memref_squeeze %dma_start3A_1279 : memref<1x1x64xf32, #tpu.memory_space<vmem>> -> memref<64xf32, #tpu.memory_space<vmem>>
          %dma_start3A_1281 = arith.constant 0 : i32
          %dma_start3A_1282 = tpu.memref_slice %arg3[%squeeze3A_1276, %dma_start3A_1281] : memref<1000000x64xf32, #tpu.memory_space<hbm>> -> memref<1x64xf32, #tpu.memory_space<hbm>>
          %dma_start3A_1283 = tpu.memref_squeeze %dma_start3A_1282 : memref<1x64xf32, #tpu.memory_space<hbm>> -> memref<64xf32, #tpu.memory_space<hbm>>
          %dma_start3A_1284 = arith.constant 0 : i32
          %dma_start3A_1285 = tpu.memref_slice %arg6[%dma_start3A_1277, %add3A_1274, %dma_start3A_1284] : memref<4x200x64xf32, #tpu.memory_space<vmem>> -> memref<1x1x64xf32, #tpu.memory_space<vmem>>
          %dma_start3A_1286 = tpu.memref_squeeze %dma_start3A_1285 : memref<1x1x64xf32, #tpu.memory_space<vmem>> -> memref<64xf32, #tpu.memory_space<vmem>>
          %dma_start3A_1287 = arith.constant 0 : i32
          %dma_start3A_1288 = tpu.memref_slice %arg3[%squeeze3A_1276, %dma_start3A_1287] : memref<1000000x64xf32, #tpu.memory_space<hbm>> -> memref<1x64xf32, #tpu.memory_space<hbm>>
          %dma_start3A_1289 = tpu.memref_squeeze %dma_start3A_1288 : memref<1x64xf32, #tpu.memory_space<hbm>> -> memref<64xf32, #tpu.memory_space<hbm>>
          tpu.enqueue_dma source(%dma_start3A_1289 : memref<64xf32, #tpu.memory_space<hbm>>) target(%dma_start3A_1286 : memref<64xf32, #tpu.memory_space<vmem>>) target_semaphore(%arg10 : memref<!tpu.dma_semaphore, #tpu.memory_space<semaphore_mem>>)
        }
        %scan3A_846 = arith.constant 12 : i32
        %get3A_847 = arith.index_cast %add3A_704 : i32 to index
        %get3A_848 = arith.constant 184 : index
        %get3A_849 = tpu.vector_load %arg5[%get3A_847, %get3A_848] {strides = array<i32>} : memref<128x200xi32, #tpu.memory_space<vmem>>, vector<1x16xi32>,
        %get3A_850 = vector.shape_cast %get3A_849 : vector<1x16xi32> to vector<16xi32>
        %slice3A_851 = vector.extract_strided_slice %get3A_850 {offsets = [8], sizes = [1], strides = [1]} : vector<16xi32> to vector<1xi32>
        %squeeze3A_852 = vector.extract %slice3A_851[0] : i32 from vector<1xi32>
        %dma_start3A_853 = arith.constant 0 : i32
        %dma_start3A_854 = arith.constant 192 : i32
        %dma_start3A_855 = arith.constant 0 : i32
        %dma_start3A_856 = tpu.memref_slice %arg6[%dma_start3A_853, %dma_start3A_854, %dma_start3A_855] : memref<4x200x64xf32, #tpu.memory_space<vmem>> -> memref<1x1x64xf32, #tpu.memory_space<vmem>>
        %dma_start3A_857 = tpu.memref_squeeze %dma_start3A_856 : memref<1x1x64xf32, #tpu.memory_space<vmem>> -> memref<64xf32, #tpu.memory_space<vmem>>
        %dma_start3A_858 = arith.constant 0 : i32
        %dma_start3A_859 = tpu.memref_slice %arg3[%squeeze3A_852, %dma_start3A_858] : memref<1000000x64xf32, #tpu.memory_space<hbm>> -> memref<1x64xf32, #tpu.memory_space<hbm>>
        %dma_start3A_860 = tpu.memref_squeeze %dma_start3A_859 : memref<1x64xf32, #tpu.memory_space<hbm>> -> memref<64xf32, #tpu.memory_space<hbm>>
        %dma_start3A_861 = arith.constant 0 : i32
        %dma_start3A_862 = tpu.memref_slice %arg6[%dma_start3A_853, %dma_start3A_854, %dma_start3A_861] : memref<4x200x64xf32, #tpu.memory_space<vmem>> -> memref<1x1x64xf32, #tpu.memory_space<vmem>>
        %dma_start3A_863 = tpu.memref_squeeze %dma_start3A_862 : memref<1x1x64xf32, #tpu.memory_space<vmem>> -> memref<64xf32, #tpu.memory_space<vmem>>
        %dma_start3A_864 = arith.constant 0 : i32
        %dma_start3A_865 = tpu.memref_slice %arg3[%squeeze3A_852, %dma_start3A_864] : memref<1000000x64xf32, #tpu.memory_space<hbm>> -> memref<1x64xf32, #tpu.memory_space<hbm>>
        %dma_start3A_866 = tpu.memref_squeeze %dma_start3A_865 : memref<1x64xf32, #tpu.memory_space<hbm>> -> memref<64xf32, #tpu.memory_space<hbm>>
        tpu.enqueue_dma source(%dma_start3A_866 : memref<64xf32, #tpu.memory_space<hbm>>) target(%dma_start3A_863 : memref<64xf32, #tpu.memory_space<vmem>>) target_semaphore(%arg10 : memref<!tpu.dma_semaphore, #tpu.memory_space<semaphore_mem>>)
        %slice3A_867 = vector.extract_strided_slice %get3A_850 {offsets = [9], sizes = [1], strides = [1]} : vector<16xi32> to vector<1xi32>
        %squeeze3A_868 = vector.extract %slice3A_867[0] : i32 from vector<1xi32>
        %dma_start3A_869 = arith.constant 0 : i32
        %dma_start3A_870 = arith.constant 193 : i32
        %dma_start3A_871 = arith.constant 0 : i32
        %dma_start3A_872 = tpu.memref_slice %arg6[%dma_start3A_869, %dma_start3A_870, %dma_start3A_871] : memref<4x200x64xf32, #tpu.memory_space<vmem>> -> memref<1x1x64xf32, #tpu.memory_space<vmem>>
        %dma_start3A_873 = tpu.memref_squeeze %dma_start3A_872 : memref<1x1x64xf32, #tpu.memory_space<vmem>> -> memref<64xf32, #tpu.memory_space<vmem>>
        %dma_start3A_874 = arith.constant 0 : i32
        %dma_start3A_875 = tpu.memref_slice %arg3[%squeeze3A_868, %dma_start3A_874] : memref<1000000x64xf32, #tpu.memory_space<hbm>> -> memref<1x64xf32, #tpu.memory_space<hbm>>
        %dma_start3A_876 = tpu.memref_squeeze %dma_start3A_875 : memref<1x64xf32, #tpu.memory_space<hbm>> -> memref<64xf32, #tpu.memory_space<hbm>>
        %dma_start3A_877 = arith.constant 0 : i32
        %dma_start3A_878 = tpu.memref_slice %arg6[%dma_start3A_869, %dma_start3A_870, %dma_start3A_877] : memref<4x200x64xf32, #tpu.memory_space<vmem>> -> memref<1x1x64xf32, #tpu.memory_space<vmem>>
        %dma_start3A_879 = tpu.memref_squeeze %dma_start3A_878 : memref<1x1x64xf32, #tpu.memory_space<vmem>> -> memref<64xf32, #tpu.memory_space<vmem>>
        %dma_start3A_880 = arith.constant 0 : i32
        %dma_start3A_881 = tpu.memref_slice %arg3[%squeeze3A_868, %dma_start3A_880] : memref<1000000x64xf32, #tpu.memory_space<hbm>> -> memref<1x64xf32, #tpu.memory_space<hbm>>
        %dma_start3A_882 = tpu.memref_squeeze %dma_start3A_881 : memref<1x64xf32, #tpu.memory_space<hbm>> -> memref<64xf32, #tpu.memory_space<hbm>>
        tpu.enqueue_dma source(%dma_start3A_882 : memref<64xf32, #tpu.memory_space<hbm>>) target(%dma_start3A_879 : memref<64xf32, #tpu.memory_space<vmem>>) target_semaphore(%arg10 : memref<!tpu.dma_semaphore, #tpu.memory_space<semaphore_mem>>)
        %slice3A_883 = vector.extract_strided_slice %get3A_850 {offsets = [10], sizes = [1], strides = [1]} : vector<16xi32> to vector<1xi32>
        %squeeze3A_884 = vector.extract %slice3A_883[0] : i32 from vector<1xi32>
        %dma_start3A_885 = arith.constant 0 : i32
        %dma_start3A_886 = arith.constant 194 : i32
        %dma_start3A_887 = arith.constant 0 : i32
        %dma_start3A_888 = tpu.memref_slice %arg6[%dma_start3A_885, %dma_start3A_886, %dma_start3A_887] : memref<4x200x64xf32, #tpu.memory_space<vmem>> -> memref<1x1x64xf32, #tpu.memory_space<vmem>>
        %dma_start3A_889 = tpu.memref_squeeze %dma_start3A_888 : memref<1x1x64xf32, #tpu.memory_space<vmem>> -> memref<64xf32, #tpu.memory_space<vmem>>
        %dma_start3A_890 = arith.constant 0 : i32
        %dma_start3A_891 = tpu.memref_slice %arg3[%squeeze3A_884, %dma_start3A_890] : memref<1000000x64xf32, #tpu.memory_space<hbm>> -> memref<1x64xf32, #tpu.memory_space<hbm>>
        %dma_start3A_892 = tpu.memref_squeeze %dma_start3A_891 : memref<1x64xf32, #tpu.memory_space<hbm>> -> memref<64xf32, #tpu.memory_space<hbm>>
        %dma_start3A_893 = arith.constant 0 : i32
        %dma_start3A_894 = tpu.memref_slice %arg6[%dma_start3A_885, %dma_start3A_886, %dma_start3A_893] : memref<4x200x64xf32, #tpu.memory_space<vmem>> -> memref<1x1x64xf32, #tpu.memory_space<vmem>>
        %dma_start3A_895 = tpu.memref_squeeze %dma_start3A_894 : memref<1x1x64xf32, #tpu.memory_space<vmem>> -> memref<64xf32, #tpu.memory_space<vmem>>
        %dma_start3A_896 = arith.constant 0 : i32
        %dma_start3A_897 = tpu.memref_slice %arg3[%squeeze3A_884, %dma_start3A_896] : memref<1000000x64xf32, #tpu.memory_space<hbm>> -> memref<1x64xf32, #tpu.memory_space<hbm>>
        %dma_start3A_898 = tpu.memref_squeeze %dma_start3A_897 : memref<1x64xf32, #tpu.memory_space<hbm>> -> memref<64xf32, #tpu.memory_space<hbm>>
        tpu.enqueue_dma source(%dma_start3A_898 : memref<64xf32, #tpu.memory_space<hbm>>) target(%dma_start3A_895 : memref<64xf32, #tpu.memory_space<vmem>>) target_semaphore(%arg10 : memref<!tpu.dma_semaphore, #tpu.memory_space<semaphore_mem>>)
        %slice3A_899 = vector.extract_strided_slice %get3A_850 {offsets = [11], sizes = [1], strides = [1]} : vector<16xi32> to vector<1xi32>
        %squeeze3A_900 = vector.extract %slice3A_899[0] : i32 from vector<1xi32>
        %dma_start3A_901 = arith.constant 0 : i32
        %dma_start3A_902 = arith.constant 195 : i32
        %dma_start3A_903 = arith.constant 0 : i32
        %dma_start3A_904 = tpu.memref_slice %arg6[%dma_start3A_901, %dma_start3A_902, %dma_start3A_903] : memref<4x200x64xf32, #tpu.memory_space<vmem>> -> memref<1x1x64xf32, #tpu.memory_space<vmem>>
        %dma_start3A_905 = tpu.memref_squeeze %dma_start3A_904 : memref<1x1x64xf32, #tpu.memory_space<vmem>> -> memref<64xf32, #tpu.memory_space<vmem>>
        %dma_start3A_906 = arith.constant 0 : i32
        %dma_start3A_907 = tpu.memref_slice %arg3[%squeeze3A_900, %dma_start3A_906] : memref<1000000x64xf32, #tpu.memory_space<hbm>> -> memref<1x64xf32, #tpu.memory_space<hbm>>
        %dma_start3A_908 = tpu.memref_squeeze %dma_start3A_907 : memref<1x64xf32, #tpu.memory_space<hbm>> -> memref<64xf32, #tpu.memory_space<hbm>>
        %dma_start3A_909 = arith.constant 0 : i32
        %dma_start3A_910 = tpu.memref_slice %arg6[%dma_start3A_901, %dma_start3A_902, %dma_start3A_909] : memref<4x200x64xf32, #tpu.memory_space<vmem>> -> memref<1x1x64xf32, #tpu.memory_space<vmem>>
        %dma_start3A_911 = tpu.memref_squeeze %dma_start3A_910 : memref<1x1x64xf32, #tpu.memory_space<vmem>> -> memref<64xf32, #tpu.memory_space<vmem>>
        %dma_start3A_912 = arith.constant 0 : i32
        %dma_start3A_913 = tpu.memref_slice %arg3[%squeeze3A_900, %dma_start3A_912] : memref<1000000x64xf32, #tpu.memory_space<hbm>> -> memref<1x64xf32, #tpu.memory_space<hbm>>
        %dma_start3A_914 = tpu.memref_squeeze %dma_start3A_913 : memref<1x64xf32, #tpu.memory_space<hbm>> -> memref<64xf32, #tpu.memory_space<hbm>>
        tpu.enqueue_dma source(%dma_start3A_914 : memref<64xf32, #tpu.memory_space<hbm>>) target(%dma_start3A_911 : memref<64xf32, #tpu.memory_space<vmem>>) target_semaphore(%arg10 : memref<!tpu.dma_semaphore, #tpu.memory_space<semaphore_mem>>)
        %slice3A_915 = vector.extract_strided_slice %get3A_850 {offsets = [12], sizes = [1], strides = [1]} : vector<16xi32> to vector<1xi32>
        %squeeze3A_916 = vector.extract %slice3A_915[0] : i32 from vector<1xi32>
        %dma_start3A_917 = arith.constant 0 : i32
        %dma_start3A_918 = arith.constant 196 : i32
        %dma_start3A_919 = arith.constant 0 : i32
        %dma_start3A_920 = tpu.memref_slice %arg6[%dma_start3A_917, %dma_start3A_918, %dma_start3A_919] : memref<4x200x64xf32, #tpu.memory_space<vmem>> -> memref<1x1x64xf32, #tpu.memory_space<vmem>>
        %dma_start3A_921 = tpu.memref_squeeze %dma_start3A_920 : memref<1x1x64xf32, #tpu.memory_space<vmem>> -> memref<64xf32, #tpu.memory_space<vmem>>
        %dma_start3A_922 = arith.constant 0 : i32
        %dma_start3A_923 = tpu.memref_slice %arg3[%squeeze3A_916, %dma_start3A_922] : memref<1000000x64xf32, #tpu.memory_space<hbm>> -> memref<1x64xf32, #tpu.memory_space<hbm>>
        %dma_start3A_924 = tpu.memref_squeeze %dma_start3A_923 : memref<1x64xf32, #tpu.memory_space<hbm>> -> memref<64xf32, #tpu.memory_space<hbm>>
        %dma_start3A_925 = arith.constant 0 : i32
        %dma_start3A_926 = tpu.memref_slice %arg6[%dma_start3A_917, %dma_start3A_918, %dma_start3A_925] : memref<4x200x64xf32, #tpu.memory_space<vmem>> -> memref<1x1x64xf32, #tpu.memory_space<vmem>>
        %dma_start3A_927 = tpu.memref_squeeze %dma_start3A_926 : memref<1x1x64xf32, #tpu.memory_space<vmem>> -> memref<64xf32, #tpu.memory_space<vmem>>
        %dma_start3A_928 = arith.constant 0 : i32
        %dma_start3A_929 = tpu.memref_slice %arg3[%squeeze3A_916, %dma_start3A_928] : memref<1000000x64xf32, #tpu.memory_space<hbm>> -> memref<1x64xf32, #tpu.memory_space<hbm>>
        %dma_start3A_930 = tpu.memref_squeeze %dma_start3A_929 : memref<1x64xf32, #tpu.memory_space<hbm>> -> memref<64xf32, #tpu.memory_space<hbm>>
        tpu.enqueue_dma source(%dma_start3A_930 : memref<64xf32, #tpu.memory_space<hbm>>) target(%dma_start3A_927 : memref<64xf32, #tpu.memory_space<vmem>>) target_semaphore(%arg10 : memref<!tpu.dma_semaphore, #tpu.memory_space<semaphore_mem>>)
        %slice3A_931 = vector.extract_strided_slice %get3A_850 {offsets = [13], sizes = [1], strides = [1]} : vector<16xi32> to vector<1xi32>
        %squeeze3A_932 = vector.extract %slice3A_931[0] : i32 from vector<1xi32>
        %dma_start3A_933 = arith.constant 0 : i32
        %dma_start3A_934 = arith.constant 197 : i32
        %dma_start3A_935 = arith.constant 0 : i32
        %dma_start3A_936 = tpu.memref_slice %arg6[%dma_start3A_933, %dma_start3A_934, %dma_start3A_935] : memref<4x200x64xf32, #tpu.memory_space<vmem>> -> memref<1x1x64xf32, #tpu.memory_space<vmem>>
        %dma_start3A_937 = tpu.memref_squeeze %dma_start3A_936 : memref<1x1x64xf32, #tpu.memory_space<vmem>> -> memref<64xf32, #tpu.memory_space<vmem>>
        %dma_start3A_938 = arith.constant 0 : i32
        %dma_start3A_939 = tpu.memref_slice %arg3[%squeeze3A_932, %dma_start3A_938] : memref<1000000x64xf32, #tpu.memory_space<hbm>> -> memref<1x64xf32, #tpu.memory_space<hbm>>
        %dma_start3A_940 = tpu.memref_squeeze %dma_start3A_939 : memref<1x64xf32, #tpu.memory_space<hbm>> -> memref<64xf32, #tpu.memory_space<hbm>>
        %dma_start3A_941 = arith.constant 0 : i32
        %dma_start3A_942 = tpu.memref_slice %arg6[%dma_start3A_933, %dma_start3A_934, %dma_start3A_941] : memref<4x200x64xf32, #tpu.memory_space<vmem>> -> memref<1x1x64xf32, #tpu.memory_space<vmem>>
        %dma_start3A_943 = tpu.memref_squeeze %dma_start3A_942 : memref<1x1x64xf32, #tpu.memory_space<vmem>> -> memref<64xf32, #tpu.memory_space<vmem>>
        %dma_start3A_944 = arith.constant 0 : i32
        %dma_start3A_945 = tpu.memref_slice %arg3[%squeeze3A_932, %dma_start3A_944] : memref<1000000x64xf32, #tpu.memory_space<hbm>> -> memref<1x64xf32, #tpu.memory_space<hbm>>
        %dma_start3A_946 = tpu.memref_squeeze %dma_start3A_945 : memref<1x64xf32, #tpu.memory_space<hbm>> -> memref<64xf32, #tpu.memory_space<hbm>>
        tpu.enqueue_dma source(%dma_start3A_946 : memref<64xf32, #tpu.memory_space<hbm>>) target(%dma_start3A_943 : memref<64xf32, #tpu.memory_space<vmem>>) target_semaphore(%arg10 : memref<!tpu.dma_semaphore, #tpu.memory_space<semaphore_mem>>)
        %slice3A_947 = vector.extract_strided_slice %get3A_850 {offsets = [14], sizes = [1], strides = [1]} : vector<16xi32> to vector<1xi32>
        %squeeze3A_948 = vector.extract %slice3A_947[0] : i32 from vector<1xi32>
        %dma_start3A_949 = arith.constant 0 : i32
        %dma_start3A_950 = arith.constant 198 : i32
        %dma_start3A_951 = arith.constant 0 : i32
        %dma_start3A_952 = tpu.memref_slice %arg6[%dma_start3A_949, %dma_start3A_950, %dma_start3A_951] : memref<4x200x64xf32, #tpu.memory_space<vmem>> -> memref<1x1x64xf32, #tpu.memory_space<vmem>>
        %dma_start3A_953 = tpu.memref_squeeze %dma_start3A_952 : memref<1x1x64xf32, #tpu.memory_space<vmem>> -> memref<64xf32, #tpu.memory_space<vmem>>
        %dma_start3A_954 = arith.constant 0 : i32
        %dma_start3A_955 = tpu.memref_slice %arg3[%squeeze3A_948, %dma_start3A_954] : memref<1000000x64xf32, #tpu.memory_space<hbm>> -> memref<1x64xf32, #tpu.memory_space<hbm>>
        %dma_start3A_956 = tpu.memref_squeeze %dma_start3A_955 : memref<1x64xf32, #tpu.memory_space<hbm>> -> memref<64xf32, #tpu.memory_space<hbm>>
        %dma_start3A_957 = arith.constant 0 : i32
        %dma_start3A_958 = tpu.memref_slice %arg6[%dma_start3A_949, %dma_start3A_950, %dma_start3A_957] : memref<4x200x64xf32, #tpu.memory_space<vmem>> -> memref<1x1x64xf32, #tpu.memory_space<vmem>>
        %dma_start3A_959 = tpu.memref_squeeze %dma_start3A_958 : memref<1x1x64xf32, #tpu.memory_space<vmem>> -> memref<64xf32, #tpu.memory_space<vmem>>
        %dma_start3A_960 = arith.constant 0 : i32
        %dma_start3A_961 = tpu.memref_slice %arg3[%squeeze3A_948, %dma_start3A_960] : memref<1000000x64xf32, #tpu.memory_space<hbm>> -> memref<1x64xf32, #tpu.memory_space<hbm>>
        %dma_start3A_962 = tpu.memref_squeeze %dma_start3A_961 : memref<1x64xf32, #tpu.memory_space<hbm>> -> memref<64xf32, #tpu.memory_space<hbm>>
        tpu.enqueue_dma source(%dma_start3A_962 : memref<64xf32, #tpu.memory_space<hbm>>) target(%dma_start3A_959 : memref<64xf32, #tpu.memory_space<vmem>>) target_semaphore(%arg10 : memref<!tpu.dma_semaphore, #tpu.memory_space<semaphore_mem>>)
        %slice3A_963 = vector.extract_strided_slice %get3A_850 {offsets = [15], sizes = [1], strides = [1]} : vector<16xi32> to vector<1xi32>
        %squeeze3A_964 = vector.extract %slice3A_963[0] : i32 from vector<1xi32>
        %dma_start3A_965 = arith.constant 0 : i32
        %dma_start3A_966 = arith.constant 199 : i32
        %dma_start3A_967 = arith.constant 0 : i32
        %dma_start3A_968 = tpu.memref_slice %arg6[%dma_start3A_965, %dma_start3A_966, %dma_start3A_967] : memref<4x200x64xf32, #tpu.memory_space<vmem>> -> memref<1x1x64xf32, #tpu.memory_space<vmem>>
        %dma_start3A_969 = tpu.memref_squeeze %dma_start3A_968 : memref<1x1x64xf32, #tpu.memory_space<vmem>> -> memref<64xf32, #tpu.memory_space<vmem>>
        %dma_start3A_970 = arith.constant 0 : i32
        %dma_start3A_971 = tpu.memref_slice %arg3[%squeeze3A_964, %dma_start3A_970] : memref<1000000x64xf32, #tpu.memory_space<hbm>> -> memref<1x64xf32, #tpu.memory_space<hbm>>
        %dma_start3A_972 = tpu.memref_squeeze %dma_start3A_971 : memref<1x64xf32, #tpu.memory_space<hbm>> -> memref<64xf32, #tpu.memory_space<hbm>>
        %dma_start3A_973 = arith.constant 0 : i32
        %dma_start3A_974 = tpu.memref_slice %arg6[%dma_start3A_965, %dma_start3A_966, %dma_start3A_973] : memref<4x200x64xf32, #tpu.memory_space<vmem>> -> memref<1x1x64xf32, #tpu.memory_space<vmem>>
        %dma_start3A_975 = tpu.memref_squeeze %dma_start3A_974 : memref<1x1x64xf32, #tpu.memory_space<vmem>> -> memref<64xf32, #tpu.memory_space<vmem>>
        %dma_start3A_976 = arith.constant 0 : i32
        %dma_start3A_977 = tpu.memref_slice %arg3[%squeeze3A_964, %dma_start3A_976] : memref<1000000x64xf32, #tpu.memory_space<hbm>> -> memref<1x64xf32, #tpu.memory_space<hbm>>
        %dma_start3A_978 = tpu.memref_squeeze %dma_start3A_977 : memref<1x64xf32, #tpu.memory_space<hbm>> -> memref<64xf32, #tpu.memory_space<hbm>>
        tpu.enqueue_dma source(%dma_start3A_978 : memref<64xf32, #tpu.memory_space<hbm>>) target(%dma_start3A_975 : memref<64xf32, #tpu.memory_space<vmem>>) target_semaphore(%arg10 : memref<!tpu.dma_semaphore, #tpu.memory_space<semaphore_mem>>)
      } else {
      }
      %mul3A_715 = arith.constant 4 : i32
      %mul3A_716 = arith.muli %scan3A_341, %mul3A_715 : i32
      %add3A_717 = arith.constant 3 : i32
      %add3A_718 = arith.addi %mul3A_716, %add3A_717 : i32
      %dma_wait3A_719 = arith.constant 3 : i32
      %dma_wait3A_720 = arith.constant 0 : i32
      %dma_wait3A_721 = arith.constant 0 : i32
      %dma_wait3A_722 = tpu.memref_slice %arg6[%dma_wait3A_719, %dma_wait3A_720, %dma_wait3A_721] : memref<4x200x64xf32, #tpu.memory_space<vmem>> -> memref<1x200x64xf32, #tpu.memory_space<vmem>>
      %dma_wait3A_723 = tpu.memref_squeeze %dma_wait3A_722 : memref<1x200x64xf32, #tpu.memory_space<vmem>> -> memref<200x64xf32, #tpu.memory_space<vmem>>
      %dma_wait3A_724 = arith.constant 0 : i32
      %dma_wait3A_725 = arith.constant 0 : i32
      %dma_wait3A_726 = tpu.memref_slice %arg3[%dma_wait3A_724, %dma_wait3A_725] : memref<1000000x64xf32, #tpu.memory_space<hbm>> -> memref<200x64xf32, #tpu.memory_space<hbm>>
      %dma_wait3A_727 = arith.constant 0 : i32
      %dma_wait3A_728 = arith.constant 0 : i32
      %dma_wait3A_729 = tpu.memref_slice %arg6[%dma_wait3A_719, %dma_wait3A_727, %dma_wait3A_728] : memref<4x200x64xf32, #tpu.memory_space<vmem>> -> memref<1x200x64xf32, #tpu.memory_space<vmem>>
      %dma_wait3A_730 = tpu.memref_squeeze %dma_wait3A_729 : memref<1x200x64xf32, #tpu.memory_space<vmem>> -> memref<200x64xf32, #tpu.memory_space<vmem>>
      %dma_wait3A_731 = arith.constant 0 : i32
      %dma_wait3A_732 = arith.constant 0 : i32
      %dma_wait3A_733 = tpu.memref_slice %arg3[%dma_wait3A_731, %dma_wait3A_732] : memref<1000000x64xf32, #tpu.memory_space<hbm>> -> memref<200x64xf32, #tpu.memory_space<hbm>>
      tpu.wait_dma2 semaphore(%arg13 : memref<!tpu.dma_semaphore, #tpu.memory_space<semaphore_mem>>) src(%dma_wait3A_733 : memref<200x64xf32, #tpu.memory_space<hbm>>) dst(%dma_wait3A_730 : memref<200x64xf32, #tpu.memory_space<vmem>>)
      %broadcast_in_dim3A_734 = arith.constant 0 : i32
      %broadcast_in_dim3A_735 = vector.broadcast %broadcast_in_dim3A_734 : i32 to vector<16xi32>
      %add3A_736 = arith.addi %mul3A_6, %add3A_718 : i32
      %add3A_737 = vector.broadcast %add3A_736 : i32 to vector<16xi32>
      %add3A_738 = arith.addi %broadcast_in_dim3A_735, %add3A_737 : vector<16xi32>
      %swap3A_739 = arith.constant 3 : i32
      %swap3A_740 = arith.index_cast %swap3A_739 : i32 to index
      %swap3A_741 = arith.constant 0 : index
      %swap3A_742 = tpu.vector_load %arg7[%swap3A_740, %swap3A_741] {strides = array<i32>} : memref<4x200xi32, #tpu.memory_space<vmem>>, vector<1x16xi32>,
      %swap3A_743 = vector.shape_cast %swap3A_742 : vector<1x16xi32> to vector<16xi32>
      %swap3A_744 = vector.shape_cast %add3A_738 : vector<16xi32> to vector<1x16xi32>
      tpu.vector_store %arg7[%swap3A_740, %swap3A_741], %swap3A_744 {strides = array<i32>} : memref<4x200xi32, #tpu.memory_space<vmem>>, vector<1x16xi32>,
      %swap3A_745 = arith.constant 3 : i32
      %swap3A_746 = arith.index_cast %swap3A_745 : i32 to index
      %swap3A_747 = arith.constant 16 : index
      %swap3A_748 = tpu.vector_load %arg7[%swap3A_746, %swap3A_747] {strides = array<i32>} : memref<4x200xi32, #tpu.memory_space<vmem>>, vector<1x16xi32>,
      %swap3A_749 = vector.shape_cast %swap3A_748 : vector<1x16xi32> to vector<16xi32>
      %swap3A_750 = vector.shape_cast %add3A_738 : vector<16xi32> to vector<1x16xi32>
      tpu.vector_store %arg7[%swap3A_746, %swap3A_747], %swap3A_750 {strides = array<i32>} : memref<4x200xi32, #tpu.memory_space<vmem>>, vector<1x16xi32>,
      %swap3A_751 = arith.constant 3 : i32
      %swap3A_752 = arith.index_cast %swap3A_751 : i32 to index
      %swap3A_753 = arith.constant 32 : index
      %swap3A_754 = tpu.vector_load %arg7[%swap3A_752, %swap3A_753] {strides = array<i32>} : memref<4x200xi32, #tpu.memory_space<vmem>>, vector<1x16xi32>,
      %swap3A_755 = vector.shape_cast %swap3A_754 : vector<1x16xi32> to vector<16xi32>
      %swap3A_756 = vector.shape_cast %add3A_738 : vector<16xi32> to vector<1x16xi32>
      tpu.vector_store %arg7[%swap3A_752, %swap3A_753], %swap3A_756 {strides = array<i32>} : memref<4x200xi32, #tpu.memory_space<vmem>>, vector<1x16xi32>,
      %swap3A_757 = arith.constant 3 : i32
      %swap3A_758 = arith.index_cast %swap3A_757 : i32 to index
      %swap3A_759 = arith.constant 48 : index
      %swap3A_760 = tpu.vector_load %arg7[%swap3A_758, %swap3A_759] {strides = array<i32>} : memref<4x200xi32, #tpu.memory_space<vmem>>, vector<1x16xi32>,
      %swap3A_761 = vector.shape_cast %swap3A_760 : vector<1x16xi32> to vector<16xi32>
      %swap3A_762 = vector.shape_cast %add3A_738 : vector<16xi32> to vector<1x16xi32>
      tpu.vector_store %arg7[%swap3A_758, %swap3A_759], %swap3A_762 {strides = array<i32>} : memref<4x200xi32, #tpu.memory_space<vmem>>, vector<1x16xi32>,
      %swap3A_763 = arith.constant 3 : i32
      %swap3A_764 = arith.index_cast %swap3A_763 : i32 to index
      %swap3A_765 = arith.constant 64 : index
      %swap3A_766 = tpu.vector_load %arg7[%swap3A_764, %swap3A_765] {strides = array<i32>} : memref<4x200xi32, #tpu.memory_space<vmem>>, vector<1x16xi32>,
      %swap3A_767 = vector.shape_cast %swap3A_766 : vector<1x16xi32> to vector<16xi32>
      %swap3A_768 = vector.shape_cast %add3A_738 : vector<16xi32> to vector<1x16xi32>
      tpu.vector_store %arg7[%swap3A_764, %swap3A_765], %swap3A_768 {strides = array<i32>} : memref<4x200xi32, #tpu.memory_space<vmem>>, vector<1x16xi32>,
      %swap3A_769 = arith.constant 3 : i32
      %swap3A_770 = arith.index_cast %swap3A_769 : i32 to index
      %swap3A_771 = arith.constant 80 : index
      %swap3A_772 = tpu.vector_load %arg7[%swap3A_770, %swap3A_771] {strides = array<i32>} : memref<4x200xi32, #tpu.memory_space<vmem>>, vector<1x16xi32>,
      %swap3A_773 = vector.shape_cast %swap3A_772 : vector<1x16xi32> to vector<16xi32>
      %swap3A_774 = vector.shape_cast %add3A_738 : vector<16xi32> to vector<1x16xi32>
      tpu.vector_store %arg7[%swap3A_770, %swap3A_771], %swap3A_774 {strides = array<i32>} : memref<4x200xi32, #tpu.memory_space<vmem>>, vector<1x16xi32>,
      %swap3A_775 = arith.constant 3 : i32
      %swap3A_776 = arith.index_cast %swap3A_775 : i32 to index
      %swap3A_777 = arith.constant 96 : index
      %swap3A_778 = tpu.vector_load %arg7[%swap3A_776, %swap3A_777] {strides = array<i32>} : memref<4x200xi32, #tpu.memory_space<vmem>>, vector<1x16xi32>,
      %swap3A_779 = vector.shape_cast %swap3A_778 : vector<1x16xi32> to vector<16xi32>
      %swap3A_780 = vector.shape_cast %add3A_738 : vector<16xi32> to vector<1x16xi32>
      tpu.vector_store %arg7[%swap3A_776, %swap3A_777], %swap3A_780 {strides = array<i32>} : memref<4x200xi32, #tpu.memory_space<vmem>>, vector<1x16xi32>,
      %swap3A_781 = arith.constant 3 : i32
      %swap3A_782 = arith.index_cast %swap3A_781 : i32 to index
      %swap3A_783 = arith.constant 112 : index
      %swap3A_784 = tpu.vector_load %arg7[%swap3A_782, %swap3A_783] {strides = array<i32>} : memref<4x200xi32, #tpu.memory_space<vmem>>, vector<1x16xi32>,
      %swap3A_785 = vector.shape_cast %swap3A_784 : vector<1x16xi32> to vector<16xi32>
      %swap3A_786 = vector.shape_cast %add3A_738 : vector<16xi32> to vector<1x16xi32>
      tpu.vector_store %arg7[%swap3A_782, %swap3A_783], %swap3A_786 {strides = array<i32>} : memref<4x200xi32, #tpu.memory_space<vmem>>, vector<1x16xi32>,
      %swap3A_787 = arith.constant 3 : i32
      %swap3A_788 = arith.index_cast %swap3A_787 : i32 to index
      %swap3A_789 = arith.constant 128 : index
      %swap3A_790 = tpu.vector_load %arg7[%swap3A_788, %swap3A_789] {strides = array<i32>} : memref<4x200xi32, #tpu.memory_space<vmem>>, vector<1x16xi32>,
      %swap3A_791 = vector.shape_cast %swap3A_790 : vector<1x16xi32> to vector<16xi32>
      %swap3A_792 = vector.shape_cast %add3A_738 : vector<16xi32> to vector<1x16xi32>
      tpu.vector_store %arg7[%swap3A_788, %swap3A_789], %swap3A_792 {strides = array<i32>} : memref<4x200xi32, #tpu.memory_space<vmem>>, vector<1x16xi32>,
      %swap3A_793 = arith.constant 3 : i32
      %swap3A_794 = arith.index_cast %swap3A_793 : i32 to index
      %swap3A_795 = arith.constant 144 : index
      %swap3A_796 = tpu.vector_load %arg7[%swap3A_794, %swap3A_795] {strides = array<i32>} : memref<4x200xi32, #tpu.memory_space<vmem>>, vector<1x16xi32>,
      %swap3A_797 = vector.shape_cast %swap3A_796 : vector<1x16xi32> to vector<16xi32>
      %swap3A_798 = vector.shape_cast %add3A_738 : vector<16xi32> to vector<1x16xi32>
      tpu.vector_store %arg7[%swap3A_794, %swap3A_795], %swap3A_798 {strides = array<i32>} : memref<4x200xi32, #tpu.memory_space<vmem>>, vector<1x16xi32>,
      %swap3A_799 = arith.constant 3 : i32
      %swap3A_800 = arith.index_cast %swap3A_799 : i32 to index
      %swap3A_801 = arith.constant 160 : index
      %swap3A_802 = tpu.vector_load %arg7[%swap3A_800, %swap3A_801] {strides = array<i32>} : memref<4x200xi32, #tpu.memory_space<vmem>>, vector<1x16xi32>,
      %swap3A_803 = vector.shape_cast %swap3A_802 : vector<1x16xi32> to vector<16xi32>
      %swap3A_804 = vector.shape_cast %add3A_738 : vector<16xi32> to vector<1x16xi32>
      tpu.vector_store %arg7[%swap3A_800, %swap3A_801], %swap3A_804 {strides = array<i32>} : memref<4x200xi32, #tpu.memory_space<vmem>>, vector<1x16xi32>,
      %swap3A_805 = arith.constant 3 : i32
      %swap3A_806 = arith.index_cast %swap3A_805 : i32 to index
      %swap3A_807 = arith.constant 176 : index
      %swap3A_808 = tpu.vector_load %arg7[%swap3A_806, %swap3A_807] {strides = array<i32>} : memref<4x200xi32, #tpu.memory_space<vmem>>, vector<1x16xi32>,
      %swap3A_809 = vector.shape_cast %swap3A_808 : vector<1x16xi32> to vector<16xi32>
      %swap3A_810 = vector.shape_cast %add3A_738 : vector<16xi32> to vector<1x16xi32>
      tpu.vector_store %arg7[%swap3A_806, %swap3A_807], %swap3A_810 {strides = array<i32>} : memref<4x200xi32, #tpu.memory_space<vmem>>, vector<1x16xi32>,
      %swap3A_811 = arith.constant 3 : i32
      %swap3A_812 = arith.index_cast %swap3A_811 : i32 to index
      %swap3A_813 = arith.constant 184 : index
      %swap3A_814 = tpu.vector_load %arg7[%swap3A_812, %swap3A_813] {strides = array<i32>} : memref<4x200xi32, #tpu.memory_space<vmem>>, vector<1x16xi32>,
      %swap3A_815 = vector.shape_cast %swap3A_814 : vector<1x16xi32> to vector<16xi32>
      %swap3A_816 = vector.shape_cast %add3A_738 : vector<16xi32> to vector<1x16xi32>
      tpu.vector_store %arg7[%swap3A_812, %swap3A_813], %swap3A_816 {strides = array<i32>} : memref<4x200xi32, #tpu.memory_space<vmem>>, vector<1x16xi32>,
      %dma_start3A_817 = arith.constant 3 : i32
      %dma_start3A_818 = arith.constant 3 : i32
      %dma_start3A_819 = arith.constant 0 : i32
      %dma_start3A_820 = arith.constant 0 : i32
      %dma_start3A_821 = tpu.memref_slice %arg6[%dma_start3A_817, %dma_start3A_819, %dma_start3A_820] : memref<4x200x64xf32, #tpu.memory_space<vmem>> -> memref<1x200x64xf32, #tpu.memory_space<vmem>>
      %dma_start3A_822 = tpu.memref_squeeze %dma_start3A_821 : memref<1x200x64xf32, #tpu.memory_space<vmem>> -> memref<200x64xf32, #tpu.memory_space<vmem>>
      %dma_start3A_823 = arith.constant 0 : i32
      %dma_start3A_824 = tpu.memref_slice %arg7[%dma_start3A_818, %dma_start3A_823] : memref<4x200xi32, #tpu.memory_space<vmem>> -> memref<1x200xi32, #tpu.memory_space<vmem>>
      %dma_start3A_825 = tpu.memref_squeeze %dma_start3A_824 : memref<1x200xi32, #tpu.memory_space<vmem>> -> memref<200xi32, #tpu.memory_space<vmem>>
      %dma_start3A_826 = arith.constant 0 : i32
      %dma_start3A_827 = arith.constant 0 : i32
      %dma_start3A_828 = tpu.memref_slice %arg9[%dma_start3A_826, %dma_start3A_827] : memref<2048x64xf32, #tpu.memory_space<vmem_shared>> -> memref<2048x64xf32, #tpu.memory_space<vmem_shared>>
      tpu.enqueue_indirect_dma source(%dma_start3A_822 : memref<200x64xf32, #tpu.memory_space<vmem>>) target(%dma_start3A_828 : memref<2048x64xf32, #tpu.memory_space<vmem_shared>>) offsets(%dma_start3A_825 : memref<200xi32, #tpu.memory_space<vmem>>) semaphore(%arg17 : memref<!tpu.dma_semaphore, #tpu.memory_space<semaphore_mem>>) {add = true}
      %add3A_829 = arith.constant 2 : i32
      %add3A_830 = arith.addi %add3A_718, %add3A_829 : i32
      %ge3A_831 = arith.constant 4 : i32
      %ge3A_832 = arith.cmpi sge, %add3A_830, %ge3A_831 : i32
      %convert_element_type3A_833 = arith.extui %ge3A_832 : i1 to i32
      %cond3A_834 = arith.constant 0 : i32
      %cond3A_835 = arith.cmpi ne, %convert_element_type3A_833, %cond3A_834 : i32
      scf.if %cond3A_835 {
        %dma_wait3A_841 = arith.constant 1 : i32
        %dma_wait3A_842 = arith.constant 1 : i32
        %dma_wait3A_843 = arith.constant 0 : i32
        %dma_wait3A_844 = arith.constant 0 : i32
        %dma_wait3A_845 = tpu.memref_slice %arg6[%dma_wait3A_841, %dma_wait3A_843, %dma_wait3A_844] : memref<4x200x64xf32, #tpu.memory_space<vmem>> -> memref<1x200x64xf32, #tpu.memory_space<vmem>>
        %dma_wait3A_846 = tpu.memref_squeeze %dma_wait3A_845 : memref<1x200x64xf32, #tpu.memory_space<vmem>> -> memref<200x64xf32, #tpu.memory_space<vmem>>
        %dma_wait3A_847 = arith.constant 0 : i32
        %dma_wait3A_848 = tpu.memref_slice %arg7[%dma_wait3A_842, %dma_wait3A_847] : memref<4x200xi32, #tpu.memory_space<vmem>> -> memref<1x200xi32, #tpu.memory_space<vmem>>
        %dma_wait3A_849 = tpu.memref_squeeze %dma_wait3A_848 : memref<1x200xi32, #tpu.memory_space<vmem>> -> memref<200xi32, #tpu.memory_space<vmem>>
        %dma_wait3A_850 = arith.constant 0 : i32
        %dma_wait3A_851 = arith.constant 0 : i32
        %dma_wait3A_852 = tpu.memref_slice %arg9[%dma_wait3A_850, %dma_wait3A_851] : memref<2048x64xf32, #tpu.memory_space<vmem_shared>> -> memref<2048x64xf32, #tpu.memory_space<vmem_shared>>
        tpu.wait_indirect_dma semaphore(%arg15 : memref<!tpu.dma_semaphore, #tpu.memory_space<semaphore_mem>>) src(%dma_wait3A_846 : memref<200x64xf32, #tpu.memory_space<vmem>>) dst(%dma_wait3A_852 : memref<2048x64xf32, #tpu.memory_space<vmem_shared>>)
      } else {
      }
      %lt3A_836 = arith.constant 128 : i32
      %lt3A_837 = arith.cmpi slt, %add3A_830, %lt3A_836 : i32
      %convert_element_type3A_838 = arith.extui %lt3A_837 : i1 to i32
      %cond3A_839 = arith.constant 0 : i32
      %cond3A_840 = arith.cmpi ne, %convert_element_type3A_838, %cond3A_839 : i32
      scf.if %cond3A_840 {
        %scan3A_841 = arith.constant 0 : i32
        %scan3A_842 = arith.constant 0 : i32
        %scan3A_843 = arith.constant 12 : i32
        %scan3A_844 = arith.addi %scan3A_842, %scan3A_843 : i32
        %scan3A_845 = arith.constant 1 : i32
        scf.for %scan3A_979 = %scan3A_842 to %scan3A_844 step %scan3A_845  : i32 {
          %mul3A_980 = arith.constant 16 : i32
          %mul3A_981 = arith.muli %scan3A_979, %mul3A_980 : i32
          %get3A_982 = arith.index_cast %add3A_830 : i32 to index
          %get3A_983 = arith.index_cast %mul3A_981 : i32 to index
          %get3A_984 = tpu.vector_load %arg5[%get3A_982, %get3A_983] {strides = array<i32>} : memref<128x200xi32, #tpu.memory_space<vmem>>, vector<1x16xi32>,
          %get3A_985 = vector.shape_cast %get3A_984 : vector<1x16xi32> to vector<16xi32>
          %mul3A_986 = arith.constant 16 : i32
          %mul3A_987 = arith.muli %scan3A_979, %mul3A_986 : i32
          %add3A_988 = arith.constant 0 : i32
          %add3A_989 = arith.addi %mul3A_987, %add3A_988 : i32
          %slice3A_990 = vector.extract_strided_slice %get3A_985 {offsets = [0], sizes = [1], strides = [1]} : vector<16xi32> to vector<1xi32>
          %squeeze3A_991 = vector.extract %slice3A_990[0] : i32 from vector<1xi32>
          %dma_start3A_992 = arith.constant 1 : i32
          %dma_start3A_993 = arith.constant 0 : i32
          %dma_start3A_994 = tpu.memref_slice %arg6[%dma_start3A_992, %add3A_989, %dma_start3A_993] : memref<4x200x64xf32, #tpu.memory_space<vmem>> -> memref<1x1x64xf32, #tpu.memory_space<vmem>>
          %dma_start3A_995 = tpu.memref_squeeze %dma_start3A_994 : memref<1x1x64xf32, #tpu.memory_space<vmem>> -> memref<64xf32, #tpu.memory_space<vmem>>
          %dma_start3A_996 = arith.constant 0 : i32
          %dma_start3A_997 = tpu.memref_slice %arg3[%squeeze3A_991, %dma_start3A_996] : memref<1000000x64xf32, #tpu.memory_space<hbm>> -> memref<1x64xf32, #tpu.memory_space<hbm>>
          %dma_start3A_998 = tpu.memref_squeeze %dma_start3A_997 : memref<1x64xf32, #tpu.memory_space<hbm>> -> memref<64xf32, #tpu.memory_space<hbm>>
          %dma_start3A_999 = arith.constant 0 : i32
          %dma_start3A_1000 = tpu.memref_slice %arg6[%dma_start3A_992, %add3A_989, %dma_start3A_999] : memref<4x200x64xf32, #tpu.memory_space<vmem>> -> memref<1x1x64xf32, #tpu.memory_space<vmem>>
          %dma_start3A_1001 = tpu.memref_squeeze %dma_start3A_1000 : memref<1x1x64xf32, #tpu.memory_space<vmem>> -> memref<64xf32, #tpu.memory_space<vmem>>
          %dma_start3A_1002 = arith.constant 0 : i32
          %dma_start3A_1003 = tpu.memref_slice %arg3[%squeeze3A_991, %dma_start3A_1002] : memref<1000000x64xf32, #tpu.memory_space<hbm>> -> memref<1x64xf32, #tpu.memory_space<hbm>>
          %dma_start3A_1004 = tpu.memref_squeeze %dma_start3A_1003 : memref<1x64xf32, #tpu.memory_space<hbm>> -> memref<64xf32, #tpu.memory_space<hbm>>
          tpu.enqueue_dma source(%dma_start3A_1004 : memref<64xf32, #tpu.memory_space<hbm>>) target(%dma_start3A_1001 : memref<64xf32, #tpu.memory_space<vmem>>) target_semaphore(%arg11 : memref<!tpu.dma_semaphore, #tpu.memory_space<semaphore_mem>>)
          %mul3A_1005 = arith.constant 16 : i32
          %mul3A_1006 = arith.muli %scan3A_979, %mul3A_1005 : i32
          %add3A_1007 = arith.constant 1 : i32
          %add3A_1008 = arith.addi %mul3A_1006, %add3A_1007 : i32
          %slice3A_1009 = vector.extract_strided_slice %get3A_985 {offsets = [1], sizes = [1], strides = [1]} : vector<16xi32> to vector<1xi32>
          %squeeze3A_1010 = vector.extract %slice3A_1009[0] : i32 from vector<1xi32>
          %dma_start3A_1011 = arith.constant 1 : i32
          %dma_start3A_1012 = arith.constant 0 : i32
          %dma_start3A_1013 = tpu.memref_slice %arg6[%dma_start3A_1011, %add3A_1008, %dma_start3A_1012] : memref<4x200x64xf32, #tpu.memory_space<vmem>> -> memref<1x1x64xf32, #tpu.memory_space<vmem>>
          %dma_start3A_1014 = tpu.memref_squeeze %dma_start3A_1013 : memref<1x1x64xf32, #tpu.memory_space<vmem>> -> memref<64xf32, #tpu.memory_space<vmem>>
          %dma_start3A_1015 = arith.constant 0 : i32
          %dma_start3A_1016 = tpu.memref_slice %arg3[%squeeze3A_1010, %dma_start3A_1015] : memref<1000000x64xf32, #tpu.memory_space<hbm>> -> memref<1x64xf32, #tpu.memory_space<hbm>>
          %dma_start3A_1017 = tpu.memref_squeeze %dma_start3A_1016 : memref<1x64xf32, #tpu.memory_space<hbm>> -> memref<64xf32, #tpu.memory_space<hbm>>
          %dma_start3A_1018 = arith.constant 0 : i32
          %dma_start3A_1019 = tpu.memref_slice %arg6[%dma_start3A_1011, %add3A_1008, %dma_start3A_1018] : memref<4x200x64xf32, #tpu.memory_space<vmem>> -> memref<1x1x64xf32, #tpu.memory_space<vmem>>
          %dma_start3A_1020 = tpu.memref_squeeze %dma_start3A_1019 : memref<1x1x64xf32, #tpu.memory_space<vmem>> -> memref<64xf32, #tpu.memory_space<vmem>>
          %dma_start3A_1021 = arith.constant 0 : i32
          %dma_start3A_1022 = tpu.memref_slice %arg3[%squeeze3A_1010, %dma_start3A_1021] : memref<1000000x64xf32, #tpu.memory_space<hbm>> -> memref<1x64xf32, #tpu.memory_space<hbm>>
          %dma_start3A_1023 = tpu.memref_squeeze %dma_start3A_1022 : memref<1x64xf32, #tpu.memory_space<hbm>> -> memref<64xf32, #tpu.memory_space<hbm>>
          tpu.enqueue_dma source(%dma_start3A_1023 : memref<64xf32, #tpu.memory_space<hbm>>) target(%dma_start3A_1020 : memref<64xf32, #tpu.memory_space<vmem>>) target_semaphore(%arg11 : memref<!tpu.dma_semaphore, #tpu.memory_space<semaphore_mem>>)
          %mul3A_1024 = arith.constant 16 : i32
          %mul3A_1025 = arith.muli %scan3A_979, %mul3A_1024 : i32
          %add3A_1026 = arith.constant 2 : i32
          %add3A_1027 = arith.addi %mul3A_1025, %add3A_1026 : i32
          %slice3A_1028 = vector.extract_strided_slice %get3A_985 {offsets = [2], sizes = [1], strides = [1]} : vector<16xi32> to vector<1xi32>
          %squeeze3A_1029 = vector.extract %slice3A_1028[0] : i32 from vector<1xi32>
          %dma_start3A_1030 = arith.constant 1 : i32
          %dma_start3A_1031 = arith.constant 0 : i32
          %dma_start3A_1032 = tpu.memref_slice %arg6[%dma_start3A_1030, %add3A_1027, %dma_start3A_1031] : memref<4x200x64xf32, #tpu.memory_space<vmem>> -> memref<1x1x64xf32, #tpu.memory_space<vmem>>
          %dma_start3A_1033 = tpu.memref_squeeze %dma_start3A_1032 : memref<1x1x64xf32, #tpu.memory_space<vmem>> -> memref<64xf32, #tpu.memory_space<vmem>>
          %dma_start3A_1034 = arith.constant 0 : i32
          %dma_start3A_1035 = tpu.memref_slice %arg3[%squeeze3A_1029, %dma_start3A_1034] : memref<1000000x64xf32, #tpu.memory_space<hbm>> -> memref<1x64xf32, #tpu.memory_space<hbm>>
          %dma_start3A_1036 = tpu.memref_squeeze %dma_start3A_1035 : memref<1x64xf32, #tpu.memory_space<hbm>> -> memref<64xf32, #tpu.memory_space<hbm>>
          %dma_start3A_1037 = arith.constant 0 : i32
          %dma_start3A_1038 = tpu.memref_slice %arg6[%dma_start3A_1030, %add3A_1027, %dma_start3A_1037] : memref<4x200x64xf32, #tpu.memory_space<vmem>> -> memref<1x1x64xf32, #tpu.memory_space<vmem>>
          %dma_start3A_1039 = tpu.memref_squeeze %dma_start3A_1038 : memref<1x1x64xf32, #tpu.memory_space<vmem>> -> memref<64xf32, #tpu.memory_space<vmem>>
          %dma_start3A_1040 = arith.constant 0 : i32
          %dma_start3A_1041 = tpu.memref_slice %arg3[%squeeze3A_1029, %dma_start3A_1040] : memref<1000000x64xf32, #tpu.memory_space<hbm>> -> memref<1x64xf32, #tpu.memory_space<hbm>>
          %dma_start3A_1042 = tpu.memref_squeeze %dma_start3A_1041 : memref<1x64xf32, #tpu.memory_space<hbm>> -> memref<64xf32, #tpu.memory_space<hbm>>
          tpu.enqueue_dma source(%dma_start3A_1042 : memref<64xf32, #tpu.memory_space<hbm>>) target(%dma_start3A_1039 : memref<64xf32, #tpu.memory_space<vmem>>) target_semaphore(%arg11 : memref<!tpu.dma_semaphore, #tpu.memory_space<semaphore_mem>>)
          %mul3A_1043 = arith.constant 16 : i32
          %mul3A_1044 = arith.muli %scan3A_979, %mul3A_1043 : i32
          %add3A_1045 = arith.constant 3 : i32
          %add3A_1046 = arith.addi %mul3A_1044, %add3A_1045 : i32
          %slice3A_1047 = vector.extract_strided_slice %get3A_985 {offsets = [3], sizes = [1], strides = [1]} : vector<16xi32> to vector<1xi32>
          %squeeze3A_1048 = vector.extract %slice3A_1047[0] : i32 from vector<1xi32>
          %dma_start3A_1049 = arith.constant 1 : i32
          %dma_start3A_1050 = arith.constant 0 : i32
          %dma_start3A_1051 = tpu.memref_slice %arg6[%dma_start3A_1049, %add3A_1046, %dma_start3A_1050] : memref<4x200x64xf32, #tpu.memory_space<vmem>> -> memref<1x1x64xf32, #tpu.memory_space<vmem>>
          %dma_start3A_1052 = tpu.memref_squeeze %dma_start3A_1051 : memref<1x1x64xf32, #tpu.memory_space<vmem>> -> memref<64xf32, #tpu.memory_space<vmem>>
          %dma_start3A_1053 = arith.constant 0 : i32
          %dma_start3A_1054 = tpu.memref_slice %arg3[%squeeze3A_1048, %dma_start3A_1053] : memref<1000000x64xf32, #tpu.memory_space<hbm>> -> memref<1x64xf32, #tpu.memory_space<hbm>>
          %dma_start3A_1055 = tpu.memref_squeeze %dma_start3A_1054 : memref<1x64xf32, #tpu.memory_space<hbm>> -> memref<64xf32, #tpu.memory_space<hbm>>
          %dma_start3A_1056 = arith.constant 0 : i32
          %dma_start3A_1057 = tpu.memref_slice %arg6[%dma_start3A_1049, %add3A_1046, %dma_start3A_1056] : memref<4x200x64xf32, #tpu.memory_space<vmem>> -> memref<1x1x64xf32, #tpu.memory_space<vmem>>
          %dma_start3A_1058 = tpu.memref_squeeze %dma_start3A_1057 : memref<1x1x64xf32, #tpu.memory_space<vmem>> -> memref<64xf32, #tpu.memory_space<vmem>>
          %dma_start3A_1059 = arith.constant 0 : i32
          %dma_start3A_1060 = tpu.memref_slice %arg3[%squeeze3A_1048, %dma_start3A_1059] : memref<1000000x64xf32, #tpu.memory_space<hbm>> -> memref<1x64xf32, #tpu.memory_space<hbm>>
          %dma_start3A_1061 = tpu.memref_squeeze %dma_start3A_1060 : memref<1x64xf32, #tpu.memory_space<hbm>> -> memref<64xf32, #tpu.memory_space<hbm>>
          tpu.enqueue_dma source(%dma_start3A_1061 : memref<64xf32, #tpu.memory_space<hbm>>) target(%dma_start3A_1058 : memref<64xf32, #tpu.memory_space<vmem>>) target_semaphore(%arg11 : memref<!tpu.dma_semaphore, #tpu.memory_space<semaphore_mem>>)
          %mul3A_1062 = arith.constant 16 : i32
          %mul3A_1063 = arith.muli %scan3A_979, %mul3A_1062 : i32
          %add3A_1064 = arith.constant 4 : i32
          %add3A_1065 = arith.addi %mul3A_1063, %add3A_1064 : i32
          %slice3A_1066 = vector.extract_strided_slice %get3A_985 {offsets = [4], sizes = [1], strides = [1]} : vector<16xi32> to vector<1xi32>
          %squeeze3A_1067 = vector.extract %slice3A_1066[0] : i32 from vector<1xi32>
          %dma_start3A_1068 = arith.constant 1 : i32
          %dma_start3A_1069 = arith.constant 0 : i32
          %dma_start3A_1070 = tpu.memref_slice %arg6[%dma_start3A_1068, %add3A_1065, %dma_start3A_1069] : memref<4x200x64xf32, #tpu.memory_space<vmem>> -> memref<1x1x64xf32, #tpu.memory_space<vmem>>
          %dma_start3A_1071 = tpu.memref_squeeze %dma_start3A_1070 : memref<1x1x64xf32, #tpu.memory_space<vmem>> -> memref<64xf32, #tpu.memory_space<vmem>>
          %dma_start3A_1072 = arith.constant 0 : i32
          %dma_start3A_1073 = tpu.memref_slice %arg3[%squeeze3A_1067, %dma_start3A_1072] : memref<1000000x64xf32, #tpu.memory_space<hbm>> -> memref<1x64xf32, #tpu.memory_space<hbm>>
          %dma_start3A_1074 = tpu.memref_squeeze %dma_start3A_1073 : memref<1x64xf32, #tpu.memory_space<hbm>> -> memref<64xf32, #tpu.memory_space<hbm>>
          %dma_start3A_1075 = arith.constant 0 : i32
          %dma_start3A_1076 = tpu.memref_slice %arg6[%dma_start3A_1068, %add3A_1065, %dma_start3A_1075] : memref<4x200x64xf32, #tpu.memory_space<vmem>> -> memref<1x1x64xf32, #tpu.memory_space<vmem>>
          %dma_start3A_1077 = tpu.memref_squeeze %dma_start3A_1076 : memref<1x1x64xf32, #tpu.memory_space<vmem>> -> memref<64xf32, #tpu.memory_space<vmem>>
          %dma_start3A_1078 = arith.constant 0 : i32
          %dma_start3A_1079 = tpu.memref_slice %arg3[%squeeze3A_1067, %dma_start3A_1078] : memref<1000000x64xf32, #tpu.memory_space<hbm>> -> memref<1x64xf32, #tpu.memory_space<hbm>>
          %dma_start3A_1080 = tpu.memref_squeeze %dma_start3A_1079 : memref<1x64xf32, #tpu.memory_space<hbm>> -> memref<64xf32, #tpu.memory_space<hbm>>
          tpu.enqueue_dma source(%dma_start3A_1080 : memref<64xf32, #tpu.memory_space<hbm>>) target(%dma_start3A_1077 : memref<64xf32, #tpu.memory_space<vmem>>) target_semaphore(%arg11 : memref<!tpu.dma_semaphore, #tpu.memory_space<semaphore_mem>>)
          %mul3A_1081 = arith.constant 16 : i32
          %mul3A_1082 = arith.muli %scan3A_979, %mul3A_1081 : i32
          %add3A_1083 = arith.constant 5 : i32
          %add3A_1084 = arith.addi %mul3A_1082, %add3A_1083 : i32
          %slice3A_1085 = vector.extract_strided_slice %get3A_985 {offsets = [5], sizes = [1], strides = [1]} : vector<16xi32> to vector<1xi32>
          %squeeze3A_1086 = vector.extract %slice3A_1085[0] : i32 from vector<1xi32>
          %dma_start3A_1087 = arith.constant 1 : i32
          %dma_start3A_1088 = arith.constant 0 : i32
          %dma_start3A_1089 = tpu.memref_slice %arg6[%dma_start3A_1087, %add3A_1084, %dma_start3A_1088] : memref<4x200x64xf32, #tpu.memory_space<vmem>> -> memref<1x1x64xf32, #tpu.memory_space<vmem>>
          %dma_start3A_1090 = tpu.memref_squeeze %dma_start3A_1089 : memref<1x1x64xf32, #tpu.memory_space<vmem>> -> memref<64xf32, #tpu.memory_space<vmem>>
          %dma_start3A_1091 = arith.constant 0 : i32
          %dma_start3A_1092 = tpu.memref_slice %arg3[%squeeze3A_1086, %dma_start3A_1091] : memref<1000000x64xf32, #tpu.memory_space<hbm>> -> memref<1x64xf32, #tpu.memory_space<hbm>>
          %dma_start3A_1093 = tpu.memref_squeeze %dma_start3A_1092 : memref<1x64xf32, #tpu.memory_space<hbm>> -> memref<64xf32, #tpu.memory_space<hbm>>
          %dma_start3A_1094 = arith.constant 0 : i32
          %dma_start3A_1095 = tpu.memref_slice %arg6[%dma_start3A_1087, %add3A_1084, %dma_start3A_1094] : memref<4x200x64xf32, #tpu.memory_space<vmem>> -> memref<1x1x64xf32, #tpu.memory_space<vmem>>
          %dma_start3A_1096 = tpu.memref_squeeze %dma_start3A_1095 : memref<1x1x64xf32, #tpu.memory_space<vmem>> -> memref<64xf32, #tpu.memory_space<vmem>>
          %dma_start3A_1097 = arith.constant 0 : i32
          %dma_start3A_1098 = tpu.memref_slice %arg3[%squeeze3A_1086, %dma_start3A_1097] : memref<1000000x64xf32, #tpu.memory_space<hbm>> -> memref<1x64xf32, #tpu.memory_space<hbm>>
          %dma_start3A_1099 = tpu.memref_squeeze %dma_start3A_1098 : memref<1x64xf32, #tpu.memory_space<hbm>> -> memref<64xf32, #tpu.memory_space<hbm>>
          tpu.enqueue_dma source(%dma_start3A_1099 : memref<64xf32, #tpu.memory_space<hbm>>) target(%dma_start3A_1096 : memref<64xf32, #tpu.memory_space<vmem>>) target_semaphore(%arg11 : memref<!tpu.dma_semaphore, #tpu.memory_space<semaphore_mem>>)
          %mul3A_1100 = arith.constant 16 : i32
          %mul3A_1101 = arith.muli %scan3A_979, %mul3A_1100 : i32
          %add3A_1102 = arith.constant 6 : i32
          %add3A_1103 = arith.addi %mul3A_1101, %add3A_1102 : i32
          %slice3A_1104 = vector.extract_strided_slice %get3A_985 {offsets = [6], sizes = [1], strides = [1]} : vector<16xi32> to vector<1xi32>
          %squeeze3A_1105 = vector.extract %slice3A_1104[0] : i32 from vector<1xi32>
          %dma_start3A_1106 = arith.constant 1 : i32
          %dma_start3A_1107 = arith.constant 0 : i32
          %dma_start3A_1108 = tpu.memref_slice %arg6[%dma_start3A_1106, %add3A_1103, %dma_start3A_1107] : memref<4x200x64xf32, #tpu.memory_space<vmem>> -> memref<1x1x64xf32, #tpu.memory_space<vmem>>
          %dma_start3A_1109 = tpu.memref_squeeze %dma_start3A_1108 : memref<1x1x64xf32, #tpu.memory_space<vmem>> -> memref<64xf32, #tpu.memory_space<vmem>>
          %dma_start3A_1110 = arith.constant 0 : i32
          %dma_start3A_1111 = tpu.memref_slice %arg3[%squeeze3A_1105, %dma_start3A_1110] : memref<1000000x64xf32, #tpu.memory_space<hbm>> -> memref<1x64xf32, #tpu.memory_space<hbm>>
          %dma_start3A_1112 = tpu.memref_squeeze %dma_start3A_1111 : memref<1x64xf32, #tpu.memory_space<hbm>> -> memref<64xf32, #tpu.memory_space<hbm>>
          %dma_start3A_1113 = arith.constant 0 : i32
          %dma_start3A_1114 = tpu.memref_slice %arg6[%dma_start3A_1106, %add3A_1103, %dma_start3A_1113] : memref<4x200x64xf32, #tpu.memory_space<vmem>> -> memref<1x1x64xf32, #tpu.memory_space<vmem>>
          %dma_start3A_1115 = tpu.memref_squeeze %dma_start3A_1114 : memref<1x1x64xf32, #tpu.memory_space<vmem>> -> memref<64xf32, #tpu.memory_space<vmem>>
          %dma_start3A_1116 = arith.constant 0 : i32
          %dma_start3A_1117 = tpu.memref_slice %arg3[%squeeze3A_1105, %dma_start3A_1116] : memref<1000000x64xf32, #tpu.memory_space<hbm>> -> memref<1x64xf32, #tpu.memory_space<hbm>>
          %dma_start3A_1118 = tpu.memref_squeeze %dma_start3A_1117 : memref<1x64xf32, #tpu.memory_space<hbm>> -> memref<64xf32, #tpu.memory_space<hbm>>
          tpu.enqueue_dma source(%dma_start3A_1118 : memref<64xf32, #tpu.memory_space<hbm>>) target(%dma_start3A_1115 : memref<64xf32, #tpu.memory_space<vmem>>) target_semaphore(%arg11 : memref<!tpu.dma_semaphore, #tpu.memory_space<semaphore_mem>>)
          %mul3A_1119 = arith.constant 16 : i32
          %mul3A_1120 = arith.muli %scan3A_979, %mul3A_1119 : i32
          %add3A_1121 = arith.constant 7 : i32
          %add3A_1122 = arith.addi %mul3A_1120, %add3A_1121 : i32
          %slice3A_1123 = vector.extract_strided_slice %get3A_985 {offsets = [7], sizes = [1], strides = [1]} : vector<16xi32> to vector<1xi32>
          %squeeze3A_1124 = vector.extract %slice3A_1123[0] : i32 from vector<1xi32>
          %dma_start3A_1125 = arith.constant 1 : i32
          %dma_start3A_1126 = arith.constant 0 : i32
          %dma_start3A_1127 = tpu.memref_slice %arg6[%dma_start3A_1125, %add3A_1122, %dma_start3A_1126] : memref<4x200x64xf32, #tpu.memory_space<vmem>> -> memref<1x1x64xf32, #tpu.memory_space<vmem>>
          %dma_start3A_1128 = tpu.memref_squeeze %dma_start3A_1127 : memref<1x1x64xf32, #tpu.memory_space<vmem>> -> memref<64xf32, #tpu.memory_space<vmem>>
          %dma_start3A_1129 = arith.constant 0 : i32
          %dma_start3A_1130 = tpu.memref_slice %arg3[%squeeze3A_1124, %dma_start3A_1129] : memref<1000000x64xf32, #tpu.memory_space<hbm>> -> memref<1x64xf32, #tpu.memory_space<hbm>>
          %dma_start3A_1131 = tpu.memref_squeeze %dma_start3A_1130 : memref<1x64xf32, #tpu.memory_space<hbm>> -> memref<64xf32, #tpu.memory_space<hbm>>
          %dma_start3A_1132 = arith.constant 0 : i32
          %dma_start3A_1133 = tpu.memref_slice %arg6[%dma_start3A_1125, %add3A_1122, %dma_start3A_1132] : memref<4x200x64xf32, #tpu.memory_space<vmem>> -> memref<1x1x64xf32, #tpu.memory_space<vmem>>
          %dma_start3A_1134 = tpu.memref_squeeze %dma_start3A_1133 : memref<1x1x64xf32, #tpu.memory_space<vmem>> -> memref<64xf32, #tpu.memory_space<vmem>>
          %dma_start3A_1135 = arith.constant 0 : i32
          %dma_start3A_1136 = tpu.memref_slice %arg3[%squeeze3A_1124, %dma_start3A_1135] : memref<1000000x64xf32, #tpu.memory_space<hbm>> -> memref<1x64xf32, #tpu.memory_space<hbm>>
          %dma_start3A_1137 = tpu.memref_squeeze %dma_start3A_1136 : memref<1x64xf32, #tpu.memory_space<hbm>> -> memref<64xf32, #tpu.memory_space<hbm>>
          tpu.enqueue_dma source(%dma_start3A_1137 : memref<64xf32, #tpu.memory_space<hbm>>) target(%dma_start3A_1134 : memref<64xf32, #tpu.memory_space<vmem>>) target_semaphore(%arg11 : memref<!tpu.dma_semaphore, #tpu.memory_space<semaphore_mem>>)
          %mul3A_1138 = arith.constant 16 : i32
          %mul3A_1139 = arith.muli %scan3A_979, %mul3A_1138 : i32
          %add3A_1140 = arith.constant 8 : i32
          %add3A_1141 = arith.addi %mul3A_1139, %add3A_1140 : i32
          %slice3A_1142 = vector.extract_strided_slice %get3A_985 {offsets = [8], sizes = [1], strides = [1]} : vector<16xi32> to vector<1xi32>
          %squeeze3A_1143 = vector.extract %slice3A_1142[0] : i32 from vector<1xi32>
          %dma_start3A_1144 = arith.constant 1 : i32
          %dma_start3A_1145 = arith.constant 0 : i32
          %dma_start3A_1146 = tpu.memref_slice %arg6[%dma_start3A_1144, %add3A_1141, %dma_start3A_1145] : memref<4x200x64xf32, #tpu.memory_space<vmem>> -> memref<1x1x64xf32, #tpu.memory_space<vmem>>
          %dma_start3A_1147 = tpu.memref_squeeze %dma_start3A_1146 : memref<1x1x64xf32, #tpu.memory_space<vmem>> -> memref<64xf32, #tpu.memory_space<vmem>>
          %dma_start3A_1148 = arith.constant 0 : i32
          %dma_start3A_1149 = tpu.memref_slice %arg3[%squeeze3A_1143, %dma_start3A_1148] : memref<1000000x64xf32, #tpu.memory_space<hbm>> -> memref<1x64xf32, #tpu.memory_space<hbm>>
          %dma_start3A_1150 = tpu.memref_squeeze %dma_start3A_1149 : memref<1x64xf32, #tpu.memory_space<hbm>> -> memref<64xf32, #tpu.memory_space<hbm>>
          %dma_start3A_1151 = arith.constant 0 : i32
          %dma_start3A_1152 = tpu.memref_slice %arg6[%dma_start3A_1144, %add3A_1141, %dma_start3A_1151] : memref<4x200x64xf32, #tpu.memory_space<vmem>> -> memref<1x1x64xf32, #tpu.memory_space<vmem>>
          %dma_start3A_1153 = tpu.memref_squeeze %dma_start3A_1152 : memref<1x1x64xf32, #tpu.memory_space<vmem>> -> memref<64xf32, #tpu.memory_space<vmem>>
          %dma_start3A_1154 = arith.constant 0 : i32
          %dma_start3A_1155 = tpu.memref_slice %arg3[%squeeze3A_1143, %dma_start3A_1154] : memref<1000000x64xf32, #tpu.memory_space<hbm>> -> memref<1x64xf32, #tpu.memory_space<hbm>>
          %dma_start3A_1156 = tpu.memref_squeeze %dma_start3A_1155 : memref<1x64xf32, #tpu.memory_space<hbm>> -> memref<64xf32, #tpu.memory_space<hbm>>
          tpu.enqueue_dma source(%dma_start3A_1156 : memref<64xf32, #tpu.memory_space<hbm>>) target(%dma_start3A_1153 : memref<64xf32, #tpu.memory_space<vmem>>) target_semaphore(%arg11 : memref<!tpu.dma_semaphore, #tpu.memory_space<semaphore_mem>>)
          %mul3A_1157 = arith.constant 16 : i32
          %mul3A_1158 = arith.muli %scan3A_979, %mul3A_1157 : i32
          %add3A_1159 = arith.constant 9 : i32
          %add3A_1160 = arith.addi %mul3A_1158, %add3A_1159 : i32
          %slice3A_1161 = vector.extract_strided_slice %get3A_985 {offsets = [9], sizes = [1], strides = [1]} : vector<16xi32> to vector<1xi32>
          %squeeze3A_1162 = vector.extract %slice3A_1161[0] : i32 from vector<1xi32>
          %dma_start3A_1163 = arith.constant 1 : i32
          %dma_start3A_1164 = arith.constant 0 : i32
          %dma_start3A_1165 = tpu.memref_slice %arg6[%dma_start3A_1163, %add3A_1160, %dma_start3A_1164] : memref<4x200x64xf32, #tpu.memory_space<vmem>> -> memref<1x1x64xf32, #tpu.memory_space<vmem>>
          %dma_start3A_1166 = tpu.memref_squeeze %dma_start3A_1165 : memref<1x1x64xf32, #tpu.memory_space<vmem>> -> memref<64xf32, #tpu.memory_space<vmem>>
          %dma_start3A_1167 = arith.constant 0 : i32
          %dma_start3A_1168 = tpu.memref_slice %arg3[%squeeze3A_1162, %dma_start3A_1167] : memref<1000000x64xf32, #tpu.memory_space<hbm>> -> memref<1x64xf32, #tpu.memory_space<hbm>>
          %dma_start3A_1169 = tpu.memref_squeeze %dma_start3A_1168 : memref<1x64xf32, #tpu.memory_space<hbm>> -> memref<64xf32, #tpu.memory_space<hbm>>
          %dma_start3A_1170 = arith.constant 0 : i32
          %dma_start3A_1171 = tpu.memref_slice %arg6[%dma_start3A_1163, %add3A_1160, %dma_start3A_1170] : memref<4x200x64xf32, #tpu.memory_space<vmem>> -> memref<1x1x64xf32, #tpu.memory_space<vmem>>
          %dma_start3A_1172 = tpu.memref_squeeze %dma_start3A_1171 : memref<1x1x64xf32, #tpu.memory_space<vmem>> -> memref<64xf32, #tpu.memory_space<vmem>>
          %dma_start3A_1173 = arith.constant 0 : i32
          %dma_start3A_1174 = tpu.memref_slice %arg3[%squeeze3A_1162, %dma_start3A_1173] : memref<1000000x64xf32, #tpu.memory_space<hbm>> -> memref<1x64xf32, #tpu.memory_space<hbm>>
          %dma_start3A_1175 = tpu.memref_squeeze %dma_start3A_1174 : memref<1x64xf32, #tpu.memory_space<hbm>> -> memref<64xf32, #tpu.memory_space<hbm>>
          tpu.enqueue_dma source(%dma_start3A_1175 : memref<64xf32, #tpu.memory_space<hbm>>) target(%dma_start3A_1172 : memref<64xf32, #tpu.memory_space<vmem>>) target_semaphore(%arg11 : memref<!tpu.dma_semaphore, #tpu.memory_space<semaphore_mem>>)
          %mul3A_1176 = arith.constant 16 : i32
          %mul3A_1177 = arith.muli %scan3A_979, %mul3A_1176 : i32
          %add3A_1178 = arith.constant 10 : i32
          %add3A_1179 = arith.addi %mul3A_1177, %add3A_1178 : i32
          %slice3A_1180 = vector.extract_strided_slice %get3A_985 {offsets = [10], sizes = [1], strides = [1]} : vector<16xi32> to vector<1xi32>
          %squeeze3A_1181 = vector.extract %slice3A_1180[0] : i32 from vector<1xi32>
          %dma_start3A_1182 = arith.constant 1 : i32
          %dma_start3A_1183 = arith.constant 0 : i32
          %dma_start3A_1184 = tpu.memref_slice %arg6[%dma_start3A_1182, %add3A_1179, %dma_start3A_1183] : memref<4x200x64xf32, #tpu.memory_space<vmem>> -> memref<1x1x64xf32, #tpu.memory_space<vmem>>
          %dma_start3A_1185 = tpu.memref_squeeze %dma_start3A_1184 : memref<1x1x64xf32, #tpu.memory_space<vmem>> -> memref<64xf32, #tpu.memory_space<vmem>>
          %dma_start3A_1186 = arith.constant 0 : i32
          %dma_start3A_1187 = tpu.memref_slice %arg3[%squeeze3A_1181, %dma_start3A_1186] : memref<1000000x64xf32, #tpu.memory_space<hbm>> -> memref<1x64xf32, #tpu.memory_space<hbm>>
          %dma_start3A_1188 = tpu.memref_squeeze %dma_start3A_1187 : memref<1x64xf32, #tpu.memory_space<hbm>> -> memref<64xf32, #tpu.memory_space<hbm>>
          %dma_start3A_1189 = arith.constant 0 : i32
          %dma_start3A_1190 = tpu.memref_slice %arg6[%dma_start3A_1182, %add3A_1179, %dma_start3A_1189] : memref<4x200x64xf32, #tpu.memory_space<vmem>> -> memref<1x1x64xf32, #tpu.memory_space<vmem>>
          %dma_start3A_1191 = tpu.memref_squeeze %dma_start3A_1190 : memref<1x1x64xf32, #tpu.memory_space<vmem>> -> memref<64xf32, #tpu.memory_space<vmem>>
          %dma_start3A_1192 = arith.constant 0 : i32
          %dma_start3A_1193 = tpu.memref_slice %arg3[%squeeze3A_1181, %dma_start3A_1192] : memref<1000000x64xf32, #tpu.memory_space<hbm>> -> memref<1x64xf32, #tpu.memory_space<hbm>>
          %dma_start3A_1194 = tpu.memref_squeeze %dma_start3A_1193 : memref<1x64xf32, #tpu.memory_space<hbm>> -> memref<64xf32, #tpu.memory_space<hbm>>
          tpu.enqueue_dma source(%dma_start3A_1194 : memref<64xf32, #tpu.memory_space<hbm>>) target(%dma_start3A_1191 : memref<64xf32, #tpu.memory_space<vmem>>) target_semaphore(%arg11 : memref<!tpu.dma_semaphore, #tpu.memory_space<semaphore_mem>>)
          %mul3A_1195 = arith.constant 16 : i32
          %mul3A_1196 = arith.muli %scan3A_979, %mul3A_1195 : i32
          %add3A_1197 = arith.constant 11 : i32
          %add3A_1198 = arith.addi %mul3A_1196, %add3A_1197 : i32
          %slice3A_1199 = vector.extract_strided_slice %get3A_985 {offsets = [11], sizes = [1], strides = [1]} : vector<16xi32> to vector<1xi32>
          %squeeze3A_1200 = vector.extract %slice3A_1199[0] : i32 from vector<1xi32>
          %dma_start3A_1201 = arith.constant 1 : i32
          %dma_start3A_1202 = arith.constant 0 : i32
          %dma_start3A_1203 = tpu.memref_slice %arg6[%dma_start3A_1201, %add3A_1198, %dma_start3A_1202] : memref<4x200x64xf32, #tpu.memory_space<vmem>> -> memref<1x1x64xf32, #tpu.memory_space<vmem>>
          %dma_start3A_1204 = tpu.memref_squeeze %dma_start3A_1203 : memref<1x1x64xf32, #tpu.memory_space<vmem>> -> memref<64xf32, #tpu.memory_space<vmem>>
          %dma_start3A_1205 = arith.constant 0 : i32
          %dma_start3A_1206 = tpu.memref_slice %arg3[%squeeze3A_1200, %dma_start3A_1205] : memref<1000000x64xf32, #tpu.memory_space<hbm>> -> memref<1x64xf32, #tpu.memory_space<hbm>>
          %dma_start3A_1207 = tpu.memref_squeeze %dma_start3A_1206 : memref<1x64xf32, #tpu.memory_space<hbm>> -> memref<64xf32, #tpu.memory_space<hbm>>
          %dma_start3A_1208 = arith.constant 0 : i32
          %dma_start3A_1209 = tpu.memref_slice %arg6[%dma_start3A_1201, %add3A_1198, %dma_start3A_1208] : memref<4x200x64xf32, #tpu.memory_space<vmem>> -> memref<1x1x64xf32, #tpu.memory_space<vmem>>
          %dma_start3A_1210 = tpu.memref_squeeze %dma_start3A_1209 : memref<1x1x64xf32, #tpu.memory_space<vmem>> -> memref<64xf32, #tpu.memory_space<vmem>>
          %dma_start3A_1211 = arith.constant 0 : i32
          %dma_start3A_1212 = tpu.memref_slice %arg3[%squeeze3A_1200, %dma_start3A_1211] : memref<1000000x64xf32, #tpu.memory_space<hbm>> -> memref<1x64xf32, #tpu.memory_space<hbm>>
          %dma_start3A_1213 = tpu.memref_squeeze %dma_start3A_1212 : memref<1x64xf32, #tpu.memory_space<hbm>> -> memref<64xf32, #tpu.memory_space<hbm>>
          tpu.enqueue_dma source(%dma_start3A_1213 : memref<64xf32, #tpu.memory_space<hbm>>) target(%dma_start3A_1210 : memref<64xf32, #tpu.memory_space<vmem>>) target_semaphore(%arg11 : memref<!tpu.dma_semaphore, #tpu.memory_space<semaphore_mem>>)
          %mul3A_1214 = arith.constant 16 : i32
          %mul3A_1215 = arith.muli %scan3A_979, %mul3A_1214 : i32
          %add3A_1216 = arith.constant 12 : i32
          %add3A_1217 = arith.addi %mul3A_1215, %add3A_1216 : i32
          %slice3A_1218 = vector.extract_strided_slice %get3A_985 {offsets = [12], sizes = [1], strides = [1]} : vector<16xi32> to vector<1xi32>
          %squeeze3A_1219 = vector.extract %slice3A_1218[0] : i32 from vector<1xi32>
          %dma_start3A_1220 = arith.constant 1 : i32
          %dma_start3A_1221 = arith.constant 0 : i32
          %dma_start3A_1222 = tpu.memref_slice %arg6[%dma_start3A_1220, %add3A_1217, %dma_start3A_1221] : memref<4x200x64xf32, #tpu.memory_space<vmem>> -> memref<1x1x64xf32, #tpu.memory_space<vmem>>
          %dma_start3A_1223 = tpu.memref_squeeze %dma_start3A_1222 : memref<1x1x64xf32, #tpu.memory_space<vmem>> -> memref<64xf32, #tpu.memory_space<vmem>>
          %dma_start3A_1224 = arith.constant 0 : i32
          %dma_start3A_1225 = tpu.memref_slice %arg3[%squeeze3A_1219, %dma_start3A_1224] : memref<1000000x64xf32, #tpu.memory_space<hbm>> -> memref<1x64xf32, #tpu.memory_space<hbm>>
          %dma_start3A_1226 = tpu.memref_squeeze %dma_start3A_1225 : memref<1x64xf32, #tpu.memory_space<hbm>> -> memref<64xf32, #tpu.memory_space<hbm>>
          %dma_start3A_1227 = arith.constant 0 : i32
          %dma_start3A_1228 = tpu.memref_slice %arg6[%dma_start3A_1220, %add3A_1217, %dma_start3A_1227] : memref<4x200x64xf32, #tpu.memory_space<vmem>> -> memref<1x1x64xf32, #tpu.memory_space<vmem>>
          %dma_start3A_1229 = tpu.memref_squeeze %dma_start3A_1228 : memref<1x1x64xf32, #tpu.memory_space<vmem>> -> memref<64xf32, #tpu.memory_space<vmem>>
          %dma_start3A_1230 = arith.constant 0 : i32
          %dma_start3A_1231 = tpu.memref_slice %arg3[%squeeze3A_1219, %dma_start3A_1230] : memref<1000000x64xf32, #tpu.memory_space<hbm>> -> memref<1x64xf32, #tpu.memory_space<hbm>>
          %dma_start3A_1232 = tpu.memref_squeeze %dma_start3A_1231 : memref<1x64xf32, #tpu.memory_space<hbm>> -> memref<64xf32, #tpu.memory_space<hbm>>
          tpu.enqueue_dma source(%dma_start3A_1232 : memref<64xf32, #tpu.memory_space<hbm>>) target(%dma_start3A_1229 : memref<64xf32, #tpu.memory_space<vmem>>) target_semaphore(%arg11 : memref<!tpu.dma_semaphore, #tpu.memory_space<semaphore_mem>>)
          %mul3A_1233 = arith.constant 16 : i32
          %mul3A_1234 = arith.muli %scan3A_979, %mul3A_1233 : i32
          %add3A_1235 = arith.constant 13 : i32
          %add3A_1236 = arith.addi %mul3A_1234, %add3A_1235 : i32
          %slice3A_1237 = vector.extract_strided_slice %get3A_985 {offsets = [13], sizes = [1], strides = [1]} : vector<16xi32> to vector<1xi32>
          %squeeze3A_1238 = vector.extract %slice3A_1237[0] : i32 from vector<1xi32>
          %dma_start3A_1239 = arith.constant 1 : i32
          %dma_start3A_1240 = arith.constant 0 : i32
          %dma_start3A_1241 = tpu.memref_slice %arg6[%dma_start3A_1239, %add3A_1236, %dma_start3A_1240] : memref<4x200x64xf32, #tpu.memory_space<vmem>> -> memref<1x1x64xf32, #tpu.memory_space<vmem>>
          %dma_start3A_1242 = tpu.memref_squeeze %dma_start3A_1241 : memref<1x1x64xf32, #tpu.memory_space<vmem>> -> memref<64xf32, #tpu.memory_space<vmem>>
          %dma_start3A_1243 = arith.constant 0 : i32
          %dma_start3A_1244 = tpu.memref_slice %arg3[%squeeze3A_1238, %dma_start3A_1243] : memref<1000000x64xf32, #tpu.memory_space<hbm>> -> memref<1x64xf32, #tpu.memory_space<hbm>>
          %dma_start3A_1245 = tpu.memref_squeeze %dma_start3A_1244 : memref<1x64xf32, #tpu.memory_space<hbm>> -> memref<64xf32, #tpu.memory_space<hbm>>
          %dma_start3A_1246 = arith.constant 0 : i32
          %dma_start3A_1247 = tpu.memref_slice %arg6[%dma_start3A_1239, %add3A_1236, %dma_start3A_1246] : memref<4x200x64xf32, #tpu.memory_space<vmem>> -> memref<1x1x64xf32, #tpu.memory_space<vmem>>
          %dma_start3A_1248 = tpu.memref_squeeze %dma_start3A_1247 : memref<1x1x64xf32, #tpu.memory_space<vmem>> -> memref<64xf32, #tpu.memory_space<vmem>>
          %dma_start3A_1249 = arith.constant 0 : i32
          %dma_start3A_1250 = tpu.memref_slice %arg3[%squeeze3A_1238, %dma_start3A_1249] : memref<1000000x64xf32, #tpu.memory_space<hbm>> -> memref<1x64xf32, #tpu.memory_space<hbm>>
          %dma_start3A_1251 = tpu.memref_squeeze %dma_start3A_1250 : memref<1x64xf32, #tpu.memory_space<hbm>> -> memref<64xf32, #tpu.memory_space<hbm>>
          tpu.enqueue_dma source(%dma_start3A_1251 : memref<64xf32, #tpu.memory_space<hbm>>) target(%dma_start3A_1248 : memref<64xf32, #tpu.memory_space<vmem>>) target_semaphore(%arg11 : memref<!tpu.dma_semaphore, #tpu.memory_space<semaphore_mem>>)
          %mul3A_1252 = arith.constant 16 : i32
          %mul3A_1253 = arith.muli %scan3A_979, %mul3A_1252 : i32
          %add3A_1254 = arith.constant 14 : i32
          %add3A_1255 = arith.addi %mul3A_1253, %add3A_1254 : i32
          %slice3A_1256 = vector.extract_strided_slice %get3A_985 {offsets = [14], sizes = [1], strides = [1]} : vector<16xi32> to vector<1xi32>
          %squeeze3A_1257 = vector.extract %slice3A_1256[0] : i32 from vector<1xi32>
          %dma_start3A_1258 = arith.constant 1 : i32
          %dma_start3A_1259 = arith.constant 0 : i32
          %dma_start3A_1260 = tpu.memref_slice %arg6[%dma_start3A_1258, %add3A_1255, %dma_start3A_1259] : memref<4x200x64xf32, #tpu.memory_space<vmem>> -> memref<1x1x64xf32, #tpu.memory_space<vmem>>
          %dma_start3A_1261 = tpu.memref_squeeze %dma_start3A_1260 : memref<1x1x64xf32, #tpu.memory_space<vmem>> -> memref<64xf32, #tpu.memory_space<vmem>>
          %dma_start3A_1262 = arith.constant 0 : i32
          %dma_start3A_1263 = tpu.memref_slice %arg3[%squeeze3A_1257, %dma_start3A_1262] : memref<1000000x64xf32, #tpu.memory_space<hbm>> -> memref<1x64xf32, #tpu.memory_space<hbm>>
          %dma_start3A_1264 = tpu.memref_squeeze %dma_start3A_1263 : memref<1x64xf32, #tpu.memory_space<hbm>> -> memref<64xf32, #tpu.memory_space<hbm>>
          %dma_start3A_1265 = arith.constant 0 : i32
          %dma_start3A_1266 = tpu.memref_slice %arg6[%dma_start3A_1258, %add3A_1255, %dma_start3A_1265] : memref<4x200x64xf32, #tpu.memory_space<vmem>> -> memref<1x1x64xf32, #tpu.memory_space<vmem>>
          %dma_start3A_1267 = tpu.memref_squeeze %dma_start3A_1266 : memref<1x1x64xf32, #tpu.memory_space<vmem>> -> memref<64xf32, #tpu.memory_space<vmem>>
          %dma_start3A_1268 = arith.constant 0 : i32
          %dma_start3A_1269 = tpu.memref_slice %arg3[%squeeze3A_1257, %dma_start3A_1268] : memref<1000000x64xf32, #tpu.memory_space<hbm>> -> memref<1x64xf32, #tpu.memory_space<hbm>>
          %dma_start3A_1270 = tpu.memref_squeeze %dma_start3A_1269 : memref<1x64xf32, #tpu.memory_space<hbm>> -> memref<64xf32, #tpu.memory_space<hbm>>
          tpu.enqueue_dma source(%dma_start3A_1270 : memref<64xf32, #tpu.memory_space<hbm>>) target(%dma_start3A_1267 : memref<64xf32, #tpu.memory_space<vmem>>) target_semaphore(%arg11 : memref<!tpu.dma_semaphore, #tpu.memory_space<semaphore_mem>>)
          %mul3A_1271 = arith.constant 16 : i32
          %mul3A_1272 = arith.muli %scan3A_979, %mul3A_1271 : i32
          %add3A_1273 = arith.constant 15 : i32
          %add3A_1274 = arith.addi %mul3A_1272, %add3A_1273 : i32
          %slice3A_1275 = vector.extract_strided_slice %get3A_985 {offsets = [15], sizes = [1], strides = [1]} : vector<16xi32> to vector<1xi32>
          %squeeze3A_1276 = vector.extract %slice3A_1275[0] : i32 from vector<1xi32>
          %dma_start3A_1277 = arith.constant 1 : i32
          %dma_start3A_1278 = arith.constant 0 : i32
          %dma_start3A_1279 = tpu.memref_slice %arg6[%dma_start3A_1277, %add3A_1274, %dma_start3A_1278] : memref<4x200x64xf32, #tpu.memory_space<vmem>> -> memref<1x1x64xf32, #tpu.memory_space<vmem>>
          %dma_start3A_1280 = tpu.memref_squeeze %dma_start3A_1279 : memref<1x1x64xf32, #tpu.memory_space<vmem>> -> memref<64xf32, #tpu.memory_space<vmem>>
          %dma_start3A_1281 = arith.constant 0 : i32
          %dma_start3A_1282 = tpu.memref_slice %arg3[%squeeze3A_1276, %dma_start3A_1281] : memref<1000000x64xf32, #tpu.memory_space<hbm>> -> memref<1x64xf32, #tpu.memory_space<hbm>>
          %dma_start3A_1283 = tpu.memref_squeeze %dma_start3A_1282 : memref<1x64xf32, #tpu.memory_space<hbm>> -> memref<64xf32, #tpu.memory_space<hbm>>
          %dma_start3A_1284 = arith.constant 0 : i32
          %dma_start3A_1285 = tpu.memref_slice %arg6[%dma_start3A_1277, %add3A_1274, %dma_start3A_1284] : memref<4x200x64xf32, #tpu.memory_space<vmem>> -> memref<1x1x64xf32, #tpu.memory_space<vmem>>
          %dma_start3A_1286 = tpu.memref_squeeze %dma_start3A_1285 : memref<1x1x64xf32, #tpu.memory_space<vmem>> -> memref<64xf32, #tpu.memory_space<vmem>>
          %dma_start3A_1287 = arith.constant 0 : i32
          %dma_start3A_1288 = tpu.memref_slice %arg3[%squeeze3A_1276, %dma_start3A_1287] : memref<1000000x64xf32, #tpu.memory_space<hbm>> -> memref<1x64xf32, #tpu.memory_space<hbm>>
          %dma_start3A_1289 = tpu.memref_squeeze %dma_start3A_1288 : memref<1x64xf32, #tpu.memory_space<hbm>> -> memref<64xf32, #tpu.memory_space<hbm>>
          tpu.enqueue_dma source(%dma_start3A_1289 : memref<64xf32, #tpu.memory_space<hbm>>) target(%dma_start3A_1286 : memref<64xf32, #tpu.memory_space<vmem>>) target_semaphore(%arg11 : memref<!tpu.dma_semaphore, #tpu.memory_space<semaphore_mem>>)
        }
        %scan3A_846 = arith.constant 12 : i32
        %get3A_847 = arith.index_cast %add3A_830 : i32 to index
        %get3A_848 = arith.constant 184 : index
        %get3A_849 = tpu.vector_load %arg5[%get3A_847, %get3A_848] {strides = array<i32>} : memref<128x200xi32, #tpu.memory_space<vmem>>, vector<1x16xi32>,
        %get3A_850 = vector.shape_cast %get3A_849 : vector<1x16xi32> to vector<16xi32>
        %slice3A_851 = vector.extract_strided_slice %get3A_850 {offsets = [8], sizes = [1], strides = [1]} : vector<16xi32> to vector<1xi32>
        %squeeze3A_852 = vector.extract %slice3A_851[0] : i32 from vector<1xi32>
        %dma_start3A_853 = arith.constant 1 : i32
        %dma_start3A_854 = arith.constant 192 : i32
        %dma_start3A_855 = arith.constant 0 : i32
        %dma_start3A_856 = tpu.memref_slice %arg6[%dma_start3A_853, %dma_start3A_854, %dma_start3A_855] : memref<4x200x64xf32, #tpu.memory_space<vmem>> -> memref<1x1x64xf32, #tpu.memory_space<vmem>>
        %dma_start3A_857 = tpu.memref_squeeze %dma_start3A_856 : memref<1x1x64xf32, #tpu.memory_space<vmem>> -> memref<64xf32, #tpu.memory_space<vmem>>
        %dma_start3A_858 = arith.constant 0 : i32
        %dma_start3A_859 = tpu.memref_slice %arg3[%squeeze3A_852, %dma_start3A_858] : memref<1000000x64xf32, #tpu.memory_space<hbm>> -> memref<1x64xf32, #tpu.memory_space<hbm>>
        %dma_start3A_860 = tpu.memref_squeeze %dma_start3A_859 : memref<1x64xf32, #tpu.memory_space<hbm>> -> memref<64xf32, #tpu.memory_space<hbm>>
        %dma_start3A_861 = arith.constant 0 : i32
        %dma_start3A_862 = tpu.memref_slice %arg6[%dma_start3A_853, %dma_start3A_854, %dma_start3A_861] : memref<4x200x64xf32, #tpu.memory_space<vmem>> -> memref<1x1x64xf32, #tpu.memory_space<vmem>>
        %dma_start3A_863 = tpu.memref_squeeze %dma_start3A_862 : memref<1x1x64xf32, #tpu.memory_space<vmem>> -> memref<64xf32, #tpu.memory_space<vmem>>
        %dma_start3A_864 = arith.constant 0 : i32
        %dma_start3A_865 = tpu.memref_slice %arg3[%squeeze3A_852, %dma_start3A_864] : memref<1000000x64xf32, #tpu.memory_space<hbm>> -> memref<1x64xf32, #tpu.memory_space<hbm>>
        %dma_start3A_866 = tpu.memref_squeeze %dma_start3A_865 : memref<1x64xf32, #tpu.memory_space<hbm>> -> memref<64xf32, #tpu.memory_space<hbm>>
        tpu.enqueue_dma source(%dma_start3A_866 : memref<64xf32, #tpu.memory_space<hbm>>) target(%dma_start3A_863 : memref<64xf32, #tpu.memory_space<vmem>>) target_semaphore(%arg11 : memref<!tpu.dma_semaphore, #tpu.memory_space<semaphore_mem>>)
        %slice3A_867 = vector.extract_strided_slice %get3A_850 {offsets = [9], sizes = [1], strides = [1]} : vector<16xi32> to vector<1xi32>
        %squeeze3A_868 = vector.extract %slice3A_867[0] : i32 from vector<1xi32>
        %dma_start3A_869 = arith.constant 1 : i32
        %dma_start3A_870 = arith.constant 193 : i32
        %dma_start3A_871 = arith.constant 0 : i32
        %dma_start3A_872 = tpu.memref_slice %arg6[%dma_start3A_869, %dma_start3A_870, %dma_start3A_871] : memref<4x200x64xf32, #tpu.memory_space<vmem>> -> memref<1x1x64xf32, #tpu.memory_space<vmem>>
        %dma_start3A_873 = tpu.memref_squeeze %dma_start3A_872 : memref<1x1x64xf32, #tpu.memory_space<vmem>> -> memref<64xf32, #tpu.memory_space<vmem>>
        %dma_start3A_874 = arith.constant 0 : i32
        %dma_start3A_875 = tpu.memref_slice %arg3[%squeeze3A_868, %dma_start3A_874] : memref<1000000x64xf32, #tpu.memory_space<hbm>> -> memref<1x64xf32, #tpu.memory_space<hbm>>
        %dma_start3A_876 = tpu.memref_squeeze %dma_start3A_875 : memref<1x64xf32, #tpu.memory_space<hbm>> -> memref<64xf32, #tpu.memory_space<hbm>>
        %dma_start3A_877 = arith.constant 0 : i32
        %dma_start3A_878 = tpu.memref_slice %arg6[%dma_start3A_869, %dma_start3A_870, %dma_start3A_877] : memref<4x200x64xf32, #tpu.memory_space<vmem>> -> memref<1x1x64xf32, #tpu.memory_space<vmem>>
        %dma_start3A_879 = tpu.memref_squeeze %dma_start3A_878 : memref<1x1x64xf32, #tpu.memory_space<vmem>> -> memref<64xf32, #tpu.memory_space<vmem>>
        %dma_start3A_880 = arith.constant 0 : i32
        %dma_start3A_881 = tpu.memref_slice %arg3[%squeeze3A_868, %dma_start3A_880] : memref<1000000x64xf32, #tpu.memory_space<hbm>> -> memref<1x64xf32, #tpu.memory_space<hbm>>
        %dma_start3A_882 = tpu.memref_squeeze %dma_start3A_881 : memref<1x64xf32, #tpu.memory_space<hbm>> -> memref<64xf32, #tpu.memory_space<hbm>>
        tpu.enqueue_dma source(%dma_start3A_882 : memref<64xf32, #tpu.memory_space<hbm>>) target(%dma_start3A_879 : memref<64xf32, #tpu.memory_space<vmem>>) target_semaphore(%arg11 : memref<!tpu.dma_semaphore, #tpu.memory_space<semaphore_mem>>)
        %slice3A_883 = vector.extract_strided_slice %get3A_850 {offsets = [10], sizes = [1], strides = [1]} : vector<16xi32> to vector<1xi32>
        %squeeze3A_884 = vector.extract %slice3A_883[0] : i32 from vector<1xi32>
        %dma_start3A_885 = arith.constant 1 : i32
        %dma_start3A_886 = arith.constant 194 : i32
        %dma_start3A_887 = arith.constant 0 : i32
        %dma_start3A_888 = tpu.memref_slice %arg6[%dma_start3A_885, %dma_start3A_886, %dma_start3A_887] : memref<4x200x64xf32, #tpu.memory_space<vmem>> -> memref<1x1x64xf32, #tpu.memory_space<vmem>>
        %dma_start3A_889 = tpu.memref_squeeze %dma_start3A_888 : memref<1x1x64xf32, #tpu.memory_space<vmem>> -> memref<64xf32, #tpu.memory_space<vmem>>
        %dma_start3A_890 = arith.constant 0 : i32
        %dma_start3A_891 = tpu.memref_slice %arg3[%squeeze3A_884, %dma_start3A_890] : memref<1000000x64xf32, #tpu.memory_space<hbm>> -> memref<1x64xf32, #tpu.memory_space<hbm>>
        %dma_start3A_892 = tpu.memref_squeeze %dma_start3A_891 : memref<1x64xf32, #tpu.memory_space<hbm>> -> memref<64xf32, #tpu.memory_space<hbm>>
        %dma_start3A_893 = arith.constant 0 : i32
        %dma_start3A_894 = tpu.memref_slice %arg6[%dma_start3A_885, %dma_start3A_886, %dma_start3A_893] : memref<4x200x64xf32, #tpu.memory_space<vmem>> -> memref<1x1x64xf32, #tpu.memory_space<vmem>>
        %dma_start3A_895 = tpu.memref_squeeze %dma_start3A_894 : memref<1x1x64xf32, #tpu.memory_space<vmem>> -> memref<64xf32, #tpu.memory_space<vmem>>
        %dma_start3A_896 = arith.constant 0 : i32
        %dma_start3A_897 = tpu.memref_slice %arg3[%squeeze3A_884, %dma_start3A_896] : memref<1000000x64xf32, #tpu.memory_space<hbm>> -> memref<1x64xf32, #tpu.memory_space<hbm>>
        %dma_start3A_898 = tpu.memref_squeeze %dma_start3A_897 : memref<1x64xf32, #tpu.memory_space<hbm>> -> memref<64xf32, #tpu.memory_space<hbm>>
        tpu.enqueue_dma source(%dma_start3A_898 : memref<64xf32, #tpu.memory_space<hbm>>) target(%dma_start3A_895 : memref<64xf32, #tpu.memory_space<vmem>>) target_semaphore(%arg11 : memref<!tpu.dma_semaphore, #tpu.memory_space<semaphore_mem>>)
        %slice3A_899 = vector.extract_strided_slice %get3A_850 {offsets = [11], sizes = [1], strides = [1]} : vector<16xi32> to vector<1xi32>
        %squeeze3A_900 = vector.extract %slice3A_899[0] : i32 from vector<1xi32>
        %dma_start3A_901 = arith.constant 1 : i32
        %dma_start3A_902 = arith.constant 195 : i32
        %dma_start3A_903 = arith.constant 0 : i32
        %dma_start3A_904 = tpu.memref_slice %arg6[%dma_start3A_901, %dma_start3A_902, %dma_start3A_903] : memref<4x200x64xf32, #tpu.memory_space<vmem>> -> memref<1x1x64xf32, #tpu.memory_space<vmem>>
        %dma_start3A_905 = tpu.memref_squeeze %dma_start3A_904 : memref<1x1x64xf32, #tpu.memory_space<vmem>> -> memref<64xf32, #tpu.memory_space<vmem>>
        %dma_start3A_906 = arith.constant 0 : i32
        %dma_start3A_907 = tpu.memref_slice %arg3[%squeeze3A_900, %dma_start3A_906] : memref<1000000x64xf32, #tpu.memory_space<hbm>> -> memref<1x64xf32, #tpu.memory_space<hbm>>
        %dma_start3A_908 = tpu.memref_squeeze %dma_start3A_907 : memref<1x64xf32, #tpu.memory_space<hbm>> -> memref<64xf32, #tpu.memory_space<hbm>>
        %dma_start3A_909 = arith.constant 0 : i32
        %dma_start3A_910 = tpu.memref_slice %arg6[%dma_start3A_901, %dma_start3A_902, %dma_start3A_909] : memref<4x200x64xf32, #tpu.memory_space<vmem>> -> memref<1x1x64xf32, #tpu.memory_space<vmem>>
        %dma_start3A_911 = tpu.memref_squeeze %dma_start3A_910 : memref<1x1x64xf32, #tpu.memory_space<vmem>> -> memref<64xf32, #tpu.memory_space<vmem>>
        %dma_start3A_912 = arith.constant 0 : i32
        %dma_start3A_913 = tpu.memref_slice %arg3[%squeeze3A_900, %dma_start3A_912] : memref<1000000x64xf32, #tpu.memory_space<hbm>> -> memref<1x64xf32, #tpu.memory_space<hbm>>
        %dma_start3A_914 = tpu.memref_squeeze %dma_start3A_913 : memref<1x64xf32, #tpu.memory_space<hbm>> -> memref<64xf32, #tpu.memory_space<hbm>>
        tpu.enqueue_dma source(%dma_start3A_914 : memref<64xf32, #tpu.memory_space<hbm>>) target(%dma_start3A_911 : memref<64xf32, #tpu.memory_space<vmem>>) target_semaphore(%arg11 : memref<!tpu.dma_semaphore, #tpu.memory_space<semaphore_mem>>)
        %slice3A_915 = vector.extract_strided_slice %get3A_850 {offsets = [12], sizes = [1], strides = [1]} : vector<16xi32> to vector<1xi32>
        %squeeze3A_916 = vector.extract %slice3A_915[0] : i32 from vector<1xi32>
        %dma_start3A_917 = arith.constant 1 : i32
        %dma_start3A_918 = arith.constant 196 : i32
        %dma_start3A_919 = arith.constant 0 : i32
        %dma_start3A_920 = tpu.memref_slice %arg6[%dma_start3A_917, %dma_start3A_918, %dma_start3A_919] : memref<4x200x64xf32, #tpu.memory_space<vmem>> -> memref<1x1x64xf32, #tpu.memory_space<vmem>>
        %dma_start3A_921 = tpu.memref_squeeze %dma_start3A_920 : memref<1x1x64xf32, #tpu.memory_space<vmem>> -> memref<64xf32, #tpu.memory_space<vmem>>
        %dma_start3A_922 = arith.constant 0 : i32
        %dma_start3A_923 = tpu.memref_slice %arg3[%squeeze3A_916, %dma_start3A_922] : memref<1000000x64xf32, #tpu.memory_space<hbm>> -> memref<1x64xf32, #tpu.memory_space<hbm>>
        %dma_start3A_924 = tpu.memref_squeeze %dma_start3A_923 : memref<1x64xf32, #tpu.memory_space<hbm>> -> memref<64xf32, #tpu.memory_space<hbm>>
        %dma_start3A_925 = arith.constant 0 : i32
        %dma_start3A_926 = tpu.memref_slice %arg6[%dma_start3A_917, %dma_start3A_918, %dma_start3A_925] : memref<4x200x64xf32, #tpu.memory_space<vmem>> -> memref<1x1x64xf32, #tpu.memory_space<vmem>>
        %dma_start3A_927 = tpu.memref_squeeze %dma_start3A_926 : memref<1x1x64xf32, #tpu.memory_space<vmem>> -> memref<64xf32, #tpu.memory_space<vmem>>
        %dma_start3A_928 = arith.constant 0 : i32
        %dma_start3A_929 = tpu.memref_slice %arg3[%squeeze3A_916, %dma_start3A_928] : memref<1000000x64xf32, #tpu.memory_space<hbm>> -> memref<1x64xf32, #tpu.memory_space<hbm>>
        %dma_start3A_930 = tpu.memref_squeeze %dma_start3A_929 : memref<1x64xf32, #tpu.memory_space<hbm>> -> memref<64xf32, #tpu.memory_space<hbm>>
        tpu.enqueue_dma source(%dma_start3A_930 : memref<64xf32, #tpu.memory_space<hbm>>) target(%dma_start3A_927 : memref<64xf32, #tpu.memory_space<vmem>>) target_semaphore(%arg11 : memref<!tpu.dma_semaphore, #tpu.memory_space<semaphore_mem>>)
        %slice3A_931 = vector.extract_strided_slice %get3A_850 {offsets = [13], sizes = [1], strides = [1]} : vector<16xi32> to vector<1xi32>
        %squeeze3A_932 = vector.extract %slice3A_931[0] : i32 from vector<1xi32>
        %dma_start3A_933 = arith.constant 1 : i32
        %dma_start3A_934 = arith.constant 197 : i32
        %dma_start3A_935 = arith.constant 0 : i32
        %dma_start3A_936 = tpu.memref_slice %arg6[%dma_start3A_933, %dma_start3A_934, %dma_start3A_935] : memref<4x200x64xf32, #tpu.memory_space<vmem>> -> memref<1x1x64xf32, #tpu.memory_space<vmem>>
        %dma_start3A_937 = tpu.memref_squeeze %dma_start3A_936 : memref<1x1x64xf32, #tpu.memory_space<vmem>> -> memref<64xf32, #tpu.memory_space<vmem>>
        %dma_start3A_938 = arith.constant 0 : i32
        %dma_start3A_939 = tpu.memref_slice %arg3[%squeeze3A_932, %dma_start3A_938] : memref<1000000x64xf32, #tpu.memory_space<hbm>> -> memref<1x64xf32, #tpu.memory_space<hbm>>
        %dma_start3A_940 = tpu.memref_squeeze %dma_start3A_939 : memref<1x64xf32, #tpu.memory_space<hbm>> -> memref<64xf32, #tpu.memory_space<hbm>>
        %dma_start3A_941 = arith.constant 0 : i32
        %dma_start3A_942 = tpu.memref_slice %arg6[%dma_start3A_933, %dma_start3A_934, %dma_start3A_941] : memref<4x200x64xf32, #tpu.memory_space<vmem>> -> memref<1x1x64xf32, #tpu.memory_space<vmem>>
        %dma_start3A_943 = tpu.memref_squeeze %dma_start3A_942 : memref<1x1x64xf32, #tpu.memory_space<vmem>> -> memref<64xf32, #tpu.memory_space<vmem>>
        %dma_start3A_944 = arith.constant 0 : i32
        %dma_start3A_945 = tpu.memref_slice %arg3[%squeeze3A_932, %dma_start3A_944] : memref<1000000x64xf32, #tpu.memory_space<hbm>> -> memref<1x64xf32, #tpu.memory_space<hbm>>
        %dma_start3A_946 = tpu.memref_squeeze %dma_start3A_945 : memref<1x64xf32, #tpu.memory_space<hbm>> -> memref<64xf32, #tpu.memory_space<hbm>>
        tpu.enqueue_dma source(%dma_start3A_946 : memref<64xf32, #tpu.memory_space<hbm>>) target(%dma_start3A_943 : memref<64xf32, #tpu.memory_space<vmem>>) target_semaphore(%arg11 : memref<!tpu.dma_semaphore, #tpu.memory_space<semaphore_mem>>)
        %slice3A_947 = vector.extract_strided_slice %get3A_850 {offsets = [14], sizes = [1], strides = [1]} : vector<16xi32> to vector<1xi32>
        %squeeze3A_948 = vector.extract %slice3A_947[0] : i32 from vector<1xi32>
        %dma_start3A_949 = arith.constant 1 : i32
        %dma_start3A_950 = arith.constant 198 : i32
        %dma_start3A_951 = arith.constant 0 : i32
        %dma_start3A_952 = tpu.memref_slice %arg6[%dma_start3A_949, %dma_start3A_950, %dma_start3A_951] : memref<4x200x64xf32, #tpu.memory_space<vmem>> -> memref<1x1x64xf32, #tpu.memory_space<vmem>>
        %dma_start3A_953 = tpu.memref_squeeze %dma_start3A_952 : memref<1x1x64xf32, #tpu.memory_space<vmem>> -> memref<64xf32, #tpu.memory_space<vmem>>
        %dma_start3A_954 = arith.constant 0 : i32
        %dma_start3A_955 = tpu.memref_slice %arg3[%squeeze3A_948, %dma_start3A_954] : memref<1000000x64xf32, #tpu.memory_space<hbm>> -> memref<1x64xf32, #tpu.memory_space<hbm>>
        %dma_start3A_956 = tpu.memref_squeeze %dma_start3A_955 : memref<1x64xf32, #tpu.memory_space<hbm>> -> memref<64xf32, #tpu.memory_space<hbm>>
        %dma_start3A_957 = arith.constant 0 : i32
        %dma_start3A_958 = tpu.memref_slice %arg6[%dma_start3A_949, %dma_start3A_950, %dma_start3A_957] : memref<4x200x64xf32, #tpu.memory_space<vmem>> -> memref<1x1x64xf32, #tpu.memory_space<vmem>>
        %dma_start3A_959 = tpu.memref_squeeze %dma_start3A_958 : memref<1x1x64xf32, #tpu.memory_space<vmem>> -> memref<64xf32, #tpu.memory_space<vmem>>
        %dma_start3A_960 = arith.constant 0 : i32
        %dma_start3A_961 = tpu.memref_slice %arg3[%squeeze3A_948, %dma_start3A_960] : memref<1000000x64xf32, #tpu.memory_space<hbm>> -> memref<1x64xf32, #tpu.memory_space<hbm>>
        %dma_start3A_962 = tpu.memref_squeeze %dma_start3A_961 : memref<1x64xf32, #tpu.memory_space<hbm>> -> memref<64xf32, #tpu.memory_space<hbm>>
        tpu.enqueue_dma source(%dma_start3A_962 : memref<64xf32, #tpu.memory_space<hbm>>) target(%dma_start3A_959 : memref<64xf32, #tpu.memory_space<vmem>>) target_semaphore(%arg11 : memref<!tpu.dma_semaphore, #tpu.memory_space<semaphore_mem>>)
        %slice3A_963 = vector.extract_strided_slice %get3A_850 {offsets = [15], sizes = [1], strides = [1]} : vector<16xi32> to vector<1xi32>
        %squeeze3A_964 = vector.extract %slice3A_963[0] : i32 from vector<1xi32>
        %dma_start3A_965 = arith.constant 1 : i32
        %dma_start3A_966 = arith.constant 199 : i32
        %dma_start3A_967 = arith.constant 0 : i32
        %dma_start3A_968 = tpu.memref_slice %arg6[%dma_start3A_965, %dma_start3A_966, %dma_start3A_967] : memref<4x200x64xf32, #tpu.memory_space<vmem>> -> memref<1x1x64xf32, #tpu.memory_space<vmem>>
        %dma_start3A_969 = tpu.memref_squeeze %dma_start3A_968 : memref<1x1x64xf32, #tpu.memory_space<vmem>> -> memref<64xf32, #tpu.memory_space<vmem>>
        %dma_start3A_970 = arith.constant 0 : i32
        %dma_start3A_971 = tpu.memref_slice %arg3[%squeeze3A_964, %dma_start3A_970] : memref<1000000x64xf32, #tpu.memory_space<hbm>> -> memref<1x64xf32, #tpu.memory_space<hbm>>
        %dma_start3A_972 = tpu.memref_squeeze %dma_start3A_971 : memref<1x64xf32, #tpu.memory_space<hbm>> -> memref<64xf32, #tpu.memory_space<hbm>>
        %dma_start3A_973 = arith.constant 0 : i32
        %dma_start3A_974 = tpu.memref_slice %arg6[%dma_start3A_965, %dma_start3A_966, %dma_start3A_973] : memref<4x200x64xf32, #tpu.memory_space<vmem>> -> memref<1x1x64xf32, #tpu.memory_space<vmem>>
        %dma_start3A_975 = tpu.memref_squeeze %dma_start3A_974 : memref<1x1x64xf32, #tpu.memory_space<vmem>> -> memref<64xf32, #tpu.memory_space<vmem>>
        %dma_start3A_976 = arith.constant 0 : i32
        %dma_start3A_977 = tpu.memref_slice %arg3[%squeeze3A_964, %dma_start3A_976] : memref<1000000x64xf32, #tpu.memory_space<hbm>> -> memref<1x64xf32, #tpu.memory_space<hbm>>
        %dma_start3A_978 = tpu.memref_squeeze %dma_start3A_977 : memref<1x64xf32, #tpu.memory_space<hbm>> -> memref<64xf32, #tpu.memory_space<hbm>>
        tpu.enqueue_dma source(%dma_start3A_978 : memref<64xf32, #tpu.memory_space<hbm>>) target(%dma_start3A_975 : memref<64xf32, #tpu.memory_space<vmem>>) target_semaphore(%arg11 : memref<!tpu.dma_semaphore, #tpu.memory_space<semaphore_mem>>)
      } else {
      }
    }
    %scan3A_301 = arith.constant 32 : i32
    %dma_wait3A_302 = arith.constant 2 : i32
    %dma_wait3A_303 = arith.constant 2 : i32
    %dma_wait3A_304 = arith.constant 0 : i32
    %dma_wait3A_305 = arith.constant 0 : i32
    %dma_wait3A_306 = tpu.memref_slice %arg6[%dma_wait3A_302, %dma_wait3A_304, %dma_wait3A_305] : memref<4x200x64xf32, #tpu.memory_space<vmem>> -> memref<1x200x64xf32, #tpu.memory_space<vmem>>
    %dma_wait3A_307 = tpu.memref_squeeze %dma_wait3A_306 : memref<1x200x64xf32, #tpu.memory_space<vmem>> -> memref<200x64xf32, #tpu.memory_space<vmem>>
    %dma_wait3A_308 = arith.constant 0 : i32
    %dma_wait3A_309 = tpu.memref_slice %arg7[%dma_wait3A_303, %dma_wait3A_308] : memref<4x200xi32, #tpu.memory_space<vmem>> -> memref<1x200xi32, #tpu.memory_space<vmem>>
    %dma_wait3A_310 = tpu.memref_squeeze %dma_wait3A_309 : memref<1x200xi32, #tpu.memory_space<vmem>> -> memref<200xi32, #tpu.memory_space<vmem>>
    %dma_wait3A_311 = arith.constant 0 : i32
    %dma_wait3A_312 = arith.constant 0 : i32
    %dma_wait3A_313 = tpu.memref_slice %arg9[%dma_wait3A_311, %dma_wait3A_312] : memref<2048x64xf32, #tpu.memory_space<vmem_shared>> -> memref<2048x64xf32, #tpu.memory_space<vmem_shared>>
    tpu.wait_indirect_dma semaphore(%arg16 : memref<!tpu.dma_semaphore, #tpu.memory_space<semaphore_mem>>) src(%dma_wait3A_307 : memref<200x64xf32, #tpu.memory_space<vmem>>) dst(%dma_wait3A_313 : memref<2048x64xf32, #tpu.memory_space<vmem_shared>>)
    %dma_wait3A_314 = arith.constant 3 : i32
    %dma_wait3A_315 = arith.constant 3 : i32
    %dma_wait3A_316 = arith.constant 0 : i32
    %dma_wait3A_317 = arith.constant 0 : i32
    %dma_wait3A_318 = tpu.memref_slice %arg6[%dma_wait3A_314, %dma_wait3A_316, %dma_wait3A_317] : memref<4x200x64xf32, #tpu.memory_space<vmem>> -> memref<1x200x64xf32, #tpu.memory_space<vmem>>
    %dma_wait3A_319 = tpu.memref_squeeze %dma_wait3A_318 : memref<1x200x64xf32, #tpu.memory_space<vmem>> -> memref<200x64xf32, #tpu.memory_space<vmem>>
    %dma_wait3A_320 = arith.constant 0 : i32
    %dma_wait3A_321 = tpu.memref_slice %arg7[%dma_wait3A_315, %dma_wait3A_320] : memref<4x200xi32, #tpu.memory_space<vmem>> -> memref<1x200xi32, #tpu.memory_space<vmem>>
    %dma_wait3A_322 = tpu.memref_squeeze %dma_wait3A_321 : memref<1x200xi32, #tpu.memory_space<vmem>> -> memref<200xi32, #tpu.memory_space<vmem>>
    %dma_wait3A_323 = arith.constant 0 : i32
    %dma_wait3A_324 = arith.constant 0 : i32
    %dma_wait3A_325 = tpu.memref_slice %arg9[%dma_wait3A_323, %dma_wait3A_324] : memref<2048x64xf32, #tpu.memory_space<vmem_shared>> -> memref<2048x64xf32, #tpu.memory_space<vmem_shared>>
    tpu.wait_indirect_dma semaphore(%arg17 : memref<!tpu.dma_semaphore, #tpu.memory_space<semaphore_mem>>) src(%dma_wait3A_319 : memref<200x64xf32, #tpu.memory_space<vmem>>) dst(%dma_wait3A_325 : memref<2048x64xf32, #tpu.memory_space<vmem_shared>>)
    "tpu.region"() ({
      %run_scoped3A = tpu.sem_alloc : memref<!tpu.dma_semaphore, #tpu.memory_space<semaphore_mem>>
      %dma_start3A_341 = arith.constant 0 : i32
      %dma_start3A_342 = tpu.memref_slice %arg9[%mul3A_6, %dma_start3A_341] : memref<2048x64xf32, #tpu.memory_space<vmem_shared>> -> memref<128x64xf32, #tpu.memory_space<vmem_shared>>
      %dma_start3A_343 = arith.constant 0 : i32
      %dma_start3A_344 = tpu.memref_slice %arg9[%mul3A_6, %dma_start3A_343] : memref<2048x64xf32, #tpu.memory_space<vmem_shared>> -> memref<128x64xf32, #tpu.memory_space<vmem_shared>>
      tpu.enqueue_dma source(%dma_start3A_344 : memref<128x64xf32, #tpu.memory_space<vmem_shared>>) target(%arg8 : memref<128x64xf32, #tpu.memory_space<vmem>>) target_semaphore(%run_scoped3A : memref<!tpu.dma_semaphore, #tpu.memory_space<semaphore_mem>>)
      %dma_wait3A_345 = arith.constant 0 : i32
      %dma_wait3A_346 = tpu.memref_slice %arg9[%mul3A_6, %dma_wait3A_345] : memref<2048x64xf32, #tpu.memory_space<vmem_shared>> -> memref<128x64xf32, #tpu.memory_space<vmem_shared>>
      %dma_wait3A_347 = arith.constant 0 : i32
      %dma_wait3A_348 = tpu.memref_slice %arg9[%mul3A_6, %dma_wait3A_347] : memref<2048x64xf32, #tpu.memory_space<vmem_shared>> -> memref<128x64xf32, #tpu.memory_space<vmem_shared>>
      tpu.wait_dma2 semaphore(%run_scoped3A : memref<!tpu.dma_semaphore, #tpu.memory_space<semaphore_mem>>) src(%dma_wait3A_348 : memref<128x64xf32, #tpu.memory_space<vmem_shared>>) dst(%arg8 : memref<128x64xf32, #tpu.memory_space<vmem>>)
      tpu.yield
    }) : () -> ()
    %scan3A_326 = arith.constant 0 : i32
    %scan3A_327 = arith.constant 5.000000e-03 : f32
    %scan3A_328 = arith.constant 0 : i32
    %scan3A_329 = arith.constant 128 : i32
    %scan3A_330 = arith.addi %scan3A_328, %scan3A_329 : i32
    %scan3A_331 = arith.constant 1 : i32
    scf.for %scan3A_341 = %scan3A_328 to %scan3A_330 step %scan3A_331  : i32 {
      %get3A_342 = arith.index_cast %scan3A_341 : i32 to index
      %get3A_343 = arith.constant 0 : index
      %get3A_344 = tpu.vector_load %arg8[%get3A_342, %get3A_343] {strides = array<i32>} : memref<128x64xf32, #tpu.memory_space<vmem>>, vector<1x16xf32>,
      %get3A_345 = vector.shape_cast %get3A_344 : vector<1x16xf32> to vector<16xf32>
      %mul3A_346 = vector.broadcast %scan3A_327 : f32 to vector<16xf32>
      %mul3A_347 = arith.mulf %get3A_345, %mul3A_346 : vector<16xf32>
      %swap3A = arith.index_cast %scan3A_341 : i32 to index
      %swap3A_348 = arith.constant 0 : index
      %swap3A_349 = tpu.vector_load %arg8[%swap3A, %swap3A_348] {strides = array<i32>} : memref<128x64xf32, #tpu.memory_space<vmem>>, vector<1x16xf32>,
      %swap3A_350 = vector.shape_cast %swap3A_349 : vector<1x16xf32> to vector<16xf32>
      %swap3A_351 = vector.shape_cast %mul3A_347 : vector<16xf32> to vector<1x16xf32>
      tpu.vector_store %arg8[%swap3A, %swap3A_348], %swap3A_351 {strides = array<i32>} : memref<128x64xf32, #tpu.memory_space<vmem>>, vector<1x16xf32>,
      %get3A_352 = arith.index_cast %scan3A_341 : i32 to index
      %get3A_353 = arith.constant 16 : index
      %get3A_354 = tpu.vector_load %arg8[%get3A_352, %get3A_353] {strides = array<i32>} : memref<128x64xf32, #tpu.memory_space<vmem>>, vector<1x16xf32>,
      %get3A_355 = vector.shape_cast %get3A_354 : vector<1x16xf32> to vector<16xf32>
      %mul3A_356 = vector.broadcast %scan3A_327 : f32 to vector<16xf32>
      %mul3A_357 = arith.mulf %get3A_355, %mul3A_356 : vector<16xf32>
      %swap3A_358 = arith.index_cast %scan3A_341 : i32 to index
      %swap3A_359 = arith.constant 16 : index
      %swap3A_360 = tpu.vector_load %arg8[%swap3A_358, %swap3A_359] {strides = array<i32>} : memref<128x64xf32, #tpu.memory_space<vmem>>, vector<1x16xf32>,
      %swap3A_361 = vector.shape_cast %swap3A_360 : vector<1x16xf32> to vector<16xf32>
      %swap3A_362 = vector.shape_cast %mul3A_357 : vector<16xf32> to vector<1x16xf32>
      tpu.vector_store %arg8[%swap3A_358, %swap3A_359], %swap3A_362 {strides = array<i32>} : memref<128x64xf32, #tpu.memory_space<vmem>>, vector<1x16xf32>,
      %get3A_363 = arith.index_cast %scan3A_341 : i32 to index
      %get3A_364 = arith.constant 32 : index
      %get3A_365 = tpu.vector_load %arg8[%get3A_363, %get3A_364] {strides = array<i32>} : memref<128x64xf32, #tpu.memory_space<vmem>>, vector<1x16xf32>,
      %get3A_366 = vector.shape_cast %get3A_365 : vector<1x16xf32> to vector<16xf32>
      %mul3A_367 = vector.broadcast %scan3A_327 : f32 to vector<16xf32>
      %mul3A_368 = arith.mulf %get3A_366, %mul3A_367 : vector<16xf32>
      %swap3A_369 = arith.index_cast %scan3A_341 : i32 to index
      %swap3A_370 = arith.constant 32 : index
      %swap3A_371 = tpu.vector_load %arg8[%swap3A_369, %swap3A_370] {strides = array<i32>} : memref<128x64xf32, #tpu.memory_space<vmem>>, vector<1x16xf32>,
      %swap3A_372 = vector.shape_cast %swap3A_371 : vector<1x16xf32> to vector<16xf32>
      %swap3A_373 = vector.shape_cast %mul3A_368 : vector<16xf32> to vector<1x16xf32>
      tpu.vector_store %arg8[%swap3A_369, %swap3A_370], %swap3A_373 {strides = array<i32>} : memref<128x64xf32, #tpu.memory_space<vmem>>, vector<1x16xf32>,
      %get3A_374 = arith.index_cast %scan3A_341 : i32 to index
      %get3A_375 = arith.constant 48 : index
      %get3A_376 = tpu.vector_load %arg8[%get3A_374, %get3A_375] {strides = array<i32>} : memref<128x64xf32, #tpu.memory_space<vmem>>, vector<1x16xf32>,
      %get3A_377 = vector.shape_cast %get3A_376 : vector<1x16xf32> to vector<16xf32>
      %mul3A_378 = vector.broadcast %scan3A_327 : f32 to vector<16xf32>
      %mul3A_379 = arith.mulf %get3A_377, %mul3A_378 : vector<16xf32>
      %swap3A_380 = arith.index_cast %scan3A_341 : i32 to index
      %swap3A_381 = arith.constant 48 : index
      %swap3A_382 = tpu.vector_load %arg8[%swap3A_380, %swap3A_381] {strides = array<i32>} : memref<128x64xf32, #tpu.memory_space<vmem>>, vector<1x16xf32>,
      %swap3A_383 = vector.shape_cast %swap3A_382 : vector<1x16xf32> to vector<16xf32>
      %swap3A_384 = vector.shape_cast %mul3A_379 : vector<16xf32> to vector<1x16xf32>
      tpu.vector_store %arg8[%swap3A_380, %swap3A_381], %swap3A_384 {strides = array<i32>} : memref<128x64xf32, #tpu.memory_space<vmem>>, vector<1x16xf32>,
    }
    %scan3A_332 = arith.constant 128 : i32
    %dma_start3A_333 = arith.constant 0 : i32
    %dma_start3A_334 = tpu.memref_slice %arg4[%mul3A_4, %dma_start3A_333] : memref<4096x64xf32, #tpu.memory_space<hbm>> -> memref<128x64xf32, #tpu.memory_space<hbm>>
    %dma_start3A_335 = arith.constant 0 : i32
    %dma_start3A_336 = tpu.memref_slice %arg4[%mul3A_4, %dma_start3A_335] : memref<4096x64xf32, #tpu.memory_space<hbm>> -> memref<128x64xf32, #tpu.memory_space<hbm>>
    tpu.enqueue_dma source(%arg8 : memref<128x64xf32, #tpu.memory_space<vmem>>) target(%dma_start3A_336 : memref<128x64xf32, #tpu.memory_space<hbm>>) target_semaphore(%arg10 : memref<!tpu.dma_semaphore, #tpu.memory_space<semaphore_mem>>)
    %dma_wait3A_337 = arith.constant 0 : i32
    %dma_wait3A_338 = tpu.memref_slice %arg4[%mul3A_4, %dma_wait3A_337] : memref<4096x64xf32, #tpu.memory_space<hbm>> -> memref<128x64xf32, #tpu.memory_space<hbm>>
    %dma_wait3A_339 = arith.constant 0 : i32
    %dma_wait3A_340 = tpu.memref_slice %arg4[%mul3A_4, %dma_wait3A_339] : memref<4096x64xf32, #tpu.memory_space<hbm>> -> memref<128x64xf32, #tpu.memory_space<hbm>>
    tpu.wait_dma2 semaphore(%arg10 : memref<!tpu.dma_semaphore, #tpu.memory_space<semaphore_mem>>) src(%arg8 : memref<128x64xf32, #tpu.memory_space<vmem>>) dst(%dma_wait3A_340 : memref<128x64xf32, #tpu.memory_space<hbm>>)
    return
  }
}

</mosaic_0001>

<sc_bundles>
// kernel: kernel.3.cloned.1.call-start
scs
__scs_entry_jumppad:
0x0: {  	(pc) =	sbr.rel $0x88, $3  }
0x1: {  	(tag) =	ssettag $0x0;
	lr =	simm.s32 $0x1  }
0x2: {  	[smem:$0x3F9F] =	sst lr;
	_ =	strace $0xD0000000  }
0x3: {  	_ = 	snop  }
0x4: {  	_ = 	snop  }
0x5: {  	_ = 	snop  }
0x6: {  	_ = 	snop  }
0x7: {  	_ = 	snop  }
__scs_overlays_trampoline_lowered:
0x8: {  	[smem:$0x3FAE] =	sst s0  }
0x9: {  	[smem:$0x3FAF] =	sst s1  }
0xa: {  	[smem:$0x3FB0] =	sst s2  }
0xb: {  	[smem:$0x3FB1] =	sst s3  }
0xc: {  	[smem:$0x3FB2] =	sst s4  }
0xd: {  	[smem:$0x3FB3] =	sst s5  }
0xe: {  	[smem:$0x3FB4] =	sst s6  }
0xf: {  	[smem:$0x3FB5] =	sst s7  }
0x10: {  	[smem:$0x3FB6] =	sst s8  }
0x11: {  	[smem:$0x3FB7] =	sst s9;
	s0 =	simm.s32 @!p0 $0x0  }
0x12: {  	s1 =	sld [smem:$0x3F9D];
	s0 =	simm.s32 @p0 $0x1  }
0x13: {  	[smem:$0x3FB8] =	sst s0;
	s0 =	simm.s32 @!p1 $0x0  }
0x14: {  	s2 =	sld [smem:$0x3F9C];
	s0 =	simm.s32 @p1 $0x1  }
0x15: {  	[smem:$0x3FB9] =	sst s0;
	s0 =	simm.s32 @!p2 $0x0  }
0x16: {  	s3 =	sld [smem:$0x3FDB];
	s0 =	simm.s32 @p2 $0x1  }
0x17: {  	s4 =	simm.s32 $0x1BF5;
	[smem:$0x3FBB] =	sst s0  }
0x18: {  	s0 =	sld [smem:$0x3F9E];
	_ =	swait.ge [sflag:s4], $0x0  }
0x19: {  	s7 =	sld [smem:$0x3F9F]  }
0x1a: {  	s8 =	sadd.s32 $0xFFFFE003, lr  }
0x1b: {  	s9 =	sadd.s32 $0xFFFFFEF7, lr;
	s5 =	simm.s32 $0xFFFFFFFF;
	p2 =	slt.u32 s8, $0xFFFFF086  }
0x1c: {  	p1 =	slt.u32 s9, $0xF7A;
	s5 =	simm.s32 @!p2 $0x0  }
0x1d: {  	s5 =	simm.s32 @p1 $0x1;
	p0 =	seq.s32 s7, s2  }
0x1e: {  	s7 =	smul.u32 @!p0 $0xF7A, s2;
	p2 =	seq.s32 @!p0 s5, $0x0  }
0x1f: {  	s9 =	smul.u32 $0xF7A, s1;
	s8 =	simm.s32 @!p0 $0x1BF5;
	p2 =	por !p2, p0  }
0x20: {  	[sflag:s8] =	ssyncset.s32 @!p0 $0xFFFFF086;
	s6 =	sadd.s32 @!p0 s3, s7;
	s7 =	simm.s32 @!p0 $0x108  }
0x21: {  	s3 =	sadd.s32 s3, s9;
	s6 =	sadd.s32 @!p0 $0x88, s6;
	s7 =	simm.s32 @p2 $0x1082  }
0x22: {  	[simem:s7], [sflag:s8] =	dma.local @!p0 [hbm:s6], $0xF7A  }
0x23: {  	s9 =	sor.u32 $0xD0000000, s2;
	s6 =	simm.s32 $0x108;
	_ =	swait.ge @!p0 [sflag:s8], $0x0  }
0x24: {  	s3 =	sadd.s32 $0x88, s3;
	s6 =	simm.s32 @!p1 $0x1082;
	[sflag:s4] =	ssyncset.s32 $0xFFFFF086  }
0x25: {  	[simem:s6], [sflag:s4] =	dma.local [hbm:s3], $0xF7A  }
0x26: {  	[smem:$0x3F9F] =	sst s1;
	(tag) =	ssettag s2;
	_ =	strace s9  }
0x27: {  	s1 =	sld [smem:$0x3FAF]  }
0x28: {  	s2 =	sld [smem:$0x3FB0]  }
0x29: {  	s4 =	sld [smem:$0x3FB2]  }
0x2a: {  	p0 =	seq.s32 s5, $0x0;
	s5 =	sld [smem:$0x3FB3]  }
0x2b: {  	s6 =	sld [smem:$0x3FB4]  }
0x2c: {  	s7 =	sld [smem:$0x3FB5]  }
0x2d: {  	s3 =	simm.s32 $0x108;
	s8 =	sld [smem:$0x3FB6]  }
0x2e: {  	s3 =	simm.s32 @!p0 $0x1082;
	s9 =	sld [smem:$0x3FB7]  }
0x2f: {  	lr =	sadd.s32 s0, s3;
	s0 =	sld [smem:$0x3FAE]  }
0x30: {  	s3 =	sld [smem:$0x3FB1]  }
0x31: {  	[smem:$0x3FBA] =	sst s10  }
0x32: {  	s10 =	sld [smem:$0x3FB8];
	_ =	sdelay $0x3  }
0x33: {  	p0 =	seq.s32 s10, $0x1;
	s10 =	sld [smem:$0x3FBA];
	_ =	sdelay $0x3  }
0x34: {  	[smem:$0x3FBA] =	sst s10  }
0x35: {  	s10 =	sld [smem:$0x3FB9];
	_ =	sdelay $0x3  }
0x36: {  	p1 =	seq.s32 s10, $0x1;
	s10 =	sld [smem:$0x3FBA];
	_ =	sdelay $0x3  }
0x37: {  	[smem:$0x3FBA] =	sst s10  }
0x38: {  	s10 =	sld [smem:$0x3FBB]  }
0x39: {  	_ = 	snop;
	(pc) =	sbr.ind lr, $3  }
0x3a: {  	_ = 	snop  }
0x3b: {  	_ = 	snop  }
0x3c: {  	p2 =	seq.s32 s10, $0x1;
	s10 =	sld [smem:$0x3FBA]  }
0x3d: {  	_ =	shalt  }
0x3e: {  	_ =	shalt  }
0x3f: {  	_ =	shalt  }
0x40: {  	_ =	shalt  }
0x41: {  	_ =	shalt  }
0x42: {  	_ =	shalt  }
0x43: {  	_ =	shalt  }
0x44: {  	_ =	shalt  }
0x45: {  	_ =	shalt  }
0x46: {  	_ =	shalt  }
0x47: {  	_ =	shalt  }
0x48: {  	_ =	shalt  }
0x49: {  	_ =	shalt  }
0x4a: {  	_ =	shalt  }
0x4b: {  	_ =	shalt  }
0x4c: {  	_ =	shalt  }
0x4d: {  	_ =	shalt  }
0x4e: {  	_ =	shalt  }
0x4f: {  	_ =	shalt  }
0x50: {  	_ =	shalt  }
0x51: {  	_ =	shalt  }
0x52: {  	_ =	shalt  }
0x53: {  	_ =	shalt  }
0x54: {  	_ =	shalt  }
0x55: {  	_ =	shalt  }
0x56: {  	_ =	shalt  }
0x57: {  	_ =	shalt  }
0x58: {  	_ =	shalt  }
0x59: {  	_ =	shalt  }
0x5a: {  	_ =	shalt  }
0x5b: {  	_ =	shalt  }
0x5c: {  	_ =	shalt  }
0x5d: {  	_ =	shalt  }
0x5e: {  	_ =	shalt  }
0x5f: {  	_ =	shalt  }
0x60: {  	_ =	shalt  }
0x61: {  	_ =	shalt  }
0x62: {  	_ =	shalt  }
0x63: {  	_ =	shalt  }
0x64: {  	_ =	shalt  }
0x65: {  	_ =	shalt  }
0x66: {  	_ =	shalt  }
0x67: {  	_ =	shalt  }
0x68: {  	_ =	shalt  }
0x69: {  	_ =	shalt  }
0x6a: {  	_ =	shalt  }
0x6b: {  	_ =	shalt  }
0x6c: {  	_ =	shalt  }
0x6d: {  	_ =	shalt  }
0x6e: {  	_ =	shalt  }
0x6f: {  	_ =	shalt  }
0x70: {  	_ =	shalt  }
0x71: {  	_ =	shalt  }
0x72: {  	_ =	shalt  }
0x73: {  	_ =	shalt  }
0x74: {  	_ =	shalt  }
0x75: {  	_ =	shalt  }
0x76: {  	_ =	shalt  }
0x77: {  	_ =	shalt  }
0x78: {  	_ =	shalt  }
0x79: {  	_ =	shalt  }
0x7a: {  	_ =	shalt  }
0x7b: {  	_ =	shalt  }
0x7c: {  	_ =	shalt  }
0x7d: {  	_ =	shalt  }
0x7e: {  	_ =	shalt  }
0x7f: {  	_ =	shalt  }
0x80: {  	_ =	shalt  }
0x81: {  	_ =	shalt  }
0x82: {  	_ =	shalt  }
0x83: {  	_ =	shalt  }
0x84: {  	_ =	shalt  }
0x85: {  	_ =	shalt  }
0x86: {  	_ =	shalt  }
0x87: {  	_ =	shalt  }
.Lfunc_end0:
.L_simem_size_0:
called_computation_lowered:
.L_overlay_start_0:
0x88: {  	s2 =	sld [smem:$0x3FD9]  }
0x89: {  	s3 =	sld [smem:$0x3FFE];
	_ =	sdelay $0x1  }
0x8a: {  	s1 =	srdreg.scid  }
0x8b: {  	s0 =	sand.u32 $0x1, s1  }
0x8c: {  	s17 =	sshll.u32 s0, $0xA;
	s2 =	sadd.s32 s3, s2  }
0x8d: {  	s2 =	sadd.s32 s2, s17  }
0x8e: {  	[smem:$0x3FC6] =	sst s2  }
0x8f: {  	_ = 	snop  }
0x90: {  	s2 =	sld [smem:$0x3FD0];
	(tm) =	ssettm $0x1  }
0x91: {  	s18 =	sld [smem:$0x3FFB];
	_ =	sdelay $0x3  }
0x92: {  	_ =	strace s18  }
0x93: {  	s3 =	sld [smem:$0x3FFC];
	_ =	sdelay $0x3  }
0x94: {  	_ =	strace s3  }
0x95: {  	s3 =	sld [smem:$0x3FFD];
	_ =	sdelay $0x3  }
0x96: {  	_ =	strace s3  }
0x97: {  	_ =	strace $0x8FFFFFFF  }
0x98: {  	s19 =	sld [smem:$0x3FDB];
	_ =	sdelay $0x1  }
0x99: {  	s4 =	simm.s32 $_scs_section_size  }
0x9a: {  	s5 =	simm.s32 $_size__tile_overlayer_lowered;
	s6 =	simm.s32 $_tile_overlayer_lowered  }
0x9b: {  	s22 =	simm.s32 $0x1BFF;
	s21 =	sshll.u32 s6, $0x1;
	s3 =	sadd.s32 s4, s19  }
0x9c: {  	s7 =	simm.s32 $0x0;
	s20 =	sshll.u32 s5, $0x1;
	s5 =	sadd.s32 s21, s3  }
0x9d: {  	[timem:s7], [sflag:s22] =	dma.local [hbm:s5], s20  }
0x9e: {  	_ =	swait.ge [sflag:s22], s20  }
0x9f: {  	s4 =	ssub.s32 $0x0, s20;
	[sflag:s22] =	ssyncset.done $0x0  }
0xa0: {  	[sflag:s22] =	ssyncadd.s32 s4;
	_ =	sdelay $0x1  }
0xa1: {  	s23 =	simm.s32 $0x1B8B  }
0xa2: {  	_ =	swait.ge [sflag:s23], $0x1  }
0xa3: {  	[sflag:s23] =	ssyncset.done $0x0  }
0xa4: {  	s25 =	simm.s32 $0x1B8E;
	s24 =	sld [smem:$0x3FFE];
	[sflag:s23] =	ssyncadd.s32 $0xFFFFFFFF  }
0xa5: {  	s26 =	simm.s32 $execute0_lowered;
	[smem:$0x3FD2] =	sst s25  }
0xa6: {  	s5 =	sshll.u32 s26, $0x1;
	_ =	strace $0x80000046;
	[dreg:$0x1] =	wrdreg $0xFFFFFFFF  }
0xa7: {  	s28 =	simm.s32 $_size_execute0_lowered;
	s3 =	sadd.s32 s3, s5;
	[dreg:$0x0] =	wrdreg $0x0  }
0xa8: {  	s5 =	sshll.u32 s28, $0x1;
	[dreg:$0x2] =	wrdreg s3  }
0xa9: {  	[dreg:$0x3] =	wrdreg s5  }
0xaa: {  	[dreg:$0x4] =	wrdreg $0xC0  }
0xab: {  	_ =	task [dreg:s7], $0x5FFFF  }
0xac: {  	[dreg:$0x1] =	wrdreg $0xFFFFFFFF  }
0xad: {  	[dreg:$0x0] =	wrdreg $0x60  }
0xae: {  	[dreg:$0x2] =	wrdreg s24  }
0xaf: {  	[dreg:$0x3] =	wrdreg s2  }
0xb0: {  	[dreg:$0x4] =	wrdreg $0x14F200  }
0xb1: {  	[dreg:$0x5] =	wrdreg $0x9  }
0xb2: {  	_ =	task.clear_ibuf [dreg:s7], $0x6FFFF;
	_ =	strace $0x90000046  }
0xb3: {  	s29 =	simm.s32 $0x9;
	_ =	strace $0x80000048  }
0xb4: {  	_ =	swait.ge [sflag:s29], $0x1  }
0xb5: {  	[sflag:s29] =	ssyncadd.s32 $0xFFFFFFFF  }
0xb6: {  	_ =	strace $0x90000048  }
0xb7: {  	_ =	sfence  }
0xb8: {  	s30 =	sld [smem:$0x0];
	_ =	sdelay $0x2  }
0xb9: {  	s31 =	sshll.u32 s1, $0xD;
	s1 =	sshrl.u32 s1, $0x2  }
0xba: {  	s3 =	sand.u32 $0x4000, s31;
	s1 =	sadd.s32 s1, s30  }
0xbb: {  	s0 =	sor.u32 s3, s0;
	s1 =	sshll.u32 s1, $0x11  }
0xbc: {  	s0 =	sor.u32 s1, s0  }
0xbd: {  	s0 =	sadd.s32 $0x8F2B, s0  }
0xbe: {  	[sflag:s0] =	ssyncadd.remote.s32 $0x1  }
0xbf: {  	_ =	sfence.sel $0xFFFF  }
0xc0: {  	[dreg:$0x0] =	wrdreg $0xFFFFFFFF;
	(pc) =	sbr.abs _section_cstart, $3  }
0xc1: {  	[dreg:$0x1] =	wrdreg $0xFFFFFFFF  }
0xc2: {  	_ =	task.clear_ibuf [dreg:s7], $0x2FFFF;
	_ =	strace $0x9FFFFFFF  }
0xc3: {  	(tm) =	ssettm $0x7FFFFFFF  }
tec
execute0_lowered:
.L_overlay_start_1:
0x0: {  	(tag) =	ssettag $0x1  }
0x1: {  	s0 =	rddreg [dreg:$0x0]  }
0x2: {  	s1 =	srdreg.scid;
	s6 =	rddreg [dreg:$0x1]  }
0x3: {  	s2 =	stileid.u32;
	s31 =	rddreg [dreg:$0x2];
	s1 =	sand.u32 $0x1, s1  }
0x4: {  	s3 =	simm.s32 $0x0;
	s4 =	sshll.u32 s2, $0x8;
	s5 =	sshll.u32 s1, $0x7  }
0x5: {  	[smem:$0x7FF] =	sst s3;
	s7 =	sor.u32 s5, s4  }
0x6: {  	s26 =	sshll.u32 s2, $0xD;
	s1 =	ssub.s32 $0x2, s1;
	s4 =	smul.u32 $0x19, s7  }
0x7: {  	_ =	strace $0x80000047;
	s25 =	sshrl.u32 s1, $0x1;
	s5 =	sadd.s32 s26, s31  }
0x8: {  	s29 =	sshll.u32 s7, $0x3;
	[dreg:$0x4] =	wrdreg s5;
	s8 =	sadd.s32 s4, s0  }
0x9: {  	s4 =	sadd.s32 $0x19400, s0;
	s0 =	ssub.s32 s1, s25;
	s1 =	sadd.s32 s6, s29  }
0xa: {  	s30 =	sshll.u32 s2, $0x7;
	s28 =	sadd.s32 $0x400, s8;
	[dreg:$0x6] =	wrdreg s1  }
0xb: {  	s2 =	simm.s32 $0x0;
	s0 =	smax.u32 s0, $0x1;
	[dreg:$0x5] =	wrdreg s28  }
0xc: {  	v0 =	vimm.f32 $0.0e+00;
	s7 =	simm.s32 $0x12F20;
	s8 =	simm.s32 $0x9;
	[dreg:$0x7] =	wrdreg s0  }
.LBB2_1:
0xd: {  	s29 =	simm.s32 $0xC8;
	s1 =	simm.s32 $0x100;
	s0 =	simm.s32 $0x0  }
.LBB2_2:
0xe: {  	p0 =	sne.s32 s1, $0x7F00;
	[tilespmem:s0+$0x12F50] =	vst v0;
	s6 =	smov.u32 s1;
	s1 =	sadd.s32 $0x100, s1  }
.Ltmp0:
0xf: {  	[tilespmem:s0+$0x12F40] =	vst v0;
	(pc) =	sbr.rel @p0 .LBB2_2-.Ltmp0, $3  }
0x10: {  	[tilespmem:s0+$0x12F20] =	vst v0  }
0x11: {  	[tilespmem:s0+$0x12F30] =	vst v0;
	_ =	sdelay $0x1  }
0x12: {  	s0 =	sshra.s32 s6, $0x2  }
0x13: {  	[tilespmem:s0+$0x12F50] =	vst v0  }
0x14: {  	[tilespmem:s0+$0x12F40] =	vst v0  }
0x15: {  	[tilespmem:s0+$0x12F20] =	vst v0  }
0x16: {  	[dreg:$0x8] =	wrdreg s2;
	[tilespmem:s0+$0x12F30] =	vst v0  }
0x17: {  	[spmem:s5] =	stream.linear.scatter [tilespmem:s7], [sflag:$0x9], $0x2000, $0x38;
	[tilespmem:$0x16F20] =	vst v63  }
0x18: {  	_ =	swait.ge [sflag:s8], $0x2000  }
0x19: {  	s28 =	simm.s32 $0x1;
	[sflag:s8] =	ssyncset.done $0x0  }
0x1a: {  	s26 =	rddreg [dreg:$0x5];
	[sflag:s8] =	ssyncadd.s32 $0xFFFFE000;
	s8 =	simm.s32 $0x0  }
0x1b: {  	[tilespmem:s8], [sflag:$0x1] =	stream.linear.gather [hbm4b:s26+s8], $0x6400, $0x38;
	[tilespmem:$0x16F20] =	vst v63  }
0x1c: {  	_ =	swait.ge [sflag:s28], $0x6400  }
0x1d: {  	[sflag:s28] =	ssyncset.done $0x0  }
0x1e: {  	[sflag:s28] =	ssyncadd.s32 $0xFFFF9C00  }
0x1f: {  	v1 =	vld [tilespmem:s8+$0x0];
	_ =	sdelay $0x4  }
0x20: {  	v1 =	vshll.u32 v1, $0x3  }
0x21: {  	(v2sf) =	vpush v1, $0x0  }
0x22: {  	(v2sf) =	vpush v1, $0x1  }
0x23: {  	(v2sf) =	vpush v1, $0x2;
	_ =	sdelay $0x1  }
0x24: {  	(v2sf) =	vpush v1, $0x4;
	_ =	sdelay $0x1  }
0x25: {  	(v2sf) =	vpush v1, $0x3  }
0x26: {  	(v2sf) =	vpush v1, $0x5  }
0x27: {  	s9 =	simm.s32 $0x1000;
	s6 =	simm.s32 $0x0;
	(v2sf) =	vpush v1, $0x6  }
.LBB2_4:
0x28: {  	p0 =	sne.s32 s9, $0xB000  }
0x29: {  	s14 =	sadd.s32 $0x6440, s6;
	s15 =	sadd.s32 $0x66C0, s6;
	s10 =	smov.u32 s9  }
0x2a: {  	s9 =	sadd.s32 $0x1000, s9;
	s18 =	sadd.s32 $0x65C0, s6;
	s11 =	sadd.s32 $0x6700, s6;
	(v2sf) =	vpush v1, $0x7  }
0x2b: {  	s0 =	sadd.s32 $0x6540, s6;
	s17 =	sadd.s32 $0x6600, s6;
	s13 =	sadd.s32 $0x6740, s6  }
0x2c: {  	s19 =	sadd.s32 $0x6400, s6;
	s20 =	sadd.s32 $0x6500, s6;
	(v2sf) =	vpush v1, $0x8  }
0x2d: {  	s21 =	sadd.s32 $0x6580, s6;
	s8 =	sadd.s32 $0x10, s8  }
0x2e: {  	s22 =	sadd.s32 $0x6480, s6;
	s16 =	sadd.s32 $0x6680, s6;
	s1 =	spop (v2sf);
	(v2sf) =	vpush v1, $0x9  }
0x2f: {  	s23 =	sand.u32 $0x1FFFFFF8, s1;
	s1 =	sadd.s32 $0x6640, s6;
	s24 =	spop (v2sf)  }
0x30: {  	s23 =	sadd.s32 s4, s23;
	s24 =	sand.u32 $0x1FFFFFF8, s24;
	s26 =	spop (v2sf);
	(v2sf) =	vpush v1, $0xA  }
0x31: {  	[tilespmem:s19], [sflag:$0x1] =	stream.linear.gather [hbm4b:s23+s3], $0x40, $0x38;
	[tilespmem:$0x16F20] =	vst v63  }
0x32: {  	s19 =	sadd.s32 s4, s24;
	s23 =	sadd.s32 $0x64C0, s6;
	s24 =	spop (v2sf);
	(v2sf) =	vpush v1, $0xB  }
0x33: {  	[tilespmem:s14], [sflag:$0x1] =	stream.linear.gather [hbm4b:s19+s3], $0x40, $0x38;
	[tilespmem:$0x16F20] =	vst v63  }
0x34: {  	s14 =	sand.u32 $0x1FFFFFF8, s26;
	s19 =	sand.u32 $0x1FFFFFF8, s24;
	s24 =	spop (v2sf);
	(v2sf) =	vpush v1, $0xC  }
0x35: {  	s14 =	sadd.s32 s4, s14;
	s24 =	sand.u32 $0x1FFFFFF8, s24;
	s26 =	spop (v2sf)  }
0x36: {  	[tilespmem:s22], [sflag:$0x1] =	stream.linear.gather [hbm4b:s14+s3], $0x40, $0x38;
	(v2sf) =	vpush v1, $0xD;
	[tilespmem:$0x16F20] =	vst v63  }
0x37: {  	s14 =	sadd.s32 s4, s24;
	s22 =	sand.u32 $0x1FFFFFF8, s26;
	s24 =	spop (v2sf)  }
0x38: {  	[tilespmem:s23], [sflag:$0x1] =	stream.linear.gather [hbm4b:s14+s3], $0x40, $0x38;
	(v2sf) =	vpush v1, $0xE;
	[tilespmem:$0x16F20] =	vst v63  }
0x39: {  	s14 =	sadd.s32 s4, s19;
	s19 =	sand.u32 $0x1FFFFFF8, s24;
	s23 =	spop (v2sf)  }
0x3a: {  	[tilespmem:s20], [sflag:$0x1] =	stream.linear.gather [hbm4b:s14+s3], $0x40, $0x38;
	(v2sf) =	vpush v1, $0xF;
	[tilespmem:$0x16F20] =	vst v63  }
0x3b: {  	s14 =	sadd.s32 s4, s22;
	s20 =	sand.u32 $0x1FFFFFF8, s23;
	s22 =	spop (v2sf)  }
0x3c: {  	[tilespmem:s0], [sflag:$0x1] =	stream.linear.gather [hbm4b:s14+s3], $0x40, $0x38;
	[tilespmem:$0x16F20] =	vst v63  }
0x3d: {  	s0 =	sadd.s32 s4, s19;
	s14 =	sand.u32 $0x1FFFFFF8, s22;
	s19 =	spop (v2sf)  }
0x3e: {  	[tilespmem:s21], [sflag:$0x1] =	stream.linear.gather [hbm4b:s0+s3], $0x40, $0x38;
	[tilespmem:$0x16F20] =	vst v63  }
0x3f: {  	s0 =	sadd.s32 s4, s20;
	s19 =	sand.u32 $0x1FFFFFF8, s19;
	s20 =	spop (v2sf)  }
0x40: {  	[tilespmem:s18], [sflag:$0x1] =	stream.linear.gather [hbm4b:s0+s3], $0x40, $0x38;
	[tilespmem:$0x16F20] =	vst v63  }
0x41: {  	s0 =	sadd.s32 s4, s14;
	s14 =	sand.u32 $0x1FFFFFF8, s20;
	s18 =	spop (v2sf)  }
0x42: {  	[tilespmem:s17], [sflag:$0x1] =	stream.linear.gather [hbm4b:s0+s3], $0x40, $0x38;
	[tilespmem:$0x16F20] =	vst v63  }
0x43: {  	s0 =	sadd.s32 s4, s19;
	s17 =	sand.u32 $0x1FFFFFF8, s18;
	s18 =	spop (v2sf)  }
0x44: {  	[tilespmem:s1], [sflag:$0x1] =	stream.linear.gather [hbm4b:s0+s3], $0x40, $0x38;
	[tilespmem:$0x16F20] =	vst v63  }
0x45: {  	s0 =	sadd.s32 s4, s14;
	s1 =	sand.u32 $0x1FFFFFF8, s18;
	s14 =	spop (v2sf)  }
0x46: {  	[tilespmem:s16], [sflag:$0x1] =	stream.linear.gather [hbm4b:s0+s3], $0x40, $0x38;
	[tilespmem:$0x16F20] =	vst v63  }
0x47: {  	s0 =	sadd.s32 s4, s17;
	s14 =	sand.u32 $0x1FFFFFF8, s14;
	s16 =	spop (v2sf)  }
0x48: {  	[tilespmem:s15], [sflag:$0x1] =	stream.linear.gather [hbm4b:s0+s3], $0x40, $0x38;
	[tilespmem:$0x16F20] =	vst v63  }
0x49: {  	s0 =	sadd.s32 s4, s1;
	s1 =	sand.u32 $0x1FFFFFF8, s16;
	s15 =	spop (v2sf)  }
0x4a: {  	[tilespmem:s11], [sflag:$0x1] =	stream.linear.gather [hbm4b:s0+s3], $0x40, $0x38;
	[tilespmem:$0x16F20] =	vst v63  }
0x4b: {  	s0 =	sadd.s32 s4, s14;
	s11 =	sand.u32 $0x1FFFFFF8, s15  }
0x4c: {  	[tilespmem:s13], [sflag:$0x1] =	stream.linear.gather [hbm4b:s0+s3], $0x40, $0x38;
	[tilespmem:$0x16F20] =	vst v63  }
0x4d: {  	s1 =	sadd.s32 s4, s1;
	s0 =	sadd.s32 $0x6780, s6  }
0x4e: {  	[tilespmem:s0], [sflag:$0x1] =	stream.linear.gather [hbm4b:s1+s3], $0x40, $0x38;
	[tilespmem:$0x16F20] =	vst v63  }
0x4f: {  	s0 =	sadd.s32 $0x67C0, s6;
	s1 =	sadd.s32 s4, s11  }
0x50: {  	[tilespmem:s0], [sflag:$0x1] =	stream.linear.gather [hbm4b:s1+s3], $0x40, $0x38;
	[tilespmem:$0x16F20] =	vst v63  }
0x51: {  	v1 =	vld [tilespmem:s8+$0x0];
	_ =	sdelay $0x4  }
0x52: {  	v1 =	vshll.u32 v1, $0x3  }
0x53: {  	(v2sf) =	vpush v1, $0x0  }
0x54: {  	(v2sf) =	vpush v1, $0x1  }
0x55: {  	(v2sf) =	vpush v1, $0x2;
	_ =	sdelay $0x1  }
0x56: {  	(v2sf) =	vpush v1, $0x4  }
.Ltmp1:
0x57: {  	(pc) =	sbr.rel @p0 .LBB2_4-.Ltmp1, $3  }
0x58: {  	(v2sf) =	vpush v1, $0x3  }
0x59: {  	(v2sf) =	vpush v1, $0x5;
	_ =	sdelay $0x1  }
0x5a: {  	s6 =	sshra.s32 s10, $0x2;
	(v2sf) =	vpush v1, $0x6  }
0x5b: {  	_ =	sdelay $0x4  }
0x5c: {  	s8 =	sadd.s32 $0x6400, s6;
	s0 =	spop (v2sf)  }
0x5d: {  	s2 =	sadd.s32 $0x6440, s6;
	(v2sf) =	vpush v1, $0x7;
	s0 =	sand.u32 $0x1FFFFFF8, s0;
	s1 =	spop (v2sf)  }
0x5e: {  	s0 =	sadd.s32 s4, s0;
	s1 =	sand.u32 $0x1FFFFFF8, s1;
	s5 =	spop (v2sf)  }
0x5f: {  	[tilespmem:s8], [sflag:$0x1] =	stream.linear.gather [hbm4b:s0+s3], $0x40, $0x38;
	[tilespmem:$0x16F20] =	vst v63  }
0x60: {  	s1 =	sadd.s32 s4, s1;
	s7 =	sand.u32 $0x1FFFFFF8, s5;
	s9 =	spop (v2sf)  }
0x61: {  	[tilespmem:s2], [sflag:$0x1] =	stream.linear.gather [hbm4b:s1+s3], $0x40, $0x38;
	[tilespmem:$0x16F20] =	vst v63  }
0x62: {  	s8 =	sadd.s32 $0x6480, s6;
	s0 =	sadd.s32 s4, s7;
	s10 =	spop (v2sf);
	(v2sf) =	vpush v1, $0x8  }
0x63: {  	[tilespmem:s8], [sflag:$0x1] =	stream.linear.gather [hbm4b:s0+s3], $0x40, $0x38;
	[tilespmem:$0x16F20] =	vst v63  }
0x64: {  	s0 =	sand.u32 $0x1FFFFFF8, s10;
	(v2sf) =	vpush v1, $0x9  }
0x65: {  	s11 =	sadd.s32 $0x64C0, s6;
	s12 =	sand.u32 $0x1FFFFFF8, s9;
	s0 =	sadd.s32 s4, s0  }
0x66: {  	(v2sf) =	vpush v1, $0xA;
	[tilespmem:s11], [sflag:$0x1] =	stream.linear.gather [hbm4b:s0+s3], $0x40, $0x38;
	[tilespmem:$0x16F20] =	vst v63  }
0x67: {  	s13 =	sadd.s32 $0x6500, s6;
	s14 =	spop (v2sf);
	s0 =	sadd.s32 s4, s12  }
0x68: {  	[tilespmem:s13], [sflag:$0x1] =	stream.linear.gather [hbm4b:s0+s3], $0x40, $0x38;
	[tilespmem:$0x16F20] =	vst v63  }
0x69: {  	s0 =	sand.u32 $0x1FFFFFF8, s14  }
0x6a: {  	s15 =	sadd.s32 $0x6540, s6;
	s16 =	spop (v2sf);
	s0 =	sadd.s32 s4, s0  }
0x6b: {  	[tilespmem:s15], [sflag:$0x1] =	stream.linear.gather [hbm4b:s0+s3], $0x40, $0x38;
	[tilespmem:$0x16F20] =	vst v63  }
0x6c: {  	s18 =	spop (v2sf);
	(v2sf) =	vpush v1, $0xB  }
0x6d: {  	s0 =	sand.u32 $0x1FFFFFF8, s16  }
0x6e: {  	s17 =	sadd.s32 $0x6580, s6;
	s0 =	sadd.s32 s4, s0  }
0x6f: {  	[tilespmem:s17], [sflag:$0x1] =	stream.linear.gather [hbm4b:s0+s3], $0x40, $0x38;
	[tilespmem:$0x16F20] =	vst v63  }
0x70: {  	s0 =	sand.u32 $0x1FFFFFF8, s18  }
0x71: {  	s19 =	sadd.s32 $0x65C0, s6;
	s0 =	sadd.s32 s4, s0;
	s20 =	spop (v2sf);
	(v2sf) =	vpush v1, $0xC  }
0x72: {  	[tilespmem:s19], [sflag:$0x1] =	stream.linear.gather [hbm4b:s0+s3], $0x40, $0x38;
	[tilespmem:$0x16F20] =	vst v63  }
0x73: {  	s22 =	spop (v2sf);
	(v2sf) =	vpush v1, $0xD  }
0x74: {  	s0 =	sand.u32 $0x1FFFFFF8, s20  }
0x75: {  	s21 =	sadd.s32 $0x6600, s6;
	s0 =	sadd.s32 s4, s0;
	s24 =	spop (v2sf)  }
0x76: {  	(v2sf) =	vpush v1, $0xE;
	[tilespmem:s21], [sflag:$0x1] =	stream.linear.gather [hbm4b:s0+s3], $0x40, $0x38;
	[tilespmem:$0x16F20] =	vst v63  }
0x77: {  	s0 =	sand.u32 $0x1FFFFFF8, s22  }
0x78: {  	s23 =	sadd.s32 $0x6640, s6;
	s0 =	sadd.s32 s4, s0  }
0x79: {  	[tilespmem:s23], [sflag:$0x1] =	stream.linear.gather [hbm4b:s0+s3], $0x40, $0x38;
	[tilespmem:$0x16F20] =	vst v63  }
0x7a: {  	s0 =	sand.u32 $0x1FFFFFF8, s24  }
0x7b: {  	s25 =	sadd.s32 $0x6680, s6;
	s0 =	sadd.s32 s4, s0;
	s26 =	spop (v2sf);
	(v2sf) =	vpush v1, $0xF  }
0x7c: {  	[tilespmem:s25], [sflag:$0x1] =	stream.linear.gather [hbm4b:s0+s3], $0x40, $0x38;
	[tilespmem:$0x16F20] =	vst v63  }
0x7d: {  	s0 =	sand.u32 $0x1FFFFFF8, s26  }
0x7e: {  	s28 =	sadd.s32 $0x66C0, s6;
	s0 =	sadd.s32 s4, s0  }
0x7f: {  	[tilespmem:s28], [sflag:$0x1] =	stream.linear.gather [hbm4b:s0+s3], $0x40, $0x38;
	[tilespmem:$0x16F20] =	vst v63  }
0x80: {  	s1 =	spop (v2sf)  }
0x81: {  	s0 =	sand.u32 $0x1FFFFFF8, s1  }
0x82: {  	s2 =	sadd.s32 $0x6700, s6;
	s5 =	spop (v2sf);
	s0 =	sadd.s32 s4, s0  }
0x83: {  	[tilespmem:s2], [sflag:$0x1] =	stream.linear.gather [hbm4b:s0+s3], $0x40, $0x38;
	[tilespmem:$0x16F20] =	vst v63  }
0x84: {  	s0 =	sand.u32 $0x1FFFFFF8, s5  }
0x85: {  	s7 =	sadd.s32 $0x6740, s6;
	s8 =	spop (v2sf);
	s0 =	sadd.s32 s4, s0  }
0x86: {  	[tilespmem:s7], [sflag:$0x1] =	stream.linear.gather [hbm4b:s0+s3], $0x40, $0x38;
	[tilespmem:$0x16F20] =	vst v63  }
0x87: {  	s0 =	sand.u32 $0x1FFFFFF8, s8  }
0x88: {  	s9 =	sadd.s32 $0x6780, s6;
	s0 =	sadd.s32 s4, s0  }
0x89: {  	[tilespmem:s9], [sflag:$0x1] =	stream.linear.gather [hbm4b:s0+s3], $0x40, $0x38;
	[tilespmem:$0x16F20] =	vst v63  }
0x8a: {  	s10 =	spop (v2sf)  }
0x8b: {  	s0 =	sand.u32 $0x1FFFFFF8, s10  }
0x8c: {  	s11 =	sadd.s32 $0x67C0, s6;
	s0 =	sadd.s32 s4, s0  }
0x8d: {  	[tilespmem:s11], [sflag:$0x1] =	stream.linear.gather [hbm4b:s0+s3], $0x40, $0x38;
	[tilespmem:$0x16F20] =	vst v63  }
0x8e: {  	v1 =	vld [tilespmem:$0xB8];
	_ =	sdelay $0x4  }
0x8f: {  	v1 =	vshll.u32 v1, $0x3  }
0x90: {  	(v2sf) =	vpush v1, $0x8  }
0x91: {  	(v2sf) =	vpush v1, $0x9  }
0x92: {  	(v2sf) =	vpush v1, $0xA;
	_ =	sdelay $0x2  }
0x93: {  	(v2sf) =	vpush v1, $0xB;
	_ =	sdelay $0x5  }
0x94: {  	(v2sf) =	vpush v1, $0xC;
	_ =	sdelay $0x3  }
0x95: {  	s12 =	spop (v2sf)  }
0x96: {  	s13 =	simm.s32 $0x0;
	s0 =	sand.u32 $0x1FFFFFF8, s12;
	s14 =	spop (v2sf);
	(v2sf) =	vpush v1, $0xD  }
0x97: {  	s2 =	simm.s32 $0x9400;
	s0 =	sadd.s32 s4, s0;
	s16 =	spop (v2sf)  }
0x98: {  	(v2sf) =	vpush v1, $0xE;
	[tilespmem:s2], [sflag:$0x1] =	stream.linear.gather [hbm4b:s0+s13], $0x40, $0x38;
	[tilespmem:$0x16F20] =	vst v63  }
0x99: {  	s0 =	sand.u32 $0x1FFFFFF8, s14  }
0x9a: {  	s15 =	simm.s32 $0x9440;
	s18 =	spop (v2sf);
	s0 =	sadd.s32 s4, s0  }
0x9b: {  	(v2sf) =	vpush v1, $0xF;
	[tilespmem:s15], [sflag:$0x1] =	stream.linear.gather [hbm4b:s0+s13], $0x40, $0x38;
	[tilespmem:$0x16F20] =	vst v63  }
0x9c: {  	s0 =	sand.u32 $0x1FFFFFF8, s16  }
0x9d: {  	s17 =	simm.s32 $0x9480;
	s0 =	sadd.s32 s4, s0  }
0x9e: {  	[tilespmem:s17], [sflag:$0x1] =	stream.linear.gather [hbm4b:s0+s13], $0x40, $0x38;
	[tilespmem:$0x16F20] =	vst v63  }
0x9f: {  	s0 =	sand.u32 $0x1FFFFFF8, s18  }
0xa0: {  	s19 =	simm.s32 $0x94C0;
	s20 =	spop (v2sf);
	s0 =	sadd.s32 s4, s0  }
0xa1: {  	[tilespmem:s19], [sflag:$0x1] =	stream.linear.gather [hbm4b:s0+s13], $0x40, $0x38;
	[tilespmem:$0x16F20] =	vst v63  }
0xa2: {  	s0 =	sand.u32 $0x1FFFFFF8, s20  }
0xa3: {  	s21 =	simm.s32 $0x9500;
	s0 =	sadd.s32 s4, s0  }
0xa4: {  	[tilespmem:s21], [sflag:$0x1] =	stream.linear.gather [hbm4b:s0+s13], $0x40, $0x38;
	[tilespmem:$0x16F20] =	vst v63  }
0xa5: {  	s22 =	spop (v2sf)  }
0xa6: {  	s0 =	sand.u32 $0x1FFFFFF8, s22  }
0xa7: {  	s23 =	simm.s32 $0x9540;
	s24 =	spop (v2sf);
	s0 =	sadd.s32 s4, s0  }
0xa8: {  	[tilespmem:s23], [sflag:$0x1] =	stream.linear.gather [hbm4b:s0+s13], $0x40, $0x38;
	[tilespmem:$0x16F20] =	vst v63  }
0xa9: {  	s0 =	sand.u32 $0x1FFFFFF8, s24  }
0xaa: {  	s25 =	simm.s32 $0x9580;
	s26 =	spop (v2sf);
	s0 =	sadd.s32 s4, s0  }
0xab: {  	[tilespmem:s25], [sflag:$0x1] =	stream.linear.gather [hbm4b:s0+s13], $0x40, $0x38;
	[tilespmem:$0x16F20] =	vst v63  }
0xac: {  	s0 =	sand.u32 $0x1FFFFFF8, s26  }
0xad: {  	s28 =	simm.s32 $0x95C0;
	s8 =	simm.s32 $0xC8;
	s0 =	sadd.s32 s4, s0  }
0xae: {  	[tilespmem:s28], [sflag:$0x1] =	stream.linear.gather [hbm4b:s0+s13], $0x40, $0x38;
	[tilespmem:$0x16F20] =	vst v63  }
0xaf: {  	v1 =	vld [tilespmem:s8+$0x0];
	_ =	sdelay $0x4  }
0xb0: {  	v1 =	vshll.u32 v1, $0x3  }
0xb1: {  	(v2sf) =	vpush v1, $0x0  }
0xb2: {  	(v2sf) =	vpush v1, $0x1  }
0xb3: {  	(v2sf) =	vpush v1, $0x2;
	_ =	sdelay $0x1  }
0xb4: {  	(v2sf) =	vpush v1, $0x4;
	_ =	sdelay $0x1  }
0xb5: {  	(v2sf) =	vpush v1, $0x3  }
0xb6: {  	(v2sf) =	vpush v1, $0x5  }
0xb7: {  	s6 =	simm.s32 $0x0;
	s9 =	simm.s32 $0x1000;
	(v2sf) =	vpush v1, $0x6  }
.LBB2_6:
0xb8: {  	p0 =	sne.s32 s9, $0xB000  }
0xb9: {  	s14 =	sadd.s32 $0x9640, s6;
	s15 =	sadd.s32 $0x98C0, s6;
	s10 =	smov.u32 s9  }
0xba: {  	s9 =	sadd.s32 $0x1000, s9;
	s18 =	sadd.s32 $0x97C0, s6;
	s11 =	sadd.s32 $0x9900, s6;
	(v2sf) =	vpush v1, $0x7  }
0xbb: {  	s0 =	sadd.s32 $0x9740, s6;
	s17 =	sadd.s32 $0x9800, s6;
	s13 =	sadd.s32 $0x9940, s6  }
0xbc: {  	s19 =	sadd.s32 $0x9600, s6;
	s20 =	sadd.s32 $0x9700, s6;
	(v2sf) =	vpush v1, $0x8  }
0xbd: {  	s21 =	sadd.s32 $0x9780, s6;
	s8 =	sadd.s32 $0x10, s8  }
0xbe: {  	s22 =	sadd.s32 $0x9680, s6;
	s16 =	sadd.s32 $0x9880, s6;
	s1 =	spop (v2sf);
	(v2sf) =	vpush v1, $0x9  }
0xbf: {  	s23 =	sand.u32 $0x1FFFFFF8, s1;
	s1 =	sadd.s32 $0x9840, s6;
	s24 =	spop (v2sf)  }
0xc0: {  	s23 =	sadd.s32 s4, s23;
	s24 =	sand.u32 $0x1FFFFFF8, s24;
	s26 =	spop (v2sf);
	(v2sf) =	vpush v1, $0xA  }
0xc1: {  	[tilespmem:s19], [sflag:$0x2] =	stream.linear.gather [hbm4b:s23+s3], $0x40, $0x38;
	[tilespmem:$0x16F20] =	vst v63  }
0xc2: {  	s19 =	sadd.s32 s4, s24;
	s23 =	sadd.s32 $0x96C0, s6;
	s24 =	spop (v2sf);
	(v2sf) =	vpush v1, $0xB  }
0xc3: {  	[tilespmem:s14], [sflag:$0x2] =	stream.linear.gather [hbm4b:s19+s3], $0x40, $0x38;
	[tilespmem:$0x16F20] =	vst v63  }
0xc4: {  	s14 =	sand.u32 $0x1FFFFFF8, s26;
	s19 =	sand.u32 $0x1FFFFFF8, s24;
	s24 =	spop (v2sf);
	(v2sf) =	vpush v1, $0xC  }
0xc5: {  	s14 =	sadd.s32 s4, s14;
	s24 =	sand.u32 $0x1FFFFFF8, s24;
	s26 =	spop (v2sf)  }
0xc6: {  	[tilespmem:s22], [sflag:$0x2] =	stream.linear.gather [hbm4b:s14+s3], $0x40, $0x38;
	(v2sf) =	vpush v1, $0xD;
	[tilespmem:$0x16F20] =	vst v63  }
0xc7: {  	s14 =	sadd.s32 s4, s24;
	s22 =	sand.u32 $0x1FFFFFF8, s26;
	s24 =	spop (v2sf)  }
0xc8: {  	[tilespmem:s23], [sflag:$0x2] =	stream.linear.gather [hbm4b:s14+s3], $0x40, $0x38;
	(v2sf) =	vpush v1, $0xE;
	[tilespmem:$0x16F20] =	vst v63  }
0xc9: {  	s14 =	sadd.s32 s4, s19;
	s19 =	sand.u32 $0x1FFFFFF8, s24;
	s23 =	spop (v2sf)  }
0xca: {  	[tilespmem:s20], [sflag:$0x2] =	stream.linear.gather [hbm4b:s14+s3], $0x40, $0x38;
	(v2sf) =	vpush v1, $0xF;
	[tilespmem:$0x16F20] =	vst v63  }
0xcb: {  	s14 =	sadd.s32 s4, s22;
	s20 =	sand.u32 $0x1FFFFFF8, s23;
	s22 =	spop (v2sf)  }
0xcc: {  	[tilespmem:s0], [sflag:$0x2] =	stream.linear.gather [hbm4b:s14+s3], $0x40, $0x38;
	[tilespmem:$0x16F20] =	vst v63  }
0xcd: {  	s0 =	sadd.s32 s4, s19;
	s14 =	sand.u32 $0x1FFFFFF8, s22;
	s19 =	spop (v2sf)  }
0xce: {  	[tilespmem:s21], [sflag:$0x2] =	stream.linear.gather [hbm4b:s0+s3], $0x40, $0x38;
	[tilespmem:$0x16F20] =	vst v63  }
0xcf: {  	s0 =	sadd.s32 s4, s20;
	s19 =	sand.u32 $0x1FFFFFF8, s19;
	s20 =	spop (v2sf)  }
0xd0: {  	[tilespmem:s18], [sflag:$0x2] =	stream.linear.gather [hbm4b:s0+s3], $0x40, $0x38;
	[tilespmem:$0x16F20] =	vst v63  }
0xd1: {  	s0 =	sadd.s32 s4, s14;
	s14 =	sand.u32 $0x1FFFFFF8, s20;
	s18 =	spop (v2sf)  }
0xd2: {  	[tilespmem:s17], [sflag:$0x2] =	stream.linear.gather [hbm4b:s0+s3], $0x40, $0x38;
	[tilespmem:$0x16F20] =	vst v63  }
0xd3: {  	s0 =	sadd.s32 s4, s19;
	s17 =	sand.u32 $0x1FFFFFF8, s18;
	s18 =	spop (v2sf)  }
0xd4: {  	[tilespmem:s1], [sflag:$0x2] =	stream.linear.gather [hbm4b:s0+s3], $0x40, $0x38;
	[tilespmem:$0x16F20] =	vst v63  }
0xd5: {  	s0 =	sadd.s32 s4, s14;
	s1 =	sand.u32 $0x1FFFFFF8, s18;
	s14 =	spop (v2sf)  }
0xd6: {  	[tilespmem:s16], [sflag:$0x2] =	stream.linear.gather [hbm4b:s0+s3], $0x40, $0x38;
	[tilespmem:$0x16F20] =	vst v63  }
0xd7: {  	s0 =	sadd.s32 s4, s17;
	s14 =	sand.u32 $0x1FFFFFF8, s14;
	s16 =	spop (v2sf)  }
0xd8: {  	[tilespmem:s15], [sflag:$0x2] =	stream.linear.gather [hbm4b:s0+s3], $0x40, $0x38;
	[tilespmem:$0x16F20] =	vst v63  }
0xd9: {  	s0 =	sadd.s32 s4, s1;
	s1 =	sand.u32 $0x1FFFFFF8, s16;
	s15 =	spop (v2sf)  }
0xda: {  	[tilespmem:s11], [sflag:$0x2] =	stream.linear.gather [hbm4b:s0+s3], $0x40, $0x38;
	[tilespmem:$0x16F20] =	vst v63  }
0xdb: {  	s0 =	sadd.s32 s4, s14;
	s11 =	sand.u32 $0x1FFFFFF8, s15  }
0xdc: {  	[tilespmem:s13], [sflag:$0x2] =	stream.linear.gather [hbm4b:s0+s3], $0x40, $0x38;
	[tilespmem:$0x16F20] =	vst v63  }
0xdd: {  	s1 =	sadd.s32 s4, s1;
	s0 =	sadd.s32 $0x9980, s6  }
0xde: {  	[tilespmem:s0], [sflag:$0x2] =	stream.linear.gather [hbm4b:s1+s3], $0x40, $0x38;
	[tilespmem:$0x16F20] =	vst v63  }
0xdf: {  	s0 =	sadd.s32 $0x99C0, s6;
	s1 =	sadd.s32 s4, s11  }
0xe0: {  	[tilespmem:s0], [sflag:$0x2] =	stream.linear.gather [hbm4b:s1+s3], $0x40, $0x38;
	[tilespmem:$0x16F20] =	vst v63  }
0xe1: {  	v1 =	vld [tilespmem:s8+$0x0];
	_ =	sdelay $0x4  }
0xe2: {  	v1 =	vshll.u32 v1, $0x3  }
0xe3: {  	(v2sf) =	vpush v1, $0x0  }
0xe4: {  	(v2sf) =	vpush v1, $0x1  }
0xe5: {  	(v2sf) =	vpush v1, $0x2;
	_ =	sdelay $0x1  }
0xe6: {  	(v2sf) =	vpush v1, $0x4  }
.Ltmp2:
0xe7: {  	(pc) =	sbr.rel @p0 .LBB2_6-.Ltmp2, $3  }
0xe8: {  	(v2sf) =	vpush v1, $0x3  }
0xe9: {  	(v2sf) =	vpush v1, $0x5;
	_ =	sdelay $0x1  }
0xea: {  	s6 =	sshra.s32 s10, $0x2;
	(v2sf) =	vpush v1, $0x6  }
0xeb: {  	_ =	sdelay $0x3  }
0xec: {  	s1 =	sadd.s32 $0x9600, s6;
	s17 =	sadd.s32 $0x9640, s6  }
0xed: {  	s22 =	sadd.s32 $0x9680, s6;
	s23 =	sadd.s32 $0x96C0, s6;
	s0 =	spop (v2sf);
	(v2sf) =	vpush v1, $0x7  }
0xee: {  	s24 =	sadd.s32 $0x9700, s6;
	s0 =	sand.u32 $0x1FFFFFF8, s0;
	s8 =	spop (v2sf)  }
0xef: {  	s0 =	sadd.s32 s4, s0;
	s8 =	sand.u32 $0x1FFFFFF8, s8;
	s9 =	spop (v2sf);
	(v2sf) =	vpush v1, $0x8  }
0xf0: {  	[tilespmem:s1], [sflag:$0x2] =	stream.linear.gather [hbm4b:s0+s3], $0x40, $0x38;
	(v2sf) =	vpush v1, $0x9;
	[tilespmem:$0x16F20] =	vst v63  }
0xf1: {  	s5 =	sadd.s32 $0x9780, s6;
	s18 =	sadd.s32 s4, s8;
	s19 =	spop (v2sf)  }
0xf2: {  	[tilespmem:s17], [sflag:$0x2] =	stream.linear.gather [hbm4b:s18+s3], $0x40, $0x38;
	[tilespmem:$0x16F20] =	vst v63  }
0xf3: {  	s13 =	sadd.s32 $0x9800, s6;
	s20 =	sand.u32 $0x1FFFFFF8, s9;
	s21 =	spop (v2sf)  }
0xf4: {  	s15 =	sadd.s32 $0x9840, s6;
	s0 =	sadd.s32 s4, s20;
	(v2sf) =	vpush v1, $0xA;
	s1 =	sand.u32 $0x1FFFFFF8, s21  }
0xf5: {  	[tilespmem:s22], [sflag:$0x2] =	stream.linear.gather [hbm4b:s0+s3], $0x40, $0x38;
	[tilespmem:$0x16F20] =	vst v63  }
0xf6: {  	s25 =	sand.u32 $0x1FFFFFF8, s19;
	(v2sf) =	vpush v1, $0xB;
	s26 =	spop (v2sf);
	s1 =	sadd.s32 s4, s1  }
0xf7: {  	(v2sf) =	vpush v1, $0xC;
	[tilespmem:s23], [sflag:$0x2] =	stream.linear.gather [hbm4b:s1+s3], $0x40, $0x38;
	[tilespmem:$0x16F20] =	vst v63  }
0xf8: {  	s8 =	sand.u32 $0x1FFFFFF8, s26;
	s28 =	spop (v2sf);
	s1 =	sadd.s32 s4, s25  }
0xf9: {  	(v2sf) =	vpush v1, $0xD;
	[tilespmem:s24], [sflag:$0x2] =	stream.linear.gather [hbm4b:s1+s3], $0x40, $0x38;
	[tilespmem:$0x16F20] =	vst v63  }
0xfa: {  	s8 =	sadd.s32 s4, s8;
	s2 =	sand.u32 $0x1FFFFFF8, s28;
	s1 =	sadd.s32 $0x9740, s6  }
0xfb: {  	(v2sf) =	vpush v1, $0xE;
	[tilespmem:s1], [sflag:$0x2] =	stream.linear.gather [hbm4b:s8+s3], $0x40, $0x38;
	[tilespmem:$0x16F20] =	vst v63  }
0xfc: {  	s9 =	sadd.s32 $0x97C0, s6;
	s1 =	sadd.s32 s4, s2;
	s7 =	spop (v2sf)  }
0xfd: {  	[tilespmem:s5], [sflag:$0x2] =	stream.linear.gather [hbm4b:s1+s3], $0x40, $0x38;
	(v2sf) =	vpush v1, $0xF;
	[tilespmem:$0x16F20] =	vst v63  }
0xfe: {  	s17 =	sadd.s32 $0x9880, s6;
	s10 =	sand.u32 $0x1FFFFFF8, s7;
	s11 =	spop (v2sf)  }
0xff: {  	s1 =	sadd.s32 s4, s10;
	s8 =	sand.u32 $0x1FFFFFF8, s11;
	s12 =	spop (v2sf)  }
0x100: {  	[tilespmem:s9], [sflag:$0x2] =	stream.linear.gather [hbm4b:s1+s3], $0x40, $0x38;
	[tilespmem:$0x16F20] =	vst v63  }
0x101: {  	s21 =	sadd.s32 $0x98C0, s6;
	s14 =	sand.u32 $0x1FFFFFF8, s12;
	s8 =	sadd.s32 s4, s8  }
0x102: {  	[tilespmem:s13], [sflag:$0x2] =	stream.linear.gather [hbm4b:s8+s3], $0x40, $0x38;
	[tilespmem:$0x16F20] =	vst v63  }
0x103: {  	s23 =	sadd.s32 $0x9900, s6;
	s1 =	sadd.s32 s4, s14;
	s16 =	spop (v2sf)  }
0x104: {  	[tilespmem:s15], [sflag:$0x2] =	stream.linear.gather [hbm4b:s1+s3], $0x40, $0x38;
	[tilespmem:$0x16F20] =	vst v63  }
0x105: {  	s25 =	sadd.s32 $0x9940, s6;
	s18 =	sand.u32 $0x1FFFFFF8, s16;
	s19 =	spop (v2sf)  }
0x106: {  	s8 =	sand.u32 $0x1FFFFFF8, s19;
	s20 =	spop (v2sf);
	s1 =	sadd.s32 s4, s18  }
0x107: {  	[tilespmem:s17], [sflag:$0x2] =	stream.linear.gather [hbm4b:s1+s3], $0x40, $0x38;
	[tilespmem:$0x16F20] =	vst v63  }
0x108: {  	s22 =	sand.u32 $0x1FFFFFF8, s20;
	s8 =	sadd.s32 s4, s8;
	s24 =	spop (v2sf)  }
0x109: {  	[tilespmem:s21], [sflag:$0x2] =	stream.linear.gather [hbm4b:s8+s3], $0x40, $0x38;
	[tilespmem:$0x16F20] =	vst v63  }
0x10a: {  	s1 =	sadd.s32 s4, s22;
	s26 =	sand.u32 $0x1FFFFFF8, s24;
	s28 =	spop (v2sf)  }
0x10b: {  	[tilespmem:s23], [sflag:$0x2] =	stream.linear.gather [hbm4b:s1+s3], $0x40, $0x38;
	[tilespmem:$0x16F20] =	vst v63  }
0x10c: {  	s8 =	sand.u32 $0x1FFFFFF8, s28;
	s1 =	sadd.s32 s4, s26;
	s2 =	spop (v2sf)  }
0x10d: {  	[tilespmem:s25], [sflag:$0x2] =	stream.linear.gather [hbm4b:s1+s3], $0x40, $0x38;
	[tilespmem:$0x16F20] =	vst v63  }
0x10e: {  	s7 =	sadd.s32 $0x9980, s6;
	s8 =	sadd.s32 s4, s8;
	s5 =	sand.u32 $0x1FFFFFF8, s2  }
0x10f: {  	[tilespmem:s7], [sflag:$0x2] =	stream.linear.gather [hbm4b:s8+s3], $0x40, $0x38;
	[tilespmem:$0x16F20] =	vst v63  }
0x110: {  	s9 =	sadd.s32 $0x99C0, s6;
	s0 =	sadd.s32 s4, s5  }
0x111: {  	[tilespmem:s9], [sflag:$0x2] =	stream.linear.gather [hbm4b:s0+s3], $0x40, $0x38;
	[tilespmem:$0x16F20] =	vst v63  }
0x112: {  	v1 =	vld [tilespmem:$0x180];
	_ =	sdelay $0x4  }
0x113: {  	v1 =	vshll.u32 v1, $0x3  }
0x114: {  	(v2sf) =	vpush v1, $0x8;
	_ =	sdelay $0x1  }
0x115: {  	(v2sf) =	vpush v1, $0x9;
	_ =	sdelay $0x1  }
0x116: {  	(v2sf) =	vpush v1, $0xA;
	_ =	sdelay $0x2  }
0x117: {  	(v2sf) =	vpush v1, $0xB;
	_ =	sdelay $0x7  }
0x118: {  	s10 =	spop (v2sf);
	(v2sf) =	vpush v1, $0xC;
	_ =	sdelay $0x1  }
0x119: {  	s12 =	spop (v2sf);
	(v2sf) =	vpush v1, $0xD  }
0x11a: {  	s11 =	simm.s32 $0xC600;
	s0 =	sand.u32 $0x1FFFFFF8, s10  }
0x11b: {  	s8 =	simm.s32 $0x0;
	s0 =	sadd.s32 s4, s0;
	s14 =	spop (v2sf)  }
0x11c: {  	(v2sf) =	vpush v1, $0xE;
	[tilespmem:s11], [sflag:$0x2] =	stream.linear.gather [hbm4b:s0+s8], $0x40, $0x38;
	[tilespmem:$0x16F20] =	vst v63  }
0x11d: {  	s0 =	sand.u32 $0x1FFFFFF8, s12  }
0x11e: {  	s13 =	simm.s32 $0xC640;
	s16 =	spop (v2sf);
	s0 =	sadd.s32 s4, s0  }
0x11f: {  	(v2sf) =	vpush v1, $0xF;
	[tilespmem:s13], [sflag:$0x2] =	stream.linear.gather [hbm4b:s0+s8], $0x40, $0x38;
	[tilespmem:$0x16F20] =	vst v63  }
0x120: {  	s0 =	sand.u32 $0x1FFFFFF8, s14  }
0x121: {  	s15 =	simm.s32 $0xC680;
	s0 =	sadd.s32 s4, s0  }
0x122: {  	[tilespmem:s15], [sflag:$0x2] =	stream.linear.gather [hbm4b:s0+s8], $0x40, $0x38;
	[tilespmem:$0x16F20] =	vst v63  }
0x123: {  	s0 =	sand.u32 $0x1FFFFFF8, s16  }
0x124: {  	s17 =	simm.s32 $0xC6C0;
	s0 =	sadd.s32 s4, s0  }
0x125: {  	[tilespmem:s17], [sflag:$0x2] =	stream.linear.gather [hbm4b:s0+s8], $0x40, $0x38;
	[tilespmem:$0x16F20] =	vst v63  }
0x126: {  	s18 =	spop (v2sf)  }
0x127: {  	s0 =	sand.u32 $0x1FFFFFF8, s18  }
0x128: {  	s19 =	simm.s32 $0xC700;
	s20 =	spop (v2sf);
	s0 =	sadd.s32 s4, s0  }
0x129: {  	[tilespmem:s19], [sflag:$0x2] =	stream.linear.gather [hbm4b:s0+s8], $0x40, $0x38;
	[tilespmem:$0x16F20] =	vst v63  }
0x12a: {  	s21 =	simm.s32 $0xC740;
	s0 =	sand.u32 $0x1FFFFFF8, s20  }
0x12b: {  	s28 =	simm.s32 $0x3E8;
	s22 =	spop (v2sf);
	s0 =	sadd.s32 s4, s0  }
0x12c: {  	[tilespmem:s21], [sflag:$0x2] =	stream.linear.gather [hbm4b:s0+s8], $0x40, $0x38;
	[tilespmem:$0x16F20] =	vst v63  }
0x12d: {  	[dreg:$0xa] =	wrdreg s28;
	s23 =	simm.s32 $0xC780;
	s0 =	sand.u32 $0x1FFFFFF8, s22  }
0x12e: {  	s26 =	simm.s32 $0x320;
	s24 =	spop (v2sf);
	s0 =	sadd.s32 s4, s0  }
0x12f: {  	[tilespmem:s23], [sflag:$0x2] =	stream.linear.gather [hbm4b:s0+s8], $0x40, $0x38;
	[tilespmem:$0x16F20] =	vst v63  }
0x130: {  	[dreg:$0x9] =	wrdreg s26;
	s25 =	simm.s32 $0xC7C0;
	s0 =	sand.u32 $0x1FFFFFF8, s24  }
0x131: {  	s10 =	simm.s32 $0x258;
	s20 =	simm.s32 $0x190;
	s0 =	sadd.s32 s4, s0  }
0x132: {  	[tilespmem:s25], [sflag:$0x2] =	stream.linear.gather [hbm4b:s0+s8], $0x40, $0x38;
	[tilespmem:$0x16F20] =	vst v63  }
.LBB2_8:
0x133: {  	s0 =	simm.s32 $0x1  }
0x134: {  	s13 =	sshll.u32 s8, $0x2;
	_ =	swait.ge [sflag:s0], $0x3200  }
0x135: {  	s16 =	sor.u32 s30, s13;
	[sflag:s0] =	ssyncset.done $0x0  }
0x136: {  	v1 =	vmov s16;
	[sflag:s0] =	ssyncadd.s32 $0xFFFFCE00  }
0x137: {  	[tilespmem:$0x12C00] =	vst v1  }
0x138: {  	[tilespmem:$0x12C10] =	vst v1  }
0x139: {  	[tilespmem:$0x12C20] =	vst v1  }
0x13a: {  	[tilespmem:$0x12C30] =	vst v1  }
0x13b: {  	[tilespmem:$0x12C40] =	vst v1  }
0x13c: {  	[tilespmem:$0x12C50] =	vst v1  }
0x13d: {  	[tilespmem:$0x12C60] =	vst v1  }
0x13e: {  	[tilespmem:$0x12C70] =	vst v1  }
0x13f: {  	[tilespmem:$0x12C80] =	vst v1  }
0x140: {  	[tilespmem:$0x12C90] =	vst v1  }
0x141: {  	[tilespmem:$0x12CA0] =	vst v1  }
0x142: {  	s11 =	smov.u32 s30;
	p0 =	seq.s32 s8, $0x0;
	[tilespmem:$0x12CB0] =	vst v1  }
0x143: {  	s1 =	simm.s32 $0x6400;
	s30 =	simm.s32 $0x12C00;
	s0 =	simm.s32 @!p0 $0x7;
	[tilespmem:$0x12CB8] =	vst v1  }
0x144: {  	[spmem:s31] =	stream.indirect.scatter.add.f32 [tilespmem:s1], [sflag:$0x5], $0x40, s30, s29, $0xb8;
	[tilespmem:$0x16F20] =	vst v63  }
0x145: {  	_ =	swait.ge @!p0 [sflag:s0], $0x3200  }
0x146: {  	[sflag:s0] =	ssyncset.done @!p0 $0x0  }
0x147: {  	[sflag:s0] =	ssyncadd.s32 @!p0 $0xFFFFCE00  }
0x148: {  	v1 =	vld [tilespmem:s20+$0x0];
	_ =	sdelay $0x4  }
0x149: {  	v1 =	vshll.u32 v1, $0x3  }
0x14a: {  	(v2sf) =	vpush v1, $0x0  }
0x14b: {  	(v2sf) =	vpush v1, $0x1  }
0x14c: {  	(v2sf) =	vpush v1, $0x2;
	_ =	sdelay $0x1  }
0x14d: {  	(v2sf) =	vpush v1, $0x4  }
0x14e: {  	s15 =	sor.u32 $0x2, s13  }
0x14f: {  	s6 =	smov.u32 s31;
	s31 =	smul.u32 $0x320, s15;
	(v2sf) =	vpush v1, $0x3  }
0x150: {  	s19 =	simm.s32 $0x1000;
	(v2sf) =	vpush v1, $0x5  }
0x151: {  	s18 =	simm.s32 $0x0;
	s9 =	smov.u32 s20;
	s17 =	sshra.s32 s31, $0x2;
	(v2sf) =	vpush v1, $0x6  }
.LBB2_9:
0x152: {  	p1 =	sne.s32 s19, $0xB000  }
0x153: {  	s25 =	sadd.s32 $0xC840, s18;
	s24 =	sadd.s32 $0xCAC0, s18;
	s21 =	smov.u32 s19  }
0x154: {  	s19 =	sadd.s32 $0x1000, s19;
	s1 =	sadd.s32 $0xC9C0, s18;
	s22 =	sadd.s32 $0xCB00, s18;
	(v2sf) =	vpush v1, $0x7  }
0x155: {  	s14 =	sadd.s32 $0xC940, s18;
	s28 =	sadd.s32 $0xCA00, s18;
	s23 =	sadd.s32 $0xCB40, s18  }
0x156: {  	s29 =	sadd.s32 $0xC800, s18;
	s31 =	sadd.s32 $0xC900, s18;
	(v2sf) =	vpush v1, $0x8  }
0x157: {  	s7 =	sadd.s32 $0xC980, s18;
	s9 =	sadd.s32 $0x10, s9  }
0x158: {  	s12 =	sadd.s32 $0xC880, s18;
	s26 =	sadd.s32 $0xCA80, s18;
	s0 =	spop (v2sf);
	(v2sf) =	vpush v1, $0x9  }
0x159: {  	s2 =	sand.u32 $0x1FFFFFF8, s0;
	s0 =	sadd.s32 $0xCA40, s18;
	s30 =	spop (v2sf)  }
0x15a: {  	s2 =	sadd.s32 s4, s2;
	s30 =	sand.u32 $0x1FFFFFF8, s30;
	s5 =	spop (v2sf);
	(v2sf) =	vpush v1, $0xA  }
0x15b: {  	[tilespmem:s29], [sflag:$0x3] =	stream.linear.gather [hbm4b:s2+s3], $0x40, $0x38;
	[tilespmem:$0x16F20] =	vst v63  }
0x15c: {  	s2 =	sadd.s32 s4, s30;
	s29 =	sadd.s32 $0xC8C0, s18;
	s30 =	spop (v2sf);
	(v2sf) =	vpush v1, $0xB  }
0x15d: {  	[tilespmem:s25], [sflag:$0x3] =	stream.linear.gather [hbm4b:s2+s3], $0x40, $0x38;
	[tilespmem:$0x16F20] =	vst v63  }
0x15e: {  	s2 =	sand.u32 $0x1FFFFFF8, s5;
	s5 =	sand.u32 $0x1FFFFFF8, s30;
	s25 =	spop (v2sf);
	(v2sf) =	vpush v1, $0xC  }
0x15f: {  	s2 =	sadd.s32 s4, s2;
	s25 =	sand.u32 $0x1FFFFFF8, s25;
	s30 =	spop (v2sf)  }
0x160: {  	[tilespmem:s12], [sflag:$0x3] =	stream.linear.gather [hbm4b:s2+s3], $0x40, $0x38;
	(v2sf) =	vpush v1, $0xD;
	[tilespmem:$0x16F20] =	vst v63  }
0x161: {  	s2 =	sadd.s32 s4, s25;
	s12 =	sand.u32 $0x1FFFFFF8, s30;
	s25 =	spop (v2sf)  }
0x162: {  	[tilespmem:s29], [sflag:$0x3] =	stream.linear.gather [hbm4b:s2+s3], $0x40, $0x38;
	(v2sf) =	vpush v1, $0xE;
	[tilespmem:$0x16F20] =	vst v63  }
0x163: {  	s2 =	sadd.s32 s4, s5;
	s5 =	sand.u32 $0x1FFFFFF8, s25;
	s25 =	spop (v2sf)  }
0x164: {  	[tilespmem:s31], [sflag:$0x3] =	stream.linear.gather [hbm4b:s2+s3], $0x40, $0x38;
	(v2sf) =	vpush v1, $0xF;
	[tilespmem:$0x16F20] =	vst v63  }
0x165: {  	s2 =	sadd.s32 s4, s12;
	s12 =	sand.u32 $0x1FFFFFF8, s25;
	s25 =	spop (v2sf)  }
0x166: {  	[tilespmem:s14], [sflag:$0x3] =	stream.linear.gather [hbm4b:s2+s3], $0x40, $0x38;
	[tilespmem:$0x16F20] =	vst v63  }
0x167: {  	s2 =	sadd.s32 s4, s5;
	s5 =	sand.u32 $0x1FFFFFF8, s25;
	s14 =	spop (v2sf)  }
0x168: {  	[tilespmem:s7], [sflag:$0x3] =	stream.linear.gather [hbm4b:s2+s3], $0x40, $0x38;
	[tilespmem:$0x16F20] =	vst v63  }
0x169: {  	s2 =	sadd.s32 s4, s12;
	s7 =	sand.u32 $0x1FFFFFF8, s14;
	s12 =	spop (v2sf)  }
0x16a: {  	[tilespmem:s1], [sflag:$0x3] =	stream.linear.gather [hbm4b:s2+s3], $0x40, $0x38;
	[tilespmem:$0x16F20] =	vst v63  }
0x16b: {  	s1 =	sadd.s32 s4, s5;
	s2 =	sand.u32 $0x1FFFFFF8, s12;
	s5 =	spop (v2sf)  }
0x16c: {  	[tilespmem:s28], [sflag:$0x3] =	stream.linear.gather [hbm4b:s1+s3], $0x40, $0x38;
	[tilespmem:$0x16F20] =	vst v63  }
0x16d: {  	s1 =	sadd.s32 s4, s7;
	s5 =	sand.u32 $0x1FFFFFF8, s5;
	s7 =	spop (v2sf)  }
0x16e: {  	[tilespmem:s0], [sflag:$0x3] =	stream.linear.gather [hbm4b:s1+s3], $0x40, $0x38;
	[tilespmem:$0x16F20] =	vst v63  }
0x16f: {  	s0 =	sadd.s32 s4, s2;
	s1 =	sand.u32 $0x1FFFFFF8, s7;
	s2 =	spop (v2sf)  }
0x170: {  	[tilespmem:s26], [sflag:$0x3] =	stream.linear.gather [hbm4b:s0+s3], $0x40, $0x38;
	[tilespmem:$0x16F20] =	vst v63  }
0x171: {  	s0 =	sadd.s32 s4, s5;
	s2 =	sand.u32 $0x1FFFFFF8, s2;
	s5 =	spop (v2sf)  }
0x172: {  	[tilespmem:s24], [sflag:$0x3] =	stream.linear.gather [hbm4b:s0+s3], $0x40, $0x38;
	[tilespmem:$0x16F20] =	vst v63  }
0x173: {  	s0 =	sadd.s32 s4, s1;
	s1 =	sand.u32 $0x1FFFFFF8, s5;
	s5 =	spop (v2sf)  }
0x174: {  	[tilespmem:s22], [sflag:$0x3] =	stream.linear.gather [hbm4b:s0+s3], $0x40, $0x38;
	[tilespmem:$0x16F20] =	vst v63  }
0x175: {  	s0 =	sadd.s32 s4, s2;
	s2 =	sand.u32 $0x1FFFFFF8, s5  }
0x176: {  	[tilespmem:s23], [sflag:$0x3] =	stream.linear.gather [hbm4b:s0+s3], $0x40, $0x38;
	[tilespmem:$0x16F20] =	vst v63  }
0x177: {  	s1 =	sadd.s32 s4, s1;
	s0 =	sadd.s32 $0xCB80, s18  }
0x178: {  	[tilespmem:s0], [sflag:$0x3] =	stream.linear.gather [hbm4b:s1+s3], $0x40, $0x38;
	[tilespmem:$0x16F20] =	vst v63  }
0x179: {  	s0 =	sadd.s32 $0xCBC0, s18;
	s1 =	sadd.s32 s4, s2  }
0x17a: {  	[tilespmem:s0], [sflag:$0x3] =	stream.linear.gather [hbm4b:s1+s3], $0x40, $0x38;
	[tilespmem:$0x16F20] =	vst v63  }
0x17b: {  	v1 =	vld [tilespmem:s9+$0x0];
	_ =	sdelay $0x4  }
0x17c: {  	v1 =	vshll.u32 v1, $0x3  }
0x17d: {  	(v2sf) =	vpush v1, $0x0  }
0x17e: {  	(v2sf) =	vpush v1, $0x1  }
0x17f: {  	(v2sf) =	vpush v1, $0x2;
	_ =	sdelay $0x1  }
0x180: {  	(v2sf) =	vpush v1, $0x4  }
.Ltmp3:
0x181: {  	(pc) =	sbr.rel @p1 .LBB2_9-.Ltmp3, $3  }
0x182: {  	(v2sf) =	vpush v1, $0x3  }
0x183: {  	(v2sf) =	vpush v1, $0x5;
	_ =	sdelay $0x1  }
0x184: {  	s18 =	sshra.s32 s21, $0x2;
	(v2sf) =	vpush v1, $0x6  }
0x185: {  	_ =	sdelay $0x4  }
0x186: {  	s2 =	sadd.s32 $0xC800, s18;
	s0 =	spop (v2sf)  }
0x187: {  	s29 =	sadd.s32 $0xC840, s18;
	(v2sf) =	vpush v1, $0x7;
	s0 =	sand.u32 $0x1FFFFFF8, s0;
	s1 =	spop (v2sf)  }
0x188: {  	s0 =	sadd.s32 s4, s0;
	s1 =	sand.u32 $0x1FFFFFF8, s1;
	s30 =	spop (v2sf)  }
0x189: {  	[tilespmem:s2], [sflag:$0x3] =	stream.linear.gather [hbm4b:s0+s3], $0x40, $0x38;
	[tilespmem:$0x16F20] =	vst v63  }
0x18a: {  	s1 =	sadd.s32 s4, s1;
	s5 =	sand.u32 $0x1FFFFFF8, s30;
	s9 =	spop (v2sf)  }
0x18b: {  	[tilespmem:s29], [sflag:$0x3] =	stream.linear.gather [hbm4b:s1+s3], $0x40, $0x38;
	[tilespmem:$0x16F20] =	vst v63  }
0x18c: {  	s7 =	sadd.s32 $0xC880, s18;
	s0 =	sadd.s32 s4, s5;
	s12 =	spop (v2sf);
	(v2sf) =	vpush v1, $0x8  }
0x18d: {  	[tilespmem:s7], [sflag:$0x3] =	stream.linear.gather [hbm4b:s0+s3], $0x40, $0x38;
	[tilespmem:$0x16F20] =	vst v63  }
0x18e: {  	s0 =	sand.u32 $0x1FFFFFF8, s12;
	(v2sf) =	vpush v1, $0x9  }
0x18f: {  	s14 =	sadd.s32 $0xC8C0, s18;
	s19 =	sand.u32 $0x1FFFFFF8, s9;
	s0 =	sadd.s32 s4, s0  }
0x190: {  	(v2sf) =	vpush v1, $0xA;
	[tilespmem:s14], [sflag:$0x3] =	stream.linear.gather [hbm4b:s0+s3], $0x40, $0x38;
	[tilespmem:$0x16F20] =	vst v63  }
0x191: {  	s21 =	sadd.s32 $0xC900, s18;
	s22 =	spop (v2sf);
	s0 =	sadd.s32 s4, s19  }
0x192: {  	[tilespmem:s21], [sflag:$0x3] =	stream.linear.gather [hbm4b:s0+s3], $0x40, $0x38;
	[tilespmem:$0x16F20] =	vst v63  }
0x193: {  	s0 =	sand.u32 $0x1FFFFFF8, s22  }
0x194: {  	s23 =	sadd.s32 $0xC940, s18;
	s24 =	spop (v2sf);
	s0 =	sadd.s32 s4, s0  }
0x195: {  	[tilespmem:s23], [sflag:$0x3] =	stream.linear.gather [hbm4b:s0+s3], $0x40, $0x38;
	[tilespmem:$0x16F20] =	vst v63  }
0x196: {  	s26 =	spop (v2sf);
	(v2sf) =	vpush v1, $0xB  }
0x197: {  	s0 =	sand.u32 $0x1FFFFFF8, s24  }
0x198: {  	s25 =	sadd.s32 $0xC980, s18;
	s0 =	sadd.s32 s4, s0  }
0x199: {  	[tilespmem:s25], [sflag:$0x3] =	stream.linear.gather [hbm4b:s0+s3], $0x40, $0x38;
	[tilespmem:$0x16F20] =	vst v63  }
0x19a: {  	s0 =	sand.u32 $0x1FFFFFF8, s26  }
0x19b: {  	s28 =	sadd.s32 $0xC9C0, s18;
	s0 =	sadd.s32 s4, s0;
	s29 =	spop (v2sf);
	(v2sf) =	vpush v1, $0xC  }
0x19c: {  	[tilespmem:s28], [sflag:$0x3] =	stream.linear.gather [hbm4b:s0+s3], $0x40, $0x38;
	[tilespmem:$0x16F20] =	vst v63  }
0x19d: {  	s2 =	spop (v2sf);
	(v2sf) =	vpush v1, $0xD  }
0x19e: {  	s0 =	sand.u32 $0x1FFFFFF8, s29  }
0x19f: {  	s30 =	sadd.s32 $0xCA00, s18;
	s0 =	sadd.s32 s4, s0;
	s7 =	spop (v2sf)  }
0x1a0: {  	(v2sf) =	vpush v1, $0xE;
	[tilespmem:s30], [sflag:$0x3] =	stream.linear.gather [hbm4b:s0+s3], $0x40, $0x38;
	[tilespmem:$0x16F20] =	vst v63  }
0x1a1: {  	s0 =	sand.u32 $0x1FFFFFF8, s2  }
0x1a2: {  	s5 =	sadd.s32 $0xCA40, s18;
	s0 =	sadd.s32 s4, s0  }
0x1a3: {  	[tilespmem:s5], [sflag:$0x3] =	stream.linear.gather [hbm4b:s0+s3], $0x40, $0x38;
	[tilespmem:$0x16F20] =	vst v63  }
0x1a4: {  	s0 =	sand.u32 $0x1FFFFFF8, s7  }
0x1a5: {  	s9 =	sadd.s32 $0xCA80, s18;
	s0 =	sadd.s32 s4, s0;
	s12 =	spop (v2sf);
	(v2sf) =	vpush v1, $0xF  }
0x1a6: {  	[tilespmem:s9], [sflag:$0x3] =	stream.linear.gather [hbm4b:s0+s3], $0x40, $0x38;
	[tilespmem:$0x16F20] =	vst v63  }
0x1a7: {  	s0 =	sand.u32 $0x1FFFFFF8, s12  }
0x1a8: {  	s14 =	sadd.s32 $0xCAC0, s18;
	s0 =	sadd.s32 s4, s0  }
0x1a9: {  	[tilespmem:s14], [sflag:$0x3] =	stream.linear.gather [hbm4b:s0+s3], $0x40, $0x38;
	[tilespmem:$0x16F20] =	vst v63  }
0x1aa: {  	s19 =	spop (v2sf)  }
0x1ab: {  	s0 =	sand.u32 $0x1FFFFFF8, s19  }
0x1ac: {  	s21 =	sadd.s32 $0xCB00, s18;
	s22 =	spop (v2sf);
	s0 =	sadd.s32 s4, s0  }
0x1ad: {  	[tilespmem:s21], [sflag:$0x3] =	stream.linear.gather [hbm4b:s0+s3], $0x40, $0x38;
	[tilespmem:$0x16F20] =	vst v63  }
0x1ae: {  	s0 =	sand.u32 $0x1FFFFFF8, s22  }
0x1af: {  	s23 =	sadd.s32 $0xCB40, s18;
	s24 =	spop (v2sf);
	s0 =	sadd.s32 s4, s0  }
0x1b0: {  	[tilespmem:s23], [sflag:$0x3] =	stream.linear.gather [hbm4b:s0+s3], $0x40, $0x38;
	[tilespmem:$0x16F20] =	vst v63  }
0x1b1: {  	s0 =	sand.u32 $0x1FFFFFF8, s24  }
0x1b2: {  	s25 =	sadd.s32 $0xCB80, s18;
	s0 =	sadd.s32 s4, s0  }
0x1b3: {  	[tilespmem:s25], [sflag:$0x3] =	stream.linear.gather [hbm4b:s0+s3], $0x40, $0x38;
	[tilespmem:$0x16F20] =	vst v63  }
0x1b4: {  	s26 =	spop (v2sf)  }
0x1b5: {  	s0 =	sand.u32 $0x1FFFFFF8, s26  }
0x1b6: {  	s28 =	sadd.s32 $0xCBC0, s18;
	s0 =	sadd.s32 s4, s0  }
0x1b7: {  	[tilespmem:s28], [sflag:$0x3] =	stream.linear.gather [hbm4b:s0+s3], $0x40, $0x38;
	[tilespmem:$0x16F20] =	vst v63  }
0x1b8: {  	v1 =	vld [tilespmem:s17+$0xB8];
	_ =	sdelay $0x4  }
0x1b9: {  	v1 =	vshll.u32 v1, $0x3  }
0x1ba: {  	(v2sf) =	vpush v1, $0x8  }
0x1bb: {  	(v2sf) =	vpush v1, $0x9  }
0x1bc: {  	(v2sf) =	vpush v1, $0xA;
	_ =	sdelay $0x2  }
0x1bd: {  	(v2sf) =	vpush v1, $0xB;
	_ =	sdelay $0x5  }
0x1be: {  	(v2sf) =	vpush v1, $0xC;
	_ =	sdelay $0x3  }
0x1bf: {  	s29 =	spop (v2sf)  }
0x1c0: {  	s0 =	sand.u32 $0x1FFFFFF8, s29;
	s1 =	spop (v2sf);
	(v2sf) =	vpush v1, $0xD  }
0x1c1: {  	s30 =	simm.s32 $0xF800;
	s0 =	sadd.s32 s4, s0;
	s5 =	spop (v2sf)  }
0x1c2: {  	(v2sf) =	vpush v1, $0xE;
	[tilespmem:s30], [sflag:$0x3] =	stream.linear.gather [hbm4b:s0+s3], $0x40, $0x38;
	[tilespmem:$0x16F20] =	vst v63  }
0x1c3: {  	s0 =	sand.u32 $0x1FFFFFF8, s1  }
0x1c4: {  	s2 =	simm.s32 $0xF840;
	s9 =	spop (v2sf);
	s0 =	sadd.s32 s4, s0  }
0x1c5: {  	(v2sf) =	vpush v1, $0xF;
	[tilespmem:s2], [sflag:$0x3] =	stream.linear.gather [hbm4b:s0+s3], $0x40, $0x38;
	[tilespmem:$0x16F20] =	vst v63  }
0x1c6: {  	s0 =	sand.u32 $0x1FFFFFF8, s5  }
0x1c7: {  	s7 =	simm.s32 $0xF880;
	s0 =	sadd.s32 s4, s0  }
0x1c8: {  	[tilespmem:s7], [sflag:$0x3] =	stream.linear.gather [hbm4b:s0+s3], $0x40, $0x38;
	[tilespmem:$0x16F20] =	vst v63  }
0x1c9: {  	s0 =	sand.u32 $0x1FFFFFF8, s9  }
0x1ca: {  	s12 =	simm.s32 $0xF8C0;
	s14 =	spop (v2sf);
	s0 =	sadd.s32 s4, s0  }
0x1cb: {  	[tilespmem:s12], [sflag:$0x3] =	stream.linear.gather [hbm4b:s0+s3], $0x40, $0x38;
	[tilespmem:$0x16F20] =	vst v63  }
0x1cc: {  	s0 =	sand.u32 $0x1FFFFFF8, s14  }
0x1cd: {  	s17 =	simm.s32 $0xF900;
	s0 =	sadd.s32 s4, s0  }
0x1ce: {  	[tilespmem:s17], [sflag:$0x3] =	stream.linear.gather [hbm4b:s0+s3], $0x40, $0x38;
	[tilespmem:$0x16F20] =	vst v63  }
0x1cf: {  	s18 =	spop (v2sf)  }
0x1d0: {  	s0 =	sand.u32 $0x1FFFFFF8, s18  }
0x1d1: {  	s19 =	simm.s32 $0xF940;
	s21 =	spop (v2sf);
	s0 =	sadd.s32 s4, s0  }
0x1d2: {  	[tilespmem:s19], [sflag:$0x3] =	stream.linear.gather [hbm4b:s0+s3], $0x40, $0x38;
	[tilespmem:$0x16F20] =	vst v63  }
0x1d3: {  	s0 =	sand.u32 $0x1FFFFFF8, s21  }
0x1d4: {  	s22 =	simm.s32 $0xF980;
	s23 =	spop (v2sf);
	s0 =	sadd.s32 s4, s0  }
0x1d5: {  	[tilespmem:s22], [sflag:$0x3] =	stream.linear.gather [hbm4b:s0+s3], $0x40, $0x38;
	[tilespmem:$0x16F20] =	vst v63  }
0x1d6: {  	s0 =	sand.u32 $0x1FFFFFF8, s23  }
0x1d7: {  	s24 =	simm.s32 $0xF9C0;
	s25 =	simm.s32 $0x2;
	s0 =	sadd.s32 s4, s0  }
0x1d8: {  	[tilespmem:s24], [sflag:$0x3] =	stream.linear.gather [hbm4b:s0+s3], $0x40, $0x38;
	[tilespmem:$0x16F20] =	vst v63  }
0x1d9: {  	_ =	swait.ge [sflag:s25], $0x3200  }
0x1da: {  	s26 =	sor.u32 $0x1, s16;
	[sflag:s25] =	ssyncset.done $0x0  }
0x1db: {  	v1 =	vmov s26;
	[sflag:s25] =	ssyncadd.s32 $0xFFFFCE00  }
0x1dc: {  	[tilespmem:$0x12CC8] =	vst v1  }
0x1dd: {  	[tilespmem:$0x12CD8] =	vst v1  }
0x1de: {  	[tilespmem:$0x12CE8] =	vst v1  }
0x1df: {  	[tilespmem:$0x12CF8] =	vst v1  }
0x1e0: {  	[tilespmem:$0x12D08] =	vst v1  }
0x1e1: {  	[tilespmem:$0x12D18] =	vst v1  }
0x1e2: {  	[tilespmem:$0x12D28] =	vst v1  }
0x1e3: {  	[tilespmem:$0x12D38] =	vst v1  }
0x1e4: {  	[tilespmem:$0x12D48] =	vst v1  }
0x1e5: {  	[tilespmem:$0x12D58] =	vst v1  }
0x1e6: {  	[tilespmem:$0x12D68] =	vst v1  }
0x1e7: {  	s31 =	smov.u32 s6;
	s6 =	simm.s32 $0xC8;
	[tilespmem:$0x12D78] =	vst v1  }
0x1e8: {  	s28 =	simm.s32 $0x12CC8;
	s29 =	simm.s32 $0x9600;
	s0 =	simm.s32 @!p0 $0x8;
	[tilespmem:$0x12D80] =	vst v1  }
0x1e9: {  	[spmem:s31] =	stream.indirect.scatter.add.f32 [tilespmem:s29], [sflag:$0x6], $0x40, s28, s6, $0xb8;
	[tilespmem:$0x16F20] =	vst v63  }
0x1ea: {  	_ =	swait.ge @!p0 [sflag:s0], $0x3200  }
0x1eb: {  	[sflag:s0] =	ssyncset.done @!p0 $0x0  }
0x1ec: {  	[sflag:s0] =	ssyncadd.s32 @!p0 $0xFFFFCE00  }
0x1ed: {  	v1 =	vld [tilespmem:s10+$0x0];
	_ =	sdelay $0x4  }
0x1ee: {  	v1 =	vshll.u32 v1, $0x3  }
0x1ef: {  	(v2sf) =	vpush v1, $0x0  }
0x1f0: {  	(v2sf) =	vpush v1, $0x1  }
0x1f1: {  	(v2sf) =	vpush v1, $0x2;
	_ =	sdelay $0x1  }
0x1f2: {  	s13 =	sor.u32 $0x3, s13;
	(v2sf) =	vpush v1, $0x4  }
0x1f3: {  	s30 =	smul.u32 $0x320, s13  }
0x1f4: {  	(v2sf) =	vpush v1, $0x3  }
0x1f5: {  	s16 =	sshra.s32 s30, $0x2;
	(v2sf) =	vpush v1, $0x5  }
0x1f6: {  	s9 =	smov.u32 s10;
	s17 =	simm.s32 $0x0;
	s18 =	simm.s32 $0x1000;
	(v2sf) =	vpush v1, $0x6  }
.LBB2_11:
0x1f7: {  	p0 =	sne.s32 s18, $0xB000  }
0x1f8: {  	s2 =	sadd.s32 $0xFA40, s17;
	s23 =	sadd.s32 $0xFCC0, s17;
	s19 =	smov.u32 s18  }
0x1f9: {  	s18 =	sadd.s32 $0x1000, s18;
	s1 =	sadd.s32 $0xFBC0, s17;
	s21 =	sadd.s32 $0xFD00, s17;
	(v2sf) =	vpush v1, $0x7  }
0x1fa: {  	s14 =	sadd.s32 $0xFB40, s17;
	s26 =	sadd.s32 $0xFC00, s17;
	s22 =	sadd.s32 $0xFD40, s17  }
0x1fb: {  	s5 =	sadd.s32 $0xFA00, s17;
	s7 =	sadd.s32 $0xFB00, s17;
	(v2sf) =	vpush v1, $0x8  }
0x1fc: {  	s12 =	sadd.s32 $0xFB80, s17;
	s9 =	sadd.s32 $0x10, s9  }
0x1fd: {  	s25 =	sadd.s32 $0xFA80, s17;
	s24 =	sadd.s32 $0xFC80, s17;
	s0 =	spop (v2sf);
	(v2sf) =	vpush v1, $0x9  }
0x1fe: {  	s28 =	sand.u32 $0x1FFFFFF8, s0;
	s0 =	sadd.s32 $0xFC40, s17;
	s29 =	spop (v2sf)  }
0x1ff: {  	s28 =	sadd.s32 s4, s28;
	s29 =	sand.u32 $0x1FFFFFF8, s29;
	s30 =	spop (v2sf);
	(v2sf) =	vpush v1, $0xA  }
0x200: {  	[tilespmem:s5], [sflag:$0x4] =	stream.linear.gather [hbm4b:s28+s3], $0x40, $0x38;
	[tilespmem:$0x16F20] =	vst v63  }
0x201: {  	s5 =	sadd.s32 s4, s29;
	s28 =	sadd.s32 $0xFAC0, s17;
	s29 =	spop (v2sf);
	(v2sf) =	vpush v1, $0xB  }
0x202: {  	[tilespmem:s2], [sflag:$0x4] =	stream.linear.gather [hbm4b:s5+s3], $0x40, $0x38;
	[tilespmem:$0x16F20] =	vst v63  }
0x203: {  	s2 =	sand.u32 $0x1FFFFFF8, s30;
	s5 =	sand.u32 $0x1FFFFFF8, s29;
	s29 =	spop (v2sf);
	(v2sf) =	vpush v1, $0xC  }
0x204: {  	s2 =	sadd.s32 s4, s2;
	s29 =	sand.u32 $0x1FFFFFF8, s29;
	s30 =	spop (v2sf)  }
0x205: {  	[tilespmem:s25], [sflag:$0x4] =	stream.linear.gather [hbm4b:s2+s3], $0x40, $0x38;
	(v2sf) =	vpush v1, $0xD;
	[tilespmem:$0x16F20] =	vst v63  }
0x206: {  	s2 =	sadd.s32 s4, s29;
	s25 =	sand.u32 $0x1FFFFFF8, s30;
	s29 =	spop (v2sf)  }
0x207: {  	[tilespmem:s28], [sflag:$0x4] =	stream.linear.gather [hbm4b:s2+s3], $0x40, $0x38;
	(v2sf) =	vpush v1, $0xE;
	[tilespmem:$0x16F20] =	vst v63  }
0x208: {  	s2 =	sadd.s32 s4, s5;
	s5 =	sand.u32 $0x1FFFFFF8, s29;
	s28 =	spop (v2sf)  }
0x209: {  	[tilespmem:s7], [sflag:$0x4] =	stream.linear.gather [hbm4b:s2+s3], $0x40, $0x38;
	(v2sf) =	vpush v1, $0xF;
	[tilespmem:$0x16F20] =	vst v63  }
0x20a: {  	s2 =	sadd.s32 s4, s25;
	s7 =	sand.u32 $0x1FFFFFF8, s28;
	s25 =	spop (v2sf)  }
0x20b: {  	[tilespmem:s14], [sflag:$0x4] =	stream.linear.gather [hbm4b:s2+s3], $0x40, $0x38;
	[tilespmem:$0x16F20] =	vst v63  }
0x20c: {  	s2 =	sadd.s32 s4, s5;
	s5 =	sand.u32 $0x1FFFFFF8, s25;
	s14 =	spop (v2sf)  }
0x20d: {  	[tilespmem:s12], [sflag:$0x4] =	stream.linear.gather [hbm4b:s2+s3], $0x40, $0x38;
	[tilespmem:$0x16F20] =	vst v63  }
0x20e: {  	s2 =	sadd.s32 s4, s7;
	s7 =	sand.u32 $0x1FFFFFF8, s14;
	s12 =	spop (v2sf)  }
0x20f: {  	[tilespmem:s1], [sflag:$0x4] =	stream.linear.gather [hbm4b:s2+s3], $0x40, $0x38;
	[tilespmem:$0x16F20] =	vst v63  }
0x210: {  	s1 =	sadd.s32 s4, s5;
	s2 =	sand.u32 $0x1FFFFFF8, s12;
	s5 =	spop (v2sf)  }
0x211: {  	[tilespmem:s26], [sflag:$0x4] =	stream.linear.gather [hbm4b:s1+s3], $0x40, $0x38;
	[tilespmem:$0x16F20] =	vst v63  }
0x212: {  	s1 =	sadd.s32 s4, s7;
	s5 =	sand.u32 $0x1FFFFFF8, s5;
	s7 =	spop (v2sf)  }
0x213: {  	[tilespmem:s0], [sflag:$0x4] =	stream.linear.gather [hbm4b:s1+s3], $0x40, $0x38;
	[tilespmem:$0x16F20] =	vst v63  }
0x214: {  	s0 =	sadd.s32 s4, s2;
	s1 =	sand.u32 $0x1FFFFFF8, s7;
	s2 =	spop (v2sf)  }
0x215: {  	[tilespmem:s24], [sflag:$0x4] =	stream.linear.gather [hbm4b:s0+s3], $0x40, $0x38;
	[tilespmem:$0x16F20] =	vst v63  }
0x216: {  	s0 =	sadd.s32 s4, s5;
	s2 =	sand.u32 $0x1FFFFFF8, s2;
	s5 =	spop (v2sf)  }
0x217: {  	[tilespmem:s23], [sflag:$0x4] =	stream.linear.gather [hbm4b:s0+s3], $0x40, $0x38;
	[tilespmem:$0x16F20] =	vst v63  }
0x218: {  	s0 =	sadd.s32 s4, s1;
	s1 =	sand.u32 $0x1FFFFFF8, s5;
	s5 =	spop (v2sf)  }
0x219: {  	[tilespmem:s21], [sflag:$0x4] =	stream.linear.gather [hbm4b:s0+s3], $0x40, $0x38;
	[tilespmem:$0x16F20] =	vst v63  }
0x21a: {  	s0 =	sadd.s32 s4, s2;
	s2 =	sand.u32 $0x1FFFFFF8, s5  }
0x21b: {  	[tilespmem:s22], [sflag:$0x4] =	stream.linear.gather [hbm4b:s0+s3], $0x40, $0x38;
	[tilespmem:$0x16F20] =	vst v63  }
0x21c: {  	s1 =	sadd.s32 s4, s1;
	s0 =	sadd.s32 $0xFD80, s17  }
0x21d: {  	[tilespmem:s0], [sflag:$0x4] =	stream.linear.gather [hbm4b:s1+s3], $0x40, $0x38;
	[tilespmem:$0x16F20] =	vst v63  }
0x21e: {  	s0 =	sadd.s32 $0xFDC0, s17;
	s1 =	sadd.s32 s4, s2  }
0x21f: {  	[tilespmem:s0], [sflag:$0x4] =	stream.linear.gather [hbm4b:s1+s3], $0x40, $0x38;
	[tilespmem:$0x16F20] =	vst v63  }
0x220: {  	v1 =	vld [tilespmem:s9+$0x0];
	_ =	sdelay $0x4  }
0x221: {  	v1 =	vshll.u32 v1, $0x3  }
0x222: {  	(v2sf) =	vpush v1, $0x0  }
0x223: {  	(v2sf) =	vpush v1, $0x1  }
0x224: {  	(v2sf) =	vpush v1, $0x2;
	_ =	sdelay $0x1  }
0x225: {  	(v2sf) =	vpush v1, $0x4  }
.Ltmp4:
0x226: {  	(pc) =	sbr.rel @p0 .LBB2_11-.Ltmp4, $3  }
0x227: {  	(v2sf) =	vpush v1, $0x3  }
0x228: {  	(v2sf) =	vpush v1, $0x5;
	_ =	sdelay $0x1  }
0x229: {  	s17 =	sshra.s32 s19, $0x2;
	(v2sf) =	vpush v1, $0x6  }
0x22a: {  	_ =	sdelay $0x5  }
0x22b: {  	s0 =	spop (v2sf)  }
0x22c: {  	s1 =	spop (v2sf)  }
0x22d: {  	s29 =	spop (v2sf)  }
0x22e: {  	s9 =	spop (v2sf);
	(v2sf) =	vpush v1, $0x7  }
0x22f: {  	s0 =	sand.u32 $0x1FFFFFF8, s0  }
0x230: {  	s2 =	sadd.s32 $0xFA00, s17;
	s0 =	sadd.s32 s4, s0  }
0x231: {  	[tilespmem:s2], [sflag:$0x4] =	stream.linear.gather [hbm4b:s0+s3], $0x40, $0x38;
	[tilespmem:$0x16F20] =	vst v63  }
0x232: {  	s1 =	sand.u32 $0x1FFFFFF8, s1;
	s12 =	spop (v2sf);
	(v2sf) =	vpush v1, $0x8  }
0x233: {  	s28 =	sadd.s32 $0xFA40, s17;
	s1 =	sadd.s32 s4, s1  }
0x234: {  	[tilespmem:s28], [sflag:$0x4] =	stream.linear.gather [hbm4b:s1+s3], $0x40, $0x38;
	[tilespmem:$0x16F20] =	vst v63  }
0x235: {  	s5 =	sand.u32 $0x1FFFFFF8, s29;
	s21 =	spop (v2sf);
	(v2sf) =	vpush v1, $0x9  }
0x236: {  	s7 =	sadd.s32 $0xFA80, s17;
	s0 =	sadd.s32 s4, s5  }
0x237: {  	[tilespmem:s7], [sflag:$0x4] =	stream.linear.gather [hbm4b:s0+s3], $0x40, $0x38;
	[tilespmem:$0x16F20] =	vst v63  }
0x238: {  	s0 =	sand.u32 $0x1FFFFFF8, s12;
	s23 =	spop (v2sf);
	(v2sf) =	vpush v1, $0xA  }
0x239: {  	s14 =	sadd.s32 $0xFAC0, s17;
	s18 =	sand.u32 $0x1FFFFFF8, s9;
	s0 =	sadd.s32 s4, s0  }
0x23a: {  	[tilespmem:s14], [sflag:$0x4] =	stream.linear.gather [hbm4b:s0+s3], $0x40, $0x38;
	[tilespmem:$0x16F20] =	vst v63  }
0x23b: {  	s19 =	sadd.s32 $0xFB00, s17;
	s0 =	sadd.s32 s4, s18  }
0x23c: {  	[tilespmem:s19], [sflag:$0x4] =	stream.linear.gather [hbm4b:s0+s3], $0x40, $0x38;
	[tilespmem:$0x16F20] =	vst v63  }
0x23d: {  	s0 =	sand.u32 $0x1FFFFFF8, s21;
	s25 =	spop (v2sf);
	(v2sf) =	vpush v1, $0xB  }
0x23e: {  	s22 =	sadd.s32 $0xFB40, s17;
	s0 =	sadd.s32 s4, s0  }
0x23f: {  	[tilespmem:s22], [sflag:$0x4] =	stream.linear.gather [hbm4b:s0+s3], $0x40, $0x38;
	[tilespmem:$0x16F20] =	vst v63  }
0x240: {  	s0 =	sand.u32 $0x1FFFFFF8, s23  }
0x241: {  	s24 =	sadd.s32 $0xFB80, s17;
	s0 =	sadd.s32 s4, s0;
	s28 =	spop (v2sf);
	(v2sf) =	vpush v1, $0xC  }
0x242: {  	[tilespmem:s24], [sflag:$0x4] =	stream.linear.gather [hbm4b:s0+s3], $0x40, $0x38;
	[tilespmem:$0x16F20] =	vst v63  }
0x243: {  	s0 =	sand.u32 $0x1FFFFFF8, s25  }
0x244: {  	s26 =	sadd.s32 $0xFBC0, s17;
	s0 =	sadd.s32 s4, s0;
	s2 =	spop (v2sf);
	(v2sf) =	vpush v1, $0xD  }
0x245: {  	[tilespmem:s26], [sflag:$0x4] =	stream.linear.gather [hbm4b:s0+s3], $0x40, $0x38;
	[tilespmem:$0x16F20] =	vst v63  }
0x246: {  	s0 =	sand.u32 $0x1FFFFFF8, s28  }
0x247: {  	s29 =	sadd.s32 $0xFC00, s17;
	s0 =	sadd.s32 s4, s0;
	s7 =	spop (v2sf);
	(v2sf) =	vpush v1, $0xE  }
0x248: {  	[tilespmem:s29], [sflag:$0x4] =	stream.linear.gather [hbm4b:s0+s3], $0x40, $0x38;
	[tilespmem:$0x16F20] =	vst v63  }
0x249: {  	s0 =	sand.u32 $0x1FFFFFF8, s2  }
0x24a: {  	s5 =	sadd.s32 $0xFC40, s17;
	s0 =	sadd.s32 s4, s0  }
0x24b: {  	[tilespmem:s5], [sflag:$0x4] =	stream.linear.gather [hbm4b:s0+s3], $0x40, $0x38;
	[tilespmem:$0x16F20] =	vst v63  }
0x24c: {  	s0 =	sand.u32 $0x1FFFFFF8, s7;
	s12 =	spop (v2sf);
	(v2sf) =	vpush v1, $0xF  }
0x24d: {  	s9 =	sadd.s32 $0xFC80, s17;
	s0 =	sadd.s32 s4, s0  }
0x24e: {  	[tilespmem:s9], [sflag:$0x4] =	stream.linear.gather [hbm4b:s0+s3], $0x40, $0x38;
	[tilespmem:$0x16F20] =	vst v63  }
0x24f: {  	s0 =	sand.u32 $0x1FFFFFF8, s12  }
0x250: {  	s14 =	sadd.s32 $0xFCC0, s17;
	s0 =	sadd.s32 s4, s0;
	s18 =	spop (v2sf)  }
0x251: {  	[tilespmem:s14], [sflag:$0x4] =	stream.linear.gather [hbm4b:s0+s3], $0x40, $0x38;
	[tilespmem:$0x16F20] =	vst v63  }
0x252: {  	s0 =	sand.u32 $0x1FFFFFF8, s18  }
0x253: {  	s19 =	sadd.s32 $0xFD00, s17;
	s21 =	spop (v2sf);
	s0 =	sadd.s32 s4, s0  }
0x254: {  	[tilespmem:s19], [sflag:$0x4] =	stream.linear.gather [hbm4b:s0+s3], $0x40, $0x38;
	[tilespmem:$0x16F20] =	vst v63  }
0x255: {  	s0 =	sand.u32 $0x1FFFFFF8, s21  }
0x256: {  	s22 =	sadd.s32 $0xFD40, s17;
	s23 =	spop (v2sf);
	s0 =	sadd.s32 s4, s0  }
0x257: {  	[tilespmem:s22], [sflag:$0x4] =	stream.linear.gather [hbm4b:s0+s3], $0x40, $0x38;
	[tilespmem:$0x16F20] =	vst v63  }
0x258: {  	s0 =	sand.u32 $0x1FFFFFF8, s23  }
0x259: {  	s24 =	sadd.s32 $0xFD80, s17;
	s0 =	sadd.s32 s4, s0  }
0x25a: {  	[tilespmem:s24], [sflag:$0x4] =	stream.linear.gather [hbm4b:s0+s3], $0x40, $0x38;
	[tilespmem:$0x16F20] =	vst v63  }
0x25b: {  	s25 =	spop (v2sf)  }
0x25c: {  	s0 =	sand.u32 $0x1FFFFFF8, s25  }
0x25d: {  	s26 =	sadd.s32 $0xFDC0, s17;
	s0 =	sadd.s32 s4, s0  }
0x25e: {  	[tilespmem:s26], [sflag:$0x4] =	stream.linear.gather [hbm4b:s0+s3], $0x40, $0x38;
	[tilespmem:$0x16F20] =	vst v63  }
0x25f: {  	v1 =	vld [tilespmem:s16+$0xB8];
	_ =	sdelay $0x4  }
0x260: {  	v1 =	vshll.u32 v1, $0x3  }
0x261: {  	(v2sf) =	vpush v1, $0x8;
	_ =	sdelay $0x1  }
0x262: {  	(v2sf) =	vpush v1, $0x9;
	_ =	sdelay $0x1  }
0x263: {  	(v2sf) =	vpush v1, $0xA;
	_ =	sdelay $0x2  }
0x264: {  	(v2sf) =	vpush v1, $0xB;
	_ =	sdelay $0x7  }
0x265: {  	s28 =	spop (v2sf);
	(v2sf) =	vpush v1, $0xC;
	_ =	sdelay $0x1  }
0x266: {  	s1 =	spop (v2sf);
	(v2sf) =	vpush v1, $0xD  }
0x267: {  	s0 =	sand.u32 $0x1FFFFFF8, s28  }
0x268: {  	s29 =	simm.s32 $0x12A00;
	s0 =	sadd.s32 s4, s0;
	s5 =	spop (v2sf)  }
0x269: {  	(v2sf) =	vpush v1, $0xE;
	[tilespmem:s29], [sflag:$0x4] =	stream.linear.gather [hbm4b:s0+s3], $0x40, $0x38;
	[tilespmem:$0x16F20] =	vst v63  }
0x26a: {  	s0 =	sand.u32 $0x1FFFFFF8, s1  }
0x26b: {  	s2 =	simm.s32 $0x12A40;
	s9 =	spop (v2sf);
	s0 =	sadd.s32 s4, s0  }
0x26c: {  	(v2sf) =	vpush v1, $0xF;
	[tilespmem:s2], [sflag:$0x4] =	stream.linear.gather [hbm4b:s0+s3], $0x40, $0x38;
	[tilespmem:$0x16F20] =	vst v63  }
0x26d: {  	s0 =	sand.u32 $0x1FFFFFF8, s5  }
0x26e: {  	s7 =	simm.s32 $0x12A80;
	s0 =	sadd.s32 s4, s0  }
0x26f: {  	[tilespmem:s7], [sflag:$0x4] =	stream.linear.gather [hbm4b:s0+s3], $0x40, $0x38;
	[tilespmem:$0x16F20] =	vst v63  }
0x270: {  	s0 =	sand.u32 $0x1FFFFFF8, s9  }
0x271: {  	s12 =	simm.s32 $0x12AC0;
	s0 =	sadd.s32 s4, s0  }
0x272: {  	[tilespmem:s12], [sflag:$0x4] =	stream.linear.gather [hbm4b:s0+s3], $0x40, $0x38;
	[tilespmem:$0x16F20] =	vst v63  }
0x273: {  	s14 =	spop (v2sf)  }
0x274: {  	s0 =	sand.u32 $0x1FFFFFF8, s14  }
0x275: {  	s16 =	simm.s32 $0x12B00;
	s17 =	spop (v2sf);
	s0 =	sadd.s32 s4, s0  }
0x276: {  	[tilespmem:s16], [sflag:$0x4] =	stream.linear.gather [hbm4b:s0+s3], $0x40, $0x38;
	[tilespmem:$0x16F20] =	vst v63  }
0x277: {  	s0 =	sand.u32 $0x1FFFFFF8, s17  }
0x278: {  	s18 =	simm.s32 $0x12B40;
	s19 =	spop (v2sf);
	s0 =	sadd.s32 s4, s0  }
0x279: {  	[tilespmem:s18], [sflag:$0x4] =	stream.linear.gather [hbm4b:s0+s3], $0x40, $0x38;
	[tilespmem:$0x16F20] =	vst v63  }
0x27a: {  	s0 =	sand.u32 $0x1FFFFFF8, s19  }
0x27b: {  	s21 =	simm.s32 $0x12B80;
	s22 =	spop (v2sf);
	s0 =	sadd.s32 s4, s0  }
0x27c: {  	[tilespmem:s21], [sflag:$0x4] =	stream.linear.gather [hbm4b:s0+s3], $0x40, $0x38;
	[tilespmem:$0x16F20] =	vst v63  }
0x27d: {  	s0 =	sand.u32 $0x1FFFFFF8, s22  }
0x27e: {  	s23 =	simm.s32 $0x12BC0;
	s24 =	simm.s32 $0x3;
	s0 =	sadd.s32 s4, s0  }
0x27f: {  	[tilespmem:s23], [sflag:$0x4] =	stream.linear.gather [hbm4b:s0+s3], $0x40, $0x38;
	[tilespmem:$0x16F20] =	vst v63  }
0x280: {  	_ =	swait.ge [sflag:s24], $0x3200  }
0x281: {  	s25 =	sor.u32 s11, s15;
	[sflag:s24] =	ssyncset.done $0x0  }
0x282: {  	v1 =	vmov s25;
	[sflag:s24] =	ssyncadd.s32 $0xFFFFCE00  }
0x283: {  	[tilespmem:$0x12D90] =	vst v1  }
0x284: {  	[tilespmem:$0x12DA0] =	vst v1  }
0x285: {  	[tilespmem:$0x12DB0] =	vst v1  }
0x286: {  	[tilespmem:$0x12DC0] =	vst v1  }
0x287: {  	[tilespmem:$0x12DD0] =	vst v1  }
0x288: {  	[tilespmem:$0x12DE0] =	vst v1  }
0x289: {  	[tilespmem:$0x12DF0] =	vst v1  }
0x28a: {  	[tilespmem:$0x12E00] =	vst v1  }
0x28b: {  	[tilespmem:$0x12E10] =	vst v1  }
0x28c: {  	[tilespmem:$0x12E20] =	vst v1  }
0x28d: {  	[tilespmem:$0x12E30] =	vst v1  }
0x28e: {  	p0 =	seq.s32 s8, $0x1F;
	s26 =	simm.s32 $0x12D90;
	[tilespmem:$0x12E40] =	vst v1  }
.Ltmp5:
0x28f: {  	s28 =	simm.s32 $0xC800;
	s29 =	simm.s32 $0x5;
	[tilespmem:$0x12E48] =	vst v1;
	(pc) =	sbr.rel @p0 .LBB2_16-.Ltmp5, $4  }
0x290: {  	[spmem:s31] =	stream.indirect.scatter.add.f32 [tilespmem:s28], [sflag:$0x7], $0x40, s26, s6, $0xb8;
	[tilespmem:$0x16F20] =	vst v63  }
0x291: {  	_ =	swait.ge [sflag:s29], $0x3200  }
0x292: {  	[sflag:s29] =	ssyncset.done $0x0  }
0x293: {  	s30 =	smov.u32 s11;
	s11 =	rddreg [dreg:$0x9];
	[sflag:s29] =	ssyncadd.s32 $0xFFFFCE00  }
0x294: {  	v1 =	vld [tilespmem:s11+$0x0];
	_ =	sdelay $0x4  }
0x295: {  	v1 =	vshll.u32 v1, $0x3  }
0x296: {  	(v2sf) =	vpush v1, $0x0  }
0x297: {  	(v2sf) =	vpush v1, $0x1  }
0x298: {  	(v2sf) =	vpush v1, $0x2;
	_ =	sdelay $0x1  }
0x299: {  	(v2sf) =	vpush v1, $0x4;
	_ =	sdelay $0x1  }
0x29a: {  	s0 =	smul.u32 $0xC80, s8;
	(v2sf) =	vpush v1, $0x3  }
0x29b: {  	s17 =	simm.s32 $0x1000;
	(v2sf) =	vpush v1, $0x5  }
0x29c: {  	s16 =	simm.s32 $0x0;
	s9 =	smov.u32 s11;
	s15 =	sshra.s32 s0, $0x2;
	(v2sf) =	vpush v1, $0x6  }
.LBB2_14:
0x29d: {  	p1 =	sne.s32 s17, $0xB000  }
0x29e: {  	s2 =	sadd.s32 $0x6440, s16;
	s22 =	sadd.s32 $0x66C0, s16;
	s18 =	smov.u32 s17  }
0x29f: {  	s17 =	sadd.s32 $0x1000, s17;
	s1 =	sadd.s32 $0x65C0, s16;
	s19 =	sadd.s32 $0x6700, s16;
	(v2sf) =	vpush v1, $0x7  }
0x2a0: {  	s14 =	sadd.s32 $0x6540, s16;
	s24 =	sadd.s32 $0x6600, s16;
	s21 =	sadd.s32 $0x6740, s16  }
0x2a1: {  	s5 =	sadd.s32 $0x6400, s16;
	s7 =	sadd.s32 $0x6500, s16;
	(v2sf) =	vpush v1, $0x8  }
0x2a2: {  	s12 =	sadd.s32 $0x6580, s16;
	s9 =	sadd.s32 $0x10, s9  }
0x2a3: {  	s25 =	sadd.s32 $0x6480, s16;
	s23 =	sadd.s32 $0x6680, s16;
	s0 =	spop (v2sf);
	(v2sf) =	vpush v1, $0x9  }
0x2a4: {  	s26 =	sand.u32 $0x1FFFFFF8, s0;
	s0 =	sadd.s32 $0x6640, s16;
	s28 =	spop (v2sf)  }
0x2a5: {  	s26 =	sadd.s32 s4, s26;
	s28 =	sand.u32 $0x1FFFFFF8, s28;
	s29 =	spop (v2sf);
	(v2sf) =	vpush v1, $0xA  }
0x2a6: {  	[tilespmem:s5], [sflag:$0x1] =	stream.linear.gather [hbm4b:s26+s3], $0x40, $0x38;
	[tilespmem:$0x16F20] =	vst v63  }
0x2a7: {  	s5 =	sadd.s32 s4, s28;
	s26 =	sadd.s32 $0x64C0, s16;
	s28 =	spop (v2sf);
	(v2sf) =	vpush v1, $0xB  }
0x2a8: {  	[tilespmem:s2], [sflag:$0x1] =	stream.linear.gather [hbm4b:s5+s3], $0x40, $0x38;
	[tilespmem:$0x16F20] =	vst v63  }
0x2a9: {  	s2 =	sand.u32 $0x1FFFFFF8, s29;
	s5 =	sand.u32 $0x1FFFFFF8, s28;
	s28 =	spop (v2sf);
	(v2sf) =	vpush v1, $0xC  }
0x2aa: {  	s2 =	sadd.s32 s4, s2;
	s28 =	sand.u32 $0x1FFFFFF8, s28;
	s29 =	spop (v2sf)  }
0x2ab: {  	[tilespmem:s25], [sflag:$0x1] =	stream.linear.gather [hbm4b:s2+s3], $0x40, $0x38;
	(v2sf) =	vpush v1, $0xD;
	[tilespmem:$0x16F20] =	vst v63  }
0x2ac: {  	s2 =	sadd.s32 s4, s28;
	s25 =	sand.u32 $0x1FFFFFF8, s29;
	s28 =	spop (v2sf)  }
0x2ad: {  	[tilespmem:s26], [sflag:$0x1] =	stream.linear.gather [hbm4b:s2+s3], $0x40, $0x38;
	(v2sf) =	vpush v1, $0xE;
	[tilespmem:$0x16F20] =	vst v63  }
0x2ae: {  	s2 =	sadd.s32 s4, s5;
	s5 =	sand.u32 $0x1FFFFFF8, s28;
	s26 =	spop (v2sf)  }
0x2af: {  	[tilespmem:s7], [sflag:$0x1] =	stream.linear.gather [hbm4b:s2+s3], $0x40, $0x38;
	(v2sf) =	vpush v1, $0xF;
	[tilespmem:$0x16F20] =	vst v63  }
0x2b0: {  	s2 =	sadd.s32 s4, s25;
	s7 =	sand.u32 $0x1FFFFFF8, s26;
	s25 =	spop (v2sf)  }
0x2b1: {  	[tilespmem:s14], [sflag:$0x1] =	stream.linear.gather [hbm4b:s2+s3], $0x40, $0x38;
	[tilespmem:$0x16F20] =	vst v63  }
0x2b2: {  	s2 =	sadd.s32 s4, s5;
	s5 =	sand.u32 $0x1FFFFFF8, s25;
	s14 =	spop (v2sf)  }
0x2b3: {  	[tilespmem:s12], [sflag:$0x1] =	stream.linear.gather [hbm4b:s2+s3], $0x40, $0x38;
	[tilespmem:$0x16F20] =	vst v63  }
0x2b4: {  	s2 =	sadd.s32 s4, s7;
	s7 =	sand.u32 $0x1FFFFFF8, s14;
	s12 =	spop (v2sf)  }
0x2b5: {  	[tilespmem:s1], [sflag:$0x1] =	stream.linear.gather [hbm4b:s2+s3], $0x40, $0x38;
	[tilespmem:$0x16F20] =	vst v63  }
0x2b6: {  	s1 =	sadd.s32 s4, s5;
	s2 =	sand.u32 $0x1FFFFFF8, s12;
	s5 =	spop (v2sf)  }
0x2b7: {  	[tilespmem:s24], [sflag:$0x1] =	stream.linear.gather [hbm4b:s1+s3], $0x40, $0x38;
	[tilespmem:$0x16F20] =	vst v63  }
0x2b8: {  	s1 =	sadd.s32 s4, s7;
	s5 =	sand.u32 $0x1FFFFFF8, s5;
	s7 =	spop (v2sf)  }
0x2b9: {  	[tilespmem:s0], [sflag:$0x1] =	stream.linear.gather [hbm4b:s1+s3], $0x40, $0x38;
	[tilespmem:$0x16F20] =	vst v63  }
0x2ba: {  	s0 =	sadd.s32 s4, s2;
	s1 =	sand.u32 $0x1FFFFFF8, s7;
	s2 =	spop (v2sf)  }
0x2bb: {  	[tilespmem:s23], [sflag:$0x1] =	stream.linear.gather [hbm4b:s0+s3], $0x40, $0x38;
	[tilespmem:$0x16F20] =	vst v63  }
0x2bc: {  	s0 =	sadd.s32 s4, s5;
	s2 =	sand.u32 $0x1FFFFFF8, s2;
	s5 =	spop (v2sf)  }
0x2bd: {  	[tilespmem:s22], [sflag:$0x1] =	stream.linear.gather [hbm4b:s0+s3], $0x40, $0x38;
	[tilespmem:$0x16F20] =	vst v63  }
0x2be: {  	s0 =	sadd.s32 s4, s1;
	s1 =	sand.u32 $0x1FFFFFF8, s5;
	s5 =	spop (v2sf)  }
0x2bf: {  	[tilespmem:s19], [sflag:$0x1] =	stream.linear.gather [hbm4b:s0+s3], $0x40, $0x38;
	[tilespmem:$0x16F20] =	vst v63  }
0x2c0: {  	s0 =	sadd.s32 s4, s2;
	s2 =	sand.u32 $0x1FFFFFF8, s5  }
0x2c1: {  	[tilespmem:s21], [sflag:$0x1] =	stream.linear.gather [hbm4b:s0+s3], $0x40, $0x38;
	[tilespmem:$0x16F20] =	vst v63  }
0x2c2: {  	s1 =	sadd.s32 s4, s1;
	s0 =	sadd.s32 $0x6780, s16  }
0x2c3: {  	[tilespmem:s0], [sflag:$0x1] =	stream.linear.gather [hbm4b:s1+s3], $0x40, $0x38;
	[tilespmem:$0x16F20] =	vst v63  }
0x2c4: {  	s0 =	sadd.s32 $0x67C0, s16;
	s1 =	sadd.s32 s4, s2  }
0x2c5: {  	[tilespmem:s0], [sflag:$0x1] =	stream.linear.gather [hbm4b:s1+s3], $0x40, $0x38;
	[tilespmem:$0x16F20] =	vst v63  }
0x2c6: {  	v1 =	vld [tilespmem:s9+$0x0];
	_ =	sdelay $0x4  }
0x2c7: {  	v1 =	vshll.u32 v1, $0x3  }
0x2c8: {  	(v2sf) =	vpush v1, $0x0  }
0x2c9: {  	(v2sf) =	vpush v1, $0x1  }
0x2ca: {  	(v2sf) =	vpush v1, $0x2;
	_ =	sdelay $0x1  }
0x2cb: {  	(v2sf) =	vpush v1, $0x4  }
.Ltmp6:
0x2cc: {  	(pc) =	sbr.rel @p1 .LBB2_14-.Ltmp6, $3  }
0x2cd: {  	(v2sf) =	vpush v1, $0x3  }
0x2ce: {  	(v2sf) =	vpush v1, $0x5;
	_ =	sdelay $0x1  }
0x2cf: {  	s16 =	sshra.s32 s18, $0x2;
	(v2sf) =	vpush v1, $0x6  }
0x2d0: {  	_ =	sdelay $0x5  }
0x2d1: {  	s0 =	spop (v2sf)  }
0x2d2: {  	s1 =	spop (v2sf)  }
0x2d3: {  	s21 =	spop (v2sf)  }
0x2d4: {  	s24 =	spop (v2sf);
	(v2sf) =	vpush v1, $0x7  }
0x2d5: {  	s0 =	sand.u32 $0x1FFFFFF8, s0  }
0x2d6: {  	s2 =	sadd.s32 $0x6400, s16;
	s0 =	sadd.s32 s4, s0  }
0x2d7: {  	[tilespmem:s2], [sflag:$0x1] =	stream.linear.gather [hbm4b:s0+s3], $0x40, $0x38;
	[tilespmem:$0x16F20] =	vst v63  }
0x2d8: {  	s1 =	sand.u32 $0x1FFFFFF8, s1;
	s25 =	spop (v2sf);
	(v2sf) =	vpush v1, $0x8  }
0x2d9: {  	s19 =	sadd.s32 $0x6440, s16;
	s1 =	sadd.s32 s4, s1  }
0x2da: {  	[tilespmem:s19], [sflag:$0x1] =	stream.linear.gather [hbm4b:s1+s3], $0x40, $0x38;
	[tilespmem:$0x16F20] =	vst v63  }
0x2db: {  	s22 =	sand.u32 $0x1FFFFFF8, s21;
	s1 =	spop (v2sf);
	(v2sf) =	vpush v1, $0x9  }
0x2dc: {  	s23 =	sadd.s32 $0x6480, s16;
	s0 =	sadd.s32 s4, s22  }
0x2dd: {  	[tilespmem:s23], [sflag:$0x1] =	stream.linear.gather [hbm4b:s0+s3], $0x40, $0x38;
	[tilespmem:$0x16F20] =	vst v63  }
0x2de: {  	s0 =	sand.u32 $0x1FFFFFF8, s25;
	s5 =	spop (v2sf);
	(v2sf) =	vpush v1, $0xA  }
0x2df: {  	s26 =	sadd.s32 $0x64C0, s16;
	s28 =	sand.u32 $0x1FFFFFF8, s24;
	s0 =	sadd.s32 s4, s0  }
0x2e0: {  	[tilespmem:s26], [sflag:$0x1] =	stream.linear.gather [hbm4b:s0+s3], $0x40, $0x38;
	[tilespmem:$0x16F20] =	vst v63  }
0x2e1: {  	s29 =	sadd.s32 $0x6500, s16;
	s0 =	sadd.s32 s4, s28  }
0x2e2: {  	[tilespmem:s29], [sflag:$0x1] =	stream.linear.gather [hbm4b:s0+s3], $0x40, $0x38;
	[tilespmem:$0x16F20] =	vst v63  }
0x2e3: {  	s0 =	sand.u32 $0x1FFFFFF8, s1;
	s9 =	spop (v2sf);
	(v2sf) =	vpush v1, $0xB  }
0x2e4: {  	s2 =	sadd.s32 $0x6540, s16;
	s0 =	sadd.s32 s4, s0  }
0x2e5: {  	[tilespmem:s2], [sflag:$0x1] =	stream.linear.gather [hbm4b:s0+s3], $0x40, $0x38;
	[tilespmem:$0x16F20] =	vst v63  }
0x2e6: {  	s0 =	sand.u32 $0x1FFFFFF8, s5  }
0x2e7: {  	s7 =	sadd.s32 $0x6580, s16;
	s0 =	sadd.s32 s4, s0;
	s14 =	spop (v2sf);
	(v2sf) =	vpush v1, $0xC  }
0x2e8: {  	[tilespmem:s7], [sflag:$0x1] =	stream.linear.gather [hbm4b:s0+s3], $0x40, $0x38;
	[tilespmem:$0x16F20] =	vst v63  }
0x2e9: {  	s0 =	sand.u32 $0x1FFFFFF8, s9  }
0x2ea: {  	s12 =	sadd.s32 $0x65C0, s16;
	s0 =	sadd.s32 s4, s0;
	s18 =	spop (v2sf);
	(v2sf) =	vpush v1, $0xD  }
0x2eb: {  	[tilespmem:s12], [sflag:$0x1] =	stream.linear.gather [hbm4b:s0+s3], $0x40, $0x38;
	[tilespmem:$0x16F20] =	vst v63  }
0x2ec: {  	s0 =	sand.u32 $0x1FFFFFF8, s14  }
0x2ed: {  	s17 =	sadd.s32 $0x6600, s16;
	s0 =	sadd.s32 s4, s0;
	s21 =	spop (v2sf);
	(v2sf) =	vpush v1, $0xE  }
0x2ee: {  	[tilespmem:s17], [sflag:$0x1] =	stream.linear.gather [hbm4b:s0+s3], $0x40, $0x38;
	[tilespmem:$0x16F20] =	vst v63  }
0x2ef: {  	s0 =	sand.u32 $0x1FFFFFF8, s18  }
0x2f0: {  	s19 =	sadd.s32 $0x6640, s16;
	s0 =	sadd.s32 s4, s0  }
0x2f1: {  	[tilespmem:s19], [sflag:$0x1] =	stream.linear.gather [hbm4b:s0+s3], $0x40, $0x38;
	[tilespmem:$0x16F20] =	vst v63  }
0x2f2: {  	s0 =	sand.u32 $0x1FFFFFF8, s21;
	s23 =	spop (v2sf);
	(v2sf) =	vpush v1, $0xF  }
0x2f3: {  	s22 =	sadd.s32 $0x6680, s16;
	s0 =	sadd.s32 s4, s0  }
0x2f4: {  	[tilespmem:s22], [sflag:$0x1] =	stream.linear.gather [hbm4b:s0+s3], $0x40, $0x38;
	[tilespmem:$0x16F20] =	vst v63  }
0x2f5: {  	s0 =	sand.u32 $0x1FFFFFF8, s23  }
0x2f6: {  	s24 =	sadd.s32 $0x66C0, s16;
	s0 =	sadd.s32 s4, s0;
	s25 =	spop (v2sf)  }
0x2f7: {  	[tilespmem:s24], [sflag:$0x1] =	stream.linear.gather [hbm4b:s0+s3], $0x40, $0x38;
	[tilespmem:$0x16F20] =	vst v63  }
0x2f8: {  	s0 =	sand.u32 $0x1FFFFFF8, s25  }
0x2f9: {  	s26 =	sadd.s32 $0x6700, s16;
	s28 =	spop (v2sf);
	s0 =	sadd.s32 s4, s0  }
0x2fa: {  	[tilespmem:s26], [sflag:$0x1] =	stream.linear.gather [hbm4b:s0+s3], $0x40, $0x38;
	[tilespmem:$0x16F20] =	vst v63  }
0x2fb: {  	s0 =	sand.u32 $0x1FFFFFF8, s28  }
0x2fc: {  	s29 =	sadd.s32 $0x6740, s16;
	s1 =	spop (v2sf);
	s0 =	sadd.s32 s4, s0  }
0x2fd: {  	[tilespmem:s29], [sflag:$0x1] =	stream.linear.gather [hbm4b:s0+s3], $0x40, $0x38;
	[tilespmem:$0x16F20] =	vst v63  }
0x2fe: {  	s0 =	sand.u32 $0x1FFFFFF8, s1  }
0x2ff: {  	s2 =	sadd.s32 $0x6780, s16;
	s0 =	sadd.s32 s4, s0  }
0x300: {  	[tilespmem:s2], [sflag:$0x1] =	stream.linear.gather [hbm4b:s0+s3], $0x40, $0x38;
	[tilespmem:$0x16F20] =	vst v63  }
0x301: {  	s5 =	spop (v2sf)  }
0x302: {  	s0 =	sand.u32 $0x1FFFFFF8, s5  }
0x303: {  	s7 =	sadd.s32 $0x67C0, s16;
	s0 =	sadd.s32 s4, s0  }
0x304: {  	[tilespmem:s7], [sflag:$0x1] =	stream.linear.gather [hbm4b:s0+s3], $0x40, $0x38;
	[tilespmem:$0x16F20] =	vst v63  }
0x305: {  	v1 =	vld [tilespmem:s15+$0x3D8];
	_ =	sdelay $0x4  }
0x306: {  	v1 =	vshll.u32 v1, $0x3  }
0x307: {  	(v2sf) =	vpush v1, $0x8;
	_ =	sdelay $0x1  }
0x308: {  	(v2sf) =	vpush v1, $0x9;
	_ =	sdelay $0x1  }
0x309: {  	(v2sf) =	vpush v1, $0xA;
	_ =	sdelay $0x2  }
0x30a: {  	(v2sf) =	vpush v1, $0xB;
	_ =	sdelay $0x7  }
0x30b: {  	s9 =	spop (v2sf);
	(v2sf) =	vpush v1, $0xC;
	_ =	sdelay $0x1  }
0x30c: {  	s14 =	spop (v2sf);
	(v2sf) =	vpush v1, $0xD  }
0x30d: {  	s0 =	sand.u32 $0x1FFFFFF8, s9  }
0x30e: {  	s12 =	simm.s32 $0x9400;
	s0 =	sadd.s32 s4, s0;
	s16 =	spop (v2sf)  }
0x30f: {  	(v2sf) =	vpush v1, $0xE;
	[tilespmem:s12], [sflag:$0x1] =	stream.linear.gather [hbm4b:s0+s3], $0x40, $0x38;
	[tilespmem:$0x16F20] =	vst v63  }
0x310: {  	s0 =	sand.u32 $0x1FFFFFF8, s14  }
0x311: {  	s15 =	simm.s32 $0x9440;
	s18 =	spop (v2sf);
	s0 =	sadd.s32 s4, s0  }
0x312: {  	(v2sf) =	vpush v1, $0xF;
	[tilespmem:s15], [sflag:$0x1] =	stream.linear.gather [hbm4b:s0+s3], $0x40, $0x38;
	[tilespmem:$0x16F20] =	vst v63  }
0x313: {  	s0 =	sand.u32 $0x1FFFFFF8, s16  }
0x314: {  	s17 =	simm.s32 $0x9480;
	s0 =	sadd.s32 s4, s0  }
0x315: {  	[tilespmem:s17], [sflag:$0x1] =	stream.linear.gather [hbm4b:s0+s3], $0x40, $0x38;
	[tilespmem:$0x16F20] =	vst v63  }
0x316: {  	s0 =	sand.u32 $0x1FFFFFF8, s18  }
0x317: {  	s19 =	simm.s32 $0x94C0;
	s0 =	sadd.s32 s4, s0  }
0x318: {  	[tilespmem:s19], [sflag:$0x1] =	stream.linear.gather [hbm4b:s0+s3], $0x40, $0x38;
	[tilespmem:$0x16F20] =	vst v63  }
0x319: {  	s21 =	spop (v2sf)  }
0x31a: {  	s0 =	sand.u32 $0x1FFFFFF8, s21  }
0x31b: {  	s22 =	simm.s32 $0x9500;
	s23 =	spop (v2sf);
	s0 =	sadd.s32 s4, s0  }
0x31c: {  	[tilespmem:s22], [sflag:$0x1] =	stream.linear.gather [hbm4b:s0+s3], $0x40, $0x38;
	[tilespmem:$0x16F20] =	vst v63  }
0x31d: {  	s0 =	sand.u32 $0x1FFFFFF8, s23  }
0x31e: {  	s24 =	simm.s32 $0x9540;
	s25 =	spop (v2sf);
	s0 =	sadd.s32 s4, s0  }
0x31f: {  	[tilespmem:s24], [sflag:$0x1] =	stream.linear.gather [hbm4b:s0+s3], $0x40, $0x38;
	[tilespmem:$0x16F20] =	vst v63  }
0x320: {  	s0 =	sand.u32 $0x1FFFFFF8, s25  }
0x321: {  	s26 =	simm.s32 $0x9580;
	s28 =	spop (v2sf);
	s0 =	sadd.s32 s4, s0  }
0x322: {  	[tilespmem:s26], [sflag:$0x1] =	stream.linear.gather [hbm4b:s0+s3], $0x40, $0x38;
	[tilespmem:$0x16F20] =	vst v63  }
0x323: {  	s0 =	sand.u32 $0x1FFFFFF8, s28  }
0x324: {  	s29 =	simm.s32 $0x95C0;
	s0 =	sadd.s32 s4, s0  }
0x325: {  	[tilespmem:s29], [sflag:$0x1] =	stream.linear.gather [hbm4b:s0+s3], $0x40, $0x38;
	[tilespmem:$0x16F20] =	vst v63  }
.LBB2_16:
0x326: {  	s1 =	simm.s32 $0x4  }
0x327: {  	_ =	swait.ge [sflag:s1], $0x3200  }
0x328: {  	s0 =	sor.u32 s30, s13;
	[sflag:s1] =	ssyncset.done $0x0  }
0x329: {  	v1 =	vmov s0;
	[sflag:s1] =	ssyncadd.s32 $0xFFFFCE00  }
0x32a: {  	[tilespmem:$0x12E58] =	vst v1  }
0x32b: {  	[tilespmem:$0x12E68] =	vst v1  }
0x32c: {  	[tilespmem:$0x12E78] =	vst v1  }
0x32d: {  	[tilespmem:$0x12E88] =	vst v1  }
0x32e: {  	[tilespmem:$0x12E98] =	vst v1  }
0x32f: {  	[tilespmem:$0x12EA8] =	vst v1  }
0x330: {  	[tilespmem:$0x12EB8] =	vst v1  }
0x331: {  	[tilespmem:$0x12EC8] =	vst v1  }
0x332: {  	[tilespmem:$0x12ED8] =	vst v1  }
0x333: {  	[tilespmem:$0x12EE8] =	vst v1  }
0x334: {  	[tilespmem:$0x12EF8] =	vst v1  }
0x335: {  	s26 =	simm.s32 $0x12E58;
	[tilespmem:$0x12F08] =	vst v1  }
.Ltmp7:
0x336: {  	s28 =	simm.s32 $0xFA00;
	s29 =	simm.s32 $0x6;
	[tilespmem:$0x12F10] =	vst v1;
	(pc) =	sbr.rel @p0 .LBB2_20-.Ltmp7, $4  }
0x337: {  	[spmem:s31] =	stream.indirect.scatter.add.f32 [tilespmem:s28], [sflag:$0x8], $0x40, s26, s6, $0xb8;
	[tilespmem:$0x16F20] =	vst v63  }
0x338: {  	_ =	swait.ge [sflag:s29], $0x3200  }
0x339: {  	[sflag:s29] =	ssyncset.done $0x0  }
0x33a: {  	[sflag:s29] =	ssyncadd.s32 $0xFFFFCE00  }
0x33b: {  	s6 =	rddreg [dreg:$0xa]  }
0x33c: {  	v1 =	vld [tilespmem:s6+$0x0];
	_ =	sdelay $0x4  }
0x33d: {  	v1 =	vshll.u32 v1, $0x3  }
0x33e: {  	(v2sf) =	vpush v1, $0x0  }
0x33f: {  	(v2sf) =	vpush v1, $0x1  }
0x340: {  	(v2sf) =	vpush v1, $0x2;
	_ =	sdelay $0x1  }
0x341: {  	(v2sf) =	vpush v1, $0x4;
	_ =	sdelay $0x1  }
0x342: {  	s0 =	smul.u32 $0xC80, s8;
	(v2sf) =	vpush v1, $0x3  }
0x343: {  	s29 =	simm.s32 $0xC8;
	s16 =	simm.s32 $0x1000;
	(v2sf) =	vpush v1, $0x5  }
0x344: {  	s15 =	simm.s32 $0x0;
	s9 =	smov.u32 s6;
	s13 =	sshra.s32 s0, $0x2;
	(v2sf) =	vpush v1, $0x6  }
.LBB2_18:
0x345: {  	p0 =	sne.s32 s16, $0xB000  }
0x346: {  	s2 =	sadd.s32 $0x9640, s15;
	s21 =	sadd.s32 $0x98C0, s15;
	s17 =	smov.u32 s16  }
0x347: {  	s16 =	sadd.s32 $0x1000, s16;
	s1 =	sadd.s32 $0x97C0, s15;
	s18 =	sadd.s32 $0x9900, s15;
	(v2sf) =	vpush v1, $0x7  }
0x348: {  	s14 =	sadd.s32 $0x9740, s15;
	s23 =	sadd.s32 $0x9800, s15;
	s19 =	sadd.s32 $0x9940, s15  }
0x349: {  	s5 =	sadd.s32 $0x9600, s15;
	s7 =	sadd.s32 $0x9700, s15;
	(v2sf) =	vpush v1, $0x8  }
0x34a: {  	s12 =	sadd.s32 $0x9780, s15;
	s9 =	sadd.s32 $0x10, s9  }
0x34b: {  	s24 =	sadd.s32 $0x9680, s15;
	s22 =	sadd.s32 $0x9880, s15;
	s0 =	spop (v2sf);
	(v2sf) =	vpush v1, $0x9  }
0x34c: {  	s25 =	sand.u32 $0x1FFFFFF8, s0;
	s0 =	sadd.s32 $0x9840, s15;
	s26 =	spop (v2sf)  }
0x34d: {  	s25 =	sadd.s32 s4, s25;
	s26 =	sand.u32 $0x1FFFFFF8, s26;
	s28 =	spop (v2sf);
	(v2sf) =	vpush v1, $0xA  }
0x34e: {  	[tilespmem:s5], [sflag:$0x2] =	stream.linear.gather [hbm4b:s25+s3], $0x40, $0x38;
	[tilespmem:$0x16F20] =	vst v63  }
0x34f: {  	s5 =	sadd.s32 s4, s26;
	s25 =	sadd.s32 $0x96C0, s15;
	s26 =	spop (v2sf);
	(v2sf) =	vpush v1, $0xB  }
0x350: {  	[tilespmem:s2], [sflag:$0x2] =	stream.linear.gather [hbm4b:s5+s3], $0x40, $0x38;
	[tilespmem:$0x16F20] =	vst v63  }
0x351: {  	s2 =	sand.u32 $0x1FFFFFF8, s28;
	s5 =	sand.u32 $0x1FFFFFF8, s26;
	s26 =	spop (v2sf);
	(v2sf) =	vpush v1, $0xC  }
0x352: {  	s2 =	sadd.s32 s4, s2;
	s26 =	sand.u32 $0x1FFFFFF8, s26;
	s28 =	spop (v2sf)  }
0x353: {  	[tilespmem:s24], [sflag:$0x2] =	stream.linear.gather [hbm4b:s2+s3], $0x40, $0x38;
	(v2sf) =	vpush v1, $0xD;
	[tilespmem:$0x16F20] =	vst v63  }
0x354: {  	s2 =	sadd.s32 s4, s26;
	s24 =	sand.u32 $0x1FFFFFF8, s28;
	s26 =	spop (v2sf)  }
0x355: {  	[tilespmem:s25], [sflag:$0x2] =	stream.linear.gather [hbm4b:s2+s3], $0x40, $0x38;
	(v2sf) =	vpush v1, $0xE;
	[tilespmem:$0x16F20] =	vst v63  }
0x356: {  	s2 =	sadd.s32 s4, s5;
	s5 =	sand.u32 $0x1FFFFFF8, s26;
	s25 =	spop (v2sf)  }
0x357: {  	[tilespmem:s7], [sflag:$0x2] =	stream.linear.gather [hbm4b:s2+s3], $0x40, $0x38;
	(v2sf) =	vpush v1, $0xF;
	[tilespmem:$0x16F20] =	vst v63  }
0x358: {  	s2 =	sadd.s32 s4, s24;
	s7 =	sand.u32 $0x1FFFFFF8, s25;
	s24 =	spop (v2sf)  }
0x359: {  	[tilespmem:s14], [sflag:$0x2] =	stream.linear.gather [hbm4b:s2+s3], $0x40, $0x38;
	[tilespmem:$0x16F20] =	vst v63  }
0x35a: {  	s2 =	sadd.s32 s4, s5;
	s5 =	sand.u32 $0x1FFFFFF8, s24;
	s14 =	spop (v2sf)  }
0x35b: {  	[tilespmem:s12], [sflag:$0x2] =	stream.linear.gather [hbm4b:s2+s3], $0x40, $0x38;
	[tilespmem:$0x16F20] =	vst v63  }
0x35c: {  	s2 =	sadd.s32 s4, s7;
	s7 =	sand.u32 $0x1FFFFFF8, s14;
	s12 =	spop (v2sf)  }
0x35d: {  	[tilespmem:s1], [sflag:$0x2] =	stream.linear.gather [hbm4b:s2+s3], $0x40, $0x38;
	[tilespmem:$0x16F20] =	vst v63  }
0x35e: {  	s1 =	sadd.s32 s4, s5;
	s2 =	sand.u32 $0x1FFFFFF8, s12;
	s5 =	spop (v2sf)  }
0x35f: {  	[tilespmem:s23], [sflag:$0x2] =	stream.linear.gather [hbm4b:s1+s3], $0x40, $0x38;
	[tilespmem:$0x16F20] =	vst v63  }
0x360: {  	s1 =	sadd.s32 s4, s7;
	s5 =	sand.u32 $0x1FFFFFF8, s5;
	s7 =	spop (v2sf)  }
0x361: {  	[tilespmem:s0], [sflag:$0x2] =	stream.linear.gather [hbm4b:s1+s3], $0x40, $0x38;
	[tilespmem:$0x16F20] =	vst v63  }
0x362: {  	s0 =	sadd.s32 s4, s2;
	s1 =	sand.u32 $0x1FFFFFF8, s7;
	s2 =	spop (v2sf)  }
0x363: {  	[tilespmem:s22], [sflag:$0x2] =	stream.linear.gather [hbm4b:s0+s3], $0x40, $0x38;
	[tilespmem:$0x16F20] =	vst v63  }
0x364: {  	s0 =	sadd.s32 s4, s5;
	s2 =	sand.u32 $0x1FFFFFF8, s2;
	s5 =	spop (v2sf)  }
0x365: {  	[tilespmem:s21], [sflag:$0x2] =	stream.linear.gather [hbm4b:s0+s3], $0x40, $0x38;
	[tilespmem:$0x16F20] =	vst v63  }
0x366: {  	s0 =	sadd.s32 s4, s1;
	s1 =	sand.u32 $0x1FFFFFF8, s5;
	s5 =	spop (v2sf)  }
0x367: {  	[tilespmem:s18], [sflag:$0x2] =	stream.linear.gather [hbm4b:s0+s3], $0x40, $0x38;
	[tilespmem:$0x16F20] =	vst v63  }
0x368: {  	s0 =	sadd.s32 s4, s2;
	s2 =	sand.u32 $0x1FFFFFF8, s5  }
0x369: {  	[tilespmem:s19], [sflag:$0x2] =	stream.linear.gather [hbm4b:s0+s3], $0x40, $0x38;
	[tilespmem:$0x16F20] =	vst v63  }
0x36a: {  	s1 =	sadd.s32 s4, s1;
	s0 =	sadd.s32 $0x9980, s15  }
0x36b: {  	[tilespmem:s0], [sflag:$0x2] =	stream.linear.gather [hbm4b:s1+s3], $0x40, $0x38;
	[tilespmem:$0x16F20] =	vst v63  }
0x36c: {  	s0 =	sadd.s32 $0x99C0, s15;
	s1 =	sadd.s32 s4, s2  }
0x36d: {  	[tilespmem:s0], [sflag:$0x2] =	stream.linear.gather [hbm4b:s1+s3], $0x40, $0x38;
	[tilespmem:$0x16F20] =	vst v63  }
0x36e: {  	v1 =	vld [tilespmem:s9+$0x0];
	_ =	sdelay $0x4  }
0x36f: {  	v1 =	vshll.u32 v1, $0x3  }
0x370: {  	(v2sf) =	vpush v1, $0x0  }
0x371: {  	(v2sf) =	vpush v1, $0x1  }
0x372: {  	(v2sf) =	vpush v1, $0x2;
	_ =	sdelay $0x1  }
0x373: {  	(v2sf) =	vpush v1, $0x4  }
.Ltmp8:
0x374: {  	(pc) =	sbr.rel @p0 .LBB2_18-.Ltmp8, $3  }
0x375: {  	(v2sf) =	vpush v1, $0x3  }
0x376: {  	(v2sf) =	vpush v1, $0x5;
	_ =	sdelay $0x1  }
0x377: {  	s15 =	sshra.s32 s17, $0x2;
	(v2sf) =	vpush v1, $0x6  }
0x378: {  	_ =	sdelay $0x5  }
0x379: {  	s0 =	spop (v2sf)  }
0x37a: {  	s1 =	spop (v2sf)  }
0x37b: {  	s19 =	spop (v2sf)  }
0x37c: {  	s23 =	spop (v2sf);
	(v2sf) =	vpush v1, $0x7  }
0x37d: {  	s0 =	sand.u32 $0x1FFFFFF8, s0  }
0x37e: {  	s2 =	sadd.s32 $0x9600, s15;
	s0 =	sadd.s32 s4, s0  }
0x37f: {  	[tilespmem:s2], [sflag:$0x2] =	stream.linear.gather [hbm4b:s0+s3], $0x40, $0x38;
	[tilespmem:$0x16F20] =	vst v63  }
0x380: {  	s1 =	sand.u32 $0x1FFFFFF8, s1;
	s24 =	spop (v2sf);
	(v2sf) =	vpush v1, $0x8  }
0x381: {  	s18 =	sadd.s32 $0x9640, s15;
	s1 =	sadd.s32 s4, s1  }
0x382: {  	[tilespmem:s18], [sflag:$0x2] =	stream.linear.gather [hbm4b:s1+s3], $0x40, $0x38;
	[tilespmem:$0x16F20] =	vst v63  }
0x383: {  	s21 =	sand.u32 $0x1FFFFFF8, s19;
	s1 =	spop (v2sf);
	(v2sf) =	vpush v1, $0x9  }
0x384: {  	s22 =	sadd.s32 $0x9680, s15;
	s0 =	sadd.s32 s4, s21  }
0x385: {  	[tilespmem:s22], [sflag:$0x2] =	stream.linear.gather [hbm4b:s0+s3], $0x40, $0x38;
	[tilespmem:$0x16F20] =	vst v63  }
0x386: {  	s0 =	sand.u32 $0x1FFFFFF8, s24;
	s5 =	spop (v2sf);
	(v2sf) =	vpush v1, $0xA  }
0x387: {  	s25 =	sadd.s32 $0x96C0, s15;
	s26 =	sand.u32 $0x1FFFFFF8, s23;
	s0 =	sadd.s32 s4, s0  }
0x388: {  	[tilespmem:s25], [sflag:$0x2] =	stream.linear.gather [hbm4b:s0+s3], $0x40, $0x38;
	[tilespmem:$0x16F20] =	vst v63  }
0x389: {  	s28 =	sadd.s32 $0x9700, s15;
	s0 =	sadd.s32 s4, s26  }
0x38a: {  	[tilespmem:s28], [sflag:$0x2] =	stream.linear.gather [hbm4b:s0+s3], $0x40, $0x38;
	[tilespmem:$0x16F20] =	vst v63  }
0x38b: {  	s0 =	sand.u32 $0x1FFFFFF8, s1;
	s9 =	spop (v2sf);
	(v2sf) =	vpush v1, $0xB  }
0x38c: {  	s2 =	sadd.s32 $0x9740, s15;
	s0 =	sadd.s32 s4, s0  }
0x38d: {  	[tilespmem:s2], [sflag:$0x2] =	stream.linear.gather [hbm4b:s0+s3], $0x40, $0x38;
	[tilespmem:$0x16F20] =	vst v63  }
0x38e: {  	s0 =	sand.u32 $0x1FFFFFF8, s5  }
0x38f: {  	s7 =	sadd.s32 $0x9780, s15;
	s0 =	sadd.s32 s4, s0;
	s14 =	spop (v2sf);
	(v2sf) =	vpush v1, $0xC  }
0x390: {  	[tilespmem:s7], [sflag:$0x2] =	stream.linear.gather [hbm4b:s0+s3], $0x40, $0x38;
	[tilespmem:$0x16F20] =	vst v63  }
0x391: {  	s0 =	sand.u32 $0x1FFFFFF8, s9  }
0x392: {  	s12 =	sadd.s32 $0x97C0, s15;
	s0 =	sadd.s32 s4, s0;
	s17 =	spop (v2sf);
	(v2sf) =	vpush v1, $0xD  }
0x393: {  	[tilespmem:s12], [sflag:$0x2] =	stream.linear.gather [hbm4b:s0+s3], $0x40, $0x38;
	[tilespmem:$0x16F20] =	vst v63  }
0x394: {  	s0 =	sand.u32 $0x1FFFFFF8, s14  }
0x395: {  	s16 =	sadd.s32 $0x9800, s15;
	s0 =	sadd.s32 s4, s0;
	s19 =	spop (v2sf);
	(v2sf) =	vpush v1, $0xE  }
0x396: {  	[tilespmem:s16], [sflag:$0x2] =	stream.linear.gather [hbm4b:s0+s3], $0x40, $0x38;
	[tilespmem:$0x16F20] =	vst v63  }
0x397: {  	s0 =	sand.u32 $0x1FFFFFF8, s17  }
0x398: {  	s18 =	sadd.s32 $0x9840, s15;
	s0 =	sadd.s32 s4, s0  }
0x399: {  	[tilespmem:s18], [sflag:$0x2] =	stream.linear.gather [hbm4b:s0+s3], $0x40, $0x38;
	[tilespmem:$0x16F20] =	vst v63  }
0x39a: {  	s0 =	sand.u32 $0x1FFFFFF8, s19;
	s22 =	spop (v2sf);
	(v2sf) =	vpush v1, $0xF  }
0x39b: {  	s21 =	sadd.s32 $0x9880, s15;
	s0 =	sadd.s32 s4, s0  }
0x39c: {  	[tilespmem:s21], [sflag:$0x2] =	stream.linear.gather [hbm4b:s0+s3], $0x40, $0x38;
	[tilespmem:$0x16F20] =	vst v63  }
0x39d: {  	s0 =	sand.u32 $0x1FFFFFF8, s22  }
0x39e: {  	s23 =	sadd.s32 $0x98C0, s15;
	s0 =	sadd.s32 s4, s0;
	s24 =	spop (v2sf)  }
0x39f: {  	[tilespmem:s23], [sflag:$0x2] =	stream.linear.gather [hbm4b:s0+s3], $0x40, $0x38;
	[tilespmem:$0x16F20] =	vst v63  }
0x3a0: {  	s0 =	sand.u32 $0x1FFFFFF8, s24  }
0x3a1: {  	s25 =	sadd.s32 $0x9900, s15;
	s26 =	spop (v2sf);
	s0 =	sadd.s32 s4, s0  }
0x3a2: {  	[tilespmem:s25], [sflag:$0x2] =	stream.linear.gather [hbm4b:s0+s3], $0x40, $0x38;
	[tilespmem:$0x16F20] =	vst v63  }
0x3a3: {  	s0 =	sand.u32 $0x1FFFFFF8, s26  }
0x3a4: {  	s28 =	sadd.s32 $0x9940, s15;
	s1 =	spop (v2sf);
	s0 =	sadd.s32 s4, s0  }
0x3a5: {  	[tilespmem:s28], [sflag:$0x2] =	stream.linear.gather [hbm4b:s0+s3], $0x40, $0x38;
	[tilespmem:$0x16F20] =	vst v63  }
0x3a6: {  	s0 =	sand.u32 $0x1FFFFFF8, s1  }
0x3a7: {  	s2 =	sadd.s32 $0x9980, s15;
	s0 =	sadd.s32 s4, s0  }
0x3a8: {  	[tilespmem:s2], [sflag:$0x2] =	stream.linear.gather [hbm4b:s0+s3], $0x40, $0x38;
	[tilespmem:$0x16F20] =	vst v63  }
0x3a9: {  	s5 =	spop (v2sf)  }
0x3aa: {  	s0 =	sand.u32 $0x1FFFFFF8, s5  }
0x3ab: {  	s7 =	sadd.s32 $0x99C0, s15;
	s0 =	sadd.s32 s4, s0  }
0x3ac: {  	[tilespmem:s7], [sflag:$0x2] =	stream.linear.gather [hbm4b:s0+s3], $0x40, $0x38;
	[tilespmem:$0x16F20] =	vst v63  }
0x3ad: {  	v1 =	vld [tilespmem:s13+$0x4A0];
	_ =	sdelay $0x4  }
0x3ae: {  	v1 =	vshll.u32 v1, $0x3  }
0x3af: {  	(v2sf) =	vpush v1, $0x8;
	_ =	sdelay $0x1  }
0x3b0: {  	(v2sf) =	vpush v1, $0x9;
	_ =	sdelay $0x1  }
0x3b1: {  	(v2sf) =	vpush v1, $0xA;
	_ =	sdelay $0x2  }
0x3b2: {  	(v2sf) =	vpush v1, $0xB;
	_ =	sdelay $0x7  }
0x3b3: {  	s9 =	spop (v2sf);
	(v2sf) =	vpush v1, $0xC;
	_ =	sdelay $0x1  }
0x3b4: {  	s13 =	spop (v2sf);
	(v2sf) =	vpush v1, $0xD  }
0x3b5: {  	s0 =	sand.u32 $0x1FFFFFF8, s9  }
0x3b6: {  	s12 =	simm.s32 $0xC600;
	s0 =	sadd.s32 s4, s0;
	s15 =	spop (v2sf)  }
0x3b7: {  	(v2sf) =	vpush v1, $0xE;
	[tilespmem:s12], [sflag:$0x2] =	stream.linear.gather [hbm4b:s0+s3], $0x40, $0x38;
	[tilespmem:$0x16F20] =	vst v63  }
0x3b8: {  	s0 =	sand.u32 $0x1FFFFFF8, s13  }
0x3b9: {  	s14 =	simm.s32 $0xC640;
	s17 =	spop (v2sf);
	s0 =	sadd.s32 s4, s0  }
0x3ba: {  	(v2sf) =	vpush v1, $0xF;
	[tilespmem:s14], [sflag:$0x2] =	stream.linear.gather [hbm4b:s0+s3], $0x40, $0x38;
	[tilespmem:$0x16F20] =	vst v63  }
0x3bb: {  	s0 =	sand.u32 $0x1FFFFFF8, s15  }
0x3bc: {  	s16 =	simm.s32 $0xC680;
	s0 =	sadd.s32 s4, s0  }
0x3bd: {  	[tilespmem:s16], [sflag:$0x2] =	stream.linear.gather [hbm4b:s0+s3], $0x40, $0x38;
	[tilespmem:$0x16F20] =	vst v63  }
0x3be: {  	s0 =	sand.u32 $0x1FFFFFF8, s17  }
0x3bf: {  	s18 =	simm.s32 $0xC6C0;
	s0 =	sadd.s32 s4, s0  }
0x3c0: {  	[tilespmem:s18], [sflag:$0x2] =	stream.linear.gather [hbm4b:s0+s3], $0x40, $0x38;
	[tilespmem:$0x16F20] =	vst v63  }
0x3c1: {  	s19 =	spop (v2sf)  }
0x3c2: {  	s8 =	sadd.s32 $0x1, s8;
	s0 =	sand.u32 $0x1FFFFFF8, s19  }
0x3c3: {  	s21 =	simm.s32 $0xC700;
	s22 =	spop (v2sf);
	s0 =	sadd.s32 s4, s0  }
0x3c4: {  	[tilespmem:s21], [sflag:$0x2] =	stream.linear.gather [hbm4b:s0+s3], $0x40, $0x38;
	[tilespmem:$0x16F20] =	vst v63  }
0x3c5: {  	s20 =	sadd.s32 $0x320, s20;
	s10 =	sadd.s32 $0x320, s10;
	s0 =	sand.u32 $0x1FFFFFF8, s22  }
0x3c6: {  	s23 =	simm.s32 $0xC740;
	s24 =	spop (v2sf);
	s0 =	sadd.s32 s4, s0  }
0x3c7: {  	[tilespmem:s23], [sflag:$0x2] =	stream.linear.gather [hbm4b:s0+s3], $0x40, $0x38;
	[tilespmem:$0x16F20] =	vst v63  }
0x3c8: {  	s11 =	sadd.s32 $0x320, s11;
	s25 =	simm.s32 $0xC780;
	s0 =	sand.u32 $0x1FFFFFF8, s24  }
.Ltmp9:
0x3c9: {  	s26 =	spop (v2sf);
	s0 =	sadd.s32 s4, s0;
	(pc) =	sbr.rel .LBB2_8-.Ltmp9, $4  }
0x3ca: {  	[tilespmem:s25], [sflag:$0x2] =	stream.linear.gather [hbm4b:s0+s3], $0x40, $0x38;
	[tilespmem:$0x16F20] =	vst v63  }
0x3cb: {  	s6 =	sadd.s32 $0x320, s6;
	[dreg:$0x9] =	wrdreg s11;
	s0 =	sand.u32 $0x1FFFFFF8, s26  }
0x3cc: {  	[dreg:$0xa] =	wrdreg s6;
	s28 =	simm.s32 $0xC7C0;
	s0 =	sadd.s32 s4, s0  }
0x3cd: {  	[tilespmem:s28], [sflag:$0x2] =	stream.linear.gather [hbm4b:s0+s3], $0x40, $0x38;
	[tilespmem:$0x16F20] =	vst v63  }
.LBB2_20:
0x3ce: {  	s0 =	simm.s32 $0x7  }
0x3cf: {  	_ =	swait.ge [sflag:s0], $0x3200  }
0x3d0: {  	[sflag:s0] =	ssyncset.done $0x0  }
0x3d1: {  	s29 =	simm.s32 $0x8;
	[sflag:s0] =	ssyncadd.s32 $0xFFFFCE00  }
0x3d2: {  	_ =	swait.ge [sflag:s29], $0x3200  }
0x3d3: {  	s7 =	simm.s32 $0x12F20;
	[sflag:s29] =	ssyncset.done $0x0  }
0x3d4: {  	s8 =	simm.s32 $0x9;
	s5 =	rddreg [dreg:$0x4];
	[sflag:s29] =	ssyncadd.s32 $0xFFFFCE00  }
0x3d5: {  	[tilespmem:s7], [sflag:$0x9] =	stream.linear.gather [spmem:s5], $0x2000, $0x38;
	[tilespmem:$0x16F20] =	vst v63  }
0x3d6: {  	_ =	swait.ge [sflag:s8], $0x2000  }
0x3d7: {  	[sflag:s8] =	ssyncset.done $0x0  }
0x3d8: {  	s0 =	simm.s32 $0x0;
	[sflag:s8] =	ssyncadd.s32 $0xFFFFE000  }
0x3d9: {  	v1 =	vld [tilespmem:s0+$0x12F20]  }
0x3da: {  	v3 =	vld [tilespmem:s0+$0x12F30]  }
0x3db: {  	s1 =	simm.s32 $0x100;
	v2 =	vld [tilespmem:s0+$0x12F40]  }
.LBB2_21:
0x3dc: {  	p0 =	sne.s32 s1, $0x7F00;
	v4 =	vld [tilespmem:s0+$0x12F50];
	_ =	sdelay $0x1  }
0x3dd: {  	v1 =	vmul.f32 $4.999999890e-03, v1  }
.Ltmp10:
0x3de: {  	v3 =	vmul.f32 $4.999999890e-03, v3;
	(pc) =	sbr.rel @p0 .LBB2_21-.Ltmp10, $4  }
0x3df: {  	s2 =	sshra.s32 s1, $0x2;
	[tilespmem:s0+$0x12F20] =	vst v1;
	v2 =	vmul.f32 $4.999999890e-03, v2  }
0x3e0: {  	v1 =	vld [tilespmem:s2+$0x12F20];
	[tilespmem:s0+$0x12F30] =	vst v3;
	v4 =	vmul.f32 $4.999999890e-03, v4  }
0x3e1: {  	v3 =	vld [tilespmem:s2+$0x12F30];
	[tilespmem:s0+$0x12F40] =	vst v2  }
0x3e2: {  	s1 =	sadd.s32 $0x100, s1;
	v2 =	vld [tilespmem:s2+$0x12F40];
	[tilespmem:s0+$0x12F50] =	vst v4;
	s0 =	smov.u32 s2  }
0x3e3: {  	v4 =	vld [tilespmem:s0+$0x12F50];
	_ =	sdelay $0x1  }
0x3e4: {  	v1 =	vmul.f32 $4.999999890e-03, v1  }
0x3e5: {  	v3 =	vmul.f32 $4.999999890e-03, v3  }
0x3e6: {  	[tilespmem:s0+$0x12F20] =	vst v1;
	v1 =	vmul.f32 $4.999999890e-03, v2  }
0x3e7: {  	[tilespmem:s0+$0x12F30] =	vst v3;
	v2 =	vmul.f32 $4.999999890e-03, v4  }
0x3e8: {  	[tilespmem:s0+$0x12F40] =	vst v1  }
0x3e9: {  	s28 =	rddreg [dreg:$0x6];
	s1 =	simm.s32 $0x1;
	[tilespmem:s0+$0x12F50] =	vst v2  }
0x3ea: {  	[hbm4b:s28+s3] =	stream.linear.scatter [tilespmem:s7], [sflag:$0x1], $0x2000, $0x38;
	[tilespmem:$0x16F20] =	vst v63  }
0x3eb: {  	_ =	swait.ge [sflag:s1], $0x2000  }
0x3ec: {  	s2 =	rddreg [dreg:$0x8]  }
0x3ed: {  	s29 =	rddreg [dreg:$0x7];
	s2 =	sadd.s32 $0x1, s2  }
0x3ee: {  	p0 =	sne.s32 s2, s29  }
.Ltmp11:
0x3ef: {  	_ = 	snop;
	(pc) =	sbr.rel @p0 .LBB2_1-.Ltmp11, $3  }
0x3f0: {  	_ =	sdelay $0x1  }
0x3f1: {  	[sflag:s1] =	ssyncset.done $0x0  }
0x3f2: {  	[sflag:s1] =	ssyncadd.s32 $0xFFFFE000  }
0x3f3: {  	_ =	sfence.sel $0x180000  }
0x3f4: {  	[bflag:$0x0] =	sbarrier.arrive $0xFFFF  }
0x3f5: {  	_ =	strace $0x90000047  }
0x3f6: {  	s0 =	stileid.u32;
	[bflag:$0x2] =	sbarrier.arrive $0xFFFF  }
0x3f7: {  	p0 =	sne.s32 s0, $0x0;
	s0 =	rddreg [dreg:$0x3]  }
0x3f8: {  	s0 =	sadd.s32 @!p0 $0x100000, s0  }
0x3f9: {  	[sflag:s0] =	ssyncadd.tile.s32 @!p0 $0x1;
	_ =	shalt  }
.Lfunc_end2:
_tile_overlayer_lowered:
.L_overlay_start_2:
0x3fa: {  	(tag) =	ssettag $0x2  }
0x3fb: {  	s0 =	rddreg [dreg:$0x0];
	s2 =	stileid.u32  }
0x3fc: {  	s1 =	rddreg [dreg:$0x1];
	p0 =	sne.s32 s2, $0x0  }
0x3fd: {  	s3 =	rddreg [dreg:$0x2];
	[bflag:$0x3] =	sbarrier.arrive $0xFFFF;
	s2 =	simm.s32 @!p0 $0x1C09  }
0x3fe: {  	[timem:s3], [sflag:s2] =	dma.local @!p0 [hbm:s0], s1  }
0x3ff: {  	s0 =	simm.s32 @!p0 $0x9  }
0x400: {  	_ =	swait.ge @!p0 [sflag:s0], s1  }
0x401: {  	s1 =	ssub.s32 @!p0 $0x0, s1;
	[sflag:s0] =	ssyncset.done @!p0 $0x0  }
0x402: {  	[sflag:s0] =	ssyncadd.s32 @!p0 s1  }
0x403: {  	[bflag:$0x3] =	sbarrier.arrive $0xFFFF  }
0x404: {  	_ =	shalt  }

</sc_bundles>
